<compile_context>
chip_gen: v7x
topology: tpu7x:2x2x1
jax: 0.10.2.dev20260603
libtpu: 0.0.44.dev20260713+nightly
codegen_flags: <defaults>
</compile_context>

<pallas_src>
import functools

import jax
import jax.numpy as jnp
from jax import lax
from jax.experimental import pallas as pl
from jax.experimental.pallas import tpu as pltpu
from jax.experimental.pallas import tpu_sc as plsc

_SC = 1.0 / 729.0
_SCM1 = _SC - 1.0
_N = 8_000_000
_NBLK = _N // 128
_NW = 32
_BB = 672
_TCB = 12096
_TSTEPS = _TCB // _BB
_SCB = _NBLK - _TCB
_BPW = _SCB // _NW
_EXTRA = _SCB - _BPW * _NW
_CB = 63
_NCH = _BPW // _CB
_GRP = _CB * 8

_mesh = plsc.VectorSubcoreMesh(core_axis_name="c", subcore_axis_name="s")


@functools.partial(
    pl.kernel,
    mesh=_mesh,
    out_type=jax.ShapeDtypeStruct((_NW, 16), jnp.float32),
    scratch_types=[
        pltpu.VMEM((_CB, 3, 128), jnp.float32),
        pltpu.VMEM((_CB, 3, 128), jnp.float32),
        pltpu.VMEM((_CB, 3, 128), jnp.float32),
        pltpu.VMEM((_CB * 128,), jnp.int32),
        pltpu.VMEM((_CB * 128,), jnp.int32),
        pltpu.VMEM((_CB * 128,), jnp.int32),
        pltpu.VMEM((1, 3, 128), jnp.float32),
        pltpu.VMEM((128,), jnp.int32),
        pltpu.VMEM((16,), jnp.float32),
        pltpu.SemaphoreType.DMA,
        pltpu.SemaphoreType.DMA,
        pltpu.SemaphoreType.DMA,
        pltpu.SemaphoreType.DMA,
        pltpu.SemaphoreType.DMA,
        pltpu.SemaphoreType.DMA,
        pltpu.SemaphoreType.DMA,
    ],
)
def _lj_sc(
    b_hbm, rt_hbm, out_hbm,
    r0, r1, r2, b0, b1, b2, rt_t, bt_t, ov,
    sr0, sr1, sr2, sb0, sb1, sb2, st,
):
    cid = lax.axis_index("c")
    sid = lax.axis_index("s")
    wid = sid * 2 + cid
    base_blk = _TCB + wid * _BPW + jnp.minimum(wid, _EXTRA)
    has_tail = wid < _EXTRA
    rbufs, bbufs = (r0, r1, r2), (b0, b1, b2)
    rsems, bsems = (sr0, sr1, sr2), (sb0, sb1, sb2)

    def start(i, par):
        blk = base_blk + i * _CB
        rc = pltpu.async_copy(rt_hbm.at[pl.ds(blk, _CB)], rbufs[par], rsems[par])
        bc = pltpu.async_copy(
            b_hbm.at[pl.ds(blk * 128, _CB * 128)], bbufs[par], bsems[par]
        )
        return rc, bc

    ones16 = jnp.ones((16,), jnp.int32)
    zeros16 = jnp.zeros((16,), jnp.float32)
    for k in range(8):
        bt_t[pl.ds(k * 16, 16)] = ones16
        for c in range(3):
            rt_t[0, c, pl.ds(k * 16, 16)] = zeros16

    copies = [None, None, None]
    copies[0] = start(0, 0)
    copies[1] = start(1, 1)

    @pl.when(has_tail)
    def _():
        tail_blk = base_blk + _BPW
        pltpu.async_copy(rt_hbm.at[pl.ds(tail_blk, 1)], rt_t, st)
        pltpu.async_copy(b_hbm.at[pl.ds(tail_blk * 128, 128)], bt_t, st)

    acc = jnp.zeros((16,), jnp.float32)

    def group(rbuf, bbuf, bl, k, t, acc):
        sl = pl.ds(k * 16, 16)
        x = rbuf[bl, 0, sl]
        y = rbuf[bl, 1, sl]
        z = rbuf[bl, 2, sl]
        bv = bbuf[pl.ds(t * 16, 16)]
        d2 = x * x + y * y + z * z + bv.astype(jnp.float32) * 16.0
        t3 = 1.0 / (d2 * d2 * d2)
        u = jnp.maximum(t3, _SC)
        return acc + (u - _SC) * (u + _SCM1)

    for i in range(_NCH):
        par = i % 3
        if i + 2 < _NCH:
            copies[(i + 2) % 3] = start(i + 2, (i + 2) % 3)
        rc, bc = copies[par]
        rc.wait()
        bc.wait()
        rbuf, bbuf = rbufs[par], bbufs[par]

        def body(t, acc, rbuf=rbuf, bbuf=bbuf):
            return group(rbuf, bbuf, t >> 3, t & 7, t, acc)

        acc = plsc.parallel_loop(0, _GRP, unroll=8, carry=acc)(body)

    @pl.when(has_tail)
    def _():
        tail_blk = base_blk + _BPW
        pltpu.make_async_copy(rt_hbm.at[pl.ds(tail_blk, 1)], rt_t, st).wait()
        pltpu.make_async_copy(
            b_hbm.at[pl.ds(tail_blk * 128, 128)], bt_t, st
        ).wait()

    def tail_body(k, a):
        return group(rt_t, bt_t, 0, k, k, a)

    acc = lax.fori_loop(0, 8, tail_body, acc)
    ov[...] = acc
    pltpu.sync_copy(ov, out_hbm.at[wid])


def _tc_body(rt_ref, b_ref, o_ref):
    @pl.when(pl.program_id(0) == 0)
    def _():
        o_ref[...] = jnp.zeros_like(o_ref)

    x = rt_ref[:, 0, :]
    y = rt_ref[:, 1, :]
    z = rt_ref[:, 2, :]
    bv = b_ref[...]
    d2 = x * x + y * y + z * z + bv.astype(jnp.float32) * 16.0
    t3 = 1.0 / (d2 * d2 * d2)
    u = jnp.maximum(t3, _SC)
    e = (u - _SC) * (u + _SCM1)
    o_ref[...] += jnp.sum(e.reshape(_BB // 8, 8, 128), axis=0)


_lj_tc = pl.pallas_call(
    _tc_body,
    grid=(_TSTEPS,),
    in_specs=[
        pl.BlockSpec((_BB, 3, 128), lambda i: (i, 0, 0)),
        pl.BlockSpec((_BB, 128), lambda i: (i, 0)),
    ],
    out_specs=pl.BlockSpec((8, 128), lambda i: (0, 0)),
    out_shape=jax.ShapeDtypeStruct((8, 128), jnp.float32),
)


def kernel(a, b, r):
    rt = r.reshape(_NBLK, 128, 3).transpose(0, 2, 1)
    partials = _lj_sc(b, rt)
    tc_part = _lj_tc(rt, b.reshape(_NBLK, 128))
    e = 4.0 * (jnp.sum(partials) + jnp.sum(tc_part))
    return jnp.where(a == 0, e / 2.0, jnp.asarray(0.0, dtype=jnp.float32))

# --- scband reference (transcript-rebuilt; emitter-appended) ---
"""Pipeline reference for scband-lj-88837103551106 (READ-ONLY COPY).

The authoritative reference and input builder live on the scoring server;
editing this copy changes nothing except your own understanding.
"""

import jax, jax.numpy as jnp
import numpy as np

A_SPECIES = 0
B_SPECIES = 0
EPS = 1.0
SIGMA = 1.0
RC = 3.0
DOUBLE_COUNT = 2  # since a == b in __init__
E0 = (SIGMA / RC) ** 12 - (SIGMA / RC) ** 6
N_PAIRS = 8000000


def setup_inputs(seed: int = 0) -> dict:
    key = jax.random.key(seed)
    k1, k2 = jax.random.split(key)
    b = jax.random.randint(k1, (N_PAIRS,), 0, 2, dtype=jnp.int32)
    r = jax.random.normal(k2, (N_PAIRS, 3), dtype=jnp.float32)
    return {"a": 0, "b": b, "r": r}


def reference(a, b, r):
    # PairPotential.forward: species gate + mask on b, then LJ.energy
    species_ok = (a == A_SPECIES)
    m = (b == B_SPECIES)
    d2 = (r ** 2).sum(axis=-1)
    # torch: r[m] then d2[d2 < rc**2]; equivalent masked reduction with static shapes
    mask = m & (d2 < RC ** 2)
    safe_d2 = jnp.where(mask, d2, 1.0)
    x = SIGMA ** 2 / safe_d2
    e = 4.0 * jnp.sum(jnp.where(mask, EPS * (x ** 6 - x ** 3 - E0), 0.0))
    return jnp.where(species_ok, e / DOUBLE_COUNT, jnp.asarray(0.0, dtype=jnp.float32))

if __name__ == "__main__":
    import jax
    _d = setup_inputs()
    print(jax.jit(kernel)(*tuple(_d.values())))

</pallas_src>

<mosaic_0001>
#map = affine_map<(d0, d1) -> (0)>
#map1 = affine_map<(d0, d1) -> (0, 0, 0)>
#map2 = affine_map<(d0, d1) -> (0, 0)>
module attributes {stable_mosaic.version = 14 : i64} {
  func.func @_lj_sc(%arg0: i32, %arg1: i32, %arg2: memref<8000000xi32, #tpu.memory_space<hbm>>, %arg3: memref<62500x3x128xf32, #tpu.memory_space<hbm>>, %arg4: memref<32x16xf32, #tpu.memory_space<hbm>>, %arg5: memref<63x3x128xf32, #tpu.memory_space<vmem>>, %arg6: memref<63x3x128xf32, #tpu.memory_space<vmem>>, %arg7: memref<63x3x128xf32, #tpu.memory_space<vmem>>, %arg8: memref<8064xi32, #tpu.memory_space<vmem>>, %arg9: memref<8064xi32, #tpu.memory_space<vmem>>, %arg10: memref<8064xi32, #tpu.memory_space<vmem>>, %arg11: memref<1x3x128xf32, #tpu.memory_space<vmem>>, %arg12: memref<128xi32, #tpu.memory_space<vmem>>, %arg13: memref<16xf32, #tpu.memory_space<vmem>>, %arg14: memref<!tpu.dma_semaphore, #tpu.memory_space<semaphore_mem>>, %arg15: memref<!tpu.dma_semaphore, #tpu.memory_space<semaphore_mem>>, %arg16: memref<!tpu.dma_semaphore, #tpu.memory_space<semaphore_mem>>, %arg17: memref<!tpu.dma_semaphore, #tpu.memory_space<semaphore_mem>>, %arg18: memref<!tpu.dma_semaphore, #tpu.memory_space<semaphore_mem>>, %arg19: memref<!tpu.dma_semaphore, #tpu.memory_space<semaphore_mem>>, %arg20: memref<!tpu.dma_semaphore, #tpu.memory_space<semaphore_mem>>) attributes {dimension_semantics = [#tpu.dimension_semantics<core_parallel>, #tpu.dimension_semantics<subcore_parallel>], iteration_bounds = array<i64: 2, 16>, scalar_prefetch = 0 : i64, scratch_operands = 16 : i64, tpu.core_type = #tpu.core_type<sc_vector_subcore>, window_params = [{transform_indices = #map}, {transform_indices = #map1}, {transform_indices = #map2}]} {
    %mul3A = arith.constant 2 : i32
    %mul3A_0 = arith.muli %arg1, %mul3A : i32
    %add3A = arith.addi %mul3A_0, %arg0 : i32
    %mul3A_1 = arith.constant 1575 : i32
    %mul3A_2 = arith.muli %add3A, %mul3A_1 : i32
    %add3A_3 = arith.constant 12096 : i32
    %add3A_4 = arith.addi %add3A_3, %mul3A_2 : i32
    %min3A = arith.constant 4 : i32
    %min3A_5 = arith.minsi %add3A, %min3A : i32
    %add3A_6 = arith.addi %add3A_4, %min3A_5 : i32
    %lt3A = arith.constant 4 : i32
    %lt3A_7 = arith.cmpi slt, %add3A, %lt3A : i32
    %broadcast_in_dim3A = arith.constant 1 : i32
    %broadcast_in_dim3A_8 = vector.broadcast %broadcast_in_dim3A : i32 to vector<16xi32>
    %broadcast_in_dim3A_9 = arith.constant 0.000000e+00 : f32
    %broadcast_in_dim3A_10 = vector.broadcast %broadcast_in_dim3A_9 : f32 to vector<16xf32>
    %swap3A = arith.constant 0 : index
    %swap3A_11 = tpu.vector_load %arg12[%swap3A] {strides = array<i32>} : memref<128xi32, #tpu.memory_space<vmem>>, vector<16xi32>,
    %swap3A_12 = vector.shape_cast %swap3A_11 : vector<16xi32> to vector<16xi32>
    %swap3A_13 = vector.shape_cast %broadcast_in_dim3A_8 : vector<16xi32> to vector<16xi32>
    tpu.vector_store %arg12[%swap3A], %swap3A_13 {strides = array<i32>} : memref<128xi32, #tpu.memory_space<vmem>>, vector<16xi32>,
    %swap3A_14 = arith.constant 0 : i32
    %swap3A_15 = arith.constant 0 : i32
    %swap3A_16 = arith.index_cast %swap3A_14 : i32 to index
    %swap3A_17 = arith.index_cast %swap3A_15 : i32 to index
    %swap3A_18 = arith.constant 0 : index
    %swap3A_19 = tpu.vector_load %arg11[%swap3A_16, %swap3A_17, %swap3A_18] {strides = array<i32>} : memref<1x3x128xf32, #tpu.memory_space<vmem>>, vector<1x1x16xf32>,
    %swap3A_20 = vector.shape_cast %swap3A_19 : vector<1x1x16xf32> to vector<16xf32>
    %swap3A_21 = vector.shape_cast %broadcast_in_dim3A_10 : vector<16xf32> to vector<1x1x16xf32>
    tpu.vector_store %arg11[%swap3A_16, %swap3A_17, %swap3A_18], %swap3A_21 {strides = array<i32>} : memref<1x3x128xf32, #tpu.memory_space<vmem>>, vector<1x1x16xf32>,
    %swap3A_22 = arith.constant 0 : i32
    %swap3A_23 = arith.constant 1 : i32
    %swap3A_24 = arith.index_cast %swap3A_22 : i32 to index
    %swap3A_25 = arith.index_cast %swap3A_23 : i32 to index
    %swap3A_26 = arith.constant 0 : index
    %swap3A_27 = tpu.vector_load %arg11[%swap3A_24, %swap3A_25, %swap3A_26] {strides = array<i32>} : memref<1x3x128xf32, #tpu.memory_space<vmem>>, vector<1x1x16xf32>,
    %swap3A_28 = vector.shape_cast %swap3A_27 : vector<1x1x16xf32> to vector<16xf32>
    %swap3A_29 = vector.shape_cast %broadcast_in_dim3A_10 : vector<16xf32> to vector<1x1x16xf32>
    tpu.vector_store %arg11[%swap3A_24, %swap3A_25, %swap3A_26], %swap3A_29 {strides = array<i32>} : memref<1x3x128xf32, #tpu.memory_space<vmem>>, vector<1x1x16xf32>,
    %swap3A_30 = arith.constant 0 : i32
    %swap3A_31 = arith.constant 2 : i32
    %swap3A_32 = arith.index_cast %swap3A_30 : i32 to index
    %swap3A_33 = arith.index_cast %swap3A_31 : i32 to index
    %swap3A_34 = arith.constant 0 : index
    %swap3A_35 = tpu.vector_load %arg11[%swap3A_32, %swap3A_33, %swap3A_34] {strides = array<i32>} : memref<1x3x128xf32, #tpu.memory_space<vmem>>, vector<1x1x16xf32>,
    %swap3A_36 = vector.shape_cast %swap3A_35 : vector<1x1x16xf32> to vector<16xf32>
    %swap3A_37 = vector.shape_cast %broadcast_in_dim3A_10 : vector<16xf32> to vector<1x1x16xf32>
    tpu.vector_store %arg11[%swap3A_32, %swap3A_33, %swap3A_34], %swap3A_37 {strides = array<i32>} : memref<1x3x128xf32, #tpu.memory_space<vmem>>, vector<1x1x16xf32>,
    %swap3A_38 = arith.constant 16 : index
    %swap3A_39 = tpu.vector_load %arg12[%swap3A_38] {strides = array<i32>} : memref<128xi32, #tpu.memory_space<vmem>>, vector<16xi32>,
    %swap3A_40 = vector.shape_cast %swap3A_39 : vector<16xi32> to vector<16xi32>
    %swap3A_41 = vector.shape_cast %broadcast_in_dim3A_8 : vector<16xi32> to vector<16xi32>
    tpu.vector_store %arg12[%swap3A_38], %swap3A_41 {strides = array<i32>} : memref<128xi32, #tpu.memory_space<vmem>>, vector<16xi32>,
    %swap3A_42 = arith.constant 0 : i32
    %swap3A_43 = arith.constant 0 : i32
    %swap3A_44 = arith.index_cast %swap3A_42 : i32 to index
    %swap3A_45 = arith.index_cast %swap3A_43 : i32 to index
    %swap3A_46 = arith.constant 16 : index
    %swap3A_47 = tpu.vector_load %arg11[%swap3A_44, %swap3A_45, %swap3A_46] {strides = array<i32>} : memref<1x3x128xf32, #tpu.memory_space<vmem>>, vector<1x1x16xf32>,
    %swap3A_48 = vector.shape_cast %swap3A_47 : vector<1x1x16xf32> to vector<16xf32>
    %swap3A_49 = vector.shape_cast %broadcast_in_dim3A_10 : vector<16xf32> to vector<1x1x16xf32>
    tpu.vector_store %arg11[%swap3A_44, %swap3A_45, %swap3A_46], %swap3A_49 {strides = array<i32>} : memref<1x3x128xf32, #tpu.memory_space<vmem>>, vector<1x1x16xf32>,
    %swap3A_50 = arith.constant 0 : i32
    %swap3A_51 = arith.constant 1 : i32
    %swap3A_52 = arith.index_cast %swap3A_50 : i32 to index
    %swap3A_53 = arith.index_cast %swap3A_51 : i32 to index
    %swap3A_54 = arith.constant 16 : index
    %swap3A_55 = tpu.vector_load %arg11[%swap3A_52, %swap3A_53, %swap3A_54] {strides = array<i32>} : memref<1x3x128xf32, #tpu.memory_space<vmem>>, vector<1x1x16xf32>,
    %swap3A_56 = vector.shape_cast %swap3A_55 : vector<1x1x16xf32> to vector<16xf32>
    %swap3A_57 = vector.shape_cast %broadcast_in_dim3A_10 : vector<16xf32> to vector<1x1x16xf32>
    tpu.vector_store %arg11[%swap3A_52, %swap3A_53, %swap3A_54], %swap3A_57 {strides = array<i32>} : memref<1x3x128xf32, #tpu.memory_space<vmem>>, vector<1x1x16xf32>,
    %swap3A_58 = arith.constant 0 : i32
    %swap3A_59 = arith.constant 2 : i32
    %swap3A_60 = arith.index_cast %swap3A_58 : i32 to index
    %swap3A_61 = arith.index_cast %swap3A_59 : i32 to index
    %swap3A_62 = arith.constant 16 : index
    %swap3A_63 = tpu.vector_load %arg11[%swap3A_60, %swap3A_61, %swap3A_62] {strides = array<i32>} : memref<1x3x128xf32, #tpu.memory_space<vmem>>, vector<1x1x16xf32>,
    %swap3A_64 = vector.shape_cast %swap3A_63 : vector<1x1x16xf32> to vector<16xf32>
    %swap3A_65 = vector.shape_cast %broadcast_in_dim3A_10 : vector<16xf32> to vector<1x1x16xf32>
    tpu.vector_store %arg11[%swap3A_60, %swap3A_61, %swap3A_62], %swap3A_65 {strides = array<i32>} : memref<1x3x128xf32, #tpu.memory_space<vmem>>, vector<1x1x16xf32>,
    %swap3A_66 = arith.constant 32 : index
    %swap3A_67 = tpu.vector_load %arg12[%swap3A_66] {strides = array<i32>} : memref<128xi32, #tpu.memory_space<vmem>>, vector<16xi32>,
    %swap3A_68 = vector.shape_cast %swap3A_67 : vector<16xi32> to vector<16xi32>
    %swap3A_69 = vector.shape_cast %broadcast_in_dim3A_8 : vector<16xi32> to vector<16xi32>
    tpu.vector_store %arg12[%swap3A_66], %swap3A_69 {strides = array<i32>} : memref<128xi32, #tpu.memory_space<vmem>>, vector<16xi32>,
    %swap3A_70 = arith.constant 0 : i32
    %swap3A_71 = arith.constant 0 : i32
    %swap3A_72 = arith.index_cast %swap3A_70 : i32 to index
    %swap3A_73 = arith.index_cast %swap3A_71 : i32 to index
    %swap3A_74 = arith.constant 32 : index
    %swap3A_75 = tpu.vector_load %arg11[%swap3A_72, %swap3A_73, %swap3A_74] {strides = array<i32>} : memref<1x3x128xf32, #tpu.memory_space<vmem>>, vector<1x1x16xf32>,
    %swap3A_76 = vector.shape_cast %swap3A_75 : vector<1x1x16xf32> to vector<16xf32>
    %swap3A_77 = vector.shape_cast %broadcast_in_dim3A_10 : vector<16xf32> to vector<1x1x16xf32>
    tpu.vector_store %arg11[%swap3A_72, %swap3A_73, %swap3A_74], %swap3A_77 {strides = array<i32>} : memref<1x3x128xf32, #tpu.memory_space<vmem>>, vector<1x1x16xf32>,
    %swap3A_78 = arith.constant 0 : i32
    %swap3A_79 = arith.constant 1 : i32
    %swap3A_80 = arith.index_cast %swap3A_78 : i32 to index
    %swap3A_81 = arith.index_cast %swap3A_79 : i32 to index
    %swap3A_82 = arith.constant 32 : index
    %swap3A_83 = tpu.vector_load %arg11[%swap3A_80, %swap3A_81, %swap3A_82] {strides = array<i32>} : memref<1x3x128xf32, #tpu.memory_space<vmem>>, vector<1x1x16xf32>,
    %swap3A_84 = vector.shape_cast %swap3A_83 : vector<1x1x16xf32> to vector<16xf32>
    %swap3A_85 = vector.shape_cast %broadcast_in_dim3A_10 : vector<16xf32> to vector<1x1x16xf32>
    tpu.vector_store %arg11[%swap3A_80, %swap3A_81, %swap3A_82], %swap3A_85 {strides = array<i32>} : memref<1x3x128xf32, #tpu.memory_space<vmem>>, vector<1x1x16xf32>,
    %swap3A_86 = arith.constant 0 : i32
    %swap3A_87 = arith.constant 2 : i32
    %swap3A_88 = arith.index_cast %swap3A_86 : i32 to index
    %swap3A_89 = arith.index_cast %swap3A_87 : i32 to index
    %swap3A_90 = arith.constant 32 : index
    %swap3A_91 = tpu.vector_load %arg11[%swap3A_88, %swap3A_89, %swap3A_90] {strides = array<i32>} : memref<1x3x128xf32, #tpu.memory_space<vmem>>, vector<1x1x16xf32>,
    %swap3A_92 = vector.shape_cast %swap3A_91 : vector<1x1x16xf32> to vector<16xf32>
    %swap3A_93 = vector.shape_cast %broadcast_in_dim3A_10 : vector<16xf32> to vector<1x1x16xf32>
    tpu.vector_store %arg11[%swap3A_88, %swap3A_89, %swap3A_90], %swap3A_93 {strides = array<i32>} : memref<1x3x128xf32, #tpu.memory_space<vmem>>, vector<1x1x16xf32>,
    %swap3A_94 = arith.constant 48 : index
    %swap3A_95 = tpu.vector_load %arg12[%swap3A_94] {strides = array<i32>} : memref<128xi32, #tpu.memory_space<vmem>>, vector<16xi32>,
    %swap3A_96 = vector.shape_cast %swap3A_95 : vector<16xi32> to vector<16xi32>
    %swap3A_97 = vector.shape_cast %broadcast_in_dim3A_8 : vector<16xi32> to vector<16xi32>
    tpu.vector_store %arg12[%swap3A_94], %swap3A_97 {strides = array<i32>} : memref<128xi32, #tpu.memory_space<vmem>>, vector<16xi32>,
    %swap3A_98 = arith.constant 0 : i32
    %swap3A_99 = arith.constant 0 : i32
    %swap3A_100 = arith.index_cast %swap3A_98 : i32 to index
    %swap3A_101 = arith.index_cast %swap3A_99 : i32 to index
    %swap3A_102 = arith.constant 48 : index
    %swap3A_103 = tpu.vector_load %arg11[%swap3A_100, %swap3A_101, %swap3A_102] {strides = array<i32>} : memref<1x3x128xf32, #tpu.memory_space<vmem>>, vector<1x1x16xf32>,
    %swap3A_104 = vector.shape_cast %swap3A_103 : vector<1x1x16xf32> to vector<16xf32>
    %swap3A_105 = vector.shape_cast %broadcast_in_dim3A_10 : vector<16xf32> to vector<1x1x16xf32>
    tpu.vector_store %arg11[%swap3A_100, %swap3A_101, %swap3A_102], %swap3A_105 {strides = array<i32>} : memref<1x3x128xf32, #tpu.memory_space<vmem>>, vector<1x1x16xf32>,
    %swap3A_106 = arith.constant 0 : i32
    %swap3A_107 = arith.constant 1 : i32
    %swap3A_108 = arith.index_cast %swap3A_106 : i32 to index
    %swap3A_109 = arith.index_cast %swap3A_107 : i32 to index
    %swap3A_110 = arith.constant 48 : index
    %swap3A_111 = tpu.vector_load %arg11[%swap3A_108, %swap3A_109, %swap3A_110] {strides = array<i32>} : memref<1x3x128xf32, #tpu.memory_space<vmem>>, vector<1x1x16xf32>,
    %swap3A_112 = vector.shape_cast %swap3A_111 : vector<1x1x16xf32> to vector<16xf32>
    %swap3A_113 = vector.shape_cast %broadcast_in_dim3A_10 : vector<16xf32> to vector<1x1x16xf32>
    tpu.vector_store %arg11[%swap3A_108, %swap3A_109, %swap3A_110], %swap3A_113 {strides = array<i32>} : memref<1x3x128xf32, #tpu.memory_space<vmem>>, vector<1x1x16xf32>,
    %swap3A_114 = arith.constant 0 : i32
    %swap3A_115 = arith.constant 2 : i32
    %swap3A_116 = arith.index_cast %swap3A_114 : i32 to index
    %swap3A_117 = arith.index_cast %swap3A_115 : i32 to index
    %swap3A_118 = arith.constant 48 : index
    %swap3A_119 = tpu.vector_load %arg11[%swap3A_116, %swap3A_117, %swap3A_118] {strides = array<i32>} : memref<1x3x128xf32, #tpu.memory_space<vmem>>, vector<1x1x16xf32>,
    %swap3A_120 = vector.shape_cast %swap3A_119 : vector<1x1x16xf32> to vector<16xf32>
    %swap3A_121 = vector.shape_cast %broadcast_in_dim3A_10 : vector<16xf32> to vector<1x1x16xf32>
    tpu.vector_store %arg11[%swap3A_116, %swap3A_117, %swap3A_118], %swap3A_121 {strides = array<i32>} : memref<1x3x128xf32, #tpu.memory_space<vmem>>, vector<1x1x16xf32>,
    %swap3A_122 = arith.constant 64 : index
    %swap3A_123 = tpu.vector_load %arg12[%swap3A_122] {strides = array<i32>} : memref<128xi32, #tpu.memory_space<vmem>>, vector<16xi32>,
    %swap3A_124 = vector.shape_cast %swap3A_123 : vector<16xi32> to vector<16xi32>
    %swap3A_125 = vector.shape_cast %broadcast_in_dim3A_8 : vector<16xi32> to vector<16xi32>
    tpu.vector_store %arg12[%swap3A_122], %swap3A_125 {strides = array<i32>} : memref<128xi32, #tpu.memory_space<vmem>>, vector<16xi32>,
    %swap3A_126 = arith.constant 0 : i32
    %swap3A_127 = arith.constant 0 : i32
    %swap3A_128 = arith.index_cast %swap3A_126 : i32 to index
    %swap3A_129 = arith.index_cast %swap3A_127 : i32 to index
    %swap3A_130 = arith.constant 64 : index
    %swap3A_131 = tpu.vector_load %arg11[%swap3A_128, %swap3A_129, %swap3A_130] {strides = array<i32>} : memref<1x3x128xf32, #tpu.memory_space<vmem>>, vector<1x1x16xf32>,
    %swap3A_132 = vector.shape_cast %swap3A_131 : vector<1x1x16xf32> to vector<16xf32>
    %swap3A_133 = vector.shape_cast %broadcast_in_dim3A_10 : vector<16xf32> to vector<1x1x16xf32>
    tpu.vector_store %arg11[%swap3A_128, %swap3A_129, %swap3A_130], %swap3A_133 {strides = array<i32>} : memref<1x3x128xf32, #tpu.memory_space<vmem>>, vector<1x1x16xf32>,
    %swap3A_134 = arith.constant 0 : i32
    %swap3A_135 = arith.constant 1 : i32
    %swap3A_136 = arith.index_cast %swap3A_134 : i32 to index
    %swap3A_137 = arith.index_cast %swap3A_135 : i32 to index
    %swap3A_138 = arith.constant 64 : index
    %swap3A_139 = tpu.vector_load %arg11[%swap3A_136, %swap3A_137, %swap3A_138] {strides = array<i32>} : memref<1x3x128xf32, #tpu.memory_space<vmem>>, vector<1x1x16xf32>,
    %swap3A_140 = vector.shape_cast %swap3A_139 : vector<1x1x16xf32> to vector<16xf32>
    %swap3A_141 = vector.shape_cast %broadcast_in_dim3A_10 : vector<16xf32> to vector<1x1x16xf32>
    tpu.vector_store %arg11[%swap3A_136, %swap3A_137, %swap3A_138], %swap3A_141 {strides = array<i32>} : memref<1x3x128xf32, #tpu.memory_space<vmem>>, vector<1x1x16xf32>,
    %swap3A_142 = arith.constant 0 : i32
    %swap3A_143 = arith.constant 2 : i32
    %swap3A_144 = arith.index_cast %swap3A_142 : i32 to index
    %swap3A_145 = arith.index_cast %swap3A_143 : i32 to index
    %swap3A_146 = arith.constant 64 : index
    %swap3A_147 = tpu.vector_load %arg11[%swap3A_144, %swap3A_145, %swap3A_146] {strides = array<i32>} : memref<1x3x128xf32, #tpu.memory_space<vmem>>, vector<1x1x16xf32>,
    %swap3A_148 = vector.shape_cast %swap3A_147 : vector<1x1x16xf32> to vector<16xf32>
    %swap3A_149 = vector.shape_cast %broadcast_in_dim3A_10 : vector<16xf32> to vector<1x1x16xf32>
    tpu.vector_store %arg11[%swap3A_144, %swap3A_145, %swap3A_146], %swap3A_149 {strides = array<i32>} : memref<1x3x128xf32, #tpu.memory_space<vmem>>, vector<1x1x16xf32>,
    %swap3A_150 = arith.constant 80 : index
    %swap3A_151 = tpu.vector_load %arg12[%swap3A_150] {strides = array<i32>} : memref<128xi32, #tpu.memory_space<vmem>>, vector<16xi32>,
    %swap3A_152 = vector.shape_cast %swap3A_151 : vector<16xi32> to vector<16xi32>
    %swap3A_153 = vector.shape_cast %broadcast_in_dim3A_8 : vector<16xi32> to vector<16xi32>
    tpu.vector_store %arg12[%swap3A_150], %swap3A_153 {strides = array<i32>} : memref<128xi32, #tpu.memory_space<vmem>>, vector<16xi32>,
    %swap3A_154 = arith.constant 0 : i32
    %swap3A_155 = arith.constant 0 : i32
    %swap3A_156 = arith.index_cast %swap3A_154 : i32 to index
    %swap3A_157 = arith.index_cast %swap3A_155 : i32 to index
    %swap3A_158 = arith.constant 80 : index
    %swap3A_159 = tpu.vector_load %arg11[%swap3A_156, %swap3A_157, %swap3A_158] {strides = array<i32>} : memref<1x3x128xf32, #tpu.memory_space<vmem>>, vector<1x1x16xf32>,
    %swap3A_160 = vector.shape_cast %swap3A_159 : vector<1x1x16xf32> to vector<16xf32>
    %swap3A_161 = vector.shape_cast %broadcast_in_dim3A_10 : vector<16xf32> to vector<1x1x16xf32>
    tpu.vector_store %arg11[%swap3A_156, %swap3A_157, %swap3A_158], %swap3A_161 {strides = array<i32>} : memref<1x3x128xf32, #tpu.memory_space<vmem>>, vector<1x1x16xf32>,
    %swap3A_162 = arith.constant 0 : i32
    %swap3A_163 = arith.constant 1 : i32
    %swap3A_164 = arith.index_cast %swap3A_162 : i32 to index
    %swap3A_165 = arith.index_cast %swap3A_163 : i32 to index
    %swap3A_166 = arith.constant 80 : index
    %swap3A_167 = tpu.vector_load %arg11[%swap3A_164, %swap3A_165, %swap3A_166] {strides = array<i32>} : memref<1x3x128xf32, #tpu.memory_space<vmem>>, vector<1x1x16xf32>,
    %swap3A_168 = vector.shape_cast %swap3A_167 : vector<1x1x16xf32> to vector<16xf32>
    %swap3A_169 = vector.shape_cast %broadcast_in_dim3A_10 : vector<16xf32> to vector<1x1x16xf32>
    tpu.vector_store %arg11[%swap3A_164, %swap3A_165, %swap3A_166], %swap3A_169 {strides = array<i32>} : memref<1x3x128xf32, #tpu.memory_space<vmem>>, vector<1x1x16xf32>,
    %swap3A_170 = arith.constant 0 : i32
    %swap3A_171 = arith.constant 2 : i32
    %swap3A_172 = arith.index_cast %swap3A_170 : i32 to index
    %swap3A_173 = arith.index_cast %swap3A_171 : i32 to index
    %swap3A_174 = arith.constant 80 : index
    %swap3A_175 = tpu.vector_load %arg11[%swap3A_172, %swap3A_173, %swap3A_174] {strides = array<i32>} : memref<1x3x128xf32, #tpu.memory_space<vmem>>, vector<1x1x16xf32>,
    %swap3A_176 = vector.shape_cast %swap3A_175 : vector<1x1x16xf32> to vector<16xf32>
    %swap3A_177 = vector.shape_cast %broadcast_in_dim3A_10 : vector<16xf32> to vector<1x1x16xf32>
    tpu.vector_store %arg11[%swap3A_172, %swap3A_173, %swap3A_174], %swap3A_177 {strides = array<i32>} : memref<1x3x128xf32, #tpu.memory_space<vmem>>, vector<1x1x16xf32>,
    %swap3A_178 = arith.constant 96 : index
    %swap3A_179 = tpu.vector_load %arg12[%swap3A_178] {strides = array<i32>} : memref<128xi32, #tpu.memory_space<vmem>>, vector<16xi32>,
    %swap3A_180 = vector.shape_cast %swap3A_179 : vector<16xi32> to vector<16xi32>
    %swap3A_181 = vector.shape_cast %broadcast_in_dim3A_8 : vector<16xi32> to vector<16xi32>
    tpu.vector_store %arg12[%swap3A_178], %swap3A_181 {strides = array<i32>} : memref<128xi32, #tpu.memory_space<vmem>>, vector<16xi32>,
    %swap3A_182 = arith.constant 0 : i32
    %swap3A_183 = arith.constant 0 : i32
    %swap3A_184 = arith.index_cast %swap3A_182 : i32 to index
    %swap3A_185 = arith.index_cast %swap3A_183 : i32 to index
    %swap3A_186 = arith.constant 96 : index
    %swap3A_187 = tpu.vector_load %arg11[%swap3A_184, %swap3A_185, %swap3A_186] {strides = array<i32>} : memref<1x3x128xf32, #tpu.memory_space<vmem>>, vector<1x1x16xf32>,
    %swap3A_188 = vector.shape_cast %swap3A_187 : vector<1x1x16xf32> to vector<16xf32>
    %swap3A_189 = vector.shape_cast %broadcast_in_dim3A_10 : vector<16xf32> to vector<1x1x16xf32>
    tpu.vector_store %arg11[%swap3A_184, %swap3A_185, %swap3A_186], %swap3A_189 {strides = array<i32>} : memref<1x3x128xf32, #tpu.memory_space<vmem>>, vector<1x1x16xf32>,
    %swap3A_190 = arith.constant 0 : i32
    %swap3A_191 = arith.constant 1 : i32
    %swap3A_192 = arith.index_cast %swap3A_190 : i32 to index
    %swap3A_193 = arith.index_cast %swap3A_191 : i32 to index
    %swap3A_194 = arith.constant 96 : index
    %swap3A_195 = tpu.vector_load %arg11[%swap3A_192, %swap3A_193, %swap3A_194] {strides = array<i32>} : memref<1x3x128xf32, #tpu.memory_space<vmem>>, vector<1x1x16xf32>,
    %swap3A_196 = vector.shape_cast %swap3A_195 : vector<1x1x16xf32> to vector<16xf32>
    %swap3A_197 = vector.shape_cast %broadcast_in_dim3A_10 : vector<16xf32> to vector<1x1x16xf32>
    tpu.vector_store %arg11[%swap3A_192, %swap3A_193, %swap3A_194], %swap3A_197 {strides = array<i32>} : memref<1x3x128xf32, #tpu.memory_space<vmem>>, vector<1x1x16xf32>,
    %swap3A_198 = arith.constant 0 : i32
    %swap3A_199 = arith.constant 2 : i32
    %swap3A_200 = arith.index_cast %swap3A_198 : i32 to index
    %swap3A_201 = arith.index_cast %swap3A_199 : i32 to index
    %swap3A_202 = arith.constant 96 : index
    %swap3A_203 = tpu.vector_load %arg11[%swap3A_200, %swap3A_201, %swap3A_202] {strides = array<i32>} : memref<1x3x128xf32, #tpu.memory_space<vmem>>, vector<1x1x16xf32>,
    %swap3A_204 = vector.shape_cast %swap3A_203 : vector<1x1x16xf32> to vector<16xf32>
    %swap3A_205 = vector.shape_cast %broadcast_in_dim3A_10 : vector<16xf32> to vector<1x1x16xf32>
    tpu.vector_store %arg11[%swap3A_200, %swap3A_201, %swap3A_202], %swap3A_205 {strides = array<i32>} : memref<1x3x128xf32, #tpu.memory_space<vmem>>, vector<1x1x16xf32>,
    %swap3A_206 = arith.constant 112 : index
    %swap3A_207 = tpu.vector_load %arg12[%swap3A_206] {strides = array<i32>} : memref<128xi32, #tpu.memory_space<vmem>>, vector<16xi32>,
    %swap3A_208 = vector.shape_cast %swap3A_207 : vector<16xi32> to vector<16xi32>
    %swap3A_209 = vector.shape_cast %broadcast_in_dim3A_8 : vector<16xi32> to vector<16xi32>
    tpu.vector_store %arg12[%swap3A_206], %swap3A_209 {strides = array<i32>} : memref<128xi32, #tpu.memory_space<vmem>>, vector<16xi32>,
    %swap3A_210 = arith.constant 0 : i32
    %swap3A_211 = arith.constant 0 : i32
    %swap3A_212 = arith.index_cast %swap3A_210 : i32 to index
    %swap3A_213 = arith.index_cast %swap3A_211 : i32 to index
    %swap3A_214 = arith.constant 112 : index
    %swap3A_215 = tpu.vector_load %arg11[%swap3A_212, %swap3A_213, %swap3A_214] {strides = array<i32>} : memref<1x3x128xf32, #tpu.memory_space<vmem>>, vector<1x1x16xf32>,
    %swap3A_216 = vector.shape_cast %swap3A_215 : vector<1x1x16xf32> to vector<16xf32>
    %swap3A_217 = vector.shape_cast %broadcast_in_dim3A_10 : vector<16xf32> to vector<1x1x16xf32>
    tpu.vector_store %arg11[%swap3A_212, %swap3A_213, %swap3A_214], %swap3A_217 {strides = array<i32>} : memref<1x3x128xf32, #tpu.memory_space<vmem>>, vector<1x1x16xf32>,
    %swap3A_218 = arith.constant 0 : i32
    %swap3A_219 = arith.constant 1 : i32
    %swap3A_220 = arith.index_cast %swap3A_218 : i32 to index
    %swap3A_221 = arith.index_cast %swap3A_219 : i32 to index
    %swap3A_222 = arith.constant 112 : index
    %swap3A_223 = tpu.vector_load %arg11[%swap3A_220, %swap3A_221, %swap3A_222] {strides = array<i32>} : memref<1x3x128xf32, #tpu.memory_space<vmem>>, vector<1x1x16xf32>,
    %swap3A_224 = vector.shape_cast %swap3A_223 : vector<1x1x16xf32> to vector<16xf32>
    %swap3A_225 = vector.shape_cast %broadcast_in_dim3A_10 : vector<16xf32> to vector<1x1x16xf32>
    tpu.vector_store %arg11[%swap3A_220, %swap3A_221, %swap3A_222], %swap3A_225 {strides = array<i32>} : memref<1x3x128xf32, #tpu.memory_space<vmem>>, vector<1x1x16xf32>,
    %swap3A_226 = arith.constant 0 : i32
    %swap3A_227 = arith.constant 2 : i32
    %swap3A_228 = arith.index_cast %swap3A_226 : i32 to index
    %swap3A_229 = arith.index_cast %swap3A_227 : i32 to index
    %swap3A_230 = arith.constant 112 : index
    %swap3A_231 = tpu.vector_load %arg11[%swap3A_228, %swap3A_229, %swap3A_230] {strides = array<i32>} : memref<1x3x128xf32, #tpu.memory_space<vmem>>, vector<1x1x16xf32>,
    %swap3A_232 = vector.shape_cast %swap3A_231 : vector<1x1x16xf32> to vector<16xf32>
    %swap3A_233 = vector.shape_cast %broadcast_in_dim3A_10 : vector<16xf32> to vector<1x1x16xf32>
    tpu.vector_store %arg11[%swap3A_228, %swap3A_229, %swap3A_230], %swap3A_233 {strides = array<i32>} : memref<1x3x128xf32, #tpu.memory_space<vmem>>, vector<1x1x16xf32>,
    %add3A_234 = arith.constant 0 : i32
    %add3A_235 = arith.addi %add3A_6, %add3A_234 : i32
    %dma_start3A = arith.constant 0 : i32
    %dma_start3A_236 = arith.constant 0 : i32
    %dma_start3A_237 = tpu.memref_slice %arg3[%add3A_235, %dma_start3A, %dma_start3A_236] : memref<62500x3x128xf32, #tpu.memory_space<hbm>> -> memref<63x3x128xf32, #tpu.memory_space<hbm>>
    %dma_start3A_238 = arith.constant 0 : i32
    %dma_start3A_239 = arith.constant 0 : i32
    %dma_start3A_240 = tpu.memref_slice %arg3[%add3A_235, %dma_start3A_238, %dma_start3A_239] : memref<62500x3x128xf32, #tpu.memory_space<hbm>> -> memref<63x3x128xf32, #tpu.memory_space<hbm>>
    tpu.enqueue_dma source(%dma_start3A_240 : memref<63x3x128xf32, #tpu.memory_space<hbm>>) target(%arg5 : memref<63x3x128xf32, #tpu.memory_space<vmem>>) target_semaphore(%arg14 : memref<!tpu.dma_semaphore, #tpu.memory_space<semaphore_mem>>)
    %mul3A_241 = arith.constant 128 : i32
    %mul3A_242 = arith.muli %add3A_235, %mul3A_241 : i32
    %dma_start3A_243 = tpu.memref_slice %arg2[%mul3A_242] : memref<8000000xi32, #tpu.memory_space<hbm>> -> memref<8064xi32, #tpu.memory_space<hbm>>
    %dma_start3A_244 = tpu.memref_slice %arg2[%mul3A_242] : memref<8000000xi32, #tpu.memory_space<hbm>> -> memref<8064xi32, #tpu.memory_space<hbm>>
    tpu.enqueue_dma source(%dma_start3A_244 : memref<8064xi32, #tpu.memory_space<hbm>>) target(%arg8 : memref<8064xi32, #tpu.memory_space<vmem>>) target_semaphore(%arg17 : memref<!tpu.dma_semaphore, #tpu.memory_space<semaphore_mem>>)
    %add3A_245 = arith.constant 63 : i32
    %add3A_246 = arith.addi %add3A_6, %add3A_245 : i32
    %dma_start3A_247 = arith.constant 0 : i32
    %dma_start3A_248 = arith.constant 0 : i32
    %dma_start3A_249 = tpu.memref_slice %arg3[%add3A_246, %dma_start3A_247, %dma_start3A_248] : memref<62500x3x128xf32, #tpu.memory_space<hbm>> -> memref<63x3x128xf32, #tpu.memory_space<hbm>>
    %dma_start3A_250 = arith.constant 0 : i32
    %dma_start3A_251 = arith.constant 0 : i32
    %dma_start3A_252 = tpu.memref_slice %arg3[%add3A_246, %dma_start3A_250, %dma_start3A_251] : memref<62500x3x128xf32, #tpu.memory_space<hbm>> -> memref<63x3x128xf32, #tpu.memory_space<hbm>>
    tpu.enqueue_dma source(%dma_start3A_252 : memref<63x3x128xf32, #tpu.memory_space<hbm>>) target(%arg6 : memref<63x3x128xf32, #tpu.memory_space<vmem>>) target_semaphore(%arg15 : memref<!tpu.dma_semaphore, #tpu.memory_space<semaphore_mem>>)
    %mul3A_253 = arith.constant 128 : i32
    %mul3A_254 = arith.muli %add3A_246, %mul3A_253 : i32
    %dma_start3A_255 = tpu.memref_slice %arg2[%mul3A_254] : memref<8000000xi32, #tpu.memory_space<hbm>> -> memref<8064xi32, #tpu.memory_space<hbm>>
    %dma_start3A_256 = tpu.memref_slice %arg2[%mul3A_254] : memref<8000000xi32, #tpu.memory_space<hbm>> -> memref<8064xi32, #tpu.memory_space<hbm>>
    tpu.enqueue_dma source(%dma_start3A_256 : memref<8064xi32, #tpu.memory_space<hbm>>) target(%arg9 : memref<8064xi32, #tpu.memory_space<vmem>>) target_semaphore(%arg18 : memref<!tpu.dma_semaphore, #tpu.memory_space<semaphore_mem>>)
    %convert_element_type3A = arith.extui %lt3A_7 : i1 to i32
    %cond3A = arith.constant 0 : i32
    %cond3A_257 = arith.cmpi ne, %convert_element_type3A, %cond3A : i32
    scf.if %cond3A_257 {
      %add3A_846 = arith.constant 1575 : i32
      %add3A_847 = arith.addi %add3A_6, %add3A_846 : i32
      %dma_start3A_848 = arith.constant 0 : i32
      %dma_start3A_849 = arith.constant 0 : i32
      %dma_start3A_850 = tpu.memref_slice %arg3[%add3A_847, %dma_start3A_848, %dma_start3A_849] : memref<62500x3x128xf32, #tpu.memory_space<hbm>> -> memref<1x3x128xf32, #tpu.memory_space<hbm>>
      %dma_start3A_851 = arith.constant 0 : i32
      %dma_start3A_852 = arith.constant 0 : i32
      %dma_start3A_853 = tpu.memref_slice %arg3[%add3A_847, %dma_start3A_851, %dma_start3A_852] : memref<62500x3x128xf32, #tpu.memory_space<hbm>> -> memref<1x3x128xf32, #tpu.memory_space<hbm>>
      tpu.enqueue_dma source(%dma_start3A_853 : memref<1x3x128xf32, #tpu.memory_space<hbm>>) target(%arg11 : memref<1x3x128xf32, #tpu.memory_space<vmem>>) target_semaphore(%arg20 : memref<!tpu.dma_semaphore, #tpu.memory_space<semaphore_mem>>)
      %mul3A_854 = arith.constant 128 : i32
      %mul3A_855 = arith.muli %add3A_847, %mul3A_854 : i32
      %dma_start3A_856 = tpu.memref_slice %arg2[%mul3A_855] : memref<8000000xi32, #tpu.memory_space<hbm>> -> memref<128xi32, #tpu.memory_space<hbm>>
      %dma_start3A_857 = tpu.memref_slice %arg2[%mul3A_855] : memref<8000000xi32, #tpu.memory_space<hbm>> -> memref<128xi32, #tpu.memory_space<hbm>>
      tpu.enqueue_dma source(%dma_start3A_857 : memref<128xi32, #tpu.memory_space<hbm>>) target(%arg12 : memref<128xi32, #tpu.memory_space<vmem>>) target_semaphore(%arg20 : memref<!tpu.dma_semaphore, #tpu.memory_space<semaphore_mem>>)
    } else {
    }
    %broadcast_in_dim3A_258 = arith.constant 0.000000e+00 : f32
    %broadcast_in_dim3A_259 = vector.broadcast %broadcast_in_dim3A_258 : f32 to vector<16xf32>
    %add3A_260 = arith.constant 126 : i32
    %add3A_261 = arith.addi %add3A_6, %add3A_260 : i32
    %dma_start3A_262 = arith.constant 0 : i32
    %dma_start3A_263 = arith.constant 0 : i32
    %dma_start3A_264 = tpu.memref_slice %arg3[%add3A_261, %dma_start3A_262, %dma_start3A_263] : memref<62500x3x128xf32, #tpu.memory_space<hbm>> -> memref<63x3x128xf32, #tpu.memory_space<hbm>>
    %dma_start3A_265 = arith.constant 0 : i32
    %dma_start3A_266 = arith.constant 0 : i32
    %dma_start3A_267 = tpu.memref_slice %arg3[%add3A_261, %dma_start3A_265, %dma_start3A_266] : memref<62500x3x128xf32, #tpu.memory_space<hbm>> -> memref<63x3x128xf32, #tpu.memory_space<hbm>>
    tpu.enqueue_dma source(%dma_start3A_267 : memref<63x3x128xf32, #tpu.memory_space<hbm>>) target(%arg7 : memref<63x3x128xf32, #tpu.memory_space<vmem>>) target_semaphore(%arg16 : memref<!tpu.dma_semaphore, #tpu.memory_space<semaphore_mem>>)
    %mul3A_268 = arith.constant 128 : i32
    %mul3A_269 = arith.muli %add3A_261, %mul3A_268 : i32
    %dma_start3A_270 = tpu.memref_slice %arg2[%mul3A_269] : memref<8000000xi32, #tpu.memory_space<hbm>> -> memref<8064xi32, #tpu.memory_space<hbm>>
    %dma_start3A_271 = tpu.memref_slice %arg2[%mul3A_269] : memref<8000000xi32, #tpu.memory_space<hbm>> -> memref<8064xi32, #tpu.memory_space<hbm>>
    tpu.enqueue_dma source(%dma_start3A_271 : memref<8064xi32, #tpu.memory_space<hbm>>) target(%arg10 : memref<8064xi32, #tpu.memory_space<vmem>>) target_semaphore(%arg19 : memref<!tpu.dma_semaphore, #tpu.memory_space<semaphore_mem>>)
    %dma_wait3A = arith.constant 0 : i32
    %dma_wait3A_272 = arith.constant 0 : i32
    %dma_wait3A_273 = tpu.memref_slice %arg3[%add3A_235, %dma_wait3A, %dma_wait3A_272] : memref<62500x3x128xf32, #tpu.memory_space<hbm>> -> memref<63x3x128xf32, #tpu.memory_space<hbm>>
    %dma_wait3A_274 = arith.constant 0 : i32
    %dma_wait3A_275 = arith.constant 0 : i32
    %dma_wait3A_276 = tpu.memref_slice %arg3[%add3A_235, %dma_wait3A_274, %dma_wait3A_275] : memref<62500x3x128xf32, #tpu.memory_space<hbm>> -> memref<63x3x128xf32, #tpu.memory_space<hbm>>
    tpu.wait_dma2 semaphore(%arg14 : memref<!tpu.dma_semaphore, #tpu.memory_space<semaphore_mem>>) src(%dma_wait3A_276 : memref<63x3x128xf32, #tpu.memory_space<hbm>>) dst(%arg5 : memref<63x3x128xf32, #tpu.memory_space<vmem>>)
    %dma_wait3A_277 = tpu.memref_slice %arg2[%mul3A_242] : memref<8000000xi32, #tpu.memory_space<hbm>> -> memref<8064xi32, #tpu.memory_space<hbm>>
    %dma_wait3A_278 = tpu.memref_slice %arg2[%mul3A_242] : memref<8000000xi32, #tpu.memory_space<hbm>> -> memref<8064xi32, #tpu.memory_space<hbm>>
    tpu.wait_dma2 semaphore(%arg17 : memref<!tpu.dma_semaphore, #tpu.memory_space<semaphore_mem>>) src(%dma_wait3A_278 : memref<8064xi32, #tpu.memory_space<hbm>>) dst(%arg8 : memref<8064xi32, #tpu.memory_space<vmem>>)
    %parallel_loop3A = arith.constant 0 : i32
    %parallel_loop3A_279 = arith.constant 504 : i32
    %parallel_loop3A_280 = arith.constant 1 : i32
    %parallel_loop3A_281 = scf.for %parallel_loop3A_846 = %parallel_loop3A to %parallel_loop3A_279 step %parallel_loop3A_280 iter_args(%parallel_loop3A_847 = %broadcast_in_dim3A_259) -> (vector<16xf32>)  : i32 {
      %parallel_loop3A_848 = arith.constant 3 : i32
      %parallel_loop3A_849 = arith.shrsi %parallel_loop3A_846, %parallel_loop3A_848 : i32
      %parallel_loop3A_850 = arith.constant 7 : i32
      %parallel_loop3A_851 = arith.andi %parallel_loop3A_846, %parallel_loop3A_850 : i32
      %parallel_loop3A_852 = arith.constant 16 : i32
      %parallel_loop3A_853 = arith.muli %parallel_loop3A_851, %parallel_loop3A_852 : i32
      %parallel_loop3A_854 = arith.constant 0 : i32
      %parallel_loop3A_855 = arith.index_cast %parallel_loop3A_849 : i32 to index
      %parallel_loop3A_856 = arith.index_cast %parallel_loop3A_854 : i32 to index
      %parallel_loop3A_857 = arith.index_cast %parallel_loop3A_853 : i32 to index
      %parallel_loop3A_858 = tpu.vector_load %arg5[%parallel_loop3A_855, %parallel_loop3A_856, %parallel_loop3A_857] {strides = array<i32>} : memref<63x3x128xf32, #tpu.memory_space<vmem>>, vector<1x1x16xf32>,
      %parallel_loop3A_859 = vector.shape_cast %parallel_loop3A_858 : vector<1x1x16xf32> to vector<16xf32>
      %parallel_loop3A_860 = arith.constant 1 : i32
      %parallel_loop3A_861 = arith.index_cast %parallel_loop3A_849 : i32 to index
      %parallel_loop3A_862 = arith.index_cast %parallel_loop3A_860 : i32 to index
      %parallel_loop3A_863 = arith.index_cast %parallel_loop3A_853 : i32 to index
      %parallel_loop3A_864 = tpu.vector_load %arg5[%parallel_loop3A_861, %parallel_loop3A_862, %parallel_loop3A_863] {strides = array<i32>} : memref<63x3x128xf32, #tpu.memory_space<vmem>>, vector<1x1x16xf32>,
      %parallel_loop3A_865 = vector.shape_cast %parallel_loop3A_864 : vector<1x1x16xf32> to vector<16xf32>
      %parallel_loop3A_866 = arith.constant 2 : i32
      %parallel_loop3A_867 = arith.index_cast %parallel_loop3A_849 : i32 to index
      %parallel_loop3A_868 = arith.index_cast %parallel_loop3A_866 : i32 to index
      %parallel_loop3A_869 = arith.index_cast %parallel_loop3A_853 : i32 to index
      %parallel_loop3A_870 = tpu.vector_load %arg5[%parallel_loop3A_867, %parallel_loop3A_868, %parallel_loop3A_869] {strides = array<i32>} : memref<63x3x128xf32, #tpu.memory_space<vmem>>, vector<1x1x16xf32>,
      %parallel_loop3A_871 = vector.shape_cast %parallel_loop3A_870 : vector<1x1x16xf32> to vector<16xf32>
      %parallel_loop3A_872 = arith.constant 16 : i32
      %parallel_loop3A_873 = arith.muli %parallel_loop3A_846, %parallel_loop3A_872 : i32
      %parallel_loop3A_874 = arith.index_cast %parallel_loop3A_873 : i32 to index
      %parallel_loop3A_875 = tpu.vector_load %arg8[%parallel_loop3A_874] {strides = array<i32>} : memref<8064xi32, #tpu.memory_space<vmem>>, vector<16xi32>,
      %parallel_loop3A_876 = vector.shape_cast %parallel_loop3A_875 : vector<16xi32> to vector<16xi32>
      %parallel_loop3A_877 = arith.mulf %parallel_loop3A_859, %parallel_loop3A_859 : vector<16xf32>
      %parallel_loop3A_878 = arith.mulf %parallel_loop3A_865, %parallel_loop3A_865 : vector<16xf32>
      %parallel_loop3A_879 = arith.addf %parallel_loop3A_877, %parallel_loop3A_878 : vector<16xf32>
      %parallel_loop3A_880 = arith.mulf %parallel_loop3A_871, %parallel_loop3A_871 : vector<16xf32>
      %parallel_loop3A_881 = arith.addf %parallel_loop3A_879, %parallel_loop3A_880 : vector<16xf32>
      %parallel_loop3A_882 = arith.sitofp %parallel_loop3A_876 : vector<16xi32> to vector<16xf32>
      %parallel_loop3A_883 = arith.constant 1.600000e+01 : f32
      %parallel_loop3A_884 = vector.broadcast %parallel_loop3A_883 : f32 to vector<16xf32>
      %parallel_loop3A_885 = arith.mulf %parallel_loop3A_882, %parallel_loop3A_884 : vector<16xf32>
      %parallel_loop3A_886 = arith.addf %parallel_loop3A_881, %parallel_loop3A_885 : vector<16xf32>
      %parallel_loop3A_887 = arith.mulf %parallel_loop3A_886, %parallel_loop3A_886 : vector<16xf32>
      %parallel_loop3A_888 = arith.mulf %parallel_loop3A_887, %parallel_loop3A_886 : vector<16xf32>
      %parallel_loop3A_889 = arith.constant 1.000000e+00 : f32
      %parallel_loop3A_890 = vector.broadcast %parallel_loop3A_889 : f32 to vector<16xf32>
      %parallel_loop3A_891 = arith.divf %parallel_loop3A_890, %parallel_loop3A_888 : vector<16xf32>
      %parallel_loop3A_892 = arith.constant 0.00137174211 : f32
      %parallel_loop3A_893 = vector.broadcast %parallel_loop3A_892 : f32 to vector<16xf32>
      %parallel_loop3A_894 = arith.maximumf %parallel_loop3A_891, %parallel_loop3A_893 : vector<16xf32>
      %parallel_loop3A_895 = arith.constant 0.00137174211 : f32
      %parallel_loop3A_896 = vector.broadcast %parallel_loop3A_895 : f32 to vector<16xf32>
      %parallel_loop3A_897 = arith.subf %parallel_loop3A_894, %parallel_loop3A_896 : vector<16xf32>
      %parallel_loop3A_898 = arith.constant -0.998628258 : f32
      %parallel_loop3A_899 = vector.broadcast %parallel_loop3A_898 : f32 to vector<16xf32>
      %parallel_loop3A_900 = arith.addf %parallel_loop3A_894, %parallel_loop3A_899 : vector<16xf32>
      %parallel_loop3A_901 = arith.mulf %parallel_loop3A_897, %parallel_loop3A_900 : vector<16xf32>
      %parallel_loop3A_902 = arith.addf %parallel_loop3A_847, %parallel_loop3A_901 : vector<16xf32>
      scf.yield %parallel_loop3A_902 : vector<16xf32>
    } {sc.loop_unroll_factor = 8 : i64, sc.parallel_access}
    %add3A_282 = arith.constant 189 : i32
    %add3A_283 = arith.addi %add3A_6, %add3A_282 : i32
    %dma_start3A_284 = arith.constant 0 : i32
    %dma_start3A_285 = arith.constant 0 : i32
    %dma_start3A_286 = tpu.memref_slice %arg3[%add3A_283, %dma_start3A_284, %dma_start3A_285] : memref<62500x3x128xf32, #tpu.memory_space<hbm>> -> memref<63x3x128xf32, #tpu.memory_space<hbm>>
    %dma_start3A_287 = arith.constant 0 : i32
    %dma_start3A_288 = arith.constant 0 : i32
    %dma_start3A_289 = tpu.memref_slice %arg3[%add3A_283, %dma_start3A_287, %dma_start3A_288] : memref<62500x3x128xf32, #tpu.memory_space<hbm>> -> memref<63x3x128xf32, #tpu.memory_space<hbm>>
    tpu.enqueue_dma source(%dma_start3A_289 : memref<63x3x128xf32, #tpu.memory_space<hbm>>) target(%arg5 : memref<63x3x128xf32, #tpu.memory_space<vmem>>) target_semaphore(%arg14 : memref<!tpu.dma_semaphore, #tpu.memory_space<semaphore_mem>>)
    %mul3A_290 = arith.constant 128 : i32
    %mul3A_291 = arith.muli %add3A_283, %mul3A_290 : i32
    %dma_start3A_292 = tpu.memref_slice %arg2[%mul3A_291] : memref<8000000xi32, #tpu.memory_space<hbm>> -> memref<8064xi32, #tpu.memory_space<hbm>>
    %dma_start3A_293 = tpu.memref_slice %arg2[%mul3A_291] : memref<8000000xi32, #tpu.memory_space<hbm>> -> memref<8064xi32, #tpu.memory_space<hbm>>
    tpu.enqueue_dma source(%dma_start3A_293 : memref<8064xi32, #tpu.memory_space<hbm>>) target(%arg8 : memref<8064xi32, #tpu.memory_space<vmem>>) target_semaphore(%arg17 : memref<!tpu.dma_semaphore, #tpu.memory_space<semaphore_mem>>)
    %dma_wait3A_294 = arith.constant 0 : i32
    %dma_wait3A_295 = arith.constant 0 : i32
    %dma_wait3A_296 = tpu.memref_slice %arg3[%add3A_246, %dma_wait3A_294, %dma_wait3A_295] : memref<62500x3x128xf32, #tpu.memory_space<hbm>> -> memref<63x3x128xf32, #tpu.memory_space<hbm>>
    %dma_wait3A_297 = arith.constant 0 : i32
    %dma_wait3A_298 = arith.constant 0 : i32
    %dma_wait3A_299 = tpu.memref_slice %arg3[%add3A_246, %dma_wait3A_297, %dma_wait3A_298] : memref<62500x3x128xf32, #tpu.memory_space<hbm>> -> memref<63x3x128xf32, #tpu.memory_space<hbm>>
    tpu.wait_dma2 semaphore(%arg15 : memref<!tpu.dma_semaphore, #tpu.memory_space<semaphore_mem>>) src(%dma_wait3A_299 : memref<63x3x128xf32, #tpu.memory_space<hbm>>) dst(%arg6 : memref<63x3x128xf32, #tpu.memory_space<vmem>>)
    %dma_wait3A_300 = tpu.memref_slice %arg2[%mul3A_254] : memref<8000000xi32, #tpu.memory_space<hbm>> -> memref<8064xi32, #tpu.memory_space<hbm>>
    %dma_wait3A_301 = tpu.memref_slice %arg2[%mul3A_254] : memref<8000000xi32, #tpu.memory_space<hbm>> -> memref<8064xi32, #tpu.memory_space<hbm>>
    tpu.wait_dma2 semaphore(%arg18 : memref<!tpu.dma_semaphore, #tpu.memory_space<semaphore_mem>>) src(%dma_wait3A_301 : memref<8064xi32, #tpu.memory_space<hbm>>) dst(%arg9 : memref<8064xi32, #tpu.memory_space<vmem>>)
    %parallel_loop3A_302 = arith.constant 0 : i32
    %parallel_loop3A_303 = arith.constant 504 : i32
    %parallel_loop3A_304 = arith.constant 1 : i32
    %parallel_loop3A_305 = scf.for %parallel_loop3A_846 = %parallel_loop3A_302 to %parallel_loop3A_303 step %parallel_loop3A_304 iter_args(%parallel_loop3A_847 = %parallel_loop3A_281) -> (vector<16xf32>)  : i32 {
      %parallel_loop3A_848 = arith.constant 3 : i32
      %parallel_loop3A_849 = arith.shrsi %parallel_loop3A_846, %parallel_loop3A_848 : i32
      %parallel_loop3A_850 = arith.constant 7 : i32
      %parallel_loop3A_851 = arith.andi %parallel_loop3A_846, %parallel_loop3A_850 : i32
      %parallel_loop3A_852 = arith.constant 16 : i32
      %parallel_loop3A_853 = arith.muli %parallel_loop3A_851, %parallel_loop3A_852 : i32
      %parallel_loop3A_854 = arith.constant 0 : i32
      %parallel_loop3A_855 = arith.index_cast %parallel_loop3A_849 : i32 to index
      %parallel_loop3A_856 = arith.index_cast %parallel_loop3A_854 : i32 to index
      %parallel_loop3A_857 = arith.index_cast %parallel_loop3A_853 : i32 to index
      %parallel_loop3A_858 = tpu.vector_load %arg6[%parallel_loop3A_855, %parallel_loop3A_856, %parallel_loop3A_857] {strides = array<i32>} : memref<63x3x128xf32, #tpu.memory_space<vmem>>, vector<1x1x16xf32>,
      %parallel_loop3A_859 = vector.shape_cast %parallel_loop3A_858 : vector<1x1x16xf32> to vector<16xf32>
      %parallel_loop3A_860 = arith.constant 1 : i32
      %parallel_loop3A_861 = arith.index_cast %parallel_loop3A_849 : i32 to index
      %parallel_loop3A_862 = arith.index_cast %parallel_loop3A_860 : i32 to index
      %parallel_loop3A_863 = arith.index_cast %parallel_loop3A_853 : i32 to index
      %parallel_loop3A_864 = tpu.vector_load %arg6[%parallel_loop3A_861, %parallel_loop3A_862, %parallel_loop3A_863] {strides = array<i32>} : memref<63x3x128xf32, #tpu.memory_space<vmem>>, vector<1x1x16xf32>,
      %parallel_loop3A_865 = vector.shape_cast %parallel_loop3A_864 : vector<1x1x16xf32> to vector<16xf32>
      %parallel_loop3A_866 = arith.constant 2 : i32
      %parallel_loop3A_867 = arith.index_cast %parallel_loop3A_849 : i32 to index
      %parallel_loop3A_868 = arith.index_cast %parallel_loop3A_866 : i32 to index
      %parallel_loop3A_869 = arith.index_cast %parallel_loop3A_853 : i32 to index
      %parallel_loop3A_870 = tpu.vector_load %arg6[%parallel_loop3A_867, %parallel_loop3A_868, %parallel_loop3A_869] {strides = array<i32>} : memref<63x3x128xf32, #tpu.memory_space<vmem>>, vector<1x1x16xf32>,
      %parallel_loop3A_871 = vector.shape_cast %parallel_loop3A_870 : vector<1x1x16xf32> to vector<16xf32>
      %parallel_loop3A_872 = arith.constant 16 : i32
      %parallel_loop3A_873 = arith.muli %parallel_loop3A_846, %parallel_loop3A_872 : i32
      %parallel_loop3A_874 = arith.index_cast %parallel_loop3A_873 : i32 to index
      %parallel_loop3A_875 = tpu.vector_load %arg9[%parallel_loop3A_874] {strides = array<i32>} : memref<8064xi32, #tpu.memory_space<vmem>>, vector<16xi32>,
      %parallel_loop3A_876 = vector.shape_cast %parallel_loop3A_875 : vector<16xi32> to vector<16xi32>
      %parallel_loop3A_877 = arith.mulf %parallel_loop3A_859, %parallel_loop3A_859 : vector<16xf32>
      %parallel_loop3A_878 = arith.mulf %parallel_loop3A_865, %parallel_loop3A_865 : vector<16xf32>
      %parallel_loop3A_879 = arith.addf %parallel_loop3A_877, %parallel_loop3A_878 : vector<16xf32>
      %parallel_loop3A_880 = arith.mulf %parallel_loop3A_871, %parallel_loop3A_871 : vector<16xf32>
      %parallel_loop3A_881 = arith.addf %parallel_loop3A_879, %parallel_loop3A_880 : vector<16xf32>
      %parallel_loop3A_882 = arith.sitofp %parallel_loop3A_876 : vector<16xi32> to vector<16xf32>
      %parallel_loop3A_883 = arith.constant 1.600000e+01 : f32
      %parallel_loop3A_884 = vector.broadcast %parallel_loop3A_883 : f32 to vector<16xf32>
      %parallel_loop3A_885 = arith.mulf %parallel_loop3A_882, %parallel_loop3A_884 : vector<16xf32>
      %parallel_loop3A_886 = arith.addf %parallel_loop3A_881, %parallel_loop3A_885 : vector<16xf32>
      %parallel_loop3A_887 = arith.mulf %parallel_loop3A_886, %parallel_loop3A_886 : vector<16xf32>
      %parallel_loop3A_888 = arith.mulf %parallel_loop3A_887, %parallel_loop3A_886 : vector<16xf32>
      %parallel_loop3A_889 = arith.constant 1.000000e+00 : f32
      %parallel_loop3A_890 = vector.broadcast %parallel_loop3A_889 : f32 to vector<16xf32>
      %parallel_loop3A_891 = arith.divf %parallel_loop3A_890, %parallel_loop3A_888 : vector<16xf32>
      %parallel_loop3A_892 = arith.constant 0.00137174211 : f32
      %parallel_loop3A_893 = vector.broadcast %parallel_loop3A_892 : f32 to vector<16xf32>
      %parallel_loop3A_894 = arith.maximumf %parallel_loop3A_891, %parallel_loop3A_893 : vector<16xf32>
      %parallel_loop3A_895 = arith.constant 0.00137174211 : f32
      %parallel_loop3A_896 = vector.broadcast %parallel_loop3A_895 : f32 to vector<16xf32>
      %parallel_loop3A_897 = arith.subf %parallel_loop3A_894, %parallel_loop3A_896 : vector<16xf32>
      %parallel_loop3A_898 = arith.constant -0.998628258 : f32
      %parallel_loop3A_899 = vector.broadcast %parallel_loop3A_898 : f32 to vector<16xf32>
      %parallel_loop3A_900 = arith.addf %parallel_loop3A_894, %parallel_loop3A_899 : vector<16xf32>
      %parallel_loop3A_901 = arith.mulf %parallel_loop3A_897, %parallel_loop3A_900 : vector<16xf32>
      %parallel_loop3A_902 = arith.addf %parallel_loop3A_847, %parallel_loop3A_901 : vector<16xf32>
      scf.yield %parallel_loop3A_902 : vector<16xf32>
    } {sc.loop_unroll_factor = 8 : i64, sc.parallel_access}
    %add3A_306 = arith.constant 252 : i32
    %add3A_307 = arith.addi %add3A_6, %add3A_306 : i32
    %dma_start3A_308 = arith.constant 0 : i32
    %dma_start3A_309 = arith.constant 0 : i32
    %dma_start3A_310 = tpu.memref_slice %arg3[%add3A_307, %dma_start3A_308, %dma_start3A_309] : memref<62500x3x128xf32, #tpu.memory_space<hbm>> -> memref<63x3x128xf32, #tpu.memory_space<hbm>>
    %dma_start3A_311 = arith.constant 0 : i32
    %dma_start3A_312 = arith.constant 0 : i32
    %dma_start3A_313 = tpu.memref_slice %arg3[%add3A_307, %dma_start3A_311, %dma_start3A_312] : memref<62500x3x128xf32, #tpu.memory_space<hbm>> -> memref<63x3x128xf32, #tpu.memory_space<hbm>>
    tpu.enqueue_dma source(%dma_start3A_313 : memref<63x3x128xf32, #tpu.memory_space<hbm>>) target(%arg6 : memref<63x3x128xf32, #tpu.memory_space<vmem>>) target_semaphore(%arg15 : memref<!tpu.dma_semaphore, #tpu.memory_space<semaphore_mem>>)
    %mul3A_314 = arith.constant 128 : i32
    %mul3A_315 = arith.muli %add3A_307, %mul3A_314 : i32
    %dma_start3A_316 = tpu.memref_slice %arg2[%mul3A_315] : memref<8000000xi32, #tpu.memory_space<hbm>> -> memref<8064xi32, #tpu.memory_space<hbm>>
    %dma_start3A_317 = tpu.memref_slice %arg2[%mul3A_315] : memref<8000000xi32, #tpu.memory_space<hbm>> -> memref<8064xi32, #tpu.memory_space<hbm>>
    tpu.enqueue_dma source(%dma_start3A_317 : memref<8064xi32, #tpu.memory_space<hbm>>) target(%arg9 : memref<8064xi32, #tpu.memory_space<vmem>>) target_semaphore(%arg18 : memref<!tpu.dma_semaphore, #tpu.memory_space<semaphore_mem>>)
    %dma_wait3A_318 = arith.constant 0 : i32
    %dma_wait3A_319 = arith.constant 0 : i32
    %dma_wait3A_320 = tpu.memref_slice %arg3[%add3A_261, %dma_wait3A_318, %dma_wait3A_319] : memref<62500x3x128xf32, #tpu.memory_space<hbm>> -> memref<63x3x128xf32, #tpu.memory_space<hbm>>
    %dma_wait3A_321 = arith.constant 0 : i32
    %dma_wait3A_322 = arith.constant 0 : i32
    %dma_wait3A_323 = tpu.memref_slice %arg3[%add3A_261, %dma_wait3A_321, %dma_wait3A_322] : memref<62500x3x128xf32, #tpu.memory_space<hbm>> -> memref<63x3x128xf32, #tpu.memory_space<hbm>>
    tpu.wait_dma2 semaphore(%arg16 : memref<!tpu.dma_semaphore, #tpu.memory_space<semaphore_mem>>) src(%dma_wait3A_323 : memref<63x3x128xf32, #tpu.memory_space<hbm>>) dst(%arg7 : memref<63x3x128xf32, #tpu.memory_space<vmem>>)
    %dma_wait3A_324 = tpu.memref_slice %arg2[%mul3A_269] : memref<8000000xi32, #tpu.memory_space<hbm>> -> memref<8064xi32, #tpu.memory_space<hbm>>
    %dma_wait3A_325 = tpu.memref_slice %arg2[%mul3A_269] : memref<8000000xi32, #tpu.memory_space<hbm>> -> memref<8064xi32, #tpu.memory_space<hbm>>
    tpu.wait_dma2 semaphore(%arg19 : memref<!tpu.dma_semaphore, #tpu.memory_space<semaphore_mem>>) src(%dma_wait3A_325 : memref<8064xi32, #tpu.memory_space<hbm>>) dst(%arg10 : memref<8064xi32, #tpu.memory_space<vmem>>)
    %parallel_loop3A_326 = arith.constant 0 : i32
    %parallel_loop3A_327 = arith.constant 504 : i32
    %parallel_loop3A_328 = arith.constant 1 : i32
    %parallel_loop3A_329 = scf.for %parallel_loop3A_846 = %parallel_loop3A_326 to %parallel_loop3A_327 step %parallel_loop3A_328 iter_args(%parallel_loop3A_847 = %parallel_loop3A_305) -> (vector<16xf32>)  : i32 {
      %parallel_loop3A_848 = arith.constant 3 : i32
      %parallel_loop3A_849 = arith.shrsi %parallel_loop3A_846, %parallel_loop3A_848 : i32
      %parallel_loop3A_850 = arith.constant 7 : i32
      %parallel_loop3A_851 = arith.andi %parallel_loop3A_846, %parallel_loop3A_850 : i32
      %parallel_loop3A_852 = arith.constant 16 : i32
      %parallel_loop3A_853 = arith.muli %parallel_loop3A_851, %parallel_loop3A_852 : i32
      %parallel_loop3A_854 = arith.constant 0 : i32
      %parallel_loop3A_855 = arith.index_cast %parallel_loop3A_849 : i32 to index
      %parallel_loop3A_856 = arith.index_cast %parallel_loop3A_854 : i32 to index
      %parallel_loop3A_857 = arith.index_cast %parallel_loop3A_853 : i32 to index
      %parallel_loop3A_858 = tpu.vector_load %arg7[%parallel_loop3A_855, %parallel_loop3A_856, %parallel_loop3A_857] {strides = array<i32>} : memref<63x3x128xf32, #tpu.memory_space<vmem>>, vector<1x1x16xf32>,
      %parallel_loop3A_859 = vector.shape_cast %parallel_loop3A_858 : vector<1x1x16xf32> to vector<16xf32>
      %parallel_loop3A_860 = arith.constant 1 : i32
      %parallel_loop3A_861 = arith.index_cast %parallel_loop3A_849 : i32 to index
      %parallel_loop3A_862 = arith.index_cast %parallel_loop3A_860 : i32 to index
      %parallel_loop3A_863 = arith.index_cast %parallel_loop3A_853 : i32 to index
      %parallel_loop3A_864 = tpu.vector_load %arg7[%parallel_loop3A_861, %parallel_loop3A_862, %parallel_loop3A_863] {strides = array<i32>} : memref<63x3x128xf32, #tpu.memory_space<vmem>>, vector<1x1x16xf32>,
      %parallel_loop3A_865 = vector.shape_cast %parallel_loop3A_864 : vector<1x1x16xf32> to vector<16xf32>
      %parallel_loop3A_866 = arith.constant 2 : i32
      %parallel_loop3A_867 = arith.index_cast %parallel_loop3A_849 : i32 to index
      %parallel_loop3A_868 = arith.index_cast %parallel_loop3A_866 : i32 to index
      %parallel_loop3A_869 = arith.index_cast %parallel_loop3A_853 : i32 to index
      %parallel_loop3A_870 = tpu.vector_load %arg7[%parallel_loop3A_867, %parallel_loop3A_868, %parallel_loop3A_869] {strides = array<i32>} : memref<63x3x128xf32, #tpu.memory_space<vmem>>, vector<1x1x16xf32>,
      %parallel_loop3A_871 = vector.shape_cast %parallel_loop3A_870 : vector<1x1x16xf32> to vector<16xf32>
      %parallel_loop3A_872 = arith.constant 16 : i32
      %parallel_loop3A_873 = arith.muli %parallel_loop3A_846, %parallel_loop3A_872 : i32
      %parallel_loop3A_874 = arith.index_cast %parallel_loop3A_873 : i32 to index
      %parallel_loop3A_875 = tpu.vector_load %arg10[%parallel_loop3A_874] {strides = array<i32>} : memref<8064xi32, #tpu.memory_space<vmem>>, vector<16xi32>,
      %parallel_loop3A_876 = vector.shape_cast %parallel_loop3A_875 : vector<16xi32> to vector<16xi32>
      %parallel_loop3A_877 = arith.mulf %parallel_loop3A_859, %parallel_loop3A_859 : vector<16xf32>
      %parallel_loop3A_878 = arith.mulf %parallel_loop3A_865, %parallel_loop3A_865 : vector<16xf32>
      %parallel_loop3A_879 = arith.addf %parallel_loop3A_877, %parallel_loop3A_878 : vector<16xf32>
      %parallel_loop3A_880 = arith.mulf %parallel_loop3A_871, %parallel_loop3A_871 : vector<16xf32>
      %parallel_loop3A_881 = arith.addf %parallel_loop3A_879, %parallel_loop3A_880 : vector<16xf32>
      %parallel_loop3A_882 = arith.sitofp %parallel_loop3A_876 : vector<16xi32> to vector<16xf32>
      %parallel_loop3A_883 = arith.constant 1.600000e+01 : f32
      %parallel_loop3A_884 = vector.broadcast %parallel_loop3A_883 : f32 to vector<16xf32>
      %parallel_loop3A_885 = arith.mulf %parallel_loop3A_882, %parallel_loop3A_884 : vector<16xf32>
      %parallel_loop3A_886 = arith.addf %parallel_loop3A_881, %parallel_loop3A_885 : vector<16xf32>
      %parallel_loop3A_887 = arith.mulf %parallel_loop3A_886, %parallel_loop3A_886 : vector<16xf32>
      %parallel_loop3A_888 = arith.mulf %parallel_loop3A_887, %parallel_loop3A_886 : vector<16xf32>
      %parallel_loop3A_889 = arith.constant 1.000000e+00 : f32
      %parallel_loop3A_890 = vector.broadcast %parallel_loop3A_889 : f32 to vector<16xf32>
      %parallel_loop3A_891 = arith.divf %parallel_loop3A_890, %parallel_loop3A_888 : vector<16xf32>
      %parallel_loop3A_892 = arith.constant 0.00137174211 : f32
      %parallel_loop3A_893 = vector.broadcast %parallel_loop3A_892 : f32 to vector<16xf32>
      %parallel_loop3A_894 = arith.maximumf %parallel_loop3A_891, %parallel_loop3A_893 : vector<16xf32>
      %parallel_loop3A_895 = arith.constant 0.00137174211 : f32
      %parallel_loop3A_896 = vector.broadcast %parallel_loop3A_895 : f32 to vector<16xf32>
      %parallel_loop3A_897 = arith.subf %parallel_loop3A_894, %parallel_loop3A_896 : vector<16xf32>
      %parallel_loop3A_898 = arith.constant -0.998628258 : f32
      %parallel_loop3A_899 = vector.broadcast %parallel_loop3A_898 : f32 to vector<16xf32>
      %parallel_loop3A_900 = arith.addf %parallel_loop3A_894, %parallel_loop3A_899 : vector<16xf32>
      %parallel_loop3A_901 = arith.mulf %parallel_loop3A_897, %parallel_loop3A_900 : vector<16xf32>
      %parallel_loop3A_902 = arith.addf %parallel_loop3A_847, %parallel_loop3A_901 : vector<16xf32>
      scf.yield %parallel_loop3A_902 : vector<16xf32>
    } {sc.loop_unroll_factor = 8 : i64, sc.parallel_access}
    %add3A_330 = arith.constant 315 : i32
    %add3A_331 = arith.addi %add3A_6, %add3A_330 : i32
    %dma_start3A_332 = arith.constant 0 : i32
    %dma_start3A_333 = arith.constant 0 : i32
    %dma_start3A_334 = tpu.memref_slice %arg3[%add3A_331, %dma_start3A_332, %dma_start3A_333] : memref<62500x3x128xf32, #tpu.memory_space<hbm>> -> memref<63x3x128xf32, #tpu.memory_space<hbm>>
    %dma_start3A_335 = arith.constant 0 : i32
    %dma_start3A_336 = arith.constant 0 : i32
    %dma_start3A_337 = tpu.memref_slice %arg3[%add3A_331, %dma_start3A_335, %dma_start3A_336] : memref<62500x3x128xf32, #tpu.memory_space<hbm>> -> memref<63x3x128xf32, #tpu.memory_space<hbm>>
    tpu.enqueue_dma source(%dma_start3A_337 : memref<63x3x128xf32, #tpu.memory_space<hbm>>) target(%arg7 : memref<63x3x128xf32, #tpu.memory_space<vmem>>) target_semaphore(%arg16 : memref<!tpu.dma_semaphore, #tpu.memory_space<semaphore_mem>>)
    %mul3A_338 = arith.constant 128 : i32
    %mul3A_339 = arith.muli %add3A_331, %mul3A_338 : i32
    %dma_start3A_340 = tpu.memref_slice %arg2[%mul3A_339] : memref<8000000xi32, #tpu.memory_space<hbm>> -> memref<8064xi32, #tpu.memory_space<hbm>>
    %dma_start3A_341 = tpu.memref_slice %arg2[%mul3A_339] : memref<8000000xi32, #tpu.memory_space<hbm>> -> memref<8064xi32, #tpu.memory_space<hbm>>
    tpu.enqueue_dma source(%dma_start3A_341 : memref<8064xi32, #tpu.memory_space<hbm>>) target(%arg10 : memref<8064xi32, #tpu.memory_space<vmem>>) target_semaphore(%arg19 : memref<!tpu.dma_semaphore, #tpu.memory_space<semaphore_mem>>)
    %dma_wait3A_342 = arith.constant 0 : i32
    %dma_wait3A_343 = arith.constant 0 : i32
    %dma_wait3A_344 = tpu.memref_slice %arg3[%add3A_283, %dma_wait3A_342, %dma_wait3A_343] : memref<62500x3x128xf32, #tpu.memory_space<hbm>> -> memref<63x3x128xf32, #tpu.memory_space<hbm>>
    %dma_wait3A_345 = arith.constant 0 : i32
    %dma_wait3A_346 = arith.constant 0 : i32
    %dma_wait3A_347 = tpu.memref_slice %arg3[%add3A_283, %dma_wait3A_345, %dma_wait3A_346] : memref<62500x3x128xf32, #tpu.memory_space<hbm>> -> memref<63x3x128xf32, #tpu.memory_space<hbm>>
    tpu.wait_dma2 semaphore(%arg14 : memref<!tpu.dma_semaphore, #tpu.memory_space<semaphore_mem>>) src(%dma_wait3A_347 : memref<63x3x128xf32, #tpu.memory_space<hbm>>) dst(%arg5 : memref<63x3x128xf32, #tpu.memory_space<vmem>>)
    %dma_wait3A_348 = tpu.memref_slice %arg2[%mul3A_291] : memref<8000000xi32, #tpu.memory_space<hbm>> -> memref<8064xi32, #tpu.memory_space<hbm>>
    %dma_wait3A_349 = tpu.memref_slice %arg2[%mul3A_291] : memref<8000000xi32, #tpu.memory_space<hbm>> -> memref<8064xi32, #tpu.memory_space<hbm>>
    tpu.wait_dma2 semaphore(%arg17 : memref<!tpu.dma_semaphore, #tpu.memory_space<semaphore_mem>>) src(%dma_wait3A_349 : memref<8064xi32, #tpu.memory_space<hbm>>) dst(%arg8 : memref<8064xi32, #tpu.memory_space<vmem>>)
    %parallel_loop3A_350 = arith.constant 0 : i32
    %parallel_loop3A_351 = arith.constant 504 : i32
    %parallel_loop3A_352 = arith.constant 1 : i32
    %parallel_loop3A_353 = scf.for %parallel_loop3A_846 = %parallel_loop3A_350 to %parallel_loop3A_351 step %parallel_loop3A_352 iter_args(%parallel_loop3A_847 = %parallel_loop3A_329) -> (vector<16xf32>)  : i32 {
      %parallel_loop3A_848 = arith.constant 3 : i32
      %parallel_loop3A_849 = arith.shrsi %parallel_loop3A_846, %parallel_loop3A_848 : i32
      %parallel_loop3A_850 = arith.constant 7 : i32
      %parallel_loop3A_851 = arith.andi %parallel_loop3A_846, %parallel_loop3A_850 : i32
      %parallel_loop3A_852 = arith.constant 16 : i32
      %parallel_loop3A_853 = arith.muli %parallel_loop3A_851, %parallel_loop3A_852 : i32
      %parallel_loop3A_854 = arith.constant 0 : i32
      %parallel_loop3A_855 = arith.index_cast %parallel_loop3A_849 : i32 to index
      %parallel_loop3A_856 = arith.index_cast %parallel_loop3A_854 : i32 to index
      %parallel_loop3A_857 = arith.index_cast %parallel_loop3A_853 : i32 to index
      %parallel_loop3A_858 = tpu.vector_load %arg5[%parallel_loop3A_855, %parallel_loop3A_856, %parallel_loop3A_857] {strides = array<i32>} : memref<63x3x128xf32, #tpu.memory_space<vmem>>, vector<1x1x16xf32>,
      %parallel_loop3A_859 = vector.shape_cast %parallel_loop3A_858 : vector<1x1x16xf32> to vector<16xf32>
      %parallel_loop3A_860 = arith.constant 1 : i32
      %parallel_loop3A_861 = arith.index_cast %parallel_loop3A_849 : i32 to index
      %parallel_loop3A_862 = arith.index_cast %parallel_loop3A_860 : i32 to index
      %parallel_loop3A_863 = arith.index_cast %parallel_loop3A_853 : i32 to index
      %parallel_loop3A_864 = tpu.vector_load %arg5[%parallel_loop3A_861, %parallel_loop3A_862, %parallel_loop3A_863] {strides = array<i32>} : memref<63x3x128xf32, #tpu.memory_space<vmem>>, vector<1x1x16xf32>,
      %parallel_loop3A_865 = vector.shape_cast %parallel_loop3A_864 : vector<1x1x16xf32> to vector<16xf32>
      %parallel_loop3A_866 = arith.constant 2 : i32
      %parallel_loop3A_867 = arith.index_cast %parallel_loop3A_849 : i32 to index
      %parallel_loop3A_868 = arith.index_cast %parallel_loop3A_866 : i32 to index
      %parallel_loop3A_869 = arith.index_cast %parallel_loop3A_853 : i32 to index
      %parallel_loop3A_870 = tpu.vector_load %arg5[%parallel_loop3A_867, %parallel_loop3A_868, %parallel_loop3A_869] {strides = array<i32>} : memref<63x3x128xf32, #tpu.memory_space<vmem>>, vector<1x1x16xf32>,
      %parallel_loop3A_871 = vector.shape_cast %parallel_loop3A_870 : vector<1x1x16xf32> to vector<16xf32>
      %parallel_loop3A_872 = arith.constant 16 : i32
      %parallel_loop3A_873 = arith.muli %parallel_loop3A_846, %parallel_loop3A_872 : i32
      %parallel_loop3A_874 = arith.index_cast %parallel_loop3A_873 : i32 to index
      %parallel_loop3A_875 = tpu.vector_load %arg8[%parallel_loop3A_874] {strides = array<i32>} : memref<8064xi32, #tpu.memory_space<vmem>>, vector<16xi32>,
      %parallel_loop3A_876 = vector.shape_cast %parallel_loop3A_875 : vector<16xi32> to vector<16xi32>
      %parallel_loop3A_877 = arith.mulf %parallel_loop3A_859, %parallel_loop3A_859 : vector<16xf32>
      %parallel_loop3A_878 = arith.mulf %parallel_loop3A_865, %parallel_loop3A_865 : vector<16xf32>
      %parallel_loop3A_879 = arith.addf %parallel_loop3A_877, %parallel_loop3A_878 : vector<16xf32>
      %parallel_loop3A_880 = arith.mulf %parallel_loop3A_871, %parallel_loop3A_871 : vector<16xf32>
      %parallel_loop3A_881 = arith.addf %parallel_loop3A_879, %parallel_loop3A_880 : vector<16xf32>
      %parallel_loop3A_882 = arith.sitofp %parallel_loop3A_876 : vector<16xi32> to vector<16xf32>
      %parallel_loop3A_883 = arith.constant 1.600000e+01 : f32
      %parallel_loop3A_884 = vector.broadcast %parallel_loop3A_883 : f32 to vector<16xf32>
      %parallel_loop3A_885 = arith.mulf %parallel_loop3A_882, %parallel_loop3A_884 : vector<16xf32>
      %parallel_loop3A_886 = arith.addf %parallel_loop3A_881, %parallel_loop3A_885 : vector<16xf32>
      %parallel_loop3A_887 = arith.mulf %parallel_loop3A_886, %parallel_loop3A_886 : vector<16xf32>
      %parallel_loop3A_888 = arith.mulf %parallel_loop3A_887, %parallel_loop3A_886 : vector<16xf32>
      %parallel_loop3A_889 = arith.constant 1.000000e+00 : f32
      %parallel_loop3A_890 = vector.broadcast %parallel_loop3A_889 : f32 to vector<16xf32>
      %parallel_loop3A_891 = arith.divf %parallel_loop3A_890, %parallel_loop3A_888 : vector<16xf32>
      %parallel_loop3A_892 = arith.constant 0.00137174211 : f32
      %parallel_loop3A_893 = vector.broadcast %parallel_loop3A_892 : f32 to vector<16xf32>
      %parallel_loop3A_894 = arith.maximumf %parallel_loop3A_891, %parallel_loop3A_893 : vector<16xf32>
      %parallel_loop3A_895 = arith.constant 0.00137174211 : f32
      %parallel_loop3A_896 = vector.broadcast %parallel_loop3A_895 : f32 to vector<16xf32>
      %parallel_loop3A_897 = arith.subf %parallel_loop3A_894, %parallel_loop3A_896 : vector<16xf32>
      %parallel_loop3A_898 = arith.constant -0.998628258 : f32
      %parallel_loop3A_899 = vector.broadcast %parallel_loop3A_898 : f32 to vector<16xf32>
      %parallel_loop3A_900 = arith.addf %parallel_loop3A_894, %parallel_loop3A_899 : vector<16xf32>
      %parallel_loop3A_901 = arith.mulf %parallel_loop3A_897, %parallel_loop3A_900 : vector<16xf32>
      %parallel_loop3A_902 = arith.addf %parallel_loop3A_847, %parallel_loop3A_901 : vector<16xf32>
      scf.yield %parallel_loop3A_902 : vector<16xf32>
    } {sc.loop_unroll_factor = 8 : i64, sc.parallel_access}
    %add3A_354 = arith.constant 378 : i32
    %add3A_355 = arith.addi %add3A_6, %add3A_354 : i32
    %dma_start3A_356 = arith.constant 0 : i32
    %dma_start3A_357 = arith.constant 0 : i32
    %dma_start3A_358 = tpu.memref_slice %arg3[%add3A_355, %dma_start3A_356, %dma_start3A_357] : memref<62500x3x128xf32, #tpu.memory_space<hbm>> -> memref<63x3x128xf32, #tpu.memory_space<hbm>>
    %dma_start3A_359 = arith.constant 0 : i32
    %dma_start3A_360 = arith.constant 0 : i32
    %dma_start3A_361 = tpu.memref_slice %arg3[%add3A_355, %dma_start3A_359, %dma_start3A_360] : memref<62500x3x128xf32, #tpu.memory_space<hbm>> -> memref<63x3x128xf32, #tpu.memory_space<hbm>>
    tpu.enqueue_dma source(%dma_start3A_361 : memref<63x3x128xf32, #tpu.memory_space<hbm>>) target(%arg5 : memref<63x3x128xf32, #tpu.memory_space<vmem>>) target_semaphore(%arg14 : memref<!tpu.dma_semaphore, #tpu.memory_space<semaphore_mem>>)
    %mul3A_362 = arith.constant 128 : i32
    %mul3A_363 = arith.muli %add3A_355, %mul3A_362 : i32
    %dma_start3A_364 = tpu.memref_slice %arg2[%mul3A_363] : memref<8000000xi32, #tpu.memory_space<hbm>> -> memref<8064xi32, #tpu.memory_space<hbm>>
    %dma_start3A_365 = tpu.memref_slice %arg2[%mul3A_363] : memref<8000000xi32, #tpu.memory_space<hbm>> -> memref<8064xi32, #tpu.memory_space<hbm>>
    tpu.enqueue_dma source(%dma_start3A_365 : memref<8064xi32, #tpu.memory_space<hbm>>) target(%arg8 : memref<8064xi32, #tpu.memory_space<vmem>>) target_semaphore(%arg17 : memref<!tpu.dma_semaphore, #tpu.memory_space<semaphore_mem>>)
    %dma_wait3A_366 = arith.constant 0 : i32
    %dma_wait3A_367 = arith.constant 0 : i32
    %dma_wait3A_368 = tpu.memref_slice %arg3[%add3A_307, %dma_wait3A_366, %dma_wait3A_367] : memref<62500x3x128xf32, #tpu.memory_space<hbm>> -> memref<63x3x128xf32, #tpu.memory_space<hbm>>
    %dma_wait3A_369 = arith.constant 0 : i32
    %dma_wait3A_370 = arith.constant 0 : i32
    %dma_wait3A_371 = tpu.memref_slice %arg3[%add3A_307, %dma_wait3A_369, %dma_wait3A_370] : memref<62500x3x128xf32, #tpu.memory_space<hbm>> -> memref<63x3x128xf32, #tpu.memory_space<hbm>>
    tpu.wait_dma2 semaphore(%arg15 : memref<!tpu.dma_semaphore, #tpu.memory_space<semaphore_mem>>) src(%dma_wait3A_371 : memref<63x3x128xf32, #tpu.memory_space<hbm>>) dst(%arg6 : memref<63x3x128xf32, #tpu.memory_space<vmem>>)
    %dma_wait3A_372 = tpu.memref_slice %arg2[%mul3A_315] : memref<8000000xi32, #tpu.memory_space<hbm>> -> memref<8064xi32, #tpu.memory_space<hbm>>
    %dma_wait3A_373 = tpu.memref_slice %arg2[%mul3A_315] : memref<8000000xi32, #tpu.memory_space<hbm>> -> memref<8064xi32, #tpu.memory_space<hbm>>
    tpu.wait_dma2 semaphore(%arg18 : memref<!tpu.dma_semaphore, #tpu.memory_space<semaphore_mem>>) src(%dma_wait3A_373 : memref<8064xi32, #tpu.memory_space<hbm>>) dst(%arg9 : memref<8064xi32, #tpu.memory_space<vmem>>)
    %parallel_loop3A_374 = arith.constant 0 : i32
    %parallel_loop3A_375 = arith.constant 504 : i32
    %parallel_loop3A_376 = arith.constant 1 : i32
    %parallel_loop3A_377 = scf.for %parallel_loop3A_846 = %parallel_loop3A_374 to %parallel_loop3A_375 step %parallel_loop3A_376 iter_args(%parallel_loop3A_847 = %parallel_loop3A_353) -> (vector<16xf32>)  : i32 {
      %parallel_loop3A_848 = arith.constant 3 : i32
      %parallel_loop3A_849 = arith.shrsi %parallel_loop3A_846, %parallel_loop3A_848 : i32
      %parallel_loop3A_850 = arith.constant 7 : i32
      %parallel_loop3A_851 = arith.andi %parallel_loop3A_846, %parallel_loop3A_850 : i32
      %parallel_loop3A_852 = arith.constant 16 : i32
      %parallel_loop3A_853 = arith.muli %parallel_loop3A_851, %parallel_loop3A_852 : i32
      %parallel_loop3A_854 = arith.constant 0 : i32
      %parallel_loop3A_855 = arith.index_cast %parallel_loop3A_849 : i32 to index
      %parallel_loop3A_856 = arith.index_cast %parallel_loop3A_854 : i32 to index
      %parallel_loop3A_857 = arith.index_cast %parallel_loop3A_853 : i32 to index
      %parallel_loop3A_858 = tpu.vector_load %arg6[%parallel_loop3A_855, %parallel_loop3A_856, %parallel_loop3A_857] {strides = array<i32>} : memref<63x3x128xf32, #tpu.memory_space<vmem>>, vector<1x1x16xf32>,
      %parallel_loop3A_859 = vector.shape_cast %parallel_loop3A_858 : vector<1x1x16xf32> to vector<16xf32>
      %parallel_loop3A_860 = arith.constant 1 : i32
      %parallel_loop3A_861 = arith.index_cast %parallel_loop3A_849 : i32 to index
      %parallel_loop3A_862 = arith.index_cast %parallel_loop3A_860 : i32 to index
      %parallel_loop3A_863 = arith.index_cast %parallel_loop3A_853 : i32 to index
      %parallel_loop3A_864 = tpu.vector_load %arg6[%parallel_loop3A_861, %parallel_loop3A_862, %parallel_loop3A_863] {strides = array<i32>} : memref<63x3x128xf32, #tpu.memory_space<vmem>>, vector<1x1x16xf32>,
      %parallel_loop3A_865 = vector.shape_cast %parallel_loop3A_864 : vector<1x1x16xf32> to vector<16xf32>
      %parallel_loop3A_866 = arith.constant 2 : i32
      %parallel_loop3A_867 = arith.index_cast %parallel_loop3A_849 : i32 to index
      %parallel_loop3A_868 = arith.index_cast %parallel_loop3A_866 : i32 to index
      %parallel_loop3A_869 = arith.index_cast %parallel_loop3A_853 : i32 to index
      %parallel_loop3A_870 = tpu.vector_load %arg6[%parallel_loop3A_867, %parallel_loop3A_868, %parallel_loop3A_869] {strides = array<i32>} : memref<63x3x128xf32, #tpu.memory_space<vmem>>, vector<1x1x16xf32>,
      %parallel_loop3A_871 = vector.shape_cast %parallel_loop3A_870 : vector<1x1x16xf32> to vector<16xf32>
      %parallel_loop3A_872 = arith.constant 16 : i32
      %parallel_loop3A_873 = arith.muli %parallel_loop3A_846, %parallel_loop3A_872 : i32
      %parallel_loop3A_874 = arith.index_cast %parallel_loop3A_873 : i32 to index
      %parallel_loop3A_875 = tpu.vector_load %arg9[%parallel_loop3A_874] {strides = array<i32>} : memref<8064xi32, #tpu.memory_space<vmem>>, vector<16xi32>,
      %parallel_loop3A_876 = vector.shape_cast %parallel_loop3A_875 : vector<16xi32> to vector<16xi32>
      %parallel_loop3A_877 = arith.mulf %parallel_loop3A_859, %parallel_loop3A_859 : vector<16xf32>
      %parallel_loop3A_878 = arith.mulf %parallel_loop3A_865, %parallel_loop3A_865 : vector<16xf32>
      %parallel_loop3A_879 = arith.addf %parallel_loop3A_877, %parallel_loop3A_878 : vector<16xf32>
      %parallel_loop3A_880 = arith.mulf %parallel_loop3A_871, %parallel_loop3A_871 : vector<16xf32>
      %parallel_loop3A_881 = arith.addf %parallel_loop3A_879, %parallel_loop3A_880 : vector<16xf32>
      %parallel_loop3A_882 = arith.sitofp %parallel_loop3A_876 : vector<16xi32> to vector<16xf32>
      %parallel_loop3A_883 = arith.constant 1.600000e+01 : f32
      %parallel_loop3A_884 = vector.broadcast %parallel_loop3A_883 : f32 to vector<16xf32>
      %parallel_loop3A_885 = arith.mulf %parallel_loop3A_882, %parallel_loop3A_884 : vector<16xf32>
      %parallel_loop3A_886 = arith.addf %parallel_loop3A_881, %parallel_loop3A_885 : vector<16xf32>
      %parallel_loop3A_887 = arith.mulf %parallel_loop3A_886, %parallel_loop3A_886 : vector<16xf32>
      %parallel_loop3A_888 = arith.mulf %parallel_loop3A_887, %parallel_loop3A_886 : vector<16xf32>
      %parallel_loop3A_889 = arith.constant 1.000000e+00 : f32
      %parallel_loop3A_890 = vector.broadcast %parallel_loop3A_889 : f32 to vector<16xf32>
      %parallel_loop3A_891 = arith.divf %parallel_loop3A_890, %parallel_loop3A_888 : vector<16xf32>
      %parallel_loop3A_892 = arith.constant 0.00137174211 : f32
      %parallel_loop3A_893 = vector.broadcast %parallel_loop3A_892 : f32 to vector<16xf32>
      %parallel_loop3A_894 = arith.maximumf %parallel_loop3A_891, %parallel_loop3A_893 : vector<16xf32>
      %parallel_loop3A_895 = arith.constant 0.00137174211 : f32
      %parallel_loop3A_896 = vector.broadcast %parallel_loop3A_895 : f32 to vector<16xf32>
      %parallel_loop3A_897 = arith.subf %parallel_loop3A_894, %parallel_loop3A_896 : vector<16xf32>
      %parallel_loop3A_898 = arith.constant -0.998628258 : f32
      %parallel_loop3A_899 = vector.broadcast %parallel_loop3A_898 : f32 to vector<16xf32>
      %parallel_loop3A_900 = arith.addf %parallel_loop3A_894, %parallel_loop3A_899 : vector<16xf32>
      %parallel_loop3A_901 = arith.mulf %parallel_loop3A_897, %parallel_loop3A_900 : vector<16xf32>
      %parallel_loop3A_902 = arith.addf %parallel_loop3A_847, %parallel_loop3A_901 : vector<16xf32>
      scf.yield %parallel_loop3A_902 : vector<16xf32>
    } {sc.loop_unroll_factor = 8 : i64, sc.parallel_access}
    %add3A_378 = arith.constant 441 : i32
    %add3A_379 = arith.addi %add3A_6, %add3A_378 : i32
    %dma_start3A_380 = arith.constant 0 : i32
    %dma_start3A_381 = arith.constant 0 : i32
    %dma_start3A_382 = tpu.memref_slice %arg3[%add3A_379, %dma_start3A_380, %dma_start3A_381] : memref<62500x3x128xf32, #tpu.memory_space<hbm>> -> memref<63x3x128xf32, #tpu.memory_space<hbm>>
    %dma_start3A_383 = arith.constant 0 : i32
    %dma_start3A_384 = arith.constant 0 : i32
    %dma_start3A_385 = tpu.memref_slice %arg3[%add3A_379, %dma_start3A_383, %dma_start3A_384] : memref<62500x3x128xf32, #tpu.memory_space<hbm>> -> memref<63x3x128xf32, #tpu.memory_space<hbm>>
    tpu.enqueue_dma source(%dma_start3A_385 : memref<63x3x128xf32, #tpu.memory_space<hbm>>) target(%arg6 : memref<63x3x128xf32, #tpu.memory_space<vmem>>) target_semaphore(%arg15 : memref<!tpu.dma_semaphore, #tpu.memory_space<semaphore_mem>>)
    %mul3A_386 = arith.constant 128 : i32
    %mul3A_387 = arith.muli %add3A_379, %mul3A_386 : i32
    %dma_start3A_388 = tpu.memref_slice %arg2[%mul3A_387] : memref<8000000xi32, #tpu.memory_space<hbm>> -> memref<8064xi32, #tpu.memory_space<hbm>>
    %dma_start3A_389 = tpu.memref_slice %arg2[%mul3A_387] : memref<8000000xi32, #tpu.memory_space<hbm>> -> memref<8064xi32, #tpu.memory_space<hbm>>
    tpu.enqueue_dma source(%dma_start3A_389 : memref<8064xi32, #tpu.memory_space<hbm>>) target(%arg9 : memref<8064xi32, #tpu.memory_space<vmem>>) target_semaphore(%arg18 : memref<!tpu.dma_semaphore, #tpu.memory_space<semaphore_mem>>)
    %dma_wait3A_390 = arith.constant 0 : i32
    %dma_wait3A_391 = arith.constant 0 : i32
    %dma_wait3A_392 = tpu.memref_slice %arg3[%add3A_331, %dma_wait3A_390, %dma_wait3A_391] : memref<62500x3x128xf32, #tpu.memory_space<hbm>> -> memref<63x3x128xf32, #tpu.memory_space<hbm>>
    %dma_wait3A_393 = arith.constant 0 : i32
    %dma_wait3A_394 = arith.constant 0 : i32
    %dma_wait3A_395 = tpu.memref_slice %arg3[%add3A_331, %dma_wait3A_393, %dma_wait3A_394] : memref<62500x3x128xf32, #tpu.memory_space<hbm>> -> memref<63x3x128xf32, #tpu.memory_space<hbm>>
    tpu.wait_dma2 semaphore(%arg16 : memref<!tpu.dma_semaphore, #tpu.memory_space<semaphore_mem>>) src(%dma_wait3A_395 : memref<63x3x128xf32, #tpu.memory_space<hbm>>) dst(%arg7 : memref<63x3x128xf32, #tpu.memory_space<vmem>>)
    %dma_wait3A_396 = tpu.memref_slice %arg2[%mul3A_339] : memref<8000000xi32, #tpu.memory_space<hbm>> -> memref<8064xi32, #tpu.memory_space<hbm>>
    %dma_wait3A_397 = tpu.memref_slice %arg2[%mul3A_339] : memref<8000000xi32, #tpu.memory_space<hbm>> -> memref<8064xi32, #tpu.memory_space<hbm>>
    tpu.wait_dma2 semaphore(%arg19 : memref<!tpu.dma_semaphore, #tpu.memory_space<semaphore_mem>>) src(%dma_wait3A_397 : memref<8064xi32, #tpu.memory_space<hbm>>) dst(%arg10 : memref<8064xi32, #tpu.memory_space<vmem>>)
    %parallel_loop3A_398 = arith.constant 0 : i32
    %parallel_loop3A_399 = arith.constant 504 : i32
    %parallel_loop3A_400 = arith.constant 1 : i32
    %parallel_loop3A_401 = scf.for %parallel_loop3A_846 = %parallel_loop3A_398 to %parallel_loop3A_399 step %parallel_loop3A_400 iter_args(%parallel_loop3A_847 = %parallel_loop3A_377) -> (vector<16xf32>)  : i32 {
      %parallel_loop3A_848 = arith.constant 3 : i32
      %parallel_loop3A_849 = arith.shrsi %parallel_loop3A_846, %parallel_loop3A_848 : i32
      %parallel_loop3A_850 = arith.constant 7 : i32
      %parallel_loop3A_851 = arith.andi %parallel_loop3A_846, %parallel_loop3A_850 : i32
      %parallel_loop3A_852 = arith.constant 16 : i32
      %parallel_loop3A_853 = arith.muli %parallel_loop3A_851, %parallel_loop3A_852 : i32
      %parallel_loop3A_854 = arith.constant 0 : i32
      %parallel_loop3A_855 = arith.index_cast %parallel_loop3A_849 : i32 to index
      %parallel_loop3A_856 = arith.index_cast %parallel_loop3A_854 : i32 to index
      %parallel_loop3A_857 = arith.index_cast %parallel_loop3A_853 : i32 to index
      %parallel_loop3A_858 = tpu.vector_load %arg7[%parallel_loop3A_855, %parallel_loop3A_856, %parallel_loop3A_857] {strides = array<i32>} : memref<63x3x128xf32, #tpu.memory_space<vmem>>, vector<1x1x16xf32>,
      %parallel_loop3A_859 = vector.shape_cast %parallel_loop3A_858 : vector<1x1x16xf32> to vector<16xf32>
      %parallel_loop3A_860 = arith.constant 1 : i32
      %parallel_loop3A_861 = arith.index_cast %parallel_loop3A_849 : i32 to index
      %parallel_loop3A_862 = arith.index_cast %parallel_loop3A_860 : i32 to index
      %parallel_loop3A_863 = arith.index_cast %parallel_loop3A_853 : i32 to index
      %parallel_loop3A_864 = tpu.vector_load %arg7[%parallel_loop3A_861, %parallel_loop3A_862, %parallel_loop3A_863] {strides = array<i32>} : memref<63x3x128xf32, #tpu.memory_space<vmem>>, vector<1x1x16xf32>,
      %parallel_loop3A_865 = vector.shape_cast %parallel_loop3A_864 : vector<1x1x16xf32> to vector<16xf32>
      %parallel_loop3A_866 = arith.constant 2 : i32
      %parallel_loop3A_867 = arith.index_cast %parallel_loop3A_849 : i32 to index
      %parallel_loop3A_868 = arith.index_cast %parallel_loop3A_866 : i32 to index
      %parallel_loop3A_869 = arith.index_cast %parallel_loop3A_853 : i32 to index
      %parallel_loop3A_870 = tpu.vector_load %arg7[%parallel_loop3A_867, %parallel_loop3A_868, %parallel_loop3A_869] {strides = array<i32>} : memref<63x3x128xf32, #tpu.memory_space<vmem>>, vector<1x1x16xf32>,
      %parallel_loop3A_871 = vector.shape_cast %parallel_loop3A_870 : vector<1x1x16xf32> to vector<16xf32>
      %parallel_loop3A_872 = arith.constant 16 : i32
      %parallel_loop3A_873 = arith.muli %parallel_loop3A_846, %parallel_loop3A_872 : i32
      %parallel_loop3A_874 = arith.index_cast %parallel_loop3A_873 : i32 to index
      %parallel_loop3A_875 = tpu.vector_load %arg10[%parallel_loop3A_874] {strides = array<i32>} : memref<8064xi32, #tpu.memory_space<vmem>>, vector<16xi32>,
      %parallel_loop3A_876 = vector.shape_cast %parallel_loop3A_875 : vector<16xi32> to vector<16xi32>
      %parallel_loop3A_877 = arith.mulf %parallel_loop3A_859, %parallel_loop3A_859 : vector<16xf32>
      %parallel_loop3A_878 = arith.mulf %parallel_loop3A_865, %parallel_loop3A_865 : vector<16xf32>
      %parallel_loop3A_879 = arith.addf %parallel_loop3A_877, %parallel_loop3A_878 : vector<16xf32>
      %parallel_loop3A_880 = arith.mulf %parallel_loop3A_871, %parallel_loop3A_871 : vector<16xf32>
      %parallel_loop3A_881 = arith.addf %parallel_loop3A_879, %parallel_loop3A_880 : vector<16xf32>
      %parallel_loop3A_882 = arith.sitofp %parallel_loop3A_876 : vector<16xi32> to vector<16xf32>
      %parallel_loop3A_883 = arith.constant 1.600000e+01 : f32
      %parallel_loop3A_884 = vector.broadcast %parallel_loop3A_883 : f32 to vector<16xf32>
      %parallel_loop3A_885 = arith.mulf %parallel_loop3A_882, %parallel_loop3A_884 : vector<16xf32>
      %parallel_loop3A_886 = arith.addf %parallel_loop3A_881, %parallel_loop3A_885 : vector<16xf32>
      %parallel_loop3A_887 = arith.mulf %parallel_loop3A_886, %parallel_loop3A_886 : vector<16xf32>
      %parallel_loop3A_888 = arith.mulf %parallel_loop3A_887, %parallel_loop3A_886 : vector<16xf32>
      %parallel_loop3A_889 = arith.constant 1.000000e+00 : f32
      %parallel_loop3A_890 = vector.broadcast %parallel_loop3A_889 : f32 to vector<16xf32>
      %parallel_loop3A_891 = arith.divf %parallel_loop3A_890, %parallel_loop3A_888 : vector<16xf32>
      %parallel_loop3A_892 = arith.constant 0.00137174211 : f32
      %parallel_loop3A_893 = vector.broadcast %parallel_loop3A_892 : f32 to vector<16xf32>
      %parallel_loop3A_894 = arith.maximumf %parallel_loop3A_891, %parallel_loop3A_893 : vector<16xf32>
      %parallel_loop3A_895 = arith.constant 0.00137174211 : f32
      %parallel_loop3A_896 = vector.broadcast %parallel_loop3A_895 : f32 to vector<16xf32>
      %parallel_loop3A_897 = arith.subf %parallel_loop3A_894, %parallel_loop3A_896 : vector<16xf32>
      %parallel_loop3A_898 = arith.constant -0.998628258 : f32
      %parallel_loop3A_899 = vector.broadcast %parallel_loop3A_898 : f32 to vector<16xf32>
      %parallel_loop3A_900 = arith.addf %parallel_loop3A_894, %parallel_loop3A_899 : vector<16xf32>
      %parallel_loop3A_901 = arith.mulf %parallel_loop3A_897, %parallel_loop3A_900 : vector<16xf32>
      %parallel_loop3A_902 = arith.addf %parallel_loop3A_847, %parallel_loop3A_901 : vector<16xf32>
      scf.yield %parallel_loop3A_902 : vector<16xf32>
    } {sc.loop_unroll_factor = 8 : i64, sc.parallel_access}
    %add3A_402 = arith.constant 504 : i32
    %add3A_403 = arith.addi %add3A_6, %add3A_402 : i32
    %dma_start3A_404 = arith.constant 0 : i32
    %dma_start3A_405 = arith.constant 0 : i32
    %dma_start3A_406 = tpu.memref_slice %arg3[%add3A_403, %dma_start3A_404, %dma_start3A_405] : memref<62500x3x128xf32, #tpu.memory_space<hbm>> -> memref<63x3x128xf32, #tpu.memory_space<hbm>>
    %dma_start3A_407 = arith.constant 0 : i32
    %dma_start3A_408 = arith.constant 0 : i32
    %dma_start3A_409 = tpu.memref_slice %arg3[%add3A_403, %dma_start3A_407, %dma_start3A_408] : memref<62500x3x128xf32, #tpu.memory_space<hbm>> -> memref<63x3x128xf32, #tpu.memory_space<hbm>>
    tpu.enqueue_dma source(%dma_start3A_409 : memref<63x3x128xf32, #tpu.memory_space<hbm>>) target(%arg7 : memref<63x3x128xf32, #tpu.memory_space<vmem>>) target_semaphore(%arg16 : memref<!tpu.dma_semaphore, #tpu.memory_space<semaphore_mem>>)
    %mul3A_410 = arith.constant 128 : i32
    %mul3A_411 = arith.muli %add3A_403, %mul3A_410 : i32
    %dma_start3A_412 = tpu.memref_slice %arg2[%mul3A_411] : memref<8000000xi32, #tpu.memory_space<hbm>> -> memref<8064xi32, #tpu.memory_space<hbm>>
    %dma_start3A_413 = tpu.memref_slice %arg2[%mul3A_411] : memref<8000000xi32, #tpu.memory_space<hbm>> -> memref<8064xi32, #tpu.memory_space<hbm>>
    tpu.enqueue_dma source(%dma_start3A_413 : memref<8064xi32, #tpu.memory_space<hbm>>) target(%arg10 : memref<8064xi32, #tpu.memory_space<vmem>>) target_semaphore(%arg19 : memref<!tpu.dma_semaphore, #tpu.memory_space<semaphore_mem>>)
    %dma_wait3A_414 = arith.constant 0 : i32
    %dma_wait3A_415 = arith.constant 0 : i32
    %dma_wait3A_416 = tpu.memref_slice %arg3[%add3A_355, %dma_wait3A_414, %dma_wait3A_415] : memref<62500x3x128xf32, #tpu.memory_space<hbm>> -> memref<63x3x128xf32, #tpu.memory_space<hbm>>
    %dma_wait3A_417 = arith.constant 0 : i32
    %dma_wait3A_418 = arith.constant 0 : i32
    %dma_wait3A_419 = tpu.memref_slice %arg3[%add3A_355, %dma_wait3A_417, %dma_wait3A_418] : memref<62500x3x128xf32, #tpu.memory_space<hbm>> -> memref<63x3x128xf32, #tpu.memory_space<hbm>>
    tpu.wait_dma2 semaphore(%arg14 : memref<!tpu.dma_semaphore, #tpu.memory_space<semaphore_mem>>) src(%dma_wait3A_419 : memref<63x3x128xf32, #tpu.memory_space<hbm>>) dst(%arg5 : memref<63x3x128xf32, #tpu.memory_space<vmem>>)
    %dma_wait3A_420 = tpu.memref_slice %arg2[%mul3A_363] : memref<8000000xi32, #tpu.memory_space<hbm>> -> memref<8064xi32, #tpu.memory_space<hbm>>
    %dma_wait3A_421 = tpu.memref_slice %arg2[%mul3A_363] : memref<8000000xi32, #tpu.memory_space<hbm>> -> memref<8064xi32, #tpu.memory_space<hbm>>
    tpu.wait_dma2 semaphore(%arg17 : memref<!tpu.dma_semaphore, #tpu.memory_space<semaphore_mem>>) src(%dma_wait3A_421 : memref<8064xi32, #tpu.memory_space<hbm>>) dst(%arg8 : memref<8064xi32, #tpu.memory_space<vmem>>)
    %parallel_loop3A_422 = arith.constant 0 : i32
    %parallel_loop3A_423 = arith.constant 504 : i32
    %parallel_loop3A_424 = arith.constant 1 : i32
    %parallel_loop3A_425 = scf.for %parallel_loop3A_846 = %parallel_loop3A_422 to %parallel_loop3A_423 step %parallel_loop3A_424 iter_args(%parallel_loop3A_847 = %parallel_loop3A_401) -> (vector<16xf32>)  : i32 {
      %parallel_loop3A_848 = arith.constant 3 : i32
      %parallel_loop3A_849 = arith.shrsi %parallel_loop3A_846, %parallel_loop3A_848 : i32
      %parallel_loop3A_850 = arith.constant 7 : i32
      %parallel_loop3A_851 = arith.andi %parallel_loop3A_846, %parallel_loop3A_850 : i32
      %parallel_loop3A_852 = arith.constant 16 : i32
      %parallel_loop3A_853 = arith.muli %parallel_loop3A_851, %parallel_loop3A_852 : i32
      %parallel_loop3A_854 = arith.constant 0 : i32
      %parallel_loop3A_855 = arith.index_cast %parallel_loop3A_849 : i32 to index
      %parallel_loop3A_856 = arith.index_cast %parallel_loop3A_854 : i32 to index
      %parallel_loop3A_857 = arith.index_cast %parallel_loop3A_853 : i32 to index
      %parallel_loop3A_858 = tpu.vector_load %arg5[%parallel_loop3A_855, %parallel_loop3A_856, %parallel_loop3A_857] {strides = array<i32>} : memref<63x3x128xf32, #tpu.memory_space<vmem>>, vector<1x1x16xf32>,
      %parallel_loop3A_859 = vector.shape_cast %parallel_loop3A_858 : vector<1x1x16xf32> to vector<16xf32>
      %parallel_loop3A_860 = arith.constant 1 : i32
      %parallel_loop3A_861 = arith.index_cast %parallel_loop3A_849 : i32 to index
      %parallel_loop3A_862 = arith.index_cast %parallel_loop3A_860 : i32 to index
      %parallel_loop3A_863 = arith.index_cast %parallel_loop3A_853 : i32 to index
      %parallel_loop3A_864 = tpu.vector_load %arg5[%parallel_loop3A_861, %parallel_loop3A_862, %parallel_loop3A_863] {strides = array<i32>} : memref<63x3x128xf32, #tpu.memory_space<vmem>>, vector<1x1x16xf32>,
      %parallel_loop3A_865 = vector.shape_cast %parallel_loop3A_864 : vector<1x1x16xf32> to vector<16xf32>
      %parallel_loop3A_866 = arith.constant 2 : i32
      %parallel_loop3A_867 = arith.index_cast %parallel_loop3A_849 : i32 to index
      %parallel_loop3A_868 = arith.index_cast %parallel_loop3A_866 : i32 to index
      %parallel_loop3A_869 = arith.index_cast %parallel_loop3A_853 : i32 to index
      %parallel_loop3A_870 = tpu.vector_load %arg5[%parallel_loop3A_867, %parallel_loop3A_868, %parallel_loop3A_869] {strides = array<i32>} : memref<63x3x128xf32, #tpu.memory_space<vmem>>, vector<1x1x16xf32>,
      %parallel_loop3A_871 = vector.shape_cast %parallel_loop3A_870 : vector<1x1x16xf32> to vector<16xf32>
      %parallel_loop3A_872 = arith.constant 16 : i32
      %parallel_loop3A_873 = arith.muli %parallel_loop3A_846, %parallel_loop3A_872 : i32
      %parallel_loop3A_874 = arith.index_cast %parallel_loop3A_873 : i32 to index
      %parallel_loop3A_875 = tpu.vector_load %arg8[%parallel_loop3A_874] {strides = array<i32>} : memref<8064xi32, #tpu.memory_space<vmem>>, vector<16xi32>,
      %parallel_loop3A_876 = vector.shape_cast %parallel_loop3A_875 : vector<16xi32> to vector<16xi32>
      %parallel_loop3A_877 = arith.mulf %parallel_loop3A_859, %parallel_loop3A_859 : vector<16xf32>
      %parallel_loop3A_878 = arith.mulf %parallel_loop3A_865, %parallel_loop3A_865 : vector<16xf32>
      %parallel_loop3A_879 = arith.addf %parallel_loop3A_877, %parallel_loop3A_878 : vector<16xf32>
      %parallel_loop3A_880 = arith.mulf %parallel_loop3A_871, %parallel_loop3A_871 : vector<16xf32>
      %parallel_loop3A_881 = arith.addf %parallel_loop3A_879, %parallel_loop3A_880 : vector<16xf32>
      %parallel_loop3A_882 = arith.sitofp %parallel_loop3A_876 : vector<16xi32> to vector<16xf32>
      %parallel_loop3A_883 = arith.constant 1.600000e+01 : f32
      %parallel_loop3A_884 = vector.broadcast %parallel_loop3A_883 : f32 to vector<16xf32>
      %parallel_loop3A_885 = arith.mulf %parallel_loop3A_882, %parallel_loop3A_884 : vector<16xf32>
      %parallel_loop3A_886 = arith.addf %parallel_loop3A_881, %parallel_loop3A_885 : vector<16xf32>
      %parallel_loop3A_887 = arith.mulf %parallel_loop3A_886, %parallel_loop3A_886 : vector<16xf32>
      %parallel_loop3A_888 = arith.mulf %parallel_loop3A_887, %parallel_loop3A_886 : vector<16xf32>
      %parallel_loop3A_889 = arith.constant 1.000000e+00 : f32
      %parallel_loop3A_890 = vector.broadcast %parallel_loop3A_889 : f32 to vector<16xf32>
      %parallel_loop3A_891 = arith.divf %parallel_loop3A_890, %parallel_loop3A_888 : vector<16xf32>
      %parallel_loop3A_892 = arith.constant 0.00137174211 : f32
      %parallel_loop3A_893 = vector.broadcast %parallel_loop3A_892 : f32 to vector<16xf32>
      %parallel_loop3A_894 = arith.maximumf %parallel_loop3A_891, %parallel_loop3A_893 : vector<16xf32>
      %parallel_loop3A_895 = arith.constant 0.00137174211 : f32
      %parallel_loop3A_896 = vector.broadcast %parallel_loop3A_895 : f32 to vector<16xf32>
      %parallel_loop3A_897 = arith.subf %parallel_loop3A_894, %parallel_loop3A_896 : vector<16xf32>
      %parallel_loop3A_898 = arith.constant -0.998628258 : f32
      %parallel_loop3A_899 = vector.broadcast %parallel_loop3A_898 : f32 to vector<16xf32>
      %parallel_loop3A_900 = arith.addf %parallel_loop3A_894, %parallel_loop3A_899 : vector<16xf32>
      %parallel_loop3A_901 = arith.mulf %parallel_loop3A_897, %parallel_loop3A_900 : vector<16xf32>
      %parallel_loop3A_902 = arith.addf %parallel_loop3A_847, %parallel_loop3A_901 : vector<16xf32>
      scf.yield %parallel_loop3A_902 : vector<16xf32>
    } {sc.loop_unroll_factor = 8 : i64, sc.parallel_access}
    %add3A_426 = arith.constant 567 : i32
    %add3A_427 = arith.addi %add3A_6, %add3A_426 : i32
    %dma_start3A_428 = arith.constant 0 : i32
    %dma_start3A_429 = arith.constant 0 : i32
    %dma_start3A_430 = tpu.memref_slice %arg3[%add3A_427, %dma_start3A_428, %dma_start3A_429] : memref<62500x3x128xf32, #tpu.memory_space<hbm>> -> memref<63x3x128xf32, #tpu.memory_space<hbm>>
    %dma_start3A_431 = arith.constant 0 : i32
    %dma_start3A_432 = arith.constant 0 : i32
    %dma_start3A_433 = tpu.memref_slice %arg3[%add3A_427, %dma_start3A_431, %dma_start3A_432] : memref<62500x3x128xf32, #tpu.memory_space<hbm>> -> memref<63x3x128xf32, #tpu.memory_space<hbm>>
    tpu.enqueue_dma source(%dma_start3A_433 : memref<63x3x128xf32, #tpu.memory_space<hbm>>) target(%arg5 : memref<63x3x128xf32, #tpu.memory_space<vmem>>) target_semaphore(%arg14 : memref<!tpu.dma_semaphore, #tpu.memory_space<semaphore_mem>>)
    %mul3A_434 = arith.constant 128 : i32
    %mul3A_435 = arith.muli %add3A_427, %mul3A_434 : i32
    %dma_start3A_436 = tpu.memref_slice %arg2[%mul3A_435] : memref<8000000xi32, #tpu.memory_space<hbm>> -> memref<8064xi32, #tpu.memory_space<hbm>>
    %dma_start3A_437 = tpu.memref_slice %arg2[%mul3A_435] : memref<8000000xi32, #tpu.memory_space<hbm>> -> memref<8064xi32, #tpu.memory_space<hbm>>
    tpu.enqueue_dma source(%dma_start3A_437 : memref<8064xi32, #tpu.memory_space<hbm>>) target(%arg8 : memref<8064xi32, #tpu.memory_space<vmem>>) target_semaphore(%arg17 : memref<!tpu.dma_semaphore, #tpu.memory_space<semaphore_mem>>)
    %dma_wait3A_438 = arith.constant 0 : i32
    %dma_wait3A_439 = arith.constant 0 : i32
    %dma_wait3A_440 = tpu.memref_slice %arg3[%add3A_379, %dma_wait3A_438, %dma_wait3A_439] : memref<62500x3x128xf32, #tpu.memory_space<hbm>> -> memref<63x3x128xf32, #tpu.memory_space<hbm>>
    %dma_wait3A_441 = arith.constant 0 : i32
    %dma_wait3A_442 = arith.constant 0 : i32
    %dma_wait3A_443 = tpu.memref_slice %arg3[%add3A_379, %dma_wait3A_441, %dma_wait3A_442] : memref<62500x3x128xf32, #tpu.memory_space<hbm>> -> memref<63x3x128xf32, #tpu.memory_space<hbm>>
    tpu.wait_dma2 semaphore(%arg15 : memref<!tpu.dma_semaphore, #tpu.memory_space<semaphore_mem>>) src(%dma_wait3A_443 : memref<63x3x128xf32, #tpu.memory_space<hbm>>) dst(%arg6 : memref<63x3x128xf32, #tpu.memory_space<vmem>>)
    %dma_wait3A_444 = tpu.memref_slice %arg2[%mul3A_387] : memref<8000000xi32, #tpu.memory_space<hbm>> -> memref<8064xi32, #tpu.memory_space<hbm>>
    %dma_wait3A_445 = tpu.memref_slice %arg2[%mul3A_387] : memref<8000000xi32, #tpu.memory_space<hbm>> -> memref<8064xi32, #tpu.memory_space<hbm>>
    tpu.wait_dma2 semaphore(%arg18 : memref<!tpu.dma_semaphore, #tpu.memory_space<semaphore_mem>>) src(%dma_wait3A_445 : memref<8064xi32, #tpu.memory_space<hbm>>) dst(%arg9 : memref<8064xi32, #tpu.memory_space<vmem>>)
    %parallel_loop3A_446 = arith.constant 0 : i32
    %parallel_loop3A_447 = arith.constant 504 : i32
    %parallel_loop3A_448 = arith.constant 1 : i32
    %parallel_loop3A_449 = scf.for %parallel_loop3A_846 = %parallel_loop3A_446 to %parallel_loop3A_447 step %parallel_loop3A_448 iter_args(%parallel_loop3A_847 = %parallel_loop3A_425) -> (vector<16xf32>)  : i32 {
      %parallel_loop3A_848 = arith.constant 3 : i32
      %parallel_loop3A_849 = arith.shrsi %parallel_loop3A_846, %parallel_loop3A_848 : i32
      %parallel_loop3A_850 = arith.constant 7 : i32
      %parallel_loop3A_851 = arith.andi %parallel_loop3A_846, %parallel_loop3A_850 : i32
      %parallel_loop3A_852 = arith.constant 16 : i32
      %parallel_loop3A_853 = arith.muli %parallel_loop3A_851, %parallel_loop3A_852 : i32
      %parallel_loop3A_854 = arith.constant 0 : i32
      %parallel_loop3A_855 = arith.index_cast %parallel_loop3A_849 : i32 to index
      %parallel_loop3A_856 = arith.index_cast %parallel_loop3A_854 : i32 to index
      %parallel_loop3A_857 = arith.index_cast %parallel_loop3A_853 : i32 to index
      %parallel_loop3A_858 = tpu.vector_load %arg6[%parallel_loop3A_855, %parallel_loop3A_856, %parallel_loop3A_857] {strides = array<i32>} : memref<63x3x128xf32, #tpu.memory_space<vmem>>, vector<1x1x16xf32>,
      %parallel_loop3A_859 = vector.shape_cast %parallel_loop3A_858 : vector<1x1x16xf32> to vector<16xf32>
      %parallel_loop3A_860 = arith.constant 1 : i32
      %parallel_loop3A_861 = arith.index_cast %parallel_loop3A_849 : i32 to index
      %parallel_loop3A_862 = arith.index_cast %parallel_loop3A_860 : i32 to index
      %parallel_loop3A_863 = arith.index_cast %parallel_loop3A_853 : i32 to index
      %parallel_loop3A_864 = tpu.vector_load %arg6[%parallel_loop3A_861, %parallel_loop3A_862, %parallel_loop3A_863] {strides = array<i32>} : memref<63x3x128xf32, #tpu.memory_space<vmem>>, vector<1x1x16xf32>,
      %parallel_loop3A_865 = vector.shape_cast %parallel_loop3A_864 : vector<1x1x16xf32> to vector<16xf32>
      %parallel_loop3A_866 = arith.constant 2 : i32
      %parallel_loop3A_867 = arith.index_cast %parallel_loop3A_849 : i32 to index
      %parallel_loop3A_868 = arith.index_cast %parallel_loop3A_866 : i32 to index
      %parallel_loop3A_869 = arith.index_cast %parallel_loop3A_853 : i32 to index
      %parallel_loop3A_870 = tpu.vector_load %arg6[%parallel_loop3A_867, %parallel_loop3A_868, %parallel_loop3A_869] {strides = array<i32>} : memref<63x3x128xf32, #tpu.memory_space<vmem>>, vector<1x1x16xf32>,
      %parallel_loop3A_871 = vector.shape_cast %parallel_loop3A_870 : vector<1x1x16xf32> to vector<16xf32>
      %parallel_loop3A_872 = arith.constant 16 : i32
      %parallel_loop3A_873 = arith.muli %parallel_loop3A_846, %parallel_loop3A_872 : i32
      %parallel_loop3A_874 = arith.index_cast %parallel_loop3A_873 : i32 to index
      %parallel_loop3A_875 = tpu.vector_load %arg9[%parallel_loop3A_874] {strides = array<i32>} : memref<8064xi32, #tpu.memory_space<vmem>>, vector<16xi32>,
      %parallel_loop3A_876 = vector.shape_cast %parallel_loop3A_875 : vector<16xi32> to vector<16xi32>
      %parallel_loop3A_877 = arith.mulf %parallel_loop3A_859, %parallel_loop3A_859 : vector<16xf32>
      %parallel_loop3A_878 = arith.mulf %parallel_loop3A_865, %parallel_loop3A_865 : vector<16xf32>
      %parallel_loop3A_879 = arith.addf %parallel_loop3A_877, %parallel_loop3A_878 : vector<16xf32>
      %parallel_loop3A_880 = arith.mulf %parallel_loop3A_871, %parallel_loop3A_871 : vector<16xf32>
      %parallel_loop3A_881 = arith.addf %parallel_loop3A_879, %parallel_loop3A_880 : vector<16xf32>
      %parallel_loop3A_882 = arith.sitofp %parallel_loop3A_876 : vector<16xi32> to vector<16xf32>
      %parallel_loop3A_883 = arith.constant 1.600000e+01 : f32
      %parallel_loop3A_884 = vector.broadcast %parallel_loop3A_883 : f32 to vector<16xf32>
      %parallel_loop3A_885 = arith.mulf %parallel_loop3A_882, %parallel_loop3A_884 : vector<16xf32>
      %parallel_loop3A_886 = arith.addf %parallel_loop3A_881, %parallel_loop3A_885 : vector<16xf32>
      %parallel_loop3A_887 = arith.mulf %parallel_loop3A_886, %parallel_loop3A_886 : vector<16xf32>
      %parallel_loop3A_888 = arith.mulf %parallel_loop3A_887, %parallel_loop3A_886 : vector<16xf32>
      %parallel_loop3A_889 = arith.constant 1.000000e+00 : f32
      %parallel_loop3A_890 = vector.broadcast %parallel_loop3A_889 : f32 to vector<16xf32>
      %parallel_loop3A_891 = arith.divf %parallel_loop3A_890, %parallel_loop3A_888 : vector<16xf32>
      %parallel_loop3A_892 = arith.constant 0.00137174211 : f32
      %parallel_loop3A_893 = vector.broadcast %parallel_loop3A_892 : f32 to vector<16xf32>
      %parallel_loop3A_894 = arith.maximumf %parallel_loop3A_891, %parallel_loop3A_893 : vector<16xf32>
      %parallel_loop3A_895 = arith.constant 0.00137174211 : f32
      %parallel_loop3A_896 = vector.broadcast %parallel_loop3A_895 : f32 to vector<16xf32>
      %parallel_loop3A_897 = arith.subf %parallel_loop3A_894, %parallel_loop3A_896 : vector<16xf32>
      %parallel_loop3A_898 = arith.constant -0.998628258 : f32
      %parallel_loop3A_899 = vector.broadcast %parallel_loop3A_898 : f32 to vector<16xf32>
      %parallel_loop3A_900 = arith.addf %parallel_loop3A_894, %parallel_loop3A_899 : vector<16xf32>
      %parallel_loop3A_901 = arith.mulf %parallel_loop3A_897, %parallel_loop3A_900 : vector<16xf32>
      %parallel_loop3A_902 = arith.addf %parallel_loop3A_847, %parallel_loop3A_901 : vector<16xf32>
      scf.yield %parallel_loop3A_902 : vector<16xf32>
    } {sc.loop_unroll_factor = 8 : i64, sc.parallel_access}
    %add3A_450 = arith.constant 630 : i32
    %add3A_451 = arith.addi %add3A_6, %add3A_450 : i32
    %dma_start3A_452 = arith.constant 0 : i32
    %dma_start3A_453 = arith.constant 0 : i32
    %dma_start3A_454 = tpu.memref_slice %arg3[%add3A_451, %dma_start3A_452, %dma_start3A_453] : memref<62500x3x128xf32, #tpu.memory_space<hbm>> -> memref<63x3x128xf32, #tpu.memory_space<hbm>>
    %dma_start3A_455 = arith.constant 0 : i32
    %dma_start3A_456 = arith.constant 0 : i32
    %dma_start3A_457 = tpu.memref_slice %arg3[%add3A_451, %dma_start3A_455, %dma_start3A_456] : memref<62500x3x128xf32, #tpu.memory_space<hbm>> -> memref<63x3x128xf32, #tpu.memory_space<hbm>>
    tpu.enqueue_dma source(%dma_start3A_457 : memref<63x3x128xf32, #tpu.memory_space<hbm>>) target(%arg6 : memref<63x3x128xf32, #tpu.memory_space<vmem>>) target_semaphore(%arg15 : memref<!tpu.dma_semaphore, #tpu.memory_space<semaphore_mem>>)
    %mul3A_458 = arith.constant 128 : i32
    %mul3A_459 = arith.muli %add3A_451, %mul3A_458 : i32
    %dma_start3A_460 = tpu.memref_slice %arg2[%mul3A_459] : memref<8000000xi32, #tpu.memory_space<hbm>> -> memref<8064xi32, #tpu.memory_space<hbm>>
    %dma_start3A_461 = tpu.memref_slice %arg2[%mul3A_459] : memref<8000000xi32, #tpu.memory_space<hbm>> -> memref<8064xi32, #tpu.memory_space<hbm>>
    tpu.enqueue_dma source(%dma_start3A_461 : memref<8064xi32, #tpu.memory_space<hbm>>) target(%arg9 : memref<8064xi32, #tpu.memory_space<vmem>>) target_semaphore(%arg18 : memref<!tpu.dma_semaphore, #tpu.memory_space<semaphore_mem>>)
    %dma_wait3A_462 = arith.constant 0 : i32
    %dma_wait3A_463 = arith.constant 0 : i32
    %dma_wait3A_464 = tpu.memref_slice %arg3[%add3A_403, %dma_wait3A_462, %dma_wait3A_463] : memref<62500x3x128xf32, #tpu.memory_space<hbm>> -> memref<63x3x128xf32, #tpu.memory_space<hbm>>
    %dma_wait3A_465 = arith.constant 0 : i32
    %dma_wait3A_466 = arith.constant 0 : i32
    %dma_wait3A_467 = tpu.memref_slice %arg3[%add3A_403, %dma_wait3A_465, %dma_wait3A_466] : memref<62500x3x128xf32, #tpu.memory_space<hbm>> -> memref<63x3x128xf32, #tpu.memory_space<hbm>>
    tpu.wait_dma2 semaphore(%arg16 : memref<!tpu.dma_semaphore, #tpu.memory_space<semaphore_mem>>) src(%dma_wait3A_467 : memref<63x3x128xf32, #tpu.memory_space<hbm>>) dst(%arg7 : memref<63x3x128xf32, #tpu.memory_space<vmem>>)
    %dma_wait3A_468 = tpu.memref_slice %arg2[%mul3A_411] : memref<8000000xi32, #tpu.memory_space<hbm>> -> memref<8064xi32, #tpu.memory_space<hbm>>
    %dma_wait3A_469 = tpu.memref_slice %arg2[%mul3A_411] : memref<8000000xi32, #tpu.memory_space<hbm>> -> memref<8064xi32, #tpu.memory_space<hbm>>
    tpu.wait_dma2 semaphore(%arg19 : memref<!tpu.dma_semaphore, #tpu.memory_space<semaphore_mem>>) src(%dma_wait3A_469 : memref<8064xi32, #tpu.memory_space<hbm>>) dst(%arg10 : memref<8064xi32, #tpu.memory_space<vmem>>)
    %parallel_loop3A_470 = arith.constant 0 : i32
    %parallel_loop3A_471 = arith.constant 504 : i32
    %parallel_loop3A_472 = arith.constant 1 : i32
    %parallel_loop3A_473 = scf.for %parallel_loop3A_846 = %parallel_loop3A_470 to %parallel_loop3A_471 step %parallel_loop3A_472 iter_args(%parallel_loop3A_847 = %parallel_loop3A_449) -> (vector<16xf32>)  : i32 {
      %parallel_loop3A_848 = arith.constant 3 : i32
      %parallel_loop3A_849 = arith.shrsi %parallel_loop3A_846, %parallel_loop3A_848 : i32
      %parallel_loop3A_850 = arith.constant 7 : i32
      %parallel_loop3A_851 = arith.andi %parallel_loop3A_846, %parallel_loop3A_850 : i32
      %parallel_loop3A_852 = arith.constant 16 : i32
      %parallel_loop3A_853 = arith.muli %parallel_loop3A_851, %parallel_loop3A_852 : i32
      %parallel_loop3A_854 = arith.constant 0 : i32
      %parallel_loop3A_855 = arith.index_cast %parallel_loop3A_849 : i32 to index
      %parallel_loop3A_856 = arith.index_cast %parallel_loop3A_854 : i32 to index
      %parallel_loop3A_857 = arith.index_cast %parallel_loop3A_853 : i32 to index
      %parallel_loop3A_858 = tpu.vector_load %arg7[%parallel_loop3A_855, %parallel_loop3A_856, %parallel_loop3A_857] {strides = array<i32>} : memref<63x3x128xf32, #tpu.memory_space<vmem>>, vector<1x1x16xf32>,
      %parallel_loop3A_859 = vector.shape_cast %parallel_loop3A_858 : vector<1x1x16xf32> to vector<16xf32>
      %parallel_loop3A_860 = arith.constant 1 : i32
      %parallel_loop3A_861 = arith.index_cast %parallel_loop3A_849 : i32 to index
      %parallel_loop3A_862 = arith.index_cast %parallel_loop3A_860 : i32 to index
      %parallel_loop3A_863 = arith.index_cast %parallel_loop3A_853 : i32 to index
      %parallel_loop3A_864 = tpu.vector_load %arg7[%parallel_loop3A_861, %parallel_loop3A_862, %parallel_loop3A_863] {strides = array<i32>} : memref<63x3x128xf32, #tpu.memory_space<vmem>>, vector<1x1x16xf32>,
      %parallel_loop3A_865 = vector.shape_cast %parallel_loop3A_864 : vector<1x1x16xf32> to vector<16xf32>
      %parallel_loop3A_866 = arith.constant 2 : i32
      %parallel_loop3A_867 = arith.index_cast %parallel_loop3A_849 : i32 to index
      %parallel_loop3A_868 = arith.index_cast %parallel_loop3A_866 : i32 to index
      %parallel_loop3A_869 = arith.index_cast %parallel_loop3A_853 : i32 to index
      %parallel_loop3A_870 = tpu.vector_load %arg7[%parallel_loop3A_867, %parallel_loop3A_868, %parallel_loop3A_869] {strides = array<i32>} : memref<63x3x128xf32, #tpu.memory_space<vmem>>, vector<1x1x16xf32>,
      %parallel_loop3A_871 = vector.shape_cast %parallel_loop3A_870 : vector<1x1x16xf32> to vector<16xf32>
      %parallel_loop3A_872 = arith.constant 16 : i32
      %parallel_loop3A_873 = arith.muli %parallel_loop3A_846, %parallel_loop3A_872 : i32
      %parallel_loop3A_874 = arith.index_cast %parallel_loop3A_873 : i32 to index
      %parallel_loop3A_875 = tpu.vector_load %arg10[%parallel_loop3A_874] {strides = array<i32>} : memref<8064xi32, #tpu.memory_space<vmem>>, vector<16xi32>,
      %parallel_loop3A_876 = vector.shape_cast %parallel_loop3A_875 : vector<16xi32> to vector<16xi32>
      %parallel_loop3A_877 = arith.mulf %parallel_loop3A_859, %parallel_loop3A_859 : vector<16xf32>
      %parallel_loop3A_878 = arith.mulf %parallel_loop3A_865, %parallel_loop3A_865 : vector<16xf32>
      %parallel_loop3A_879 = arith.addf %parallel_loop3A_877, %parallel_loop3A_878 : vector<16xf32>
      %parallel_loop3A_880 = arith.mulf %parallel_loop3A_871, %parallel_loop3A_871 : vector<16xf32>
      %parallel_loop3A_881 = arith.addf %parallel_loop3A_879, %parallel_loop3A_880 : vector<16xf32>
      %parallel_loop3A_882 = arith.sitofp %parallel_loop3A_876 : vector<16xi32> to vector<16xf32>
      %parallel_loop3A_883 = arith.constant 1.600000e+01 : f32
      %parallel_loop3A_884 = vector.broadcast %parallel_loop3A_883 : f32 to vector<16xf32>
      %parallel_loop3A_885 = arith.mulf %parallel_loop3A_882, %parallel_loop3A_884 : vector<16xf32>
      %parallel_loop3A_886 = arith.addf %parallel_loop3A_881, %parallel_loop3A_885 : vector<16xf32>
      %parallel_loop3A_887 = arith.mulf %parallel_loop3A_886, %parallel_loop3A_886 : vector<16xf32>
      %parallel_loop3A_888 = arith.mulf %parallel_loop3A_887, %parallel_loop3A_886 : vector<16xf32>
      %parallel_loop3A_889 = arith.constant 1.000000e+00 : f32
      %parallel_loop3A_890 = vector.broadcast %parallel_loop3A_889 : f32 to vector<16xf32>
      %parallel_loop3A_891 = arith.divf %parallel_loop3A_890, %parallel_loop3A_888 : vector<16xf32>
      %parallel_loop3A_892 = arith.constant 0.00137174211 : f32
      %parallel_loop3A_893 = vector.broadcast %parallel_loop3A_892 : f32 to vector<16xf32>
      %parallel_loop3A_894 = arith.maximumf %parallel_loop3A_891, %parallel_loop3A_893 : vector<16xf32>
      %parallel_loop3A_895 = arith.constant 0.00137174211 : f32
      %parallel_loop3A_896 = vector.broadcast %parallel_loop3A_895 : f32 to vector<16xf32>
      %parallel_loop3A_897 = arith.subf %parallel_loop3A_894, %parallel_loop3A_896 : vector<16xf32>
      %parallel_loop3A_898 = arith.constant -0.998628258 : f32
      %parallel_loop3A_899 = vector.broadcast %parallel_loop3A_898 : f32 to vector<16xf32>
      %parallel_loop3A_900 = arith.addf %parallel_loop3A_894, %parallel_loop3A_899 : vector<16xf32>
      %parallel_loop3A_901 = arith.mulf %parallel_loop3A_897, %parallel_loop3A_900 : vector<16xf32>
      %parallel_loop3A_902 = arith.addf %parallel_loop3A_847, %parallel_loop3A_901 : vector<16xf32>
      scf.yield %parallel_loop3A_902 : vector<16xf32>
    } {sc.loop_unroll_factor = 8 : i64, sc.parallel_access}
    %add3A_474 = arith.constant 693 : i32
    %add3A_475 = arith.addi %add3A_6, %add3A_474 : i32
    %dma_start3A_476 = arith.constant 0 : i32
    %dma_start3A_477 = arith.constant 0 : i32
    %dma_start3A_478 = tpu.memref_slice %arg3[%add3A_475, %dma_start3A_476, %dma_start3A_477] : memref<62500x3x128xf32, #tpu.memory_space<hbm>> -> memref<63x3x128xf32, #tpu.memory_space<hbm>>
    %dma_start3A_479 = arith.constant 0 : i32
    %dma_start3A_480 = arith.constant 0 : i32
    %dma_start3A_481 = tpu.memref_slice %arg3[%add3A_475, %dma_start3A_479, %dma_start3A_480] : memref<62500x3x128xf32, #tpu.memory_space<hbm>> -> memref<63x3x128xf32, #tpu.memory_space<hbm>>
    tpu.enqueue_dma source(%dma_start3A_481 : memref<63x3x128xf32, #tpu.memory_space<hbm>>) target(%arg7 : memref<63x3x128xf32, #tpu.memory_space<vmem>>) target_semaphore(%arg16 : memref<!tpu.dma_semaphore, #tpu.memory_space<semaphore_mem>>)
    %mul3A_482 = arith.constant 128 : i32
    %mul3A_483 = arith.muli %add3A_475, %mul3A_482 : i32
    %dma_start3A_484 = tpu.memref_slice %arg2[%mul3A_483] : memref<8000000xi32, #tpu.memory_space<hbm>> -> memref<8064xi32, #tpu.memory_space<hbm>>
    %dma_start3A_485 = tpu.memref_slice %arg2[%mul3A_483] : memref<8000000xi32, #tpu.memory_space<hbm>> -> memref<8064xi32, #tpu.memory_space<hbm>>
    tpu.enqueue_dma source(%dma_start3A_485 : memref<8064xi32, #tpu.memory_space<hbm>>) target(%arg10 : memref<8064xi32, #tpu.memory_space<vmem>>) target_semaphore(%arg19 : memref<!tpu.dma_semaphore, #tpu.memory_space<semaphore_mem>>)
    %dma_wait3A_486 = arith.constant 0 : i32
    %dma_wait3A_487 = arith.constant 0 : i32
    %dma_wait3A_488 = tpu.memref_slice %arg3[%add3A_427, %dma_wait3A_486, %dma_wait3A_487] : memref<62500x3x128xf32, #tpu.memory_space<hbm>> -> memref<63x3x128xf32, #tpu.memory_space<hbm>>
    %dma_wait3A_489 = arith.constant 0 : i32
    %dma_wait3A_490 = arith.constant 0 : i32
    %dma_wait3A_491 = tpu.memref_slice %arg3[%add3A_427, %dma_wait3A_489, %dma_wait3A_490] : memref<62500x3x128xf32, #tpu.memory_space<hbm>> -> memref<63x3x128xf32, #tpu.memory_space<hbm>>
    tpu.wait_dma2 semaphore(%arg14 : memref<!tpu.dma_semaphore, #tpu.memory_space<semaphore_mem>>) src(%dma_wait3A_491 : memref<63x3x128xf32, #tpu.memory_space<hbm>>) dst(%arg5 : memref<63x3x128xf32, #tpu.memory_space<vmem>>)
    %dma_wait3A_492 = tpu.memref_slice %arg2[%mul3A_435] : memref<8000000xi32, #tpu.memory_space<hbm>> -> memref<8064xi32, #tpu.memory_space<hbm>>
    %dma_wait3A_493 = tpu.memref_slice %arg2[%mul3A_435] : memref<8000000xi32, #tpu.memory_space<hbm>> -> memref<8064xi32, #tpu.memory_space<hbm>>
    tpu.wait_dma2 semaphore(%arg17 : memref<!tpu.dma_semaphore, #tpu.memory_space<semaphore_mem>>) src(%dma_wait3A_493 : memref<8064xi32, #tpu.memory_space<hbm>>) dst(%arg8 : memref<8064xi32, #tpu.memory_space<vmem>>)
    %parallel_loop3A_494 = arith.constant 0 : i32
    %parallel_loop3A_495 = arith.constant 504 : i32
    %parallel_loop3A_496 = arith.constant 1 : i32
    %parallel_loop3A_497 = scf.for %parallel_loop3A_846 = %parallel_loop3A_494 to %parallel_loop3A_495 step %parallel_loop3A_496 iter_args(%parallel_loop3A_847 = %parallel_loop3A_473) -> (vector<16xf32>)  : i32 {
      %parallel_loop3A_848 = arith.constant 3 : i32
      %parallel_loop3A_849 = arith.shrsi %parallel_loop3A_846, %parallel_loop3A_848 : i32
      %parallel_loop3A_850 = arith.constant 7 : i32
      %parallel_loop3A_851 = arith.andi %parallel_loop3A_846, %parallel_loop3A_850 : i32
      %parallel_loop3A_852 = arith.constant 16 : i32
      %parallel_loop3A_853 = arith.muli %parallel_loop3A_851, %parallel_loop3A_852 : i32
      %parallel_loop3A_854 = arith.constant 0 : i32
      %parallel_loop3A_855 = arith.index_cast %parallel_loop3A_849 : i32 to index
      %parallel_loop3A_856 = arith.index_cast %parallel_loop3A_854 : i32 to index
      %parallel_loop3A_857 = arith.index_cast %parallel_loop3A_853 : i32 to index
      %parallel_loop3A_858 = tpu.vector_load %arg5[%parallel_loop3A_855, %parallel_loop3A_856, %parallel_loop3A_857] {strides = array<i32>} : memref<63x3x128xf32, #tpu.memory_space<vmem>>, vector<1x1x16xf32>,
      %parallel_loop3A_859 = vector.shape_cast %parallel_loop3A_858 : vector<1x1x16xf32> to vector<16xf32>
      %parallel_loop3A_860 = arith.constant 1 : i32
      %parallel_loop3A_861 = arith.index_cast %parallel_loop3A_849 : i32 to index
      %parallel_loop3A_862 = arith.index_cast %parallel_loop3A_860 : i32 to index
      %parallel_loop3A_863 = arith.index_cast %parallel_loop3A_853 : i32 to index
      %parallel_loop3A_864 = tpu.vector_load %arg5[%parallel_loop3A_861, %parallel_loop3A_862, %parallel_loop3A_863] {strides = array<i32>} : memref<63x3x128xf32, #tpu.memory_space<vmem>>, vector<1x1x16xf32>,
      %parallel_loop3A_865 = vector.shape_cast %parallel_loop3A_864 : vector<1x1x16xf32> to vector<16xf32>
      %parallel_loop3A_866 = arith.constant 2 : i32
      %parallel_loop3A_867 = arith.index_cast %parallel_loop3A_849 : i32 to index
      %parallel_loop3A_868 = arith.index_cast %parallel_loop3A_866 : i32 to index
      %parallel_loop3A_869 = arith.index_cast %parallel_loop3A_853 : i32 to index
      %parallel_loop3A_870 = tpu.vector_load %arg5[%parallel_loop3A_867, %parallel_loop3A_868, %parallel_loop3A_869] {strides = array<i32>} : memref<63x3x128xf32, #tpu.memory_space<vmem>>, vector<1x1x16xf32>,
      %parallel_loop3A_871 = vector.shape_cast %parallel_loop3A_870 : vector<1x1x16xf32> to vector<16xf32>
      %parallel_loop3A_872 = arith.constant 16 : i32
      %parallel_loop3A_873 = arith.muli %parallel_loop3A_846, %parallel_loop3A_872 : i32
      %parallel_loop3A_874 = arith.index_cast %parallel_loop3A_873 : i32 to index
      %parallel_loop3A_875 = tpu.vector_load %arg8[%parallel_loop3A_874] {strides = array<i32>} : memref<8064xi32, #tpu.memory_space<vmem>>, vector<16xi32>,
      %parallel_loop3A_876 = vector.shape_cast %parallel_loop3A_875 : vector<16xi32> to vector<16xi32>
      %parallel_loop3A_877 = arith.mulf %parallel_loop3A_859, %parallel_loop3A_859 : vector<16xf32>
      %parallel_loop3A_878 = arith.mulf %parallel_loop3A_865, %parallel_loop3A_865 : vector<16xf32>
      %parallel_loop3A_879 = arith.addf %parallel_loop3A_877, %parallel_loop3A_878 : vector<16xf32>
      %parallel_loop3A_880 = arith.mulf %parallel_loop3A_871, %parallel_loop3A_871 : vector<16xf32>
      %parallel_loop3A_881 = arith.addf %parallel_loop3A_879, %parallel_loop3A_880 : vector<16xf32>
      %parallel_loop3A_882 = arith.sitofp %parallel_loop3A_876 : vector<16xi32> to vector<16xf32>
      %parallel_loop3A_883 = arith.constant 1.600000e+01 : f32
      %parallel_loop3A_884 = vector.broadcast %parallel_loop3A_883 : f32 to vector<16xf32>
      %parallel_loop3A_885 = arith.mulf %parallel_loop3A_882, %parallel_loop3A_884 : vector<16xf32>
      %parallel_loop3A_886 = arith.addf %parallel_loop3A_881, %parallel_loop3A_885 : vector<16xf32>
      %parallel_loop3A_887 = arith.mulf %parallel_loop3A_886, %parallel_loop3A_886 : vector<16xf32>
      %parallel_loop3A_888 = arith.mulf %parallel_loop3A_887, %parallel_loop3A_886 : vector<16xf32>
      %parallel_loop3A_889 = arith.constant 1.000000e+00 : f32
      %parallel_loop3A_890 = vector.broadcast %parallel_loop3A_889 : f32 to vector<16xf32>
      %parallel_loop3A_891 = arith.divf %parallel_loop3A_890, %parallel_loop3A_888 : vector<16xf32>
      %parallel_loop3A_892 = arith.constant 0.00137174211 : f32
      %parallel_loop3A_893 = vector.broadcast %parallel_loop3A_892 : f32 to vector<16xf32>
      %parallel_loop3A_894 = arith.maximumf %parallel_loop3A_891, %parallel_loop3A_893 : vector<16xf32>
      %parallel_loop3A_895 = arith.constant 0.00137174211 : f32
      %parallel_loop3A_896 = vector.broadcast %parallel_loop3A_895 : f32 to vector<16xf32>
      %parallel_loop3A_897 = arith.subf %parallel_loop3A_894, %parallel_loop3A_896 : vector<16xf32>
      %parallel_loop3A_898 = arith.constant -0.998628258 : f32
      %parallel_loop3A_899 = vector.broadcast %parallel_loop3A_898 : f32 to vector<16xf32>
      %parallel_loop3A_900 = arith.addf %parallel_loop3A_894, %parallel_loop3A_899 : vector<16xf32>
      %parallel_loop3A_901 = arith.mulf %parallel_loop3A_897, %parallel_loop3A_900 : vector<16xf32>
      %parallel_loop3A_902 = arith.addf %parallel_loop3A_847, %parallel_loop3A_901 : vector<16xf32>
      scf.yield %parallel_loop3A_902 : vector<16xf32>
    } {sc.loop_unroll_factor = 8 : i64, sc.parallel_access}
    %add3A_498 = arith.constant 756 : i32
    %add3A_499 = arith.addi %add3A_6, %add3A_498 : i32
    %dma_start3A_500 = arith.constant 0 : i32
    %dma_start3A_501 = arith.constant 0 : i32
    %dma_start3A_502 = tpu.memref_slice %arg3[%add3A_499, %dma_start3A_500, %dma_start3A_501] : memref<62500x3x128xf32, #tpu.memory_space<hbm>> -> memref<63x3x128xf32, #tpu.memory_space<hbm>>
    %dma_start3A_503 = arith.constant 0 : i32
    %dma_start3A_504 = arith.constant 0 : i32
    %dma_start3A_505 = tpu.memref_slice %arg3[%add3A_499, %dma_start3A_503, %dma_start3A_504] : memref<62500x3x128xf32, #tpu.memory_space<hbm>> -> memref<63x3x128xf32, #tpu.memory_space<hbm>>
    tpu.enqueue_dma source(%dma_start3A_505 : memref<63x3x128xf32, #tpu.memory_space<hbm>>) target(%arg5 : memref<63x3x128xf32, #tpu.memory_space<vmem>>) target_semaphore(%arg14 : memref<!tpu.dma_semaphore, #tpu.memory_space<semaphore_mem>>)
    %mul3A_506 = arith.constant 128 : i32
    %mul3A_507 = arith.muli %add3A_499, %mul3A_506 : i32
    %dma_start3A_508 = tpu.memref_slice %arg2[%mul3A_507] : memref<8000000xi32, #tpu.memory_space<hbm>> -> memref<8064xi32, #tpu.memory_space<hbm>>
    %dma_start3A_509 = tpu.memref_slice %arg2[%mul3A_507] : memref<8000000xi32, #tpu.memory_space<hbm>> -> memref<8064xi32, #tpu.memory_space<hbm>>
    tpu.enqueue_dma source(%dma_start3A_509 : memref<8064xi32, #tpu.memory_space<hbm>>) target(%arg8 : memref<8064xi32, #tpu.memory_space<vmem>>) target_semaphore(%arg17 : memref<!tpu.dma_semaphore, #tpu.memory_space<semaphore_mem>>)
    %dma_wait3A_510 = arith.constant 0 : i32
    %dma_wait3A_511 = arith.constant 0 : i32
    %dma_wait3A_512 = tpu.memref_slice %arg3[%add3A_451, %dma_wait3A_510, %dma_wait3A_511] : memref<62500x3x128xf32, #tpu.memory_space<hbm>> -> memref<63x3x128xf32, #tpu.memory_space<hbm>>
    %dma_wait3A_513 = arith.constant 0 : i32
    %dma_wait3A_514 = arith.constant 0 : i32
    %dma_wait3A_515 = tpu.memref_slice %arg3[%add3A_451, %dma_wait3A_513, %dma_wait3A_514] : memref<62500x3x128xf32, #tpu.memory_space<hbm>> -> memref<63x3x128xf32, #tpu.memory_space<hbm>>
    tpu.wait_dma2 semaphore(%arg15 : memref<!tpu.dma_semaphore, #tpu.memory_space<semaphore_mem>>) src(%dma_wait3A_515 : memref<63x3x128xf32, #tpu.memory_space<hbm>>) dst(%arg6 : memref<63x3x128xf32, #tpu.memory_space<vmem>>)
    %dma_wait3A_516 = tpu.memref_slice %arg2[%mul3A_459] : memref<8000000xi32, #tpu.memory_space<hbm>> -> memref<8064xi32, #tpu.memory_space<hbm>>
    %dma_wait3A_517 = tpu.memref_slice %arg2[%mul3A_459] : memref<8000000xi32, #tpu.memory_space<hbm>> -> memref<8064xi32, #tpu.memory_space<hbm>>
    tpu.wait_dma2 semaphore(%arg18 : memref<!tpu.dma_semaphore, #tpu.memory_space<semaphore_mem>>) src(%dma_wait3A_517 : memref<8064xi32, #tpu.memory_space<hbm>>) dst(%arg9 : memref<8064xi32, #tpu.memory_space<vmem>>)
    %parallel_loop3A_518 = arith.constant 0 : i32
    %parallel_loop3A_519 = arith.constant 504 : i32
    %parallel_loop3A_520 = arith.constant 1 : i32
    %parallel_loop3A_521 = scf.for %parallel_loop3A_846 = %parallel_loop3A_518 to %parallel_loop3A_519 step %parallel_loop3A_520 iter_args(%parallel_loop3A_847 = %parallel_loop3A_497) -> (vector<16xf32>)  : i32 {
      %parallel_loop3A_848 = arith.constant 3 : i32
      %parallel_loop3A_849 = arith.shrsi %parallel_loop3A_846, %parallel_loop3A_848 : i32
      %parallel_loop3A_850 = arith.constant 7 : i32
      %parallel_loop3A_851 = arith.andi %parallel_loop3A_846, %parallel_loop3A_850 : i32
      %parallel_loop3A_852 = arith.constant 16 : i32
      %parallel_loop3A_853 = arith.muli %parallel_loop3A_851, %parallel_loop3A_852 : i32
      %parallel_loop3A_854 = arith.constant 0 : i32
      %parallel_loop3A_855 = arith.index_cast %parallel_loop3A_849 : i32 to index
      %parallel_loop3A_856 = arith.index_cast %parallel_loop3A_854 : i32 to index
      %parallel_loop3A_857 = arith.index_cast %parallel_loop3A_853 : i32 to index
      %parallel_loop3A_858 = tpu.vector_load %arg6[%parallel_loop3A_855, %parallel_loop3A_856, %parallel_loop3A_857] {strides = array<i32>} : memref<63x3x128xf32, #tpu.memory_space<vmem>>, vector<1x1x16xf32>,
      %parallel_loop3A_859 = vector.shape_cast %parallel_loop3A_858 : vector<1x1x16xf32> to vector<16xf32>
      %parallel_loop3A_860 = arith.constant 1 : i32
      %parallel_loop3A_861 = arith.index_cast %parallel_loop3A_849 : i32 to index
      %parallel_loop3A_862 = arith.index_cast %parallel_loop3A_860 : i32 to index
      %parallel_loop3A_863 = arith.index_cast %parallel_loop3A_853 : i32 to index
      %parallel_loop3A_864 = tpu.vector_load %arg6[%parallel_loop3A_861, %parallel_loop3A_862, %parallel_loop3A_863] {strides = array<i32>} : memref<63x3x128xf32, #tpu.memory_space<vmem>>, vector<1x1x16xf32>,
      %parallel_loop3A_865 = vector.shape_cast %parallel_loop3A_864 : vector<1x1x16xf32> to vector<16xf32>
      %parallel_loop3A_866 = arith.constant 2 : i32
      %parallel_loop3A_867 = arith.index_cast %parallel_loop3A_849 : i32 to index
      %parallel_loop3A_868 = arith.index_cast %parallel_loop3A_866 : i32 to index
      %parallel_loop3A_869 = arith.index_cast %parallel_loop3A_853 : i32 to index
      %parallel_loop3A_870 = tpu.vector_load %arg6[%parallel_loop3A_867, %parallel_loop3A_868, %parallel_loop3A_869] {strides = array<i32>} : memref<63x3x128xf32, #tpu.memory_space<vmem>>, vector<1x1x16xf32>,
      %parallel_loop3A_871 = vector.shape_cast %parallel_loop3A_870 : vector<1x1x16xf32> to vector<16xf32>
      %parallel_loop3A_872 = arith.constant 16 : i32
      %parallel_loop3A_873 = arith.muli %parallel_loop3A_846, %parallel_loop3A_872 : i32
      %parallel_loop3A_874 = arith.index_cast %parallel_loop3A_873 : i32 to index
      %parallel_loop3A_875 = tpu.vector_load %arg9[%parallel_loop3A_874] {strides = array<i32>} : memref<8064xi32, #tpu.memory_space<vmem>>, vector<16xi32>,
      %parallel_loop3A_876 = vector.shape_cast %parallel_loop3A_875 : vector<16xi32> to vector<16xi32>
      %parallel_loop3A_877 = arith.mulf %parallel_loop3A_859, %parallel_loop3A_859 : vector<16xf32>
      %parallel_loop3A_878 = arith.mulf %parallel_loop3A_865, %parallel_loop3A_865 : vector<16xf32>
      %parallel_loop3A_879 = arith.addf %parallel_loop3A_877, %parallel_loop3A_878 : vector<16xf32>
      %parallel_loop3A_880 = arith.mulf %parallel_loop3A_871, %parallel_loop3A_871 : vector<16xf32>
      %parallel_loop3A_881 = arith.addf %parallel_loop3A_879, %parallel_loop3A_880 : vector<16xf32>
      %parallel_loop3A_882 = arith.sitofp %parallel_loop3A_876 : vector<16xi32> to vector<16xf32>
      %parallel_loop3A_883 = arith.constant 1.600000e+01 : f32
      %parallel_loop3A_884 = vector.broadcast %parallel_loop3A_883 : f32 to vector<16xf32>
      %parallel_loop3A_885 = arith.mulf %parallel_loop3A_882, %parallel_loop3A_884 : vector<16xf32>
      %parallel_loop3A_886 = arith.addf %parallel_loop3A_881, %parallel_loop3A_885 : vector<16xf32>
      %parallel_loop3A_887 = arith.mulf %parallel_loop3A_886, %parallel_loop3A_886 : vector<16xf32>
      %parallel_loop3A_888 = arith.mulf %parallel_loop3A_887, %parallel_loop3A_886 : vector<16xf32>
      %parallel_loop3A_889 = arith.constant 1.000000e+00 : f32
      %parallel_loop3A_890 = vector.broadcast %parallel_loop3A_889 : f32 to vector<16xf32>
      %parallel_loop3A_891 = arith.divf %parallel_loop3A_890, %parallel_loop3A_888 : vector<16xf32>
      %parallel_loop3A_892 = arith.constant 0.00137174211 : f32
      %parallel_loop3A_893 = vector.broadcast %parallel_loop3A_892 : f32 to vector<16xf32>
      %parallel_loop3A_894 = arith.maximumf %parallel_loop3A_891, %parallel_loop3A_893 : vector<16xf32>
      %parallel_loop3A_895 = arith.constant 0.00137174211 : f32
      %parallel_loop3A_896 = vector.broadcast %parallel_loop3A_895 : f32 to vector<16xf32>
      %parallel_loop3A_897 = arith.subf %parallel_loop3A_894, %parallel_loop3A_896 : vector<16xf32>
      %parallel_loop3A_898 = arith.constant -0.998628258 : f32
      %parallel_loop3A_899 = vector.broadcast %parallel_loop3A_898 : f32 to vector<16xf32>
      %parallel_loop3A_900 = arith.addf %parallel_loop3A_894, %parallel_loop3A_899 : vector<16xf32>
      %parallel_loop3A_901 = arith.mulf %parallel_loop3A_897, %parallel_loop3A_900 : vector<16xf32>
      %parallel_loop3A_902 = arith.addf %parallel_loop3A_847, %parallel_loop3A_901 : vector<16xf32>
      scf.yield %parallel_loop3A_902 : vector<16xf32>
    } {sc.loop_unroll_factor = 8 : i64, sc.parallel_access}
    %add3A_522 = arith.constant 819 : i32
    %add3A_523 = arith.addi %add3A_6, %add3A_522 : i32
    %dma_start3A_524 = arith.constant 0 : i32
    %dma_start3A_525 = arith.constant 0 : i32
    %dma_start3A_526 = tpu.memref_slice %arg3[%add3A_523, %dma_start3A_524, %dma_start3A_525] : memref<62500x3x128xf32, #tpu.memory_space<hbm>> -> memref<63x3x128xf32, #tpu.memory_space<hbm>>
    %dma_start3A_527 = arith.constant 0 : i32
    %dma_start3A_528 = arith.constant 0 : i32
    %dma_start3A_529 = tpu.memref_slice %arg3[%add3A_523, %dma_start3A_527, %dma_start3A_528] : memref<62500x3x128xf32, #tpu.memory_space<hbm>> -> memref<63x3x128xf32, #tpu.memory_space<hbm>>
    tpu.enqueue_dma source(%dma_start3A_529 : memref<63x3x128xf32, #tpu.memory_space<hbm>>) target(%arg6 : memref<63x3x128xf32, #tpu.memory_space<vmem>>) target_semaphore(%arg15 : memref<!tpu.dma_semaphore, #tpu.memory_space<semaphore_mem>>)
    %mul3A_530 = arith.constant 128 : i32
    %mul3A_531 = arith.muli %add3A_523, %mul3A_530 : i32
    %dma_start3A_532 = tpu.memref_slice %arg2[%mul3A_531] : memref<8000000xi32, #tpu.memory_space<hbm>> -> memref<8064xi32, #tpu.memory_space<hbm>>
    %dma_start3A_533 = tpu.memref_slice %arg2[%mul3A_531] : memref<8000000xi32, #tpu.memory_space<hbm>> -> memref<8064xi32, #tpu.memory_space<hbm>>
    tpu.enqueue_dma source(%dma_start3A_533 : memref<8064xi32, #tpu.memory_space<hbm>>) target(%arg9 : memref<8064xi32, #tpu.memory_space<vmem>>) target_semaphore(%arg18 : memref<!tpu.dma_semaphore, #tpu.memory_space<semaphore_mem>>)
    %dma_wait3A_534 = arith.constant 0 : i32
    %dma_wait3A_535 = arith.constant 0 : i32
    %dma_wait3A_536 = tpu.memref_slice %arg3[%add3A_475, %dma_wait3A_534, %dma_wait3A_535] : memref<62500x3x128xf32, #tpu.memory_space<hbm>> -> memref<63x3x128xf32, #tpu.memory_space<hbm>>
    %dma_wait3A_537 = arith.constant 0 : i32
    %dma_wait3A_538 = arith.constant 0 : i32
    %dma_wait3A_539 = tpu.memref_slice %arg3[%add3A_475, %dma_wait3A_537, %dma_wait3A_538] : memref<62500x3x128xf32, #tpu.memory_space<hbm>> -> memref<63x3x128xf32, #tpu.memory_space<hbm>>
    tpu.wait_dma2 semaphore(%arg16 : memref<!tpu.dma_semaphore, #tpu.memory_space<semaphore_mem>>) src(%dma_wait3A_539 : memref<63x3x128xf32, #tpu.memory_space<hbm>>) dst(%arg7 : memref<63x3x128xf32, #tpu.memory_space<vmem>>)
    %dma_wait3A_540 = tpu.memref_slice %arg2[%mul3A_483] : memref<8000000xi32, #tpu.memory_space<hbm>> -> memref<8064xi32, #tpu.memory_space<hbm>>
    %dma_wait3A_541 = tpu.memref_slice %arg2[%mul3A_483] : memref<8000000xi32, #tpu.memory_space<hbm>> -> memref<8064xi32, #tpu.memory_space<hbm>>
    tpu.wait_dma2 semaphore(%arg19 : memref<!tpu.dma_semaphore, #tpu.memory_space<semaphore_mem>>) src(%dma_wait3A_541 : memref<8064xi32, #tpu.memory_space<hbm>>) dst(%arg10 : memref<8064xi32, #tpu.memory_space<vmem>>)
    %parallel_loop3A_542 = arith.constant 0 : i32
    %parallel_loop3A_543 = arith.constant 504 : i32
    %parallel_loop3A_544 = arith.constant 1 : i32
    %parallel_loop3A_545 = scf.for %parallel_loop3A_846 = %parallel_loop3A_542 to %parallel_loop3A_543 step %parallel_loop3A_544 iter_args(%parallel_loop3A_847 = %parallel_loop3A_521) -> (vector<16xf32>)  : i32 {
      %parallel_loop3A_848 = arith.constant 3 : i32
      %parallel_loop3A_849 = arith.shrsi %parallel_loop3A_846, %parallel_loop3A_848 : i32
      %parallel_loop3A_850 = arith.constant 7 : i32
      %parallel_loop3A_851 = arith.andi %parallel_loop3A_846, %parallel_loop3A_850 : i32
      %parallel_loop3A_852 = arith.constant 16 : i32
      %parallel_loop3A_853 = arith.muli %parallel_loop3A_851, %parallel_loop3A_852 : i32
      %parallel_loop3A_854 = arith.constant 0 : i32
      %parallel_loop3A_855 = arith.index_cast %parallel_loop3A_849 : i32 to index
      %parallel_loop3A_856 = arith.index_cast %parallel_loop3A_854 : i32 to index
      %parallel_loop3A_857 = arith.index_cast %parallel_loop3A_853 : i32 to index
      %parallel_loop3A_858 = tpu.vector_load %arg7[%parallel_loop3A_855, %parallel_loop3A_856, %parallel_loop3A_857] {strides = array<i32>} : memref<63x3x128xf32, #tpu.memory_space<vmem>>, vector<1x1x16xf32>,
      %parallel_loop3A_859 = vector.shape_cast %parallel_loop3A_858 : vector<1x1x16xf32> to vector<16xf32>
      %parallel_loop3A_860 = arith.constant 1 : i32
      %parallel_loop3A_861 = arith.index_cast %parallel_loop3A_849 : i32 to index
      %parallel_loop3A_862 = arith.index_cast %parallel_loop3A_860 : i32 to index
      %parallel_loop3A_863 = arith.index_cast %parallel_loop3A_853 : i32 to index
      %parallel_loop3A_864 = tpu.vector_load %arg7[%parallel_loop3A_861, %parallel_loop3A_862, %parallel_loop3A_863] {strides = array<i32>} : memref<63x3x128xf32, #tpu.memory_space<vmem>>, vector<1x1x16xf32>,
      %parallel_loop3A_865 = vector.shape_cast %parallel_loop3A_864 : vector<1x1x16xf32> to vector<16xf32>
      %parallel_loop3A_866 = arith.constant 2 : i32
      %parallel_loop3A_867 = arith.index_cast %parallel_loop3A_849 : i32 to index
      %parallel_loop3A_868 = arith.index_cast %parallel_loop3A_866 : i32 to index
      %parallel_loop3A_869 = arith.index_cast %parallel_loop3A_853 : i32 to index
      %parallel_loop3A_870 = tpu.vector_load %arg7[%parallel_loop3A_867, %parallel_loop3A_868, %parallel_loop3A_869] {strides = array<i32>} : memref<63x3x128xf32, #tpu.memory_space<vmem>>, vector<1x1x16xf32>,
      %parallel_loop3A_871 = vector.shape_cast %parallel_loop3A_870 : vector<1x1x16xf32> to vector<16xf32>
      %parallel_loop3A_872 = arith.constant 16 : i32
      %parallel_loop3A_873 = arith.muli %parallel_loop3A_846, %parallel_loop3A_872 : i32
      %parallel_loop3A_874 = arith.index_cast %parallel_loop3A_873 : i32 to index
      %parallel_loop3A_875 = tpu.vector_load %arg10[%parallel_loop3A_874] {strides = array<i32>} : memref<8064xi32, #tpu.memory_space<vmem>>, vector<16xi32>,
      %parallel_loop3A_876 = vector.shape_cast %parallel_loop3A_875 : vector<16xi32> to vector<16xi32>
      %parallel_loop3A_877 = arith.mulf %parallel_loop3A_859, %parallel_loop3A_859 : vector<16xf32>
      %parallel_loop3A_878 = arith.mulf %parallel_loop3A_865, %parallel_loop3A_865 : vector<16xf32>
      %parallel_loop3A_879 = arith.addf %parallel_loop3A_877, %parallel_loop3A_878 : vector<16xf32>
      %parallel_loop3A_880 = arith.mulf %parallel_loop3A_871, %parallel_loop3A_871 : vector<16xf32>
      %parallel_loop3A_881 = arith.addf %parallel_loop3A_879, %parallel_loop3A_880 : vector<16xf32>
      %parallel_loop3A_882 = arith.sitofp %parallel_loop3A_876 : vector<16xi32> to vector<16xf32>
      %parallel_loop3A_883 = arith.constant 1.600000e+01 : f32
      %parallel_loop3A_884 = vector.broadcast %parallel_loop3A_883 : f32 to vector<16xf32>
      %parallel_loop3A_885 = arith.mulf %parallel_loop3A_882, %parallel_loop3A_884 : vector<16xf32>
      %parallel_loop3A_886 = arith.addf %parallel_loop3A_881, %parallel_loop3A_885 : vector<16xf32>
      %parallel_loop3A_887 = arith.mulf %parallel_loop3A_886, %parallel_loop3A_886 : vector<16xf32>
      %parallel_loop3A_888 = arith.mulf %parallel_loop3A_887, %parallel_loop3A_886 : vector<16xf32>
      %parallel_loop3A_889 = arith.constant 1.000000e+00 : f32
      %parallel_loop3A_890 = vector.broadcast %parallel_loop3A_889 : f32 to vector<16xf32>
      %parallel_loop3A_891 = arith.divf %parallel_loop3A_890, %parallel_loop3A_888 : vector<16xf32>
      %parallel_loop3A_892 = arith.constant 0.00137174211 : f32
      %parallel_loop3A_893 = vector.broadcast %parallel_loop3A_892 : f32 to vector<16xf32>
      %parallel_loop3A_894 = arith.maximumf %parallel_loop3A_891, %parallel_loop3A_893 : vector<16xf32>
      %parallel_loop3A_895 = arith.constant 0.00137174211 : f32
      %parallel_loop3A_896 = vector.broadcast %parallel_loop3A_895 : f32 to vector<16xf32>
      %parallel_loop3A_897 = arith.subf %parallel_loop3A_894, %parallel_loop3A_896 : vector<16xf32>
      %parallel_loop3A_898 = arith.constant -0.998628258 : f32
      %parallel_loop3A_899 = vector.broadcast %parallel_loop3A_898 : f32 to vector<16xf32>
      %parallel_loop3A_900 = arith.addf %parallel_loop3A_894, %parallel_loop3A_899 : vector<16xf32>
      %parallel_loop3A_901 = arith.mulf %parallel_loop3A_897, %parallel_loop3A_900 : vector<16xf32>
      %parallel_loop3A_902 = arith.addf %parallel_loop3A_847, %parallel_loop3A_901 : vector<16xf32>
      scf.yield %parallel_loop3A_902 : vector<16xf32>
    } {sc.loop_unroll_factor = 8 : i64, sc.parallel_access}
    %add3A_546 = arith.constant 882 : i32
    %add3A_547 = arith.addi %add3A_6, %add3A_546 : i32
    %dma_start3A_548 = arith.constant 0 : i32
    %dma_start3A_549 = arith.constant 0 : i32
    %dma_start3A_550 = tpu.memref_slice %arg3[%add3A_547, %dma_start3A_548, %dma_start3A_549] : memref<62500x3x128xf32, #tpu.memory_space<hbm>> -> memref<63x3x128xf32, #tpu.memory_space<hbm>>
    %dma_start3A_551 = arith.constant 0 : i32
    %dma_start3A_552 = arith.constant 0 : i32
    %dma_start3A_553 = tpu.memref_slice %arg3[%add3A_547, %dma_start3A_551, %dma_start3A_552] : memref<62500x3x128xf32, #tpu.memory_space<hbm>> -> memref<63x3x128xf32, #tpu.memory_space<hbm>>
    tpu.enqueue_dma source(%dma_start3A_553 : memref<63x3x128xf32, #tpu.memory_space<hbm>>) target(%arg7 : memref<63x3x128xf32, #tpu.memory_space<vmem>>) target_semaphore(%arg16 : memref<!tpu.dma_semaphore, #tpu.memory_space<semaphore_mem>>)
    %mul3A_554 = arith.constant 128 : i32
    %mul3A_555 = arith.muli %add3A_547, %mul3A_554 : i32
    %dma_start3A_556 = tpu.memref_slice %arg2[%mul3A_555] : memref<8000000xi32, #tpu.memory_space<hbm>> -> memref<8064xi32, #tpu.memory_space<hbm>>
    %dma_start3A_557 = tpu.memref_slice %arg2[%mul3A_555] : memref<8000000xi32, #tpu.memory_space<hbm>> -> memref<8064xi32, #tpu.memory_space<hbm>>
    tpu.enqueue_dma source(%dma_start3A_557 : memref<8064xi32, #tpu.memory_space<hbm>>) target(%arg10 : memref<8064xi32, #tpu.memory_space<vmem>>) target_semaphore(%arg19 : memref<!tpu.dma_semaphore, #tpu.memory_space<semaphore_mem>>)
    %dma_wait3A_558 = arith.constant 0 : i32
    %dma_wait3A_559 = arith.constant 0 : i32
    %dma_wait3A_560 = tpu.memref_slice %arg3[%add3A_499, %dma_wait3A_558, %dma_wait3A_559] : memref<62500x3x128xf32, #tpu.memory_space<hbm>> -> memref<63x3x128xf32, #tpu.memory_space<hbm>>
    %dma_wait3A_561 = arith.constant 0 : i32
    %dma_wait3A_562 = arith.constant 0 : i32
    %dma_wait3A_563 = tpu.memref_slice %arg3[%add3A_499, %dma_wait3A_561, %dma_wait3A_562] : memref<62500x3x128xf32, #tpu.memory_space<hbm>> -> memref<63x3x128xf32, #tpu.memory_space<hbm>>
    tpu.wait_dma2 semaphore(%arg14 : memref<!tpu.dma_semaphore, #tpu.memory_space<semaphore_mem>>) src(%dma_wait3A_563 : memref<63x3x128xf32, #tpu.memory_space<hbm>>) dst(%arg5 : memref<63x3x128xf32, #tpu.memory_space<vmem>>)
    %dma_wait3A_564 = tpu.memref_slice %arg2[%mul3A_507] : memref<8000000xi32, #tpu.memory_space<hbm>> -> memref<8064xi32, #tpu.memory_space<hbm>>
    %dma_wait3A_565 = tpu.memref_slice %arg2[%mul3A_507] : memref<8000000xi32, #tpu.memory_space<hbm>> -> memref<8064xi32, #tpu.memory_space<hbm>>
    tpu.wait_dma2 semaphore(%arg17 : memref<!tpu.dma_semaphore, #tpu.memory_space<semaphore_mem>>) src(%dma_wait3A_565 : memref<8064xi32, #tpu.memory_space<hbm>>) dst(%arg8 : memref<8064xi32, #tpu.memory_space<vmem>>)
    %parallel_loop3A_566 = arith.constant 0 : i32
    %parallel_loop3A_567 = arith.constant 504 : i32
    %parallel_loop3A_568 = arith.constant 1 : i32
    %parallel_loop3A_569 = scf.for %parallel_loop3A_846 = %parallel_loop3A_566 to %parallel_loop3A_567 step %parallel_loop3A_568 iter_args(%parallel_loop3A_847 = %parallel_loop3A_545) -> (vector<16xf32>)  : i32 {
      %parallel_loop3A_848 = arith.constant 3 : i32
      %parallel_loop3A_849 = arith.shrsi %parallel_loop3A_846, %parallel_loop3A_848 : i32
      %parallel_loop3A_850 = arith.constant 7 : i32
      %parallel_loop3A_851 = arith.andi %parallel_loop3A_846, %parallel_loop3A_850 : i32
      %parallel_loop3A_852 = arith.constant 16 : i32
      %parallel_loop3A_853 = arith.muli %parallel_loop3A_851, %parallel_loop3A_852 : i32
      %parallel_loop3A_854 = arith.constant 0 : i32
      %parallel_loop3A_855 = arith.index_cast %parallel_loop3A_849 : i32 to index
      %parallel_loop3A_856 = arith.index_cast %parallel_loop3A_854 : i32 to index
      %parallel_loop3A_857 = arith.index_cast %parallel_loop3A_853 : i32 to index
      %parallel_loop3A_858 = tpu.vector_load %arg5[%parallel_loop3A_855, %parallel_loop3A_856, %parallel_loop3A_857] {strides = array<i32>} : memref<63x3x128xf32, #tpu.memory_space<vmem>>, vector<1x1x16xf32>,
      %parallel_loop3A_859 = vector.shape_cast %parallel_loop3A_858 : vector<1x1x16xf32> to vector<16xf32>
      %parallel_loop3A_860 = arith.constant 1 : i32
      %parallel_loop3A_861 = arith.index_cast %parallel_loop3A_849 : i32 to index
      %parallel_loop3A_862 = arith.index_cast %parallel_loop3A_860 : i32 to index
      %parallel_loop3A_863 = arith.index_cast %parallel_loop3A_853 : i32 to index
      %parallel_loop3A_864 = tpu.vector_load %arg5[%parallel_loop3A_861, %parallel_loop3A_862, %parallel_loop3A_863] {strides = array<i32>} : memref<63x3x128xf32, #tpu.memory_space<vmem>>, vector<1x1x16xf32>,
      %parallel_loop3A_865 = vector.shape_cast %parallel_loop3A_864 : vector<1x1x16xf32> to vector<16xf32>
      %parallel_loop3A_866 = arith.constant 2 : i32
      %parallel_loop3A_867 = arith.index_cast %parallel_loop3A_849 : i32 to index
      %parallel_loop3A_868 = arith.index_cast %parallel_loop3A_866 : i32 to index
      %parallel_loop3A_869 = arith.index_cast %parallel_loop3A_853 : i32 to index
      %parallel_loop3A_870 = tpu.vector_load %arg5[%parallel_loop3A_867, %parallel_loop3A_868, %parallel_loop3A_869] {strides = array<i32>} : memref<63x3x128xf32, #tpu.memory_space<vmem>>, vector<1x1x16xf32>,
      %parallel_loop3A_871 = vector.shape_cast %parallel_loop3A_870 : vector<1x1x16xf32> to vector<16xf32>
      %parallel_loop3A_872 = arith.constant 16 : i32
      %parallel_loop3A_873 = arith.muli %parallel_loop3A_846, %parallel_loop3A_872 : i32
      %parallel_loop3A_874 = arith.index_cast %parallel_loop3A_873 : i32 to index
      %parallel_loop3A_875 = tpu.vector_load %arg8[%parallel_loop3A_874] {strides = array<i32>} : memref<8064xi32, #tpu.memory_space<vmem>>, vector<16xi32>,
      %parallel_loop3A_876 = vector.shape_cast %parallel_loop3A_875 : vector<16xi32> to vector<16xi32>
      %parallel_loop3A_877 = arith.mulf %parallel_loop3A_859, %parallel_loop3A_859 : vector<16xf32>
      %parallel_loop3A_878 = arith.mulf %parallel_loop3A_865, %parallel_loop3A_865 : vector<16xf32>
      %parallel_loop3A_879 = arith.addf %parallel_loop3A_877, %parallel_loop3A_878 : vector<16xf32>
      %parallel_loop3A_880 = arith.mulf %parallel_loop3A_871, %parallel_loop3A_871 : vector<16xf32>
      %parallel_loop3A_881 = arith.addf %parallel_loop3A_879, %parallel_loop3A_880 : vector<16xf32>
      %parallel_loop3A_882 = arith.sitofp %parallel_loop3A_876 : vector<16xi32> to vector<16xf32>
      %parallel_loop3A_883 = arith.constant 1.600000e+01 : f32
      %parallel_loop3A_884 = vector.broadcast %parallel_loop3A_883 : f32 to vector<16xf32>
      %parallel_loop3A_885 = arith.mulf %parallel_loop3A_882, %parallel_loop3A_884 : vector<16xf32>
      %parallel_loop3A_886 = arith.addf %parallel_loop3A_881, %parallel_loop3A_885 : vector<16xf32>
      %parallel_loop3A_887 = arith.mulf %parallel_loop3A_886, %parallel_loop3A_886 : vector<16xf32>
      %parallel_loop3A_888 = arith.mulf %parallel_loop3A_887, %parallel_loop3A_886 : vector<16xf32>
      %parallel_loop3A_889 = arith.constant 1.000000e+00 : f32
      %parallel_loop3A_890 = vector.broadcast %parallel_loop3A_889 : f32 to vector<16xf32>
      %parallel_loop3A_891 = arith.divf %parallel_loop3A_890, %parallel_loop3A_888 : vector<16xf32>
      %parallel_loop3A_892 = arith.constant 0.00137174211 : f32
      %parallel_loop3A_893 = vector.broadcast %parallel_loop3A_892 : f32 to vector<16xf32>
      %parallel_loop3A_894 = arith.maximumf %parallel_loop3A_891, %parallel_loop3A_893 : vector<16xf32>
      %parallel_loop3A_895 = arith.constant 0.00137174211 : f32
      %parallel_loop3A_896 = vector.broadcast %parallel_loop3A_895 : f32 to vector<16xf32>
      %parallel_loop3A_897 = arith.subf %parallel_loop3A_894, %parallel_loop3A_896 : vector<16xf32>
      %parallel_loop3A_898 = arith.constant -0.998628258 : f32
      %parallel_loop3A_899 = vector.broadcast %parallel_loop3A_898 : f32 to vector<16xf32>
      %parallel_loop3A_900 = arith.addf %parallel_loop3A_894, %parallel_loop3A_899 : vector<16xf32>
      %parallel_loop3A_901 = arith.mulf %parallel_loop3A_897, %parallel_loop3A_900 : vector<16xf32>
      %parallel_loop3A_902 = arith.addf %parallel_loop3A_847, %parallel_loop3A_901 : vector<16xf32>
      scf.yield %parallel_loop3A_902 : vector<16xf32>
    } {sc.loop_unroll_factor = 8 : i64, sc.parallel_access}
    %add3A_570 = arith.constant 945 : i32
    %add3A_571 = arith.addi %add3A_6, %add3A_570 : i32
    %dma_start3A_572 = arith.constant 0 : i32
    %dma_start3A_573 = arith.constant 0 : i32
    %dma_start3A_574 = tpu.memref_slice %arg3[%add3A_571, %dma_start3A_572, %dma_start3A_573] : memref<62500x3x128xf32, #tpu.memory_space<hbm>> -> memref<63x3x128xf32, #tpu.memory_space<hbm>>
    %dma_start3A_575 = arith.constant 0 : i32
    %dma_start3A_576 = arith.constant 0 : i32
    %dma_start3A_577 = tpu.memref_slice %arg3[%add3A_571, %dma_start3A_575, %dma_start3A_576] : memref<62500x3x128xf32, #tpu.memory_space<hbm>> -> memref<63x3x128xf32, #tpu.memory_space<hbm>>
    tpu.enqueue_dma source(%dma_start3A_577 : memref<63x3x128xf32, #tpu.memory_space<hbm>>) target(%arg5 : memref<63x3x128xf32, #tpu.memory_space<vmem>>) target_semaphore(%arg14 : memref<!tpu.dma_semaphore, #tpu.memory_space<semaphore_mem>>)
    %mul3A_578 = arith.constant 128 : i32
    %mul3A_579 = arith.muli %add3A_571, %mul3A_578 : i32
    %dma_start3A_580 = tpu.memref_slice %arg2[%mul3A_579] : memref<8000000xi32, #tpu.memory_space<hbm>> -> memref<8064xi32, #tpu.memory_space<hbm>>
    %dma_start3A_581 = tpu.memref_slice %arg2[%mul3A_579] : memref<8000000xi32, #tpu.memory_space<hbm>> -> memref<8064xi32, #tpu.memory_space<hbm>>
    tpu.enqueue_dma source(%dma_start3A_581 : memref<8064xi32, #tpu.memory_space<hbm>>) target(%arg8 : memref<8064xi32, #tpu.memory_space<vmem>>) target_semaphore(%arg17 : memref<!tpu.dma_semaphore, #tpu.memory_space<semaphore_mem>>)
    %dma_wait3A_582 = arith.constant 0 : i32
    %dma_wait3A_583 = arith.constant 0 : i32
    %dma_wait3A_584 = tpu.memref_slice %arg3[%add3A_523, %dma_wait3A_582, %dma_wait3A_583] : memref<62500x3x128xf32, #tpu.memory_space<hbm>> -> memref<63x3x128xf32, #tpu.memory_space<hbm>>
    %dma_wait3A_585 = arith.constant 0 : i32
    %dma_wait3A_586 = arith.constant 0 : i32
    %dma_wait3A_587 = tpu.memref_slice %arg3[%add3A_523, %dma_wait3A_585, %dma_wait3A_586] : memref<62500x3x128xf32, #tpu.memory_space<hbm>> -> memref<63x3x128xf32, #tpu.memory_space<hbm>>
    tpu.wait_dma2 semaphore(%arg15 : memref<!tpu.dma_semaphore, #tpu.memory_space<semaphore_mem>>) src(%dma_wait3A_587 : memref<63x3x128xf32, #tpu.memory_space<hbm>>) dst(%arg6 : memref<63x3x128xf32, #tpu.memory_space<vmem>>)
    %dma_wait3A_588 = tpu.memref_slice %arg2[%mul3A_531] : memref<8000000xi32, #tpu.memory_space<hbm>> -> memref<8064xi32, #tpu.memory_space<hbm>>
    %dma_wait3A_589 = tpu.memref_slice %arg2[%mul3A_531] : memref<8000000xi32, #tpu.memory_space<hbm>> -> memref<8064xi32, #tpu.memory_space<hbm>>
    tpu.wait_dma2 semaphore(%arg18 : memref<!tpu.dma_semaphore, #tpu.memory_space<semaphore_mem>>) src(%dma_wait3A_589 : memref<8064xi32, #tpu.memory_space<hbm>>) dst(%arg9 : memref<8064xi32, #tpu.memory_space<vmem>>)
    %parallel_loop3A_590 = arith.constant 0 : i32
    %parallel_loop3A_591 = arith.constant 504 : i32
    %parallel_loop3A_592 = arith.constant 1 : i32
    %parallel_loop3A_593 = scf.for %parallel_loop3A_846 = %parallel_loop3A_590 to %parallel_loop3A_591 step %parallel_loop3A_592 iter_args(%parallel_loop3A_847 = %parallel_loop3A_569) -> (vector<16xf32>)  : i32 {
      %parallel_loop3A_848 = arith.constant 3 : i32
      %parallel_loop3A_849 = arith.shrsi %parallel_loop3A_846, %parallel_loop3A_848 : i32
      %parallel_loop3A_850 = arith.constant 7 : i32
      %parallel_loop3A_851 = arith.andi %parallel_loop3A_846, %parallel_loop3A_850 : i32
      %parallel_loop3A_852 = arith.constant 16 : i32
      %parallel_loop3A_853 = arith.muli %parallel_loop3A_851, %parallel_loop3A_852 : i32
      %parallel_loop3A_854 = arith.constant 0 : i32
      %parallel_loop3A_855 = arith.index_cast %parallel_loop3A_849 : i32 to index
      %parallel_loop3A_856 = arith.index_cast %parallel_loop3A_854 : i32 to index
      %parallel_loop3A_857 = arith.index_cast %parallel_loop3A_853 : i32 to index
      %parallel_loop3A_858 = tpu.vector_load %arg6[%parallel_loop3A_855, %parallel_loop3A_856, %parallel_loop3A_857] {strides = array<i32>} : memref<63x3x128xf32, #tpu.memory_space<vmem>>, vector<1x1x16xf32>,
      %parallel_loop3A_859 = vector.shape_cast %parallel_loop3A_858 : vector<1x1x16xf32> to vector<16xf32>
      %parallel_loop3A_860 = arith.constant 1 : i32
      %parallel_loop3A_861 = arith.index_cast %parallel_loop3A_849 : i32 to index
      %parallel_loop3A_862 = arith.index_cast %parallel_loop3A_860 : i32 to index
      %parallel_loop3A_863 = arith.index_cast %parallel_loop3A_853 : i32 to index
      %parallel_loop3A_864 = tpu.vector_load %arg6[%parallel_loop3A_861, %parallel_loop3A_862, %parallel_loop3A_863] {strides = array<i32>} : memref<63x3x128xf32, #tpu.memory_space<vmem>>, vector<1x1x16xf32>,
      %parallel_loop3A_865 = vector.shape_cast %parallel_loop3A_864 : vector<1x1x16xf32> to vector<16xf32>
      %parallel_loop3A_866 = arith.constant 2 : i32
      %parallel_loop3A_867 = arith.index_cast %parallel_loop3A_849 : i32 to index
      %parallel_loop3A_868 = arith.index_cast %parallel_loop3A_866 : i32 to index
      %parallel_loop3A_869 = arith.index_cast %parallel_loop3A_853 : i32 to index
      %parallel_loop3A_870 = tpu.vector_load %arg6[%parallel_loop3A_867, %parallel_loop3A_868, %parallel_loop3A_869] {strides = array<i32>} : memref<63x3x128xf32, #tpu.memory_space<vmem>>, vector<1x1x16xf32>,
      %parallel_loop3A_871 = vector.shape_cast %parallel_loop3A_870 : vector<1x1x16xf32> to vector<16xf32>
      %parallel_loop3A_872 = arith.constant 16 : i32
      %parallel_loop3A_873 = arith.muli %parallel_loop3A_846, %parallel_loop3A_872 : i32
      %parallel_loop3A_874 = arith.index_cast %parallel_loop3A_873 : i32 to index
      %parallel_loop3A_875 = tpu.vector_load %arg9[%parallel_loop3A_874] {strides = array<i32>} : memref<8064xi32, #tpu.memory_space<vmem>>, vector<16xi32>,
      %parallel_loop3A_876 = vector.shape_cast %parallel_loop3A_875 : vector<16xi32> to vector<16xi32>
      %parallel_loop3A_877 = arith.mulf %parallel_loop3A_859, %parallel_loop3A_859 : vector<16xf32>
      %parallel_loop3A_878 = arith.mulf %parallel_loop3A_865, %parallel_loop3A_865 : vector<16xf32>
      %parallel_loop3A_879 = arith.addf %parallel_loop3A_877, %parallel_loop3A_878 : vector<16xf32>
      %parallel_loop3A_880 = arith.mulf %parallel_loop3A_871, %parallel_loop3A_871 : vector<16xf32>
      %parallel_loop3A_881 = arith.addf %parallel_loop3A_879, %parallel_loop3A_880 : vector<16xf32>
      %parallel_loop3A_882 = arith.sitofp %parallel_loop3A_876 : vector<16xi32> to vector<16xf32>
      %parallel_loop3A_883 = arith.constant 1.600000e+01 : f32
      %parallel_loop3A_884 = vector.broadcast %parallel_loop3A_883 : f32 to vector<16xf32>
      %parallel_loop3A_885 = arith.mulf %parallel_loop3A_882, %parallel_loop3A_884 : vector<16xf32>
      %parallel_loop3A_886 = arith.addf %parallel_loop3A_881, %parallel_loop3A_885 : vector<16xf32>
      %parallel_loop3A_887 = arith.mulf %parallel_loop3A_886, %parallel_loop3A_886 : vector<16xf32>
      %parallel_loop3A_888 = arith.mulf %parallel_loop3A_887, %parallel_loop3A_886 : vector<16xf32>
      %parallel_loop3A_889 = arith.constant 1.000000e+00 : f32
      %parallel_loop3A_890 = vector.broadcast %parallel_loop3A_889 : f32 to vector<16xf32>
      %parallel_loop3A_891 = arith.divf %parallel_loop3A_890, %parallel_loop3A_888 : vector<16xf32>
      %parallel_loop3A_892 = arith.constant 0.00137174211 : f32
      %parallel_loop3A_893 = vector.broadcast %parallel_loop3A_892 : f32 to vector<16xf32>
      %parallel_loop3A_894 = arith.maximumf %parallel_loop3A_891, %parallel_loop3A_893 : vector<16xf32>
      %parallel_loop3A_895 = arith.constant 0.00137174211 : f32
      %parallel_loop3A_896 = vector.broadcast %parallel_loop3A_895 : f32 to vector<16xf32>
      %parallel_loop3A_897 = arith.subf %parallel_loop3A_894, %parallel_loop3A_896 : vector<16xf32>
      %parallel_loop3A_898 = arith.constant -0.998628258 : f32
      %parallel_loop3A_899 = vector.broadcast %parallel_loop3A_898 : f32 to vector<16xf32>
      %parallel_loop3A_900 = arith.addf %parallel_loop3A_894, %parallel_loop3A_899 : vector<16xf32>
      %parallel_loop3A_901 = arith.mulf %parallel_loop3A_897, %parallel_loop3A_900 : vector<16xf32>
      %parallel_loop3A_902 = arith.addf %parallel_loop3A_847, %parallel_loop3A_901 : vector<16xf32>
      scf.yield %parallel_loop3A_902 : vector<16xf32>
    } {sc.loop_unroll_factor = 8 : i64, sc.parallel_access}
    %add3A_594 = arith.constant 1008 : i32
    %add3A_595 = arith.addi %add3A_6, %add3A_594 : i32
    %dma_start3A_596 = arith.constant 0 : i32
    %dma_start3A_597 = arith.constant 0 : i32
    %dma_start3A_598 = tpu.memref_slice %arg3[%add3A_595, %dma_start3A_596, %dma_start3A_597] : memref<62500x3x128xf32, #tpu.memory_space<hbm>> -> memref<63x3x128xf32, #tpu.memory_space<hbm>>
    %dma_start3A_599 = arith.constant 0 : i32
    %dma_start3A_600 = arith.constant 0 : i32
    %dma_start3A_601 = tpu.memref_slice %arg3[%add3A_595, %dma_start3A_599, %dma_start3A_600] : memref<62500x3x128xf32, #tpu.memory_space<hbm>> -> memref<63x3x128xf32, #tpu.memory_space<hbm>>
    tpu.enqueue_dma source(%dma_start3A_601 : memref<63x3x128xf32, #tpu.memory_space<hbm>>) target(%arg6 : memref<63x3x128xf32, #tpu.memory_space<vmem>>) target_semaphore(%arg15 : memref<!tpu.dma_semaphore, #tpu.memory_space<semaphore_mem>>)
    %mul3A_602 = arith.constant 128 : i32
    %mul3A_603 = arith.muli %add3A_595, %mul3A_602 : i32
    %dma_start3A_604 = tpu.memref_slice %arg2[%mul3A_603] : memref<8000000xi32, #tpu.memory_space<hbm>> -> memref<8064xi32, #tpu.memory_space<hbm>>
    %dma_start3A_605 = tpu.memref_slice %arg2[%mul3A_603] : memref<8000000xi32, #tpu.memory_space<hbm>> -> memref<8064xi32, #tpu.memory_space<hbm>>
    tpu.enqueue_dma source(%dma_start3A_605 : memref<8064xi32, #tpu.memory_space<hbm>>) target(%arg9 : memref<8064xi32, #tpu.memory_space<vmem>>) target_semaphore(%arg18 : memref<!tpu.dma_semaphore, #tpu.memory_space<semaphore_mem>>)
    %dma_wait3A_606 = arith.constant 0 : i32
    %dma_wait3A_607 = arith.constant 0 : i32
    %dma_wait3A_608 = tpu.memref_slice %arg3[%add3A_547, %dma_wait3A_606, %dma_wait3A_607] : memref<62500x3x128xf32, #tpu.memory_space<hbm>> -> memref<63x3x128xf32, #tpu.memory_space<hbm>>
    %dma_wait3A_609 = arith.constant 0 : i32
    %dma_wait3A_610 = arith.constant 0 : i32
    %dma_wait3A_611 = tpu.memref_slice %arg3[%add3A_547, %dma_wait3A_609, %dma_wait3A_610] : memref<62500x3x128xf32, #tpu.memory_space<hbm>> -> memref<63x3x128xf32, #tpu.memory_space<hbm>>
    tpu.wait_dma2 semaphore(%arg16 : memref<!tpu.dma_semaphore, #tpu.memory_space<semaphore_mem>>) src(%dma_wait3A_611 : memref<63x3x128xf32, #tpu.memory_space<hbm>>) dst(%arg7 : memref<63x3x128xf32, #tpu.memory_space<vmem>>)
    %dma_wait3A_612 = tpu.memref_slice %arg2[%mul3A_555] : memref<8000000xi32, #tpu.memory_space<hbm>> -> memref<8064xi32, #tpu.memory_space<hbm>>
    %dma_wait3A_613 = tpu.memref_slice %arg2[%mul3A_555] : memref<8000000xi32, #tpu.memory_space<hbm>> -> memref<8064xi32, #tpu.memory_space<hbm>>
    tpu.wait_dma2 semaphore(%arg19 : memref<!tpu.dma_semaphore, #tpu.memory_space<semaphore_mem>>) src(%dma_wait3A_613 : memref<8064xi32, #tpu.memory_space<hbm>>) dst(%arg10 : memref<8064xi32, #tpu.memory_space<vmem>>)
    %parallel_loop3A_614 = arith.constant 0 : i32
    %parallel_loop3A_615 = arith.constant 504 : i32
    %parallel_loop3A_616 = arith.constant 1 : i32
    %parallel_loop3A_617 = scf.for %parallel_loop3A_846 = %parallel_loop3A_614 to %parallel_loop3A_615 step %parallel_loop3A_616 iter_args(%parallel_loop3A_847 = %parallel_loop3A_593) -> (vector<16xf32>)  : i32 {
      %parallel_loop3A_848 = arith.constant 3 : i32
      %parallel_loop3A_849 = arith.shrsi %parallel_loop3A_846, %parallel_loop3A_848 : i32
      %parallel_loop3A_850 = arith.constant 7 : i32
      %parallel_loop3A_851 = arith.andi %parallel_loop3A_846, %parallel_loop3A_850 : i32
      %parallel_loop3A_852 = arith.constant 16 : i32
      %parallel_loop3A_853 = arith.muli %parallel_loop3A_851, %parallel_loop3A_852 : i32
      %parallel_loop3A_854 = arith.constant 0 : i32
      %parallel_loop3A_855 = arith.index_cast %parallel_loop3A_849 : i32 to index
      %parallel_loop3A_856 = arith.index_cast %parallel_loop3A_854 : i32 to index
      %parallel_loop3A_857 = arith.index_cast %parallel_loop3A_853 : i32 to index
      %parallel_loop3A_858 = tpu.vector_load %arg7[%parallel_loop3A_855, %parallel_loop3A_856, %parallel_loop3A_857] {strides = array<i32>} : memref<63x3x128xf32, #tpu.memory_space<vmem>>, vector<1x1x16xf32>,
      %parallel_loop3A_859 = vector.shape_cast %parallel_loop3A_858 : vector<1x1x16xf32> to vector<16xf32>
      %parallel_loop3A_860 = arith.constant 1 : i32
      %parallel_loop3A_861 = arith.index_cast %parallel_loop3A_849 : i32 to index
      %parallel_loop3A_862 = arith.index_cast %parallel_loop3A_860 : i32 to index
      %parallel_loop3A_863 = arith.index_cast %parallel_loop3A_853 : i32 to index
      %parallel_loop3A_864 = tpu.vector_load %arg7[%parallel_loop3A_861, %parallel_loop3A_862, %parallel_loop3A_863] {strides = array<i32>} : memref<63x3x128xf32, #tpu.memory_space<vmem>>, vector<1x1x16xf32>,
      %parallel_loop3A_865 = vector.shape_cast %parallel_loop3A_864 : vector<1x1x16xf32> to vector<16xf32>
      %parallel_loop3A_866 = arith.constant 2 : i32
      %parallel_loop3A_867 = arith.index_cast %parallel_loop3A_849 : i32 to index
      %parallel_loop3A_868 = arith.index_cast %parallel_loop3A_866 : i32 to index
      %parallel_loop3A_869 = arith.index_cast %parallel_loop3A_853 : i32 to index
      %parallel_loop3A_870 = tpu.vector_load %arg7[%parallel_loop3A_867, %parallel_loop3A_868, %parallel_loop3A_869] {strides = array<i32>} : memref<63x3x128xf32, #tpu.memory_space<vmem>>, vector<1x1x16xf32>,
      %parallel_loop3A_871 = vector.shape_cast %parallel_loop3A_870 : vector<1x1x16xf32> to vector<16xf32>
      %parallel_loop3A_872 = arith.constant 16 : i32
      %parallel_loop3A_873 = arith.muli %parallel_loop3A_846, %parallel_loop3A_872 : i32
      %parallel_loop3A_874 = arith.index_cast %parallel_loop3A_873 : i32 to index
      %parallel_loop3A_875 = tpu.vector_load %arg10[%parallel_loop3A_874] {strides = array<i32>} : memref<8064xi32, #tpu.memory_space<vmem>>, vector<16xi32>,
      %parallel_loop3A_876 = vector.shape_cast %parallel_loop3A_875 : vector<16xi32> to vector<16xi32>
      %parallel_loop3A_877 = arith.mulf %parallel_loop3A_859, %parallel_loop3A_859 : vector<16xf32>
      %parallel_loop3A_878 = arith.mulf %parallel_loop3A_865, %parallel_loop3A_865 : vector<16xf32>
      %parallel_loop3A_879 = arith.addf %parallel_loop3A_877, %parallel_loop3A_878 : vector<16xf32>
      %parallel_loop3A_880 = arith.mulf %parallel_loop3A_871, %parallel_loop3A_871 : vector<16xf32>
      %parallel_loop3A_881 = arith.addf %parallel_loop3A_879, %parallel_loop3A_880 : vector<16xf32>
      %parallel_loop3A_882 = arith.sitofp %parallel_loop3A_876 : vector<16xi32> to vector<16xf32>
      %parallel_loop3A_883 = arith.constant 1.600000e+01 : f32
      %parallel_loop3A_884 = vector.broadcast %parallel_loop3A_883 : f32 to vector<16xf32>
      %parallel_loop3A_885 = arith.mulf %parallel_loop3A_882, %parallel_loop3A_884 : vector<16xf32>
      %parallel_loop3A_886 = arith.addf %parallel_loop3A_881, %parallel_loop3A_885 : vector<16xf32>
      %parallel_loop3A_887 = arith.mulf %parallel_loop3A_886, %parallel_loop3A_886 : vector<16xf32>
      %parallel_loop3A_888 = arith.mulf %parallel_loop3A_887, %parallel_loop3A_886 : vector<16xf32>
      %parallel_loop3A_889 = arith.constant 1.000000e+00 : f32
      %parallel_loop3A_890 = vector.broadcast %parallel_loop3A_889 : f32 to vector<16xf32>
      %parallel_loop3A_891 = arith.divf %parallel_loop3A_890, %parallel_loop3A_888 : vector<16xf32>
      %parallel_loop3A_892 = arith.constant 0.00137174211 : f32
      %parallel_loop3A_893 = vector.broadcast %parallel_loop3A_892 : f32 to vector<16xf32>
      %parallel_loop3A_894 = arith.maximumf %parallel_loop3A_891, %parallel_loop3A_893 : vector<16xf32>
      %parallel_loop3A_895 = arith.constant 0.00137174211 : f32
      %parallel_loop3A_896 = vector.broadcast %parallel_loop3A_895 : f32 to vector<16xf32>
      %parallel_loop3A_897 = arith.subf %parallel_loop3A_894, %parallel_loop3A_896 : vector<16xf32>
      %parallel_loop3A_898 = arith.constant -0.998628258 : f32
      %parallel_loop3A_899 = vector.broadcast %parallel_loop3A_898 : f32 to vector<16xf32>
      %parallel_loop3A_900 = arith.addf %parallel_loop3A_894, %parallel_loop3A_899 : vector<16xf32>
      %parallel_loop3A_901 = arith.mulf %parallel_loop3A_897, %parallel_loop3A_900 : vector<16xf32>
      %parallel_loop3A_902 = arith.addf %parallel_loop3A_847, %parallel_loop3A_901 : vector<16xf32>
      scf.yield %parallel_loop3A_902 : vector<16xf32>
    } {sc.loop_unroll_factor = 8 : i64, sc.parallel_access}
    %add3A_618 = arith.constant 1071 : i32
    %add3A_619 = arith.addi %add3A_6, %add3A_618 : i32
    %dma_start3A_620 = arith.constant 0 : i32
    %dma_start3A_621 = arith.constant 0 : i32
    %dma_start3A_622 = tpu.memref_slice %arg3[%add3A_619, %dma_start3A_620, %dma_start3A_621] : memref<62500x3x128xf32, #tpu.memory_space<hbm>> -> memref<63x3x128xf32, #tpu.memory_space<hbm>>
    %dma_start3A_623 = arith.constant 0 : i32
    %dma_start3A_624 = arith.constant 0 : i32
    %dma_start3A_625 = tpu.memref_slice %arg3[%add3A_619, %dma_start3A_623, %dma_start3A_624] : memref<62500x3x128xf32, #tpu.memory_space<hbm>> -> memref<63x3x128xf32, #tpu.memory_space<hbm>>
    tpu.enqueue_dma source(%dma_start3A_625 : memref<63x3x128xf32, #tpu.memory_space<hbm>>) target(%arg7 : memref<63x3x128xf32, #tpu.memory_space<vmem>>) target_semaphore(%arg16 : memref<!tpu.dma_semaphore, #tpu.memory_space<semaphore_mem>>)
    %mul3A_626 = arith.constant 128 : i32
    %mul3A_627 = arith.muli %add3A_619, %mul3A_626 : i32
    %dma_start3A_628 = tpu.memref_slice %arg2[%mul3A_627] : memref<8000000xi32, #tpu.memory_space<hbm>> -> memref<8064xi32, #tpu.memory_space<hbm>>
    %dma_start3A_629 = tpu.memref_slice %arg2[%mul3A_627] : memref<8000000xi32, #tpu.memory_space<hbm>> -> memref<8064xi32, #tpu.memory_space<hbm>>
    tpu.enqueue_dma source(%dma_start3A_629 : memref<8064xi32, #tpu.memory_space<hbm>>) target(%arg10 : memref<8064xi32, #tpu.memory_space<vmem>>) target_semaphore(%arg19 : memref<!tpu.dma_semaphore, #tpu.memory_space<semaphore_mem>>)
    %dma_wait3A_630 = arith.constant 0 : i32
    %dma_wait3A_631 = arith.constant 0 : i32
    %dma_wait3A_632 = tpu.memref_slice %arg3[%add3A_571, %dma_wait3A_630, %dma_wait3A_631] : memref<62500x3x128xf32, #tpu.memory_space<hbm>> -> memref<63x3x128xf32, #tpu.memory_space<hbm>>
    %dma_wait3A_633 = arith.constant 0 : i32
    %dma_wait3A_634 = arith.constant 0 : i32
    %dma_wait3A_635 = tpu.memref_slice %arg3[%add3A_571, %dma_wait3A_633, %dma_wait3A_634] : memref<62500x3x128xf32, #tpu.memory_space<hbm>> -> memref<63x3x128xf32, #tpu.memory_space<hbm>>
    tpu.wait_dma2 semaphore(%arg14 : memref<!tpu.dma_semaphore, #tpu.memory_space<semaphore_mem>>) src(%dma_wait3A_635 : memref<63x3x128xf32, #tpu.memory_space<hbm>>) dst(%arg5 : memref<63x3x128xf32, #tpu.memory_space<vmem>>)
    %dma_wait3A_636 = tpu.memref_slice %arg2[%mul3A_579] : memref<8000000xi32, #tpu.memory_space<hbm>> -> memref<8064xi32, #tpu.memory_space<hbm>>
    %dma_wait3A_637 = tpu.memref_slice %arg2[%mul3A_579] : memref<8000000xi32, #tpu.memory_space<hbm>> -> memref<8064xi32, #tpu.memory_space<hbm>>
    tpu.wait_dma2 semaphore(%arg17 : memref<!tpu.dma_semaphore, #tpu.memory_space<semaphore_mem>>) src(%dma_wait3A_637 : memref<8064xi32, #tpu.memory_space<hbm>>) dst(%arg8 : memref<8064xi32, #tpu.memory_space<vmem>>)
    %parallel_loop3A_638 = arith.constant 0 : i32
    %parallel_loop3A_639 = arith.constant 504 : i32
    %parallel_loop3A_640 = arith.constant 1 : i32
    %parallel_loop3A_641 = scf.for %parallel_loop3A_846 = %parallel_loop3A_638 to %parallel_loop3A_639 step %parallel_loop3A_640 iter_args(%parallel_loop3A_847 = %parallel_loop3A_617) -> (vector<16xf32>)  : i32 {
      %parallel_loop3A_848 = arith.constant 3 : i32
      %parallel_loop3A_849 = arith.shrsi %parallel_loop3A_846, %parallel_loop3A_848 : i32
      %parallel_loop3A_850 = arith.constant 7 : i32
      %parallel_loop3A_851 = arith.andi %parallel_loop3A_846, %parallel_loop3A_850 : i32
      %parallel_loop3A_852 = arith.constant 16 : i32
      %parallel_loop3A_853 = arith.muli %parallel_loop3A_851, %parallel_loop3A_852 : i32
      %parallel_loop3A_854 = arith.constant 0 : i32
      %parallel_loop3A_855 = arith.index_cast %parallel_loop3A_849 : i32 to index
      %parallel_loop3A_856 = arith.index_cast %parallel_loop3A_854 : i32 to index
      %parallel_loop3A_857 = arith.index_cast %parallel_loop3A_853 : i32 to index
      %parallel_loop3A_858 = tpu.vector_load %arg5[%parallel_loop3A_855, %parallel_loop3A_856, %parallel_loop3A_857] {strides = array<i32>} : memref<63x3x128xf32, #tpu.memory_space<vmem>>, vector<1x1x16xf32>,
      %parallel_loop3A_859 = vector.shape_cast %parallel_loop3A_858 : vector<1x1x16xf32> to vector<16xf32>
      %parallel_loop3A_860 = arith.constant 1 : i32
      %parallel_loop3A_861 = arith.index_cast %parallel_loop3A_849 : i32 to index
      %parallel_loop3A_862 = arith.index_cast %parallel_loop3A_860 : i32 to index
      %parallel_loop3A_863 = arith.index_cast %parallel_loop3A_853 : i32 to index
      %parallel_loop3A_864 = tpu.vector_load %arg5[%parallel_loop3A_861, %parallel_loop3A_862, %parallel_loop3A_863] {strides = array<i32>} : memref<63x3x128xf32, #tpu.memory_space<vmem>>, vector<1x1x16xf32>,
      %parallel_loop3A_865 = vector.shape_cast %parallel_loop3A_864 : vector<1x1x16xf32> to vector<16xf32>
      %parallel_loop3A_866 = arith.constant 2 : i32
      %parallel_loop3A_867 = arith.index_cast %parallel_loop3A_849 : i32 to index
      %parallel_loop3A_868 = arith.index_cast %parallel_loop3A_866 : i32 to index
      %parallel_loop3A_869 = arith.index_cast %parallel_loop3A_853 : i32 to index
      %parallel_loop3A_870 = tpu.vector_load %arg5[%parallel_loop3A_867, %parallel_loop3A_868, %parallel_loop3A_869] {strides = array<i32>} : memref<63x3x128xf32, #tpu.memory_space<vmem>>, vector<1x1x16xf32>,
      %parallel_loop3A_871 = vector.shape_cast %parallel_loop3A_870 : vector<1x1x16xf32> to vector<16xf32>
      %parallel_loop3A_872 = arith.constant 16 : i32
      %parallel_loop3A_873 = arith.muli %parallel_loop3A_846, %parallel_loop3A_872 : i32
      %parallel_loop3A_874 = arith.index_cast %parallel_loop3A_873 : i32 to index
      %parallel_loop3A_875 = tpu.vector_load %arg8[%parallel_loop3A_874] {strides = array<i32>} : memref<8064xi32, #tpu.memory_space<vmem>>, vector<16xi32>,
      %parallel_loop3A_876 = vector.shape_cast %parallel_loop3A_875 : vector<16xi32> to vector<16xi32>
      %parallel_loop3A_877 = arith.mulf %parallel_loop3A_859, %parallel_loop3A_859 : vector<16xf32>
      %parallel_loop3A_878 = arith.mulf %parallel_loop3A_865, %parallel_loop3A_865 : vector<16xf32>
      %parallel_loop3A_879 = arith.addf %parallel_loop3A_877, %parallel_loop3A_878 : vector<16xf32>
      %parallel_loop3A_880 = arith.mulf %parallel_loop3A_871, %parallel_loop3A_871 : vector<16xf32>
      %parallel_loop3A_881 = arith.addf %parallel_loop3A_879, %parallel_loop3A_880 : vector<16xf32>
      %parallel_loop3A_882 = arith.sitofp %parallel_loop3A_876 : vector<16xi32> to vector<16xf32>
      %parallel_loop3A_883 = arith.constant 1.600000e+01 : f32
      %parallel_loop3A_884 = vector.broadcast %parallel_loop3A_883 : f32 to vector<16xf32>
      %parallel_loop3A_885 = arith.mulf %parallel_loop3A_882, %parallel_loop3A_884 : vector<16xf32>
      %parallel_loop3A_886 = arith.addf %parallel_loop3A_881, %parallel_loop3A_885 : vector<16xf32>
      %parallel_loop3A_887 = arith.mulf %parallel_loop3A_886, %parallel_loop3A_886 : vector<16xf32>
      %parallel_loop3A_888 = arith.mulf %parallel_loop3A_887, %parallel_loop3A_886 : vector<16xf32>
      %parallel_loop3A_889 = arith.constant 1.000000e+00 : f32
      %parallel_loop3A_890 = vector.broadcast %parallel_loop3A_889 : f32 to vector<16xf32>
      %parallel_loop3A_891 = arith.divf %parallel_loop3A_890, %parallel_loop3A_888 : vector<16xf32>
      %parallel_loop3A_892 = arith.constant 0.00137174211 : f32
      %parallel_loop3A_893 = vector.broadcast %parallel_loop3A_892 : f32 to vector<16xf32>
      %parallel_loop3A_894 = arith.maximumf %parallel_loop3A_891, %parallel_loop3A_893 : vector<16xf32>
      %parallel_loop3A_895 = arith.constant 0.00137174211 : f32
      %parallel_loop3A_896 = vector.broadcast %parallel_loop3A_895 : f32 to vector<16xf32>
      %parallel_loop3A_897 = arith.subf %parallel_loop3A_894, %parallel_loop3A_896 : vector<16xf32>
      %parallel_loop3A_898 = arith.constant -0.998628258 : f32
      %parallel_loop3A_899 = vector.broadcast %parallel_loop3A_898 : f32 to vector<16xf32>
      %parallel_loop3A_900 = arith.addf %parallel_loop3A_894, %parallel_loop3A_899 : vector<16xf32>
      %parallel_loop3A_901 = arith.mulf %parallel_loop3A_897, %parallel_loop3A_900 : vector<16xf32>
      %parallel_loop3A_902 = arith.addf %parallel_loop3A_847, %parallel_loop3A_901 : vector<16xf32>
      scf.yield %parallel_loop3A_902 : vector<16xf32>
    } {sc.loop_unroll_factor = 8 : i64, sc.parallel_access}
    %add3A_642 = arith.constant 1134 : i32
    %add3A_643 = arith.addi %add3A_6, %add3A_642 : i32
    %dma_start3A_644 = arith.constant 0 : i32
    %dma_start3A_645 = arith.constant 0 : i32
    %dma_start3A_646 = tpu.memref_slice %arg3[%add3A_643, %dma_start3A_644, %dma_start3A_645] : memref<62500x3x128xf32, #tpu.memory_space<hbm>> -> memref<63x3x128xf32, #tpu.memory_space<hbm>>
    %dma_start3A_647 = arith.constant 0 : i32
    %dma_start3A_648 = arith.constant 0 : i32
    %dma_start3A_649 = tpu.memref_slice %arg3[%add3A_643, %dma_start3A_647, %dma_start3A_648] : memref<62500x3x128xf32, #tpu.memory_space<hbm>> -> memref<63x3x128xf32, #tpu.memory_space<hbm>>
    tpu.enqueue_dma source(%dma_start3A_649 : memref<63x3x128xf32, #tpu.memory_space<hbm>>) target(%arg5 : memref<63x3x128xf32, #tpu.memory_space<vmem>>) target_semaphore(%arg14 : memref<!tpu.dma_semaphore, #tpu.memory_space<semaphore_mem>>)
    %mul3A_650 = arith.constant 128 : i32
    %mul3A_651 = arith.muli %add3A_643, %mul3A_650 : i32
    %dma_start3A_652 = tpu.memref_slice %arg2[%mul3A_651] : memref<8000000xi32, #tpu.memory_space<hbm>> -> memref<8064xi32, #tpu.memory_space<hbm>>
    %dma_start3A_653 = tpu.memref_slice %arg2[%mul3A_651] : memref<8000000xi32, #tpu.memory_space<hbm>> -> memref<8064xi32, #tpu.memory_space<hbm>>
    tpu.enqueue_dma source(%dma_start3A_653 : memref<8064xi32, #tpu.memory_space<hbm>>) target(%arg8 : memref<8064xi32, #tpu.memory_space<vmem>>) target_semaphore(%arg17 : memref<!tpu.dma_semaphore, #tpu.memory_space<semaphore_mem>>)
    %dma_wait3A_654 = arith.constant 0 : i32
    %dma_wait3A_655 = arith.constant 0 : i32
    %dma_wait3A_656 = tpu.memref_slice %arg3[%add3A_595, %dma_wait3A_654, %dma_wait3A_655] : memref<62500x3x128xf32, #tpu.memory_space<hbm>> -> memref<63x3x128xf32, #tpu.memory_space<hbm>>
    %dma_wait3A_657 = arith.constant 0 : i32
    %dma_wait3A_658 = arith.constant 0 : i32
    %dma_wait3A_659 = tpu.memref_slice %arg3[%add3A_595, %dma_wait3A_657, %dma_wait3A_658] : memref<62500x3x128xf32, #tpu.memory_space<hbm>> -> memref<63x3x128xf32, #tpu.memory_space<hbm>>
    tpu.wait_dma2 semaphore(%arg15 : memref<!tpu.dma_semaphore, #tpu.memory_space<semaphore_mem>>) src(%dma_wait3A_659 : memref<63x3x128xf32, #tpu.memory_space<hbm>>) dst(%arg6 : memref<63x3x128xf32, #tpu.memory_space<vmem>>)
    %dma_wait3A_660 = tpu.memref_slice %arg2[%mul3A_603] : memref<8000000xi32, #tpu.memory_space<hbm>> -> memref<8064xi32, #tpu.memory_space<hbm>>
    %dma_wait3A_661 = tpu.memref_slice %arg2[%mul3A_603] : memref<8000000xi32, #tpu.memory_space<hbm>> -> memref<8064xi32, #tpu.memory_space<hbm>>
    tpu.wait_dma2 semaphore(%arg18 : memref<!tpu.dma_semaphore, #tpu.memory_space<semaphore_mem>>) src(%dma_wait3A_661 : memref<8064xi32, #tpu.memory_space<hbm>>) dst(%arg9 : memref<8064xi32, #tpu.memory_space<vmem>>)
    %parallel_loop3A_662 = arith.constant 0 : i32
    %parallel_loop3A_663 = arith.constant 504 : i32
    %parallel_loop3A_664 = arith.constant 1 : i32
    %parallel_loop3A_665 = scf.for %parallel_loop3A_846 = %parallel_loop3A_662 to %parallel_loop3A_663 step %parallel_loop3A_664 iter_args(%parallel_loop3A_847 = %parallel_loop3A_641) -> (vector<16xf32>)  : i32 {
      %parallel_loop3A_848 = arith.constant 3 : i32
      %parallel_loop3A_849 = arith.shrsi %parallel_loop3A_846, %parallel_loop3A_848 : i32
      %parallel_loop3A_850 = arith.constant 7 : i32
      %parallel_loop3A_851 = arith.andi %parallel_loop3A_846, %parallel_loop3A_850 : i32
      %parallel_loop3A_852 = arith.constant 16 : i32
      %parallel_loop3A_853 = arith.muli %parallel_loop3A_851, %parallel_loop3A_852 : i32
      %parallel_loop3A_854 = arith.constant 0 : i32
      %parallel_loop3A_855 = arith.index_cast %parallel_loop3A_849 : i32 to index
      %parallel_loop3A_856 = arith.index_cast %parallel_loop3A_854 : i32 to index
      %parallel_loop3A_857 = arith.index_cast %parallel_loop3A_853 : i32 to index
      %parallel_loop3A_858 = tpu.vector_load %arg6[%parallel_loop3A_855, %parallel_loop3A_856, %parallel_loop3A_857] {strides = array<i32>} : memref<63x3x128xf32, #tpu.memory_space<vmem>>, vector<1x1x16xf32>,
      %parallel_loop3A_859 = vector.shape_cast %parallel_loop3A_858 : vector<1x1x16xf32> to vector<16xf32>
      %parallel_loop3A_860 = arith.constant 1 : i32
      %parallel_loop3A_861 = arith.index_cast %parallel_loop3A_849 : i32 to index
      %parallel_loop3A_862 = arith.index_cast %parallel_loop3A_860 : i32 to index
      %parallel_loop3A_863 = arith.index_cast %parallel_loop3A_853 : i32 to index
      %parallel_loop3A_864 = tpu.vector_load %arg6[%parallel_loop3A_861, %parallel_loop3A_862, %parallel_loop3A_863] {strides = array<i32>} : memref<63x3x128xf32, #tpu.memory_space<vmem>>, vector<1x1x16xf32>,
      %parallel_loop3A_865 = vector.shape_cast %parallel_loop3A_864 : vector<1x1x16xf32> to vector<16xf32>
      %parallel_loop3A_866 = arith.constant 2 : i32
      %parallel_loop3A_867 = arith.index_cast %parallel_loop3A_849 : i32 to index
      %parallel_loop3A_868 = arith.index_cast %parallel_loop3A_866 : i32 to index
      %parallel_loop3A_869 = arith.index_cast %parallel_loop3A_853 : i32 to index
      %parallel_loop3A_870 = tpu.vector_load %arg6[%parallel_loop3A_867, %parallel_loop3A_868, %parallel_loop3A_869] {strides = array<i32>} : memref<63x3x128xf32, #tpu.memory_space<vmem>>, vector<1x1x16xf32>,
      %parallel_loop3A_871 = vector.shape_cast %parallel_loop3A_870 : vector<1x1x16xf32> to vector<16xf32>
      %parallel_loop3A_872 = arith.constant 16 : i32
      %parallel_loop3A_873 = arith.muli %parallel_loop3A_846, %parallel_loop3A_872 : i32
      %parallel_loop3A_874 = arith.index_cast %parallel_loop3A_873 : i32 to index
      %parallel_loop3A_875 = tpu.vector_load %arg9[%parallel_loop3A_874] {strides = array<i32>} : memref<8064xi32, #tpu.memory_space<vmem>>, vector<16xi32>,
      %parallel_loop3A_876 = vector.shape_cast %parallel_loop3A_875 : vector<16xi32> to vector<16xi32>
      %parallel_loop3A_877 = arith.mulf %parallel_loop3A_859, %parallel_loop3A_859 : vector<16xf32>
      %parallel_loop3A_878 = arith.mulf %parallel_loop3A_865, %parallel_loop3A_865 : vector<16xf32>
      %parallel_loop3A_879 = arith.addf %parallel_loop3A_877, %parallel_loop3A_878 : vector<16xf32>
      %parallel_loop3A_880 = arith.mulf %parallel_loop3A_871, %parallel_loop3A_871 : vector<16xf32>
      %parallel_loop3A_881 = arith.addf %parallel_loop3A_879, %parallel_loop3A_880 : vector<16xf32>
      %parallel_loop3A_882 = arith.sitofp %parallel_loop3A_876 : vector<16xi32> to vector<16xf32>
      %parallel_loop3A_883 = arith.constant 1.600000e+01 : f32
      %parallel_loop3A_884 = vector.broadcast %parallel_loop3A_883 : f32 to vector<16xf32>
      %parallel_loop3A_885 = arith.mulf %parallel_loop3A_882, %parallel_loop3A_884 : vector<16xf32>
      %parallel_loop3A_886 = arith.addf %parallel_loop3A_881, %parallel_loop3A_885 : vector<16xf32>
      %parallel_loop3A_887 = arith.mulf %parallel_loop3A_886, %parallel_loop3A_886 : vector<16xf32>
      %parallel_loop3A_888 = arith.mulf %parallel_loop3A_887, %parallel_loop3A_886 : vector<16xf32>
      %parallel_loop3A_889 = arith.constant 1.000000e+00 : f32
      %parallel_loop3A_890 = vector.broadcast %parallel_loop3A_889 : f32 to vector<16xf32>
      %parallel_loop3A_891 = arith.divf %parallel_loop3A_890, %parallel_loop3A_888 : vector<16xf32>
      %parallel_loop3A_892 = arith.constant 0.00137174211 : f32
      %parallel_loop3A_893 = vector.broadcast %parallel_loop3A_892 : f32 to vector<16xf32>
      %parallel_loop3A_894 = arith.maximumf %parallel_loop3A_891, %parallel_loop3A_893 : vector<16xf32>
      %parallel_loop3A_895 = arith.constant 0.00137174211 : f32
      %parallel_loop3A_896 = vector.broadcast %parallel_loop3A_895 : f32 to vector<16xf32>
      %parallel_loop3A_897 = arith.subf %parallel_loop3A_894, %parallel_loop3A_896 : vector<16xf32>
      %parallel_loop3A_898 = arith.constant -0.998628258 : f32
      %parallel_loop3A_899 = vector.broadcast %parallel_loop3A_898 : f32 to vector<16xf32>
      %parallel_loop3A_900 = arith.addf %parallel_loop3A_894, %parallel_loop3A_899 : vector<16xf32>
      %parallel_loop3A_901 = arith.mulf %parallel_loop3A_897, %parallel_loop3A_900 : vector<16xf32>
      %parallel_loop3A_902 = arith.addf %parallel_loop3A_847, %parallel_loop3A_901 : vector<16xf32>
      scf.yield %parallel_loop3A_902 : vector<16xf32>
    } {sc.loop_unroll_factor = 8 : i64, sc.parallel_access}
    %add3A_666 = arith.constant 1197 : i32
    %add3A_667 = arith.addi %add3A_6, %add3A_666 : i32
    %dma_start3A_668 = arith.constant 0 : i32
    %dma_start3A_669 = arith.constant 0 : i32
    %dma_start3A_670 = tpu.memref_slice %arg3[%add3A_667, %dma_start3A_668, %dma_start3A_669] : memref<62500x3x128xf32, #tpu.memory_space<hbm>> -> memref<63x3x128xf32, #tpu.memory_space<hbm>>
    %dma_start3A_671 = arith.constant 0 : i32
    %dma_start3A_672 = arith.constant 0 : i32
    %dma_start3A_673 = tpu.memref_slice %arg3[%add3A_667, %dma_start3A_671, %dma_start3A_672] : memref<62500x3x128xf32, #tpu.memory_space<hbm>> -> memref<63x3x128xf32, #tpu.memory_space<hbm>>
    tpu.enqueue_dma source(%dma_start3A_673 : memref<63x3x128xf32, #tpu.memory_space<hbm>>) target(%arg6 : memref<63x3x128xf32, #tpu.memory_space<vmem>>) target_semaphore(%arg15 : memref<!tpu.dma_semaphore, #tpu.memory_space<semaphore_mem>>)
    %mul3A_674 = arith.constant 128 : i32
    %mul3A_675 = arith.muli %add3A_667, %mul3A_674 : i32
    %dma_start3A_676 = tpu.memref_slice %arg2[%mul3A_675] : memref<8000000xi32, #tpu.memory_space<hbm>> -> memref<8064xi32, #tpu.memory_space<hbm>>
    %dma_start3A_677 = tpu.memref_slice %arg2[%mul3A_675] : memref<8000000xi32, #tpu.memory_space<hbm>> -> memref<8064xi32, #tpu.memory_space<hbm>>
    tpu.enqueue_dma source(%dma_start3A_677 : memref<8064xi32, #tpu.memory_space<hbm>>) target(%arg9 : memref<8064xi32, #tpu.memory_space<vmem>>) target_semaphore(%arg18 : memref<!tpu.dma_semaphore, #tpu.memory_space<semaphore_mem>>)
    %dma_wait3A_678 = arith.constant 0 : i32
    %dma_wait3A_679 = arith.constant 0 : i32
    %dma_wait3A_680 = tpu.memref_slice %arg3[%add3A_619, %dma_wait3A_678, %dma_wait3A_679] : memref<62500x3x128xf32, #tpu.memory_space<hbm>> -> memref<63x3x128xf32, #tpu.memory_space<hbm>>
    %dma_wait3A_681 = arith.constant 0 : i32
    %dma_wait3A_682 = arith.constant 0 : i32
    %dma_wait3A_683 = tpu.memref_slice %arg3[%add3A_619, %dma_wait3A_681, %dma_wait3A_682] : memref<62500x3x128xf32, #tpu.memory_space<hbm>> -> memref<63x3x128xf32, #tpu.memory_space<hbm>>
    tpu.wait_dma2 semaphore(%arg16 : memref<!tpu.dma_semaphore, #tpu.memory_space<semaphore_mem>>) src(%dma_wait3A_683 : memref<63x3x128xf32, #tpu.memory_space<hbm>>) dst(%arg7 : memref<63x3x128xf32, #tpu.memory_space<vmem>>)
    %dma_wait3A_684 = tpu.memref_slice %arg2[%mul3A_627] : memref<8000000xi32, #tpu.memory_space<hbm>> -> memref<8064xi32, #tpu.memory_space<hbm>>
    %dma_wait3A_685 = tpu.memref_slice %arg2[%mul3A_627] : memref<8000000xi32, #tpu.memory_space<hbm>> -> memref<8064xi32, #tpu.memory_space<hbm>>
    tpu.wait_dma2 semaphore(%arg19 : memref<!tpu.dma_semaphore, #tpu.memory_space<semaphore_mem>>) src(%dma_wait3A_685 : memref<8064xi32, #tpu.memory_space<hbm>>) dst(%arg10 : memref<8064xi32, #tpu.memory_space<vmem>>)
    %parallel_loop3A_686 = arith.constant 0 : i32
    %parallel_loop3A_687 = arith.constant 504 : i32
    %parallel_loop3A_688 = arith.constant 1 : i32
    %parallel_loop3A_689 = scf.for %parallel_loop3A_846 = %parallel_loop3A_686 to %parallel_loop3A_687 step %parallel_loop3A_688 iter_args(%parallel_loop3A_847 = %parallel_loop3A_665) -> (vector<16xf32>)  : i32 {
      %parallel_loop3A_848 = arith.constant 3 : i32
      %parallel_loop3A_849 = arith.shrsi %parallel_loop3A_846, %parallel_loop3A_848 : i32
      %parallel_loop3A_850 = arith.constant 7 : i32
      %parallel_loop3A_851 = arith.andi %parallel_loop3A_846, %parallel_loop3A_850 : i32
      %parallel_loop3A_852 = arith.constant 16 : i32
      %parallel_loop3A_853 = arith.muli %parallel_loop3A_851, %parallel_loop3A_852 : i32
      %parallel_loop3A_854 = arith.constant 0 : i32
      %parallel_loop3A_855 = arith.index_cast %parallel_loop3A_849 : i32 to index
      %parallel_loop3A_856 = arith.index_cast %parallel_loop3A_854 : i32 to index
      %parallel_loop3A_857 = arith.index_cast %parallel_loop3A_853 : i32 to index
      %parallel_loop3A_858 = tpu.vector_load %arg7[%parallel_loop3A_855, %parallel_loop3A_856, %parallel_loop3A_857] {strides = array<i32>} : memref<63x3x128xf32, #tpu.memory_space<vmem>>, vector<1x1x16xf32>,
      %parallel_loop3A_859 = vector.shape_cast %parallel_loop3A_858 : vector<1x1x16xf32> to vector<16xf32>
      %parallel_loop3A_860 = arith.constant 1 : i32
      %parallel_loop3A_861 = arith.index_cast %parallel_loop3A_849 : i32 to index
      %parallel_loop3A_862 = arith.index_cast %parallel_loop3A_860 : i32 to index
      %parallel_loop3A_863 = arith.index_cast %parallel_loop3A_853 : i32 to index
      %parallel_loop3A_864 = tpu.vector_load %arg7[%parallel_loop3A_861, %parallel_loop3A_862, %parallel_loop3A_863] {strides = array<i32>} : memref<63x3x128xf32, #tpu.memory_space<vmem>>, vector<1x1x16xf32>,
      %parallel_loop3A_865 = vector.shape_cast %parallel_loop3A_864 : vector<1x1x16xf32> to vector<16xf32>
      %parallel_loop3A_866 = arith.constant 2 : i32
      %parallel_loop3A_867 = arith.index_cast %parallel_loop3A_849 : i32 to index
      %parallel_loop3A_868 = arith.index_cast %parallel_loop3A_866 : i32 to index
      %parallel_loop3A_869 = arith.index_cast %parallel_loop3A_853 : i32 to index
      %parallel_loop3A_870 = tpu.vector_load %arg7[%parallel_loop3A_867, %parallel_loop3A_868, %parallel_loop3A_869] {strides = array<i32>} : memref<63x3x128xf32, #tpu.memory_space<vmem>>, vector<1x1x16xf32>,
      %parallel_loop3A_871 = vector.shape_cast %parallel_loop3A_870 : vector<1x1x16xf32> to vector<16xf32>
      %parallel_loop3A_872 = arith.constant 16 : i32
      %parallel_loop3A_873 = arith.muli %parallel_loop3A_846, %parallel_loop3A_872 : i32
      %parallel_loop3A_874 = arith.index_cast %parallel_loop3A_873 : i32 to index
      %parallel_loop3A_875 = tpu.vector_load %arg10[%parallel_loop3A_874] {strides = array<i32>} : memref<8064xi32, #tpu.memory_space<vmem>>, vector<16xi32>,
      %parallel_loop3A_876 = vector.shape_cast %parallel_loop3A_875 : vector<16xi32> to vector<16xi32>
      %parallel_loop3A_877 = arith.mulf %parallel_loop3A_859, %parallel_loop3A_859 : vector<16xf32>
      %parallel_loop3A_878 = arith.mulf %parallel_loop3A_865, %parallel_loop3A_865 : vector<16xf32>
      %parallel_loop3A_879 = arith.addf %parallel_loop3A_877, %parallel_loop3A_878 : vector<16xf32>
      %parallel_loop3A_880 = arith.mulf %parallel_loop3A_871, %parallel_loop3A_871 : vector<16xf32>
      %parallel_loop3A_881 = arith.addf %parallel_loop3A_879, %parallel_loop3A_880 : vector<16xf32>
      %parallel_loop3A_882 = arith.sitofp %parallel_loop3A_876 : vector<16xi32> to vector<16xf32>
      %parallel_loop3A_883 = arith.constant 1.600000e+01 : f32
      %parallel_loop3A_884 = vector.broadcast %parallel_loop3A_883 : f32 to vector<16xf32>
      %parallel_loop3A_885 = arith.mulf %parallel_loop3A_882, %parallel_loop3A_884 : vector<16xf32>
      %parallel_loop3A_886 = arith.addf %parallel_loop3A_881, %parallel_loop3A_885 : vector<16xf32>
      %parallel_loop3A_887 = arith.mulf %parallel_loop3A_886, %parallel_loop3A_886 : vector<16xf32>
      %parallel_loop3A_888 = arith.mulf %parallel_loop3A_887, %parallel_loop3A_886 : vector<16xf32>
      %parallel_loop3A_889 = arith.constant 1.000000e+00 : f32
      %parallel_loop3A_890 = vector.broadcast %parallel_loop3A_889 : f32 to vector<16xf32>
      %parallel_loop3A_891 = arith.divf %parallel_loop3A_890, %parallel_loop3A_888 : vector<16xf32>
      %parallel_loop3A_892 = arith.constant 0.00137174211 : f32
      %parallel_loop3A_893 = vector.broadcast %parallel_loop3A_892 : f32 to vector<16xf32>
      %parallel_loop3A_894 = arith.maximumf %parallel_loop3A_891, %parallel_loop3A_893 : vector<16xf32>
      %parallel_loop3A_895 = arith.constant 0.00137174211 : f32
      %parallel_loop3A_896 = vector.broadcast %parallel_loop3A_895 : f32 to vector<16xf32>
      %parallel_loop3A_897 = arith.subf %parallel_loop3A_894, %parallel_loop3A_896 : vector<16xf32>
      %parallel_loop3A_898 = arith.constant -0.998628258 : f32
      %parallel_loop3A_899 = vector.broadcast %parallel_loop3A_898 : f32 to vector<16xf32>
      %parallel_loop3A_900 = arith.addf %parallel_loop3A_894, %parallel_loop3A_899 : vector<16xf32>
      %parallel_loop3A_901 = arith.mulf %parallel_loop3A_897, %parallel_loop3A_900 : vector<16xf32>
      %parallel_loop3A_902 = arith.addf %parallel_loop3A_847, %parallel_loop3A_901 : vector<16xf32>
      scf.yield %parallel_loop3A_902 : vector<16xf32>
    } {sc.loop_unroll_factor = 8 : i64, sc.parallel_access}
    %add3A_690 = arith.constant 1260 : i32
    %add3A_691 = arith.addi %add3A_6, %add3A_690 : i32
    %dma_start3A_692 = arith.constant 0 : i32
    %dma_start3A_693 = arith.constant 0 : i32
    %dma_start3A_694 = tpu.memref_slice %arg3[%add3A_691, %dma_start3A_692, %dma_start3A_693] : memref<62500x3x128xf32, #tpu.memory_space<hbm>> -> memref<63x3x128xf32, #tpu.memory_space<hbm>>
    %dma_start3A_695 = arith.constant 0 : i32
    %dma_start3A_696 = arith.constant 0 : i32
    %dma_start3A_697 = tpu.memref_slice %arg3[%add3A_691, %dma_start3A_695, %dma_start3A_696] : memref<62500x3x128xf32, #tpu.memory_space<hbm>> -> memref<63x3x128xf32, #tpu.memory_space<hbm>>
    tpu.enqueue_dma source(%dma_start3A_697 : memref<63x3x128xf32, #tpu.memory_space<hbm>>) target(%arg7 : memref<63x3x128xf32, #tpu.memory_space<vmem>>) target_semaphore(%arg16 : memref<!tpu.dma_semaphore, #tpu.memory_space<semaphore_mem>>)
    %mul3A_698 = arith.constant 128 : i32
    %mul3A_699 = arith.muli %add3A_691, %mul3A_698 : i32
    %dma_start3A_700 = tpu.memref_slice %arg2[%mul3A_699] : memref<8000000xi32, #tpu.memory_space<hbm>> -> memref<8064xi32, #tpu.memory_space<hbm>>
    %dma_start3A_701 = tpu.memref_slice %arg2[%mul3A_699] : memref<8000000xi32, #tpu.memory_space<hbm>> -> memref<8064xi32, #tpu.memory_space<hbm>>
    tpu.enqueue_dma source(%dma_start3A_701 : memref<8064xi32, #tpu.memory_space<hbm>>) target(%arg10 : memref<8064xi32, #tpu.memory_space<vmem>>) target_semaphore(%arg19 : memref<!tpu.dma_semaphore, #tpu.memory_space<semaphore_mem>>)
    %dma_wait3A_702 = arith.constant 0 : i32
    %dma_wait3A_703 = arith.constant 0 : i32
    %dma_wait3A_704 = tpu.memref_slice %arg3[%add3A_643, %dma_wait3A_702, %dma_wait3A_703] : memref<62500x3x128xf32, #tpu.memory_space<hbm>> -> memref<63x3x128xf32, #tpu.memory_space<hbm>>
    %dma_wait3A_705 = arith.constant 0 : i32
    %dma_wait3A_706 = arith.constant 0 : i32
    %dma_wait3A_707 = tpu.memref_slice %arg3[%add3A_643, %dma_wait3A_705, %dma_wait3A_706] : memref<62500x3x128xf32, #tpu.memory_space<hbm>> -> memref<63x3x128xf32, #tpu.memory_space<hbm>>
    tpu.wait_dma2 semaphore(%arg14 : memref<!tpu.dma_semaphore, #tpu.memory_space<semaphore_mem>>) src(%dma_wait3A_707 : memref<63x3x128xf32, #tpu.memory_space<hbm>>) dst(%arg5 : memref<63x3x128xf32, #tpu.memory_space<vmem>>)
    %dma_wait3A_708 = tpu.memref_slice %arg2[%mul3A_651] : memref<8000000xi32, #tpu.memory_space<hbm>> -> memref<8064xi32, #tpu.memory_space<hbm>>
    %dma_wait3A_709 = tpu.memref_slice %arg2[%mul3A_651] : memref<8000000xi32, #tpu.memory_space<hbm>> -> memref<8064xi32, #tpu.memory_space<hbm>>
    tpu.wait_dma2 semaphore(%arg17 : memref<!tpu.dma_semaphore, #tpu.memory_space<semaphore_mem>>) src(%dma_wait3A_709 : memref<8064xi32, #tpu.memory_space<hbm>>) dst(%arg8 : memref<8064xi32, #tpu.memory_space<vmem>>)
    %parallel_loop3A_710 = arith.constant 0 : i32
    %parallel_loop3A_711 = arith.constant 504 : i32
    %parallel_loop3A_712 = arith.constant 1 : i32
    %parallel_loop3A_713 = scf.for %parallel_loop3A_846 = %parallel_loop3A_710 to %parallel_loop3A_711 step %parallel_loop3A_712 iter_args(%parallel_loop3A_847 = %parallel_loop3A_689) -> (vector<16xf32>)  : i32 {
      %parallel_loop3A_848 = arith.constant 3 : i32
      %parallel_loop3A_849 = arith.shrsi %parallel_loop3A_846, %parallel_loop3A_848 : i32
      %parallel_loop3A_850 = arith.constant 7 : i32
      %parallel_loop3A_851 = arith.andi %parallel_loop3A_846, %parallel_loop3A_850 : i32
      %parallel_loop3A_852 = arith.constant 16 : i32
      %parallel_loop3A_853 = arith.muli %parallel_loop3A_851, %parallel_loop3A_852 : i32
      %parallel_loop3A_854 = arith.constant 0 : i32
      %parallel_loop3A_855 = arith.index_cast %parallel_loop3A_849 : i32 to index
      %parallel_loop3A_856 = arith.index_cast %parallel_loop3A_854 : i32 to index
      %parallel_loop3A_857 = arith.index_cast %parallel_loop3A_853 : i32 to index
      %parallel_loop3A_858 = tpu.vector_load %arg5[%parallel_loop3A_855, %parallel_loop3A_856, %parallel_loop3A_857] {strides = array<i32>} : memref<63x3x128xf32, #tpu.memory_space<vmem>>, vector<1x1x16xf32>,
      %parallel_loop3A_859 = vector.shape_cast %parallel_loop3A_858 : vector<1x1x16xf32> to vector<16xf32>
      %parallel_loop3A_860 = arith.constant 1 : i32
      %parallel_loop3A_861 = arith.index_cast %parallel_loop3A_849 : i32 to index
      %parallel_loop3A_862 = arith.index_cast %parallel_loop3A_860 : i32 to index
      %parallel_loop3A_863 = arith.index_cast %parallel_loop3A_853 : i32 to index
      %parallel_loop3A_864 = tpu.vector_load %arg5[%parallel_loop3A_861, %parallel_loop3A_862, %parallel_loop3A_863] {strides = array<i32>} : memref<63x3x128xf32, #tpu.memory_space<vmem>>, vector<1x1x16xf32>,
      %parallel_loop3A_865 = vector.shape_cast %parallel_loop3A_864 : vector<1x1x16xf32> to vector<16xf32>
      %parallel_loop3A_866 = arith.constant 2 : i32
      %parallel_loop3A_867 = arith.index_cast %parallel_loop3A_849 : i32 to index
      %parallel_loop3A_868 = arith.index_cast %parallel_loop3A_866 : i32 to index
      %parallel_loop3A_869 = arith.index_cast %parallel_loop3A_853 : i32 to index
      %parallel_loop3A_870 = tpu.vector_load %arg5[%parallel_loop3A_867, %parallel_loop3A_868, %parallel_loop3A_869] {strides = array<i32>} : memref<63x3x128xf32, #tpu.memory_space<vmem>>, vector<1x1x16xf32>,
      %parallel_loop3A_871 = vector.shape_cast %parallel_loop3A_870 : vector<1x1x16xf32> to vector<16xf32>
      %parallel_loop3A_872 = arith.constant 16 : i32
      %parallel_loop3A_873 = arith.muli %parallel_loop3A_846, %parallel_loop3A_872 : i32
      %parallel_loop3A_874 = arith.index_cast %parallel_loop3A_873 : i32 to index
      %parallel_loop3A_875 = tpu.vector_load %arg8[%parallel_loop3A_874] {strides = array<i32>} : memref<8064xi32, #tpu.memory_space<vmem>>, vector<16xi32>,
      %parallel_loop3A_876 = vector.shape_cast %parallel_loop3A_875 : vector<16xi32> to vector<16xi32>
      %parallel_loop3A_877 = arith.mulf %parallel_loop3A_859, %parallel_loop3A_859 : vector<16xf32>
      %parallel_loop3A_878 = arith.mulf %parallel_loop3A_865, %parallel_loop3A_865 : vector<16xf32>
      %parallel_loop3A_879 = arith.addf %parallel_loop3A_877, %parallel_loop3A_878 : vector<16xf32>
      %parallel_loop3A_880 = arith.mulf %parallel_loop3A_871, %parallel_loop3A_871 : vector<16xf32>
      %parallel_loop3A_881 = arith.addf %parallel_loop3A_879, %parallel_loop3A_880 : vector<16xf32>
      %parallel_loop3A_882 = arith.sitofp %parallel_loop3A_876 : vector<16xi32> to vector<16xf32>
      %parallel_loop3A_883 = arith.constant 1.600000e+01 : f32
      %parallel_loop3A_884 = vector.broadcast %parallel_loop3A_883 : f32 to vector<16xf32>
      %parallel_loop3A_885 = arith.mulf %parallel_loop3A_882, %parallel_loop3A_884 : vector<16xf32>
      %parallel_loop3A_886 = arith.addf %parallel_loop3A_881, %parallel_loop3A_885 : vector<16xf32>
      %parallel_loop3A_887 = arith.mulf %parallel_loop3A_886, %parallel_loop3A_886 : vector<16xf32>
      %parallel_loop3A_888 = arith.mulf %parallel_loop3A_887, %parallel_loop3A_886 : vector<16xf32>
      %parallel_loop3A_889 = arith.constant 1.000000e+00 : f32
      %parallel_loop3A_890 = vector.broadcast %parallel_loop3A_889 : f32 to vector<16xf32>
      %parallel_loop3A_891 = arith.divf %parallel_loop3A_890, %parallel_loop3A_888 : vector<16xf32>
      %parallel_loop3A_892 = arith.constant 0.00137174211 : f32
      %parallel_loop3A_893 = vector.broadcast %parallel_loop3A_892 : f32 to vector<16xf32>
      %parallel_loop3A_894 = arith.maximumf %parallel_loop3A_891, %parallel_loop3A_893 : vector<16xf32>
      %parallel_loop3A_895 = arith.constant 0.00137174211 : f32
      %parallel_loop3A_896 = vector.broadcast %parallel_loop3A_895 : f32 to vector<16xf32>
      %parallel_loop3A_897 = arith.subf %parallel_loop3A_894, %parallel_loop3A_896 : vector<16xf32>
      %parallel_loop3A_898 = arith.constant -0.998628258 : f32
      %parallel_loop3A_899 = vector.broadcast %parallel_loop3A_898 : f32 to vector<16xf32>
      %parallel_loop3A_900 = arith.addf %parallel_loop3A_894, %parallel_loop3A_899 : vector<16xf32>
      %parallel_loop3A_901 = arith.mulf %parallel_loop3A_897, %parallel_loop3A_900 : vector<16xf32>
      %parallel_loop3A_902 = arith.addf %parallel_loop3A_847, %parallel_loop3A_901 : vector<16xf32>
      scf.yield %parallel_loop3A_902 : vector<16xf32>
    } {sc.loop_unroll_factor = 8 : i64, sc.parallel_access}
    %add3A_714 = arith.constant 1323 : i32
    %add3A_715 = arith.addi %add3A_6, %add3A_714 : i32
    %dma_start3A_716 = arith.constant 0 : i32
    %dma_start3A_717 = arith.constant 0 : i32
    %dma_start3A_718 = tpu.memref_slice %arg3[%add3A_715, %dma_start3A_716, %dma_start3A_717] : memref<62500x3x128xf32, #tpu.memory_space<hbm>> -> memref<63x3x128xf32, #tpu.memory_space<hbm>>
    %dma_start3A_719 = arith.constant 0 : i32
    %dma_start3A_720 = arith.constant 0 : i32
    %dma_start3A_721 = tpu.memref_slice %arg3[%add3A_715, %dma_start3A_719, %dma_start3A_720] : memref<62500x3x128xf32, #tpu.memory_space<hbm>> -> memref<63x3x128xf32, #tpu.memory_space<hbm>>
    tpu.enqueue_dma source(%dma_start3A_721 : memref<63x3x128xf32, #tpu.memory_space<hbm>>) target(%arg5 : memref<63x3x128xf32, #tpu.memory_space<vmem>>) target_semaphore(%arg14 : memref<!tpu.dma_semaphore, #tpu.memory_space<semaphore_mem>>)
    %mul3A_722 = arith.constant 128 : i32
    %mul3A_723 = arith.muli %add3A_715, %mul3A_722 : i32
    %dma_start3A_724 = tpu.memref_slice %arg2[%mul3A_723] : memref<8000000xi32, #tpu.memory_space<hbm>> -> memref<8064xi32, #tpu.memory_space<hbm>>
    %dma_start3A_725 = tpu.memref_slice %arg2[%mul3A_723] : memref<8000000xi32, #tpu.memory_space<hbm>> -> memref<8064xi32, #tpu.memory_space<hbm>>
    tpu.enqueue_dma source(%dma_start3A_725 : memref<8064xi32, #tpu.memory_space<hbm>>) target(%arg8 : memref<8064xi32, #tpu.memory_space<vmem>>) target_semaphore(%arg17 : memref<!tpu.dma_semaphore, #tpu.memory_space<semaphore_mem>>)
    %dma_wait3A_726 = arith.constant 0 : i32
    %dma_wait3A_727 = arith.constant 0 : i32
    %dma_wait3A_728 = tpu.memref_slice %arg3[%add3A_667, %dma_wait3A_726, %dma_wait3A_727] : memref<62500x3x128xf32, #tpu.memory_space<hbm>> -> memref<63x3x128xf32, #tpu.memory_space<hbm>>
    %dma_wait3A_729 = arith.constant 0 : i32
    %dma_wait3A_730 = arith.constant 0 : i32
    %dma_wait3A_731 = tpu.memref_slice %arg3[%add3A_667, %dma_wait3A_729, %dma_wait3A_730] : memref<62500x3x128xf32, #tpu.memory_space<hbm>> -> memref<63x3x128xf32, #tpu.memory_space<hbm>>
    tpu.wait_dma2 semaphore(%arg15 : memref<!tpu.dma_semaphore, #tpu.memory_space<semaphore_mem>>) src(%dma_wait3A_731 : memref<63x3x128xf32, #tpu.memory_space<hbm>>) dst(%arg6 : memref<63x3x128xf32, #tpu.memory_space<vmem>>)
    %dma_wait3A_732 = tpu.memref_slice %arg2[%mul3A_675] : memref<8000000xi32, #tpu.memory_space<hbm>> -> memref<8064xi32, #tpu.memory_space<hbm>>
    %dma_wait3A_733 = tpu.memref_slice %arg2[%mul3A_675] : memref<8000000xi32, #tpu.memory_space<hbm>> -> memref<8064xi32, #tpu.memory_space<hbm>>
    tpu.wait_dma2 semaphore(%arg18 : memref<!tpu.dma_semaphore, #tpu.memory_space<semaphore_mem>>) src(%dma_wait3A_733 : memref<8064xi32, #tpu.memory_space<hbm>>) dst(%arg9 : memref<8064xi32, #tpu.memory_space<vmem>>)
    %parallel_loop3A_734 = arith.constant 0 : i32
    %parallel_loop3A_735 = arith.constant 504 : i32
    %parallel_loop3A_736 = arith.constant 1 : i32
    %parallel_loop3A_737 = scf.for %parallel_loop3A_846 = %parallel_loop3A_734 to %parallel_loop3A_735 step %parallel_loop3A_736 iter_args(%parallel_loop3A_847 = %parallel_loop3A_713) -> (vector<16xf32>)  : i32 {
      %parallel_loop3A_848 = arith.constant 3 : i32
      %parallel_loop3A_849 = arith.shrsi %parallel_loop3A_846, %parallel_loop3A_848 : i32
      %parallel_loop3A_850 = arith.constant 7 : i32
      %parallel_loop3A_851 = arith.andi %parallel_loop3A_846, %parallel_loop3A_850 : i32
      %parallel_loop3A_852 = arith.constant 16 : i32
      %parallel_loop3A_853 = arith.muli %parallel_loop3A_851, %parallel_loop3A_852 : i32
      %parallel_loop3A_854 = arith.constant 0 : i32
      %parallel_loop3A_855 = arith.index_cast %parallel_loop3A_849 : i32 to index
      %parallel_loop3A_856 = arith.index_cast %parallel_loop3A_854 : i32 to index
      %parallel_loop3A_857 = arith.index_cast %parallel_loop3A_853 : i32 to index
      %parallel_loop3A_858 = tpu.vector_load %arg6[%parallel_loop3A_855, %parallel_loop3A_856, %parallel_loop3A_857] {strides = array<i32>} : memref<63x3x128xf32, #tpu.memory_space<vmem>>, vector<1x1x16xf32>,
      %parallel_loop3A_859 = vector.shape_cast %parallel_loop3A_858 : vector<1x1x16xf32> to vector<16xf32>
      %parallel_loop3A_860 = arith.constant 1 : i32
      %parallel_loop3A_861 = arith.index_cast %parallel_loop3A_849 : i32 to index
      %parallel_loop3A_862 = arith.index_cast %parallel_loop3A_860 : i32 to index
      %parallel_loop3A_863 = arith.index_cast %parallel_loop3A_853 : i32 to index
      %parallel_loop3A_864 = tpu.vector_load %arg6[%parallel_loop3A_861, %parallel_loop3A_862, %parallel_loop3A_863] {strides = array<i32>} : memref<63x3x128xf32, #tpu.memory_space<vmem>>, vector<1x1x16xf32>,
      %parallel_loop3A_865 = vector.shape_cast %parallel_loop3A_864 : vector<1x1x16xf32> to vector<16xf32>
      %parallel_loop3A_866 = arith.constant 2 : i32
      %parallel_loop3A_867 = arith.index_cast %parallel_loop3A_849 : i32 to index
      %parallel_loop3A_868 = arith.index_cast %parallel_loop3A_866 : i32 to index
      %parallel_loop3A_869 = arith.index_cast %parallel_loop3A_853 : i32 to index
      %parallel_loop3A_870 = tpu.vector_load %arg6[%parallel_loop3A_867, %parallel_loop3A_868, %parallel_loop3A_869] {strides = array<i32>} : memref<63x3x128xf32, #tpu.memory_space<vmem>>, vector<1x1x16xf32>,
      %parallel_loop3A_871 = vector.shape_cast %parallel_loop3A_870 : vector<1x1x16xf32> to vector<16xf32>
      %parallel_loop3A_872 = arith.constant 16 : i32
      %parallel_loop3A_873 = arith.muli %parallel_loop3A_846, %parallel_loop3A_872 : i32
      %parallel_loop3A_874 = arith.index_cast %parallel_loop3A_873 : i32 to index
      %parallel_loop3A_875 = tpu.vector_load %arg9[%parallel_loop3A_874] {strides = array<i32>} : memref<8064xi32, #tpu.memory_space<vmem>>, vector<16xi32>,
      %parallel_loop3A_876 = vector.shape_cast %parallel_loop3A_875 : vector<16xi32> to vector<16xi32>
      %parallel_loop3A_877 = arith.mulf %parallel_loop3A_859, %parallel_loop3A_859 : vector<16xf32>
      %parallel_loop3A_878 = arith.mulf %parallel_loop3A_865, %parallel_loop3A_865 : vector<16xf32>
      %parallel_loop3A_879 = arith.addf %parallel_loop3A_877, %parallel_loop3A_878 : vector<16xf32>
      %parallel_loop3A_880 = arith.mulf %parallel_loop3A_871, %parallel_loop3A_871 : vector<16xf32>
      %parallel_loop3A_881 = arith.addf %parallel_loop3A_879, %parallel_loop3A_880 : vector<16xf32>
      %parallel_loop3A_882 = arith.sitofp %parallel_loop3A_876 : vector<16xi32> to vector<16xf32>
      %parallel_loop3A_883 = arith.constant 1.600000e+01 : f32
      %parallel_loop3A_884 = vector.broadcast %parallel_loop3A_883 : f32 to vector<16xf32>
      %parallel_loop3A_885 = arith.mulf %parallel_loop3A_882, %parallel_loop3A_884 : vector<16xf32>
      %parallel_loop3A_886 = arith.addf %parallel_loop3A_881, %parallel_loop3A_885 : vector<16xf32>
      %parallel_loop3A_887 = arith.mulf %parallel_loop3A_886, %parallel_loop3A_886 : vector<16xf32>
      %parallel_loop3A_888 = arith.mulf %parallel_loop3A_887, %parallel_loop3A_886 : vector<16xf32>
      %parallel_loop3A_889 = arith.constant 1.000000e+00 : f32
      %parallel_loop3A_890 = vector.broadcast %parallel_loop3A_889 : f32 to vector<16xf32>
      %parallel_loop3A_891 = arith.divf %parallel_loop3A_890, %parallel_loop3A_888 : vector<16xf32>
      %parallel_loop3A_892 = arith.constant 0.00137174211 : f32
      %parallel_loop3A_893 = vector.broadcast %parallel_loop3A_892 : f32 to vector<16xf32>
      %parallel_loop3A_894 = arith.maximumf %parallel_loop3A_891, %parallel_loop3A_893 : vector<16xf32>
      %parallel_loop3A_895 = arith.constant 0.00137174211 : f32
      %parallel_loop3A_896 = vector.broadcast %parallel_loop3A_895 : f32 to vector<16xf32>
      %parallel_loop3A_897 = arith.subf %parallel_loop3A_894, %parallel_loop3A_896 : vector<16xf32>
      %parallel_loop3A_898 = arith.constant -0.998628258 : f32
      %parallel_loop3A_899 = vector.broadcast %parallel_loop3A_898 : f32 to vector<16xf32>
      %parallel_loop3A_900 = arith.addf %parallel_loop3A_894, %parallel_loop3A_899 : vector<16xf32>
      %parallel_loop3A_901 = arith.mulf %parallel_loop3A_897, %parallel_loop3A_900 : vector<16xf32>
      %parallel_loop3A_902 = arith.addf %parallel_loop3A_847, %parallel_loop3A_901 : vector<16xf32>
      scf.yield %parallel_loop3A_902 : vector<16xf32>
    } {sc.loop_unroll_factor = 8 : i64, sc.parallel_access}
    %add3A_738 = arith.constant 1386 : i32
    %add3A_739 = arith.addi %add3A_6, %add3A_738 : i32
    %dma_start3A_740 = arith.constant 0 : i32
    %dma_start3A_741 = arith.constant 0 : i32
    %dma_start3A_742 = tpu.memref_slice %arg3[%add3A_739, %dma_start3A_740, %dma_start3A_741] : memref<62500x3x128xf32, #tpu.memory_space<hbm>> -> memref<63x3x128xf32, #tpu.memory_space<hbm>>
    %dma_start3A_743 = arith.constant 0 : i32
    %dma_start3A_744 = arith.constant 0 : i32
    %dma_start3A_745 = tpu.memref_slice %arg3[%add3A_739, %dma_start3A_743, %dma_start3A_744] : memref<62500x3x128xf32, #tpu.memory_space<hbm>> -> memref<63x3x128xf32, #tpu.memory_space<hbm>>
    tpu.enqueue_dma source(%dma_start3A_745 : memref<63x3x128xf32, #tpu.memory_space<hbm>>) target(%arg6 : memref<63x3x128xf32, #tpu.memory_space<vmem>>) target_semaphore(%arg15 : memref<!tpu.dma_semaphore, #tpu.memory_space<semaphore_mem>>)
    %mul3A_746 = arith.constant 128 : i32
    %mul3A_747 = arith.muli %add3A_739, %mul3A_746 : i32
    %dma_start3A_748 = tpu.memref_slice %arg2[%mul3A_747] : memref<8000000xi32, #tpu.memory_space<hbm>> -> memref<8064xi32, #tpu.memory_space<hbm>>
    %dma_start3A_749 = tpu.memref_slice %arg2[%mul3A_747] : memref<8000000xi32, #tpu.memory_space<hbm>> -> memref<8064xi32, #tpu.memory_space<hbm>>
    tpu.enqueue_dma source(%dma_start3A_749 : memref<8064xi32, #tpu.memory_space<hbm>>) target(%arg9 : memref<8064xi32, #tpu.memory_space<vmem>>) target_semaphore(%arg18 : memref<!tpu.dma_semaphore, #tpu.memory_space<semaphore_mem>>)
    %dma_wait3A_750 = arith.constant 0 : i32
    %dma_wait3A_751 = arith.constant 0 : i32
    %dma_wait3A_752 = tpu.memref_slice %arg3[%add3A_691, %dma_wait3A_750, %dma_wait3A_751] : memref<62500x3x128xf32, #tpu.memory_space<hbm>> -> memref<63x3x128xf32, #tpu.memory_space<hbm>>
    %dma_wait3A_753 = arith.constant 0 : i32
    %dma_wait3A_754 = arith.constant 0 : i32
    %dma_wait3A_755 = tpu.memref_slice %arg3[%add3A_691, %dma_wait3A_753, %dma_wait3A_754] : memref<62500x3x128xf32, #tpu.memory_space<hbm>> -> memref<63x3x128xf32, #tpu.memory_space<hbm>>
    tpu.wait_dma2 semaphore(%arg16 : memref<!tpu.dma_semaphore, #tpu.memory_space<semaphore_mem>>) src(%dma_wait3A_755 : memref<63x3x128xf32, #tpu.memory_space<hbm>>) dst(%arg7 : memref<63x3x128xf32, #tpu.memory_space<vmem>>)
    %dma_wait3A_756 = tpu.memref_slice %arg2[%mul3A_699] : memref<8000000xi32, #tpu.memory_space<hbm>> -> memref<8064xi32, #tpu.memory_space<hbm>>
    %dma_wait3A_757 = tpu.memref_slice %arg2[%mul3A_699] : memref<8000000xi32, #tpu.memory_space<hbm>> -> memref<8064xi32, #tpu.memory_space<hbm>>
    tpu.wait_dma2 semaphore(%arg19 : memref<!tpu.dma_semaphore, #tpu.memory_space<semaphore_mem>>) src(%dma_wait3A_757 : memref<8064xi32, #tpu.memory_space<hbm>>) dst(%arg10 : memref<8064xi32, #tpu.memory_space<vmem>>)
    %parallel_loop3A_758 = arith.constant 0 : i32
    %parallel_loop3A_759 = arith.constant 504 : i32
    %parallel_loop3A_760 = arith.constant 1 : i32
    %parallel_loop3A_761 = scf.for %parallel_loop3A_846 = %parallel_loop3A_758 to %parallel_loop3A_759 step %parallel_loop3A_760 iter_args(%parallel_loop3A_847 = %parallel_loop3A_737) -> (vector<16xf32>)  : i32 {
      %parallel_loop3A_848 = arith.constant 3 : i32
      %parallel_loop3A_849 = arith.shrsi %parallel_loop3A_846, %parallel_loop3A_848 : i32
      %parallel_loop3A_850 = arith.constant 7 : i32
      %parallel_loop3A_851 = arith.andi %parallel_loop3A_846, %parallel_loop3A_850 : i32
      %parallel_loop3A_852 = arith.constant 16 : i32
      %parallel_loop3A_853 = arith.muli %parallel_loop3A_851, %parallel_loop3A_852 : i32
      %parallel_loop3A_854 = arith.constant 0 : i32
      %parallel_loop3A_855 = arith.index_cast %parallel_loop3A_849 : i32 to index
      %parallel_loop3A_856 = arith.index_cast %parallel_loop3A_854 : i32 to index
      %parallel_loop3A_857 = arith.index_cast %parallel_loop3A_853 : i32 to index
      %parallel_loop3A_858 = tpu.vector_load %arg7[%parallel_loop3A_855, %parallel_loop3A_856, %parallel_loop3A_857] {strides = array<i32>} : memref<63x3x128xf32, #tpu.memory_space<vmem>>, vector<1x1x16xf32>,
      %parallel_loop3A_859 = vector.shape_cast %parallel_loop3A_858 : vector<1x1x16xf32> to vector<16xf32>
      %parallel_loop3A_860 = arith.constant 1 : i32
      %parallel_loop3A_861 = arith.index_cast %parallel_loop3A_849 : i32 to index
      %parallel_loop3A_862 = arith.index_cast %parallel_loop3A_860 : i32 to index
      %parallel_loop3A_863 = arith.index_cast %parallel_loop3A_853 : i32 to index
      %parallel_loop3A_864 = tpu.vector_load %arg7[%parallel_loop3A_861, %parallel_loop3A_862, %parallel_loop3A_863] {strides = array<i32>} : memref<63x3x128xf32, #tpu.memory_space<vmem>>, vector<1x1x16xf32>,
      %parallel_loop3A_865 = vector.shape_cast %parallel_loop3A_864 : vector<1x1x16xf32> to vector<16xf32>
      %parallel_loop3A_866 = arith.constant 2 : i32
      %parallel_loop3A_867 = arith.index_cast %parallel_loop3A_849 : i32 to index
      %parallel_loop3A_868 = arith.index_cast %parallel_loop3A_866 : i32 to index
      %parallel_loop3A_869 = arith.index_cast %parallel_loop3A_853 : i32 to index
      %parallel_loop3A_870 = tpu.vector_load %arg7[%parallel_loop3A_867, %parallel_loop3A_868, %parallel_loop3A_869] {strides = array<i32>} : memref<63x3x128xf32, #tpu.memory_space<vmem>>, vector<1x1x16xf32>,
      %parallel_loop3A_871 = vector.shape_cast %parallel_loop3A_870 : vector<1x1x16xf32> to vector<16xf32>
      %parallel_loop3A_872 = arith.constant 16 : i32
      %parallel_loop3A_873 = arith.muli %parallel_loop3A_846, %parallel_loop3A_872 : i32
      %parallel_loop3A_874 = arith.index_cast %parallel_loop3A_873 : i32 to index
      %parallel_loop3A_875 = tpu.vector_load %arg10[%parallel_loop3A_874] {strides = array<i32>} : memref<8064xi32, #tpu.memory_space<vmem>>, vector<16xi32>,
      %parallel_loop3A_876 = vector.shape_cast %parallel_loop3A_875 : vector<16xi32> to vector<16xi32>
      %parallel_loop3A_877 = arith.mulf %parallel_loop3A_859, %parallel_loop3A_859 : vector<16xf32>
      %parallel_loop3A_878 = arith.mulf %parallel_loop3A_865, %parallel_loop3A_865 : vector<16xf32>
      %parallel_loop3A_879 = arith.addf %parallel_loop3A_877, %parallel_loop3A_878 : vector<16xf32>
      %parallel_loop3A_880 = arith.mulf %parallel_loop3A_871, %parallel_loop3A_871 : vector<16xf32>
      %parallel_loop3A_881 = arith.addf %parallel_loop3A_879, %parallel_loop3A_880 : vector<16xf32>
      %parallel_loop3A_882 = arith.sitofp %parallel_loop3A_876 : vector<16xi32> to vector<16xf32>
      %parallel_loop3A_883 = arith.constant 1.600000e+01 : f32
      %parallel_loop3A_884 = vector.broadcast %parallel_loop3A_883 : f32 to vector<16xf32>
      %parallel_loop3A_885 = arith.mulf %parallel_loop3A_882, %parallel_loop3A_884 : vector<16xf32>
      %parallel_loop3A_886 = arith.addf %parallel_loop3A_881, %parallel_loop3A_885 : vector<16xf32>
      %parallel_loop3A_887 = arith.mulf %parallel_loop3A_886, %parallel_loop3A_886 : vector<16xf32>
      %parallel_loop3A_888 = arith.mulf %parallel_loop3A_887, %parallel_loop3A_886 : vector<16xf32>
      %parallel_loop3A_889 = arith.constant 1.000000e+00 : f32
      %parallel_loop3A_890 = vector.broadcast %parallel_loop3A_889 : f32 to vector<16xf32>
      %parallel_loop3A_891 = arith.divf %parallel_loop3A_890, %parallel_loop3A_888 : vector<16xf32>
      %parallel_loop3A_892 = arith.constant 0.00137174211 : f32
      %parallel_loop3A_893 = vector.broadcast %parallel_loop3A_892 : f32 to vector<16xf32>
      %parallel_loop3A_894 = arith.maximumf %parallel_loop3A_891, %parallel_loop3A_893 : vector<16xf32>
      %parallel_loop3A_895 = arith.constant 0.00137174211 : f32
      %parallel_loop3A_896 = vector.broadcast %parallel_loop3A_895 : f32 to vector<16xf32>
      %parallel_loop3A_897 = arith.subf %parallel_loop3A_894, %parallel_loop3A_896 : vector<16xf32>
      %parallel_loop3A_898 = arith.constant -0.998628258 : f32
      %parallel_loop3A_899 = vector.broadcast %parallel_loop3A_898 : f32 to vector<16xf32>
      %parallel_loop3A_900 = arith.addf %parallel_loop3A_894, %parallel_loop3A_899 : vector<16xf32>
      %parallel_loop3A_901 = arith.mulf %parallel_loop3A_897, %parallel_loop3A_900 : vector<16xf32>
      %parallel_loop3A_902 = arith.addf %parallel_loop3A_847, %parallel_loop3A_901 : vector<16xf32>
      scf.yield %parallel_loop3A_902 : vector<16xf32>
    } {sc.loop_unroll_factor = 8 : i64, sc.parallel_access}
    %add3A_762 = arith.constant 1449 : i32
    %add3A_763 = arith.addi %add3A_6, %add3A_762 : i32
    %dma_start3A_764 = arith.constant 0 : i32
    %dma_start3A_765 = arith.constant 0 : i32
    %dma_start3A_766 = tpu.memref_slice %arg3[%add3A_763, %dma_start3A_764, %dma_start3A_765] : memref<62500x3x128xf32, #tpu.memory_space<hbm>> -> memref<63x3x128xf32, #tpu.memory_space<hbm>>
    %dma_start3A_767 = arith.constant 0 : i32
    %dma_start3A_768 = arith.constant 0 : i32
    %dma_start3A_769 = tpu.memref_slice %arg3[%add3A_763, %dma_start3A_767, %dma_start3A_768] : memref<62500x3x128xf32, #tpu.memory_space<hbm>> -> memref<63x3x128xf32, #tpu.memory_space<hbm>>
    tpu.enqueue_dma source(%dma_start3A_769 : memref<63x3x128xf32, #tpu.memory_space<hbm>>) target(%arg7 : memref<63x3x128xf32, #tpu.memory_space<vmem>>) target_semaphore(%arg16 : memref<!tpu.dma_semaphore, #tpu.memory_space<semaphore_mem>>)
    %mul3A_770 = arith.constant 128 : i32
    %mul3A_771 = arith.muli %add3A_763, %mul3A_770 : i32
    %dma_start3A_772 = tpu.memref_slice %arg2[%mul3A_771] : memref<8000000xi32, #tpu.memory_space<hbm>> -> memref<8064xi32, #tpu.memory_space<hbm>>
    %dma_start3A_773 = tpu.memref_slice %arg2[%mul3A_771] : memref<8000000xi32, #tpu.memory_space<hbm>> -> memref<8064xi32, #tpu.memory_space<hbm>>
    tpu.enqueue_dma source(%dma_start3A_773 : memref<8064xi32, #tpu.memory_space<hbm>>) target(%arg10 : memref<8064xi32, #tpu.memory_space<vmem>>) target_semaphore(%arg19 : memref<!tpu.dma_semaphore, #tpu.memory_space<semaphore_mem>>)
    %dma_wait3A_774 = arith.constant 0 : i32
    %dma_wait3A_775 = arith.constant 0 : i32
    %dma_wait3A_776 = tpu.memref_slice %arg3[%add3A_715, %dma_wait3A_774, %dma_wait3A_775] : memref<62500x3x128xf32, #tpu.memory_space<hbm>> -> memref<63x3x128xf32, #tpu.memory_space<hbm>>
    %dma_wait3A_777 = arith.constant 0 : i32
    %dma_wait3A_778 = arith.constant 0 : i32
    %dma_wait3A_779 = tpu.memref_slice %arg3[%add3A_715, %dma_wait3A_777, %dma_wait3A_778] : memref<62500x3x128xf32, #tpu.memory_space<hbm>> -> memref<63x3x128xf32, #tpu.memory_space<hbm>>
    tpu.wait_dma2 semaphore(%arg14 : memref<!tpu.dma_semaphore, #tpu.memory_space<semaphore_mem>>) src(%dma_wait3A_779 : memref<63x3x128xf32, #tpu.memory_space<hbm>>) dst(%arg5 : memref<63x3x128xf32, #tpu.memory_space<vmem>>)
    %dma_wait3A_780 = tpu.memref_slice %arg2[%mul3A_723] : memref<8000000xi32, #tpu.memory_space<hbm>> -> memref<8064xi32, #tpu.memory_space<hbm>>
    %dma_wait3A_781 = tpu.memref_slice %arg2[%mul3A_723] : memref<8000000xi32, #tpu.memory_space<hbm>> -> memref<8064xi32, #tpu.memory_space<hbm>>
    tpu.wait_dma2 semaphore(%arg17 : memref<!tpu.dma_semaphore, #tpu.memory_space<semaphore_mem>>) src(%dma_wait3A_781 : memref<8064xi32, #tpu.memory_space<hbm>>) dst(%arg8 : memref<8064xi32, #tpu.memory_space<vmem>>)
    %parallel_loop3A_782 = arith.constant 0 : i32
    %parallel_loop3A_783 = arith.constant 504 : i32
    %parallel_loop3A_784 = arith.constant 1 : i32
    %parallel_loop3A_785 = scf.for %parallel_loop3A_846 = %parallel_loop3A_782 to %parallel_loop3A_783 step %parallel_loop3A_784 iter_args(%parallel_loop3A_847 = %parallel_loop3A_761) -> (vector<16xf32>)  : i32 {
      %parallel_loop3A_848 = arith.constant 3 : i32
      %parallel_loop3A_849 = arith.shrsi %parallel_loop3A_846, %parallel_loop3A_848 : i32
      %parallel_loop3A_850 = arith.constant 7 : i32
      %parallel_loop3A_851 = arith.andi %parallel_loop3A_846, %parallel_loop3A_850 : i32
      %parallel_loop3A_852 = arith.constant 16 : i32
      %parallel_loop3A_853 = arith.muli %parallel_loop3A_851, %parallel_loop3A_852 : i32
      %parallel_loop3A_854 = arith.constant 0 : i32
      %parallel_loop3A_855 = arith.index_cast %parallel_loop3A_849 : i32 to index
      %parallel_loop3A_856 = arith.index_cast %parallel_loop3A_854 : i32 to index
      %parallel_loop3A_857 = arith.index_cast %parallel_loop3A_853 : i32 to index
      %parallel_loop3A_858 = tpu.vector_load %arg5[%parallel_loop3A_855, %parallel_loop3A_856, %parallel_loop3A_857] {strides = array<i32>} : memref<63x3x128xf32, #tpu.memory_space<vmem>>, vector<1x1x16xf32>,
      %parallel_loop3A_859 = vector.shape_cast %parallel_loop3A_858 : vector<1x1x16xf32> to vector<16xf32>
      %parallel_loop3A_860 = arith.constant 1 : i32
      %parallel_loop3A_861 = arith.index_cast %parallel_loop3A_849 : i32 to index
      %parallel_loop3A_862 = arith.index_cast %parallel_loop3A_860 : i32 to index
      %parallel_loop3A_863 = arith.index_cast %parallel_loop3A_853 : i32 to index
      %parallel_loop3A_864 = tpu.vector_load %arg5[%parallel_loop3A_861, %parallel_loop3A_862, %parallel_loop3A_863] {strides = array<i32>} : memref<63x3x128xf32, #tpu.memory_space<vmem>>, vector<1x1x16xf32>,
      %parallel_loop3A_865 = vector.shape_cast %parallel_loop3A_864 : vector<1x1x16xf32> to vector<16xf32>
      %parallel_loop3A_866 = arith.constant 2 : i32
      %parallel_loop3A_867 = arith.index_cast %parallel_loop3A_849 : i32 to index
      %parallel_loop3A_868 = arith.index_cast %parallel_loop3A_866 : i32 to index
      %parallel_loop3A_869 = arith.index_cast %parallel_loop3A_853 : i32 to index
      %parallel_loop3A_870 = tpu.vector_load %arg5[%parallel_loop3A_867, %parallel_loop3A_868, %parallel_loop3A_869] {strides = array<i32>} : memref<63x3x128xf32, #tpu.memory_space<vmem>>, vector<1x1x16xf32>,
      %parallel_loop3A_871 = vector.shape_cast %parallel_loop3A_870 : vector<1x1x16xf32> to vector<16xf32>
      %parallel_loop3A_872 = arith.constant 16 : i32
      %parallel_loop3A_873 = arith.muli %parallel_loop3A_846, %parallel_loop3A_872 : i32
      %parallel_loop3A_874 = arith.index_cast %parallel_loop3A_873 : i32 to index
      %parallel_loop3A_875 = tpu.vector_load %arg8[%parallel_loop3A_874] {strides = array<i32>} : memref<8064xi32, #tpu.memory_space<vmem>>, vector<16xi32>,
      %parallel_loop3A_876 = vector.shape_cast %parallel_loop3A_875 : vector<16xi32> to vector<16xi32>
      %parallel_loop3A_877 = arith.mulf %parallel_loop3A_859, %parallel_loop3A_859 : vector<16xf32>
      %parallel_loop3A_878 = arith.mulf %parallel_loop3A_865, %parallel_loop3A_865 : vector<16xf32>
      %parallel_loop3A_879 = arith.addf %parallel_loop3A_877, %parallel_loop3A_878 : vector<16xf32>
      %parallel_loop3A_880 = arith.mulf %parallel_loop3A_871, %parallel_loop3A_871 : vector<16xf32>
      %parallel_loop3A_881 = arith.addf %parallel_loop3A_879, %parallel_loop3A_880 : vector<16xf32>
      %parallel_loop3A_882 = arith.sitofp %parallel_loop3A_876 : vector<16xi32> to vector<16xf32>
      %parallel_loop3A_883 = arith.constant 1.600000e+01 : f32
      %parallel_loop3A_884 = vector.broadcast %parallel_loop3A_883 : f32 to vector<16xf32>
      %parallel_loop3A_885 = arith.mulf %parallel_loop3A_882, %parallel_loop3A_884 : vector<16xf32>
      %parallel_loop3A_886 = arith.addf %parallel_loop3A_881, %parallel_loop3A_885 : vector<16xf32>
      %parallel_loop3A_887 = arith.mulf %parallel_loop3A_886, %parallel_loop3A_886 : vector<16xf32>
      %parallel_loop3A_888 = arith.mulf %parallel_loop3A_887, %parallel_loop3A_886 : vector<16xf32>
      %parallel_loop3A_889 = arith.constant 1.000000e+00 : f32
      %parallel_loop3A_890 = vector.broadcast %parallel_loop3A_889 : f32 to vector<16xf32>
      %parallel_loop3A_891 = arith.divf %parallel_loop3A_890, %parallel_loop3A_888 : vector<16xf32>
      %parallel_loop3A_892 = arith.constant 0.00137174211 : f32
      %parallel_loop3A_893 = vector.broadcast %parallel_loop3A_892 : f32 to vector<16xf32>
      %parallel_loop3A_894 = arith.maximumf %parallel_loop3A_891, %parallel_loop3A_893 : vector<16xf32>
      %parallel_loop3A_895 = arith.constant 0.00137174211 : f32
      %parallel_loop3A_896 = vector.broadcast %parallel_loop3A_895 : f32 to vector<16xf32>
      %parallel_loop3A_897 = arith.subf %parallel_loop3A_894, %parallel_loop3A_896 : vector<16xf32>
      %parallel_loop3A_898 = arith.constant -0.998628258 : f32
      %parallel_loop3A_899 = vector.broadcast %parallel_loop3A_898 : f32 to vector<16xf32>
      %parallel_loop3A_900 = arith.addf %parallel_loop3A_894, %parallel_loop3A_899 : vector<16xf32>
      %parallel_loop3A_901 = arith.mulf %parallel_loop3A_897, %parallel_loop3A_900 : vector<16xf32>
      %parallel_loop3A_902 = arith.addf %parallel_loop3A_847, %parallel_loop3A_901 : vector<16xf32>
      scf.yield %parallel_loop3A_902 : vector<16xf32>
    } {sc.loop_unroll_factor = 8 : i64, sc.parallel_access}
    %add3A_786 = arith.constant 1512 : i32
    %add3A_787 = arith.addi %add3A_6, %add3A_786 : i32
    %dma_start3A_788 = arith.constant 0 : i32
    %dma_start3A_789 = arith.constant 0 : i32
    %dma_start3A_790 = tpu.memref_slice %arg3[%add3A_787, %dma_start3A_788, %dma_start3A_789] : memref<62500x3x128xf32, #tpu.memory_space<hbm>> -> memref<63x3x128xf32, #tpu.memory_space<hbm>>
    %dma_start3A_791 = arith.constant 0 : i32
    %dma_start3A_792 = arith.constant 0 : i32
    %dma_start3A_793 = tpu.memref_slice %arg3[%add3A_787, %dma_start3A_791, %dma_start3A_792] : memref<62500x3x128xf32, #tpu.memory_space<hbm>> -> memref<63x3x128xf32, #tpu.memory_space<hbm>>
    tpu.enqueue_dma source(%dma_start3A_793 : memref<63x3x128xf32, #tpu.memory_space<hbm>>) target(%arg5 : memref<63x3x128xf32, #tpu.memory_space<vmem>>) target_semaphore(%arg14 : memref<!tpu.dma_semaphore, #tpu.memory_space<semaphore_mem>>)
    %mul3A_794 = arith.constant 128 : i32
    %mul3A_795 = arith.muli %add3A_787, %mul3A_794 : i32
    %dma_start3A_796 = tpu.memref_slice %arg2[%mul3A_795] : memref<8000000xi32, #tpu.memory_space<hbm>> -> memref<8064xi32, #tpu.memory_space<hbm>>
    %dma_start3A_797 = tpu.memref_slice %arg2[%mul3A_795] : memref<8000000xi32, #tpu.memory_space<hbm>> -> memref<8064xi32, #tpu.memory_space<hbm>>
    tpu.enqueue_dma source(%dma_start3A_797 : memref<8064xi32, #tpu.memory_space<hbm>>) target(%arg8 : memref<8064xi32, #tpu.memory_space<vmem>>) target_semaphore(%arg17 : memref<!tpu.dma_semaphore, #tpu.memory_space<semaphore_mem>>)
    %dma_wait3A_798 = arith.constant 0 : i32
    %dma_wait3A_799 = arith.constant 0 : i32
    %dma_wait3A_800 = tpu.memref_slice %arg3[%add3A_739, %dma_wait3A_798, %dma_wait3A_799] : memref<62500x3x128xf32, #tpu.memory_space<hbm>> -> memref<63x3x128xf32, #tpu.memory_space<hbm>>
    %dma_wait3A_801 = arith.constant 0 : i32
    %dma_wait3A_802 = arith.constant 0 : i32
    %dma_wait3A_803 = tpu.memref_slice %arg3[%add3A_739, %dma_wait3A_801, %dma_wait3A_802] : memref<62500x3x128xf32, #tpu.memory_space<hbm>> -> memref<63x3x128xf32, #tpu.memory_space<hbm>>
    tpu.wait_dma2 semaphore(%arg15 : memref<!tpu.dma_semaphore, #tpu.memory_space<semaphore_mem>>) src(%dma_wait3A_803 : memref<63x3x128xf32, #tpu.memory_space<hbm>>) dst(%arg6 : memref<63x3x128xf32, #tpu.memory_space<vmem>>)
    %dma_wait3A_804 = tpu.memref_slice %arg2[%mul3A_747] : memref<8000000xi32, #tpu.memory_space<hbm>> -> memref<8064xi32, #tpu.memory_space<hbm>>
    %dma_wait3A_805 = tpu.memref_slice %arg2[%mul3A_747] : memref<8000000xi32, #tpu.memory_space<hbm>> -> memref<8064xi32, #tpu.memory_space<hbm>>
    tpu.wait_dma2 semaphore(%arg18 : memref<!tpu.dma_semaphore, #tpu.memory_space<semaphore_mem>>) src(%dma_wait3A_805 : memref<8064xi32, #tpu.memory_space<hbm>>) dst(%arg9 : memref<8064xi32, #tpu.memory_space<vmem>>)
    %parallel_loop3A_806 = arith.constant 0 : i32
    %parallel_loop3A_807 = arith.constant 504 : i32
    %parallel_loop3A_808 = arith.constant 1 : i32
    %parallel_loop3A_809 = scf.for %parallel_loop3A_846 = %parallel_loop3A_806 to %parallel_loop3A_807 step %parallel_loop3A_808 iter_args(%parallel_loop3A_847 = %parallel_loop3A_785) -> (vector<16xf32>)  : i32 {
      %parallel_loop3A_848 = arith.constant 3 : i32
      %parallel_loop3A_849 = arith.shrsi %parallel_loop3A_846, %parallel_loop3A_848 : i32
      %parallel_loop3A_850 = arith.constant 7 : i32
      %parallel_loop3A_851 = arith.andi %parallel_loop3A_846, %parallel_loop3A_850 : i32
      %parallel_loop3A_852 = arith.constant 16 : i32
      %parallel_loop3A_853 = arith.muli %parallel_loop3A_851, %parallel_loop3A_852 : i32
      %parallel_loop3A_854 = arith.constant 0 : i32
      %parallel_loop3A_855 = arith.index_cast %parallel_loop3A_849 : i32 to index
      %parallel_loop3A_856 = arith.index_cast %parallel_loop3A_854 : i32 to index
      %parallel_loop3A_857 = arith.index_cast %parallel_loop3A_853 : i32 to index
      %parallel_loop3A_858 = tpu.vector_load %arg6[%parallel_loop3A_855, %parallel_loop3A_856, %parallel_loop3A_857] {strides = array<i32>} : memref<63x3x128xf32, #tpu.memory_space<vmem>>, vector<1x1x16xf32>,
      %parallel_loop3A_859 = vector.shape_cast %parallel_loop3A_858 : vector<1x1x16xf32> to vector<16xf32>
      %parallel_loop3A_860 = arith.constant 1 : i32
      %parallel_loop3A_861 = arith.index_cast %parallel_loop3A_849 : i32 to index
      %parallel_loop3A_862 = arith.index_cast %parallel_loop3A_860 : i32 to index
      %parallel_loop3A_863 = arith.index_cast %parallel_loop3A_853 : i32 to index
      %parallel_loop3A_864 = tpu.vector_load %arg6[%parallel_loop3A_861, %parallel_loop3A_862, %parallel_loop3A_863] {strides = array<i32>} : memref<63x3x128xf32, #tpu.memory_space<vmem>>, vector<1x1x16xf32>,
      %parallel_loop3A_865 = vector.shape_cast %parallel_loop3A_864 : vector<1x1x16xf32> to vector<16xf32>
      %parallel_loop3A_866 = arith.constant 2 : i32
      %parallel_loop3A_867 = arith.index_cast %parallel_loop3A_849 : i32 to index
      %parallel_loop3A_868 = arith.index_cast %parallel_loop3A_866 : i32 to index
      %parallel_loop3A_869 = arith.index_cast %parallel_loop3A_853 : i32 to index
      %parallel_loop3A_870 = tpu.vector_load %arg6[%parallel_loop3A_867, %parallel_loop3A_868, %parallel_loop3A_869] {strides = array<i32>} : memref<63x3x128xf32, #tpu.memory_space<vmem>>, vector<1x1x16xf32>,
      %parallel_loop3A_871 = vector.shape_cast %parallel_loop3A_870 : vector<1x1x16xf32> to vector<16xf32>
      %parallel_loop3A_872 = arith.constant 16 : i32
      %parallel_loop3A_873 = arith.muli %parallel_loop3A_846, %parallel_loop3A_872 : i32
      %parallel_loop3A_874 = arith.index_cast %parallel_loop3A_873 : i32 to index
      %parallel_loop3A_875 = tpu.vector_load %arg9[%parallel_loop3A_874] {strides = array<i32>} : memref<8064xi32, #tpu.memory_space<vmem>>, vector<16xi32>,
      %parallel_loop3A_876 = vector.shape_cast %parallel_loop3A_875 : vector<16xi32> to vector<16xi32>
      %parallel_loop3A_877 = arith.mulf %parallel_loop3A_859, %parallel_loop3A_859 : vector<16xf32>
      %parallel_loop3A_878 = arith.mulf %parallel_loop3A_865, %parallel_loop3A_865 : vector<16xf32>
      %parallel_loop3A_879 = arith.addf %parallel_loop3A_877, %parallel_loop3A_878 : vector<16xf32>
      %parallel_loop3A_880 = arith.mulf %parallel_loop3A_871, %parallel_loop3A_871 : vector<16xf32>
      %parallel_loop3A_881 = arith.addf %parallel_loop3A_879, %parallel_loop3A_880 : vector<16xf32>
      %parallel_loop3A_882 = arith.sitofp %parallel_loop3A_876 : vector<16xi32> to vector<16xf32>
      %parallel_loop3A_883 = arith.constant 1.600000e+01 : f32
      %parallel_loop3A_884 = vector.broadcast %parallel_loop3A_883 : f32 to vector<16xf32>
      %parallel_loop3A_885 = arith.mulf %parallel_loop3A_882, %parallel_loop3A_884 : vector<16xf32>
      %parallel_loop3A_886 = arith.addf %parallel_loop3A_881, %parallel_loop3A_885 : vector<16xf32>
      %parallel_loop3A_887 = arith.mulf %parallel_loop3A_886, %parallel_loop3A_886 : vector<16xf32>
      %parallel_loop3A_888 = arith.mulf %parallel_loop3A_887, %parallel_loop3A_886 : vector<16xf32>
      %parallel_loop3A_889 = arith.constant 1.000000e+00 : f32
      %parallel_loop3A_890 = vector.broadcast %parallel_loop3A_889 : f32 to vector<16xf32>
      %parallel_loop3A_891 = arith.divf %parallel_loop3A_890, %parallel_loop3A_888 : vector<16xf32>
      %parallel_loop3A_892 = arith.constant 0.00137174211 : f32
      %parallel_loop3A_893 = vector.broadcast %parallel_loop3A_892 : f32 to vector<16xf32>
      %parallel_loop3A_894 = arith.maximumf %parallel_loop3A_891, %parallel_loop3A_893 : vector<16xf32>
      %parallel_loop3A_895 = arith.constant 0.00137174211 : f32
      %parallel_loop3A_896 = vector.broadcast %parallel_loop3A_895 : f32 to vector<16xf32>
      %parallel_loop3A_897 = arith.subf %parallel_loop3A_894, %parallel_loop3A_896 : vector<16xf32>
      %parallel_loop3A_898 = arith.constant -0.998628258 : f32
      %parallel_loop3A_899 = vector.broadcast %parallel_loop3A_898 : f32 to vector<16xf32>
      %parallel_loop3A_900 = arith.addf %parallel_loop3A_894, %parallel_loop3A_899 : vector<16xf32>
      %parallel_loop3A_901 = arith.mulf %parallel_loop3A_897, %parallel_loop3A_900 : vector<16xf32>
      %parallel_loop3A_902 = arith.addf %parallel_loop3A_847, %parallel_loop3A_901 : vector<16xf32>
      scf.yield %parallel_loop3A_902 : vector<16xf32>
    } {sc.loop_unroll_factor = 8 : i64, sc.parallel_access}
    %dma_wait3A_810 = arith.constant 0 : i32
    %dma_wait3A_811 = arith.constant 0 : i32
    %dma_wait3A_812 = tpu.memref_slice %arg3[%add3A_763, %dma_wait3A_810, %dma_wait3A_811] : memref<62500x3x128xf32, #tpu.memory_space<hbm>> -> memref<63x3x128xf32, #tpu.memory_space<hbm>>
    %dma_wait3A_813 = arith.constant 0 : i32
    %dma_wait3A_814 = arith.constant 0 : i32
    %dma_wait3A_815 = tpu.memref_slice %arg3[%add3A_763, %dma_wait3A_813, %dma_wait3A_814] : memref<62500x3x128xf32, #tpu.memory_space<hbm>> -> memref<63x3x128xf32, #tpu.memory_space<hbm>>
    tpu.wait_dma2 semaphore(%arg16 : memref<!tpu.dma_semaphore, #tpu.memory_space<semaphore_mem>>) src(%dma_wait3A_815 : memref<63x3x128xf32, #tpu.memory_space<hbm>>) dst(%arg7 : memref<63x3x128xf32, #tpu.memory_space<vmem>>)
    %dma_wait3A_816 = tpu.memref_slice %arg2[%mul3A_771] : memref<8000000xi32, #tpu.memory_space<hbm>> -> memref<8064xi32, #tpu.memory_space<hbm>>
    %dma_wait3A_817 = tpu.memref_slice %arg2[%mul3A_771] : memref<8000000xi32, #tpu.memory_space<hbm>> -> memref<8064xi32, #tpu.memory_space<hbm>>
    tpu.wait_dma2 semaphore(%arg19 : memref<!tpu.dma_semaphore, #tpu.memory_space<semaphore_mem>>) src(%dma_wait3A_817 : memref<8064xi32, #tpu.memory_space<hbm>>) dst(%arg10 : memref<8064xi32, #tpu.memory_space<vmem>>)
    %parallel_loop3A_818 = arith.constant 0 : i32
    %parallel_loop3A_819 = arith.constant 504 : i32
    %parallel_loop3A_820 = arith.constant 1 : i32
    %parallel_loop3A_821 = scf.for %parallel_loop3A_846 = %parallel_loop3A_818 to %parallel_loop3A_819 step %parallel_loop3A_820 iter_args(%parallel_loop3A_847 = %parallel_loop3A_809) -> (vector<16xf32>)  : i32 {
      %parallel_loop3A_848 = arith.constant 3 : i32
      %parallel_loop3A_849 = arith.shrsi %parallel_loop3A_846, %parallel_loop3A_848 : i32
      %parallel_loop3A_850 = arith.constant 7 : i32
      %parallel_loop3A_851 = arith.andi %parallel_loop3A_846, %parallel_loop3A_850 : i32
      %parallel_loop3A_852 = arith.constant 16 : i32
      %parallel_loop3A_853 = arith.muli %parallel_loop3A_851, %parallel_loop3A_852 : i32
      %parallel_loop3A_854 = arith.constant 0 : i32
      %parallel_loop3A_855 = arith.index_cast %parallel_loop3A_849 : i32 to index
      %parallel_loop3A_856 = arith.index_cast %parallel_loop3A_854 : i32 to index
      %parallel_loop3A_857 = arith.index_cast %parallel_loop3A_853 : i32 to index
      %parallel_loop3A_858 = tpu.vector_load %arg7[%parallel_loop3A_855, %parallel_loop3A_856, %parallel_loop3A_857] {strides = array<i32>} : memref<63x3x128xf32, #tpu.memory_space<vmem>>, vector<1x1x16xf32>,
      %parallel_loop3A_859 = vector.shape_cast %parallel_loop3A_858 : vector<1x1x16xf32> to vector<16xf32>
      %parallel_loop3A_860 = arith.constant 1 : i32
      %parallel_loop3A_861 = arith.index_cast %parallel_loop3A_849 : i32 to index
      %parallel_loop3A_862 = arith.index_cast %parallel_loop3A_860 : i32 to index
      %parallel_loop3A_863 = arith.index_cast %parallel_loop3A_853 : i32 to index
      %parallel_loop3A_864 = tpu.vector_load %arg7[%parallel_loop3A_861, %parallel_loop3A_862, %parallel_loop3A_863] {strides = array<i32>} : memref<63x3x128xf32, #tpu.memory_space<vmem>>, vector<1x1x16xf32>,
      %parallel_loop3A_865 = vector.shape_cast %parallel_loop3A_864 : vector<1x1x16xf32> to vector<16xf32>
      %parallel_loop3A_866 = arith.constant 2 : i32
      %parallel_loop3A_867 = arith.index_cast %parallel_loop3A_849 : i32 to index
      %parallel_loop3A_868 = arith.index_cast %parallel_loop3A_866 : i32 to index
      %parallel_loop3A_869 = arith.index_cast %parallel_loop3A_853 : i32 to index
      %parallel_loop3A_870 = tpu.vector_load %arg7[%parallel_loop3A_867, %parallel_loop3A_868, %parallel_loop3A_869] {strides = array<i32>} : memref<63x3x128xf32, #tpu.memory_space<vmem>>, vector<1x1x16xf32>,
      %parallel_loop3A_871 = vector.shape_cast %parallel_loop3A_870 : vector<1x1x16xf32> to vector<16xf32>
      %parallel_loop3A_872 = arith.constant 16 : i32
      %parallel_loop3A_873 = arith.muli %parallel_loop3A_846, %parallel_loop3A_872 : i32
      %parallel_loop3A_874 = arith.index_cast %parallel_loop3A_873 : i32 to index
      %parallel_loop3A_875 = tpu.vector_load %arg10[%parallel_loop3A_874] {strides = array<i32>} : memref<8064xi32, #tpu.memory_space<vmem>>, vector<16xi32>,
      %parallel_loop3A_876 = vector.shape_cast %parallel_loop3A_875 : vector<16xi32> to vector<16xi32>
      %parallel_loop3A_877 = arith.mulf %parallel_loop3A_859, %parallel_loop3A_859 : vector<16xf32>
      %parallel_loop3A_878 = arith.mulf %parallel_loop3A_865, %parallel_loop3A_865 : vector<16xf32>
      %parallel_loop3A_879 = arith.addf %parallel_loop3A_877, %parallel_loop3A_878 : vector<16xf32>
      %parallel_loop3A_880 = arith.mulf %parallel_loop3A_871, %parallel_loop3A_871 : vector<16xf32>
      %parallel_loop3A_881 = arith.addf %parallel_loop3A_879, %parallel_loop3A_880 : vector<16xf32>
      %parallel_loop3A_882 = arith.sitofp %parallel_loop3A_876 : vector<16xi32> to vector<16xf32>
      %parallel_loop3A_883 = arith.constant 1.600000e+01 : f32
      %parallel_loop3A_884 = vector.broadcast %parallel_loop3A_883 : f32 to vector<16xf32>
      %parallel_loop3A_885 = arith.mulf %parallel_loop3A_882, %parallel_loop3A_884 : vector<16xf32>
      %parallel_loop3A_886 = arith.addf %parallel_loop3A_881, %parallel_loop3A_885 : vector<16xf32>
      %parallel_loop3A_887 = arith.mulf %parallel_loop3A_886, %parallel_loop3A_886 : vector<16xf32>
      %parallel_loop3A_888 = arith.mulf %parallel_loop3A_887, %parallel_loop3A_886 : vector<16xf32>
      %parallel_loop3A_889 = arith.constant 1.000000e+00 : f32
      %parallel_loop3A_890 = vector.broadcast %parallel_loop3A_889 : f32 to vector<16xf32>
      %parallel_loop3A_891 = arith.divf %parallel_loop3A_890, %parallel_loop3A_888 : vector<16xf32>
      %parallel_loop3A_892 = arith.constant 0.00137174211 : f32
      %parallel_loop3A_893 = vector.broadcast %parallel_loop3A_892 : f32 to vector<16xf32>
      %parallel_loop3A_894 = arith.maximumf %parallel_loop3A_891, %parallel_loop3A_893 : vector<16xf32>
      %parallel_loop3A_895 = arith.constant 0.00137174211 : f32
      %parallel_loop3A_896 = vector.broadcast %parallel_loop3A_895 : f32 to vector<16xf32>
      %parallel_loop3A_897 = arith.subf %parallel_loop3A_894, %parallel_loop3A_896 : vector<16xf32>
      %parallel_loop3A_898 = arith.constant -0.998628258 : f32
      %parallel_loop3A_899 = vector.broadcast %parallel_loop3A_898 : f32 to vector<16xf32>
      %parallel_loop3A_900 = arith.addf %parallel_loop3A_894, %parallel_loop3A_899 : vector<16xf32>
      %parallel_loop3A_901 = arith.mulf %parallel_loop3A_897, %parallel_loop3A_900 : vector<16xf32>
      %parallel_loop3A_902 = arith.addf %parallel_loop3A_847, %parallel_loop3A_901 : vector<16xf32>
      scf.yield %parallel_loop3A_902 : vector<16xf32>
    } {sc.loop_unroll_factor = 8 : i64, sc.parallel_access}
    %dma_wait3A_822 = arith.constant 0 : i32
    %dma_wait3A_823 = arith.constant 0 : i32
    %dma_wait3A_824 = tpu.memref_slice %arg3[%add3A_787, %dma_wait3A_822, %dma_wait3A_823] : memref<62500x3x128xf32, #tpu.memory_space<hbm>> -> memref<63x3x128xf32, #tpu.memory_space<hbm>>
    %dma_wait3A_825 = arith.constant 0 : i32
    %dma_wait3A_826 = arith.constant 0 : i32
    %dma_wait3A_827 = tpu.memref_slice %arg3[%add3A_787, %dma_wait3A_825, %dma_wait3A_826] : memref<62500x3x128xf32, #tpu.memory_space<hbm>> -> memref<63x3x128xf32, #tpu.memory_space<hbm>>
    tpu.wait_dma2 semaphore(%arg14 : memref<!tpu.dma_semaphore, #tpu.memory_space<semaphore_mem>>) src(%dma_wait3A_827 : memref<63x3x128xf32, #tpu.memory_space<hbm>>) dst(%arg5 : memref<63x3x128xf32, #tpu.memory_space<vmem>>)
    %dma_wait3A_828 = tpu.memref_slice %arg2[%mul3A_795] : memref<8000000xi32, #tpu.memory_space<hbm>> -> memref<8064xi32, #tpu.memory_space<hbm>>
    %dma_wait3A_829 = tpu.memref_slice %arg2[%mul3A_795] : memref<8000000xi32, #tpu.memory_space<hbm>> -> memref<8064xi32, #tpu.memory_space<hbm>>
    tpu.wait_dma2 semaphore(%arg17 : memref<!tpu.dma_semaphore, #tpu.memory_space<semaphore_mem>>) src(%dma_wait3A_829 : memref<8064xi32, #tpu.memory_space<hbm>>) dst(%arg8 : memref<8064xi32, #tpu.memory_space<vmem>>)
    %parallel_loop3A_830 = arith.constant 0 : i32
    %parallel_loop3A_831 = arith.constant 504 : i32
    %parallel_loop3A_832 = arith.constant 1 : i32
    %parallel_loop3A_833 = scf.for %parallel_loop3A_846 = %parallel_loop3A_830 to %parallel_loop3A_831 step %parallel_loop3A_832 iter_args(%parallel_loop3A_847 = %parallel_loop3A_821) -> (vector<16xf32>)  : i32 {
      %parallel_loop3A_848 = arith.constant 3 : i32
      %parallel_loop3A_849 = arith.shrsi %parallel_loop3A_846, %parallel_loop3A_848 : i32
      %parallel_loop3A_850 = arith.constant 7 : i32
      %parallel_loop3A_851 = arith.andi %parallel_loop3A_846, %parallel_loop3A_850 : i32
      %parallel_loop3A_852 = arith.constant 16 : i32
      %parallel_loop3A_853 = arith.muli %parallel_loop3A_851, %parallel_loop3A_852 : i32
      %parallel_loop3A_854 = arith.constant 0 : i32
      %parallel_loop3A_855 = arith.index_cast %parallel_loop3A_849 : i32 to index
      %parallel_loop3A_856 = arith.index_cast %parallel_loop3A_854 : i32 to index
      %parallel_loop3A_857 = arith.index_cast %parallel_loop3A_853 : i32 to index
      %parallel_loop3A_858 = tpu.vector_load %arg5[%parallel_loop3A_855, %parallel_loop3A_856, %parallel_loop3A_857] {strides = array<i32>} : memref<63x3x128xf32, #tpu.memory_space<vmem>>, vector<1x1x16xf32>,
      %parallel_loop3A_859 = vector.shape_cast %parallel_loop3A_858 : vector<1x1x16xf32> to vector<16xf32>
      %parallel_loop3A_860 = arith.constant 1 : i32
      %parallel_loop3A_861 = arith.index_cast %parallel_loop3A_849 : i32 to index
      %parallel_loop3A_862 = arith.index_cast %parallel_loop3A_860 : i32 to index
      %parallel_loop3A_863 = arith.index_cast %parallel_loop3A_853 : i32 to index
      %parallel_loop3A_864 = tpu.vector_load %arg5[%parallel_loop3A_861, %parallel_loop3A_862, %parallel_loop3A_863] {strides = array<i32>} : memref<63x3x128xf32, #tpu.memory_space<vmem>>, vector<1x1x16xf32>,
      %parallel_loop3A_865 = vector.shape_cast %parallel_loop3A_864 : vector<1x1x16xf32> to vector<16xf32>
      %parallel_loop3A_866 = arith.constant 2 : i32
      %parallel_loop3A_867 = arith.index_cast %parallel_loop3A_849 : i32 to index
      %parallel_loop3A_868 = arith.index_cast %parallel_loop3A_866 : i32 to index
      %parallel_loop3A_869 = arith.index_cast %parallel_loop3A_853 : i32 to index
      %parallel_loop3A_870 = tpu.vector_load %arg5[%parallel_loop3A_867, %parallel_loop3A_868, %parallel_loop3A_869] {strides = array<i32>} : memref<63x3x128xf32, #tpu.memory_space<vmem>>, vector<1x1x16xf32>,
      %parallel_loop3A_871 = vector.shape_cast %parallel_loop3A_870 : vector<1x1x16xf32> to vector<16xf32>
      %parallel_loop3A_872 = arith.constant 16 : i32
      %parallel_loop3A_873 = arith.muli %parallel_loop3A_846, %parallel_loop3A_872 : i32
      %parallel_loop3A_874 = arith.index_cast %parallel_loop3A_873 : i32 to index
      %parallel_loop3A_875 = tpu.vector_load %arg8[%parallel_loop3A_874] {strides = array<i32>} : memref<8064xi32, #tpu.memory_space<vmem>>, vector<16xi32>,
      %parallel_loop3A_876 = vector.shape_cast %parallel_loop3A_875 : vector<16xi32> to vector<16xi32>
      %parallel_loop3A_877 = arith.mulf %parallel_loop3A_859, %parallel_loop3A_859 : vector<16xf32>
      %parallel_loop3A_878 = arith.mulf %parallel_loop3A_865, %parallel_loop3A_865 : vector<16xf32>
      %parallel_loop3A_879 = arith.addf %parallel_loop3A_877, %parallel_loop3A_878 : vector<16xf32>
      %parallel_loop3A_880 = arith.mulf %parallel_loop3A_871, %parallel_loop3A_871 : vector<16xf32>
      %parallel_loop3A_881 = arith.addf %parallel_loop3A_879, %parallel_loop3A_880 : vector<16xf32>
      %parallel_loop3A_882 = arith.sitofp %parallel_loop3A_876 : vector<16xi32> to vector<16xf32>
      %parallel_loop3A_883 = arith.constant 1.600000e+01 : f32
      %parallel_loop3A_884 = vector.broadcast %parallel_loop3A_883 : f32 to vector<16xf32>
      %parallel_loop3A_885 = arith.mulf %parallel_loop3A_882, %parallel_loop3A_884 : vector<16xf32>
      %parallel_loop3A_886 = arith.addf %parallel_loop3A_881, %parallel_loop3A_885 : vector<16xf32>
      %parallel_loop3A_887 = arith.mulf %parallel_loop3A_886, %parallel_loop3A_886 : vector<16xf32>
      %parallel_loop3A_888 = arith.mulf %parallel_loop3A_887, %parallel_loop3A_886 : vector<16xf32>
      %parallel_loop3A_889 = arith.constant 1.000000e+00 : f32
      %parallel_loop3A_890 = vector.broadcast %parallel_loop3A_889 : f32 to vector<16xf32>
      %parallel_loop3A_891 = arith.divf %parallel_loop3A_890, %parallel_loop3A_888 : vector<16xf32>
      %parallel_loop3A_892 = arith.constant 0.00137174211 : f32
      %parallel_loop3A_893 = vector.broadcast %parallel_loop3A_892 : f32 to vector<16xf32>
      %parallel_loop3A_894 = arith.maximumf %parallel_loop3A_891, %parallel_loop3A_893 : vector<16xf32>
      %parallel_loop3A_895 = arith.constant 0.00137174211 : f32
      %parallel_loop3A_896 = vector.broadcast %parallel_loop3A_895 : f32 to vector<16xf32>
      %parallel_loop3A_897 = arith.subf %parallel_loop3A_894, %parallel_loop3A_896 : vector<16xf32>
      %parallel_loop3A_898 = arith.constant -0.998628258 : f32
      %parallel_loop3A_899 = vector.broadcast %parallel_loop3A_898 : f32 to vector<16xf32>
      %parallel_loop3A_900 = arith.addf %parallel_loop3A_894, %parallel_loop3A_899 : vector<16xf32>
      %parallel_loop3A_901 = arith.mulf %parallel_loop3A_897, %parallel_loop3A_900 : vector<16xf32>
      %parallel_loop3A_902 = arith.addf %parallel_loop3A_847, %parallel_loop3A_901 : vector<16xf32>
      scf.yield %parallel_loop3A_902 : vector<16xf32>
    } {sc.loop_unroll_factor = 8 : i64, sc.parallel_access}
    %convert_element_type3A_834 = arith.extui %lt3A_7 : i1 to i32
    %cond3A_835 = arith.constant 0 : i32
    %cond3A_836 = arith.cmpi ne, %convert_element_type3A_834, %cond3A_835 : i32
    scf.if %cond3A_836 {
      %add3A_846 = arith.constant 1575 : i32
      %add3A_847 = arith.addi %add3A_6, %add3A_846 : i32
      %dma_wait3A_848 = arith.constant 0 : i32
      %dma_wait3A_849 = arith.constant 0 : i32
      %dma_wait3A_850 = tpu.memref_slice %arg3[%add3A_847, %dma_wait3A_848, %dma_wait3A_849] : memref<62500x3x128xf32, #tpu.memory_space<hbm>> -> memref<1x3x128xf32, #tpu.memory_space<hbm>>
      %dma_wait3A_851 = arith.constant 0 : i32
      %dma_wait3A_852 = arith.constant 0 : i32
      %dma_wait3A_853 = tpu.memref_slice %arg3[%add3A_847, %dma_wait3A_851, %dma_wait3A_852] : memref<62500x3x128xf32, #tpu.memory_space<hbm>> -> memref<1x3x128xf32, #tpu.memory_space<hbm>>
      tpu.wait_dma2 semaphore(%arg20 : memref<!tpu.dma_semaphore, #tpu.memory_space<semaphore_mem>>) src(%dma_wait3A_853 : memref<1x3x128xf32, #tpu.memory_space<hbm>>) dst(%arg11 : memref<1x3x128xf32, #tpu.memory_space<vmem>>)
      %mul3A_854 = arith.constant 128 : i32
      %mul3A_855 = arith.muli %add3A_847, %mul3A_854 : i32
      %dma_wait3A_856 = tpu.memref_slice %arg2[%mul3A_855] : memref<8000000xi32, #tpu.memory_space<hbm>> -> memref<128xi32, #tpu.memory_space<hbm>>
      %dma_wait3A_857 = tpu.memref_slice %arg2[%mul3A_855] : memref<8000000xi32, #tpu.memory_space<hbm>> -> memref<128xi32, #tpu.memory_space<hbm>>
      tpu.wait_dma2 semaphore(%arg20 : memref<!tpu.dma_semaphore, #tpu.memory_space<semaphore_mem>>) src(%dma_wait3A_857 : memref<128xi32, #tpu.memory_space<hbm>>) dst(%arg12 : memref<128xi32, #tpu.memory_space<vmem>>)
    } else {
    }
    %scan3A = arith.constant 0 : i32
    %scan3A_837 = arith.constant 8 : i32
    %scan3A_838 = arith.addi %scan3A, %scan3A_837 : i32
    %scan3A_839 = arith.constant 1 : i32
    %scan3A_840 = scf.for %scan3A_846 = %scan3A to %scan3A_838 step %scan3A_839 iter_args(%scan3A_847 = %parallel_loop3A_833) -> (vector<16xf32>)  : i32 {
      %mul3A_848 = arith.constant 16 : i32
      %mul3A_849 = arith.muli %scan3A_846, %mul3A_848 : i32
      %get3A = arith.constant 0 : i32
      %get3A_850 = arith.constant 0 : i32
      %get3A_851 = arith.index_cast %get3A : i32 to index
      %get3A_852 = arith.index_cast %get3A_850 : i32 to index
      %get3A_853 = arith.index_cast %mul3A_849 : i32 to index
      %get3A_854 = tpu.vector_load %arg11[%get3A_851, %get3A_852, %get3A_853] {strides = array<i32>} : memref<1x3x128xf32, #tpu.memory_space<vmem>>, vector<1x1x16xf32>,
      %get3A_855 = vector.shape_cast %get3A_854 : vector<1x1x16xf32> to vector<16xf32>
      %get3A_856 = arith.constant 0 : i32
      %get3A_857 = arith.constant 1 : i32
      %get3A_858 = arith.index_cast %get3A_856 : i32 to index
      %get3A_859 = arith.index_cast %get3A_857 : i32 to index
      %get3A_860 = arith.index_cast %mul3A_849 : i32 to index
      %get3A_861 = tpu.vector_load %arg11[%get3A_858, %get3A_859, %get3A_860] {strides = array<i32>} : memref<1x3x128xf32, #tpu.memory_space<vmem>>, vector<1x1x16xf32>,
      %get3A_862 = vector.shape_cast %get3A_861 : vector<1x1x16xf32> to vector<16xf32>
      %get3A_863 = arith.constant 0 : i32
      %get3A_864 = arith.constant 2 : i32
      %get3A_865 = arith.index_cast %get3A_863 : i32 to index
      %get3A_866 = arith.index_cast %get3A_864 : i32 to index
      %get3A_867 = arith.index_cast %mul3A_849 : i32 to index
      %get3A_868 = tpu.vector_load %arg11[%get3A_865, %get3A_866, %get3A_867] {strides = array<i32>} : memref<1x3x128xf32, #tpu.memory_space<vmem>>, vector<1x1x16xf32>,
      %get3A_869 = vector.shape_cast %get3A_868 : vector<1x1x16xf32> to vector<16xf32>
      %mul3A_870 = arith.constant 16 : i32
      %mul3A_871 = arith.muli %scan3A_846, %mul3A_870 : i32
      %get3A_872 = arith.index_cast %mul3A_871 : i32 to index
      %get3A_873 = tpu.vector_load %arg12[%get3A_872] {strides = array<i32>} : memref<128xi32, #tpu.memory_space<vmem>>, vector<16xi32>,
      %get3A_874 = vector.shape_cast %get3A_873 : vector<16xi32> to vector<16xi32>
      %mul3A_875 = arith.mulf %get3A_855, %get3A_855 : vector<16xf32>
      %mul3A_876 = arith.mulf %get3A_862, %get3A_862 : vector<16xf32>
      %add3A_877 = arith.addf %mul3A_875, %mul3A_876 : vector<16xf32>
      %mul3A_878 = arith.mulf %get3A_869, %get3A_869 : vector<16xf32>
      %add3A_879 = arith.addf %add3A_877, %mul3A_878 : vector<16xf32>
      %convert_element_type3A_880 = arith.sitofp %get3A_874 : vector<16xi32> to vector<16xf32>
      %mul3A_881 = arith.constant 1.600000e+01 : f32
      %mul3A_882 = vector.broadcast %mul3A_881 : f32 to vector<16xf32>
      %mul3A_883 = arith.mulf %convert_element_type3A_880, %mul3A_882 : vector<16xf32>
      %add3A_884 = arith.addf %add3A_879, %mul3A_883 : vector<16xf32>
      %mul3A_885 = arith.mulf %add3A_884, %add3A_884 : vector<16xf32>
      %mul3A_886 = arith.mulf %mul3A_885, %add3A_884 : vector<16xf32>
      %div3A = arith.constant 1.000000e+00 : f32
      %div3A_887 = vector.broadcast %div3A : f32 to vector<16xf32>
      %div3A_888 = arith.divf %div3A_887, %mul3A_886 : vector<16xf32>
      %max3A = arith.constant 0.00137174211 : f32
      %max3A_889 = vector.broadcast %max3A : f32 to vector<16xf32>
      %max3A_890 = arith.maximumf %div3A_888, %max3A_889 : vector<16xf32>
      %sub3A = arith.constant 0.00137174211 : f32
      %sub3A_891 = vector.broadcast %sub3A : f32 to vector<16xf32>
      %sub3A_892 = arith.subf %max3A_890, %sub3A_891 : vector<16xf32>
      %add3A_893 = arith.constant -0.998628258 : f32
      %add3A_894 = vector.broadcast %add3A_893 : f32 to vector<16xf32>
      %add3A_895 = arith.addf %max3A_890, %add3A_894 : vector<16xf32>
      %mul3A_896 = arith.mulf %sub3A_892, %add3A_895 : vector<16xf32>
      %add3A_897 = arith.addf %scan3A_847, %mul3A_896 : vector<16xf32>
      scf.yield %add3A_897 : vector<16xf32>
    }
    %scan3A_841 = arith.constant 8 : i32
    %swap3A_842 = arith.constant 0 : index
    %swap3A_843 = tpu.vector_load %arg13[%swap3A_842] {strides = array<i32>} : memref<16xf32, #tpu.memory_space<vmem>>, vector<16xf32>,
    %swap3A_844 = vector.shape_cast %swap3A_843 : vector<16xf32> to vector<16xf32>
    %swap3A_845 = vector.shape_cast %scan3A_840 : vector<16xf32> to vector<16xf32>
    tpu.vector_store %arg13[%swap3A_842], %swap3A_845 {strides = array<i32>} : memref<16xf32, #tpu.memory_space<vmem>>, vector<16xf32>,
    "tpu.region"() ({
      %run_scoped3A = tpu.sem_alloc : memref<!tpu.dma_semaphore, #tpu.memory_space<semaphore_mem>>
      %dma_start3A_846 = arith.constant 0 : i32
      %dma_start3A_847 = tpu.memref_slice %arg4[%add3A, %dma_start3A_846] : memref<32x16xf32, #tpu.memory_space<hbm>> -> memref<1x16xf32, #tpu.memory_space<hbm>>
      %dma_start3A_848 = tpu.memref_squeeze %dma_start3A_847 : memref<1x16xf32, #tpu.memory_space<hbm>> -> memref<16xf32, #tpu.memory_space<hbm>>
      %dma_start3A_849 = arith.constant 0 : i32
      %dma_start3A_850 = tpu.memref_slice %arg4[%add3A, %dma_start3A_849] : memref<32x16xf32, #tpu.memory_space<hbm>> -> memref<1x16xf32, #tpu.memory_space<hbm>>
      %dma_start3A_851 = tpu.memref_squeeze %dma_start3A_850 : memref<1x16xf32, #tpu.memory_space<hbm>> -> memref<16xf32, #tpu.memory_space<hbm>>
      tpu.enqueue_dma source(%arg13 : memref<16xf32, #tpu.memory_space<vmem>>) target(%dma_start3A_851 : memref<16xf32, #tpu.memory_space<hbm>>) target_semaphore(%run_scoped3A : memref<!tpu.dma_semaphore, #tpu.memory_space<semaphore_mem>>)
      %dma_wait3A_852 = arith.constant 0 : i32
      %dma_wait3A_853 = tpu.memref_slice %arg4[%add3A, %dma_wait3A_852] : memref<32x16xf32, #tpu.memory_space<hbm>> -> memref<1x16xf32, #tpu.memory_space<hbm>>
      %dma_wait3A_854 = tpu.memref_squeeze %dma_wait3A_853 : memref<1x16xf32, #tpu.memory_space<hbm>> -> memref<16xf32, #tpu.memory_space<hbm>>
      %dma_wait3A_855 = arith.constant 0 : i32
      %dma_wait3A_856 = tpu.memref_slice %arg4[%add3A, %dma_wait3A_855] : memref<32x16xf32, #tpu.memory_space<hbm>> -> memref<1x16xf32, #tpu.memory_space<hbm>>
      %dma_wait3A_857 = tpu.memref_squeeze %dma_wait3A_856 : memref<1x16xf32, #tpu.memory_space<hbm>> -> memref<16xf32, #tpu.memory_space<hbm>>
      tpu.wait_dma2 semaphore(%run_scoped3A : memref<!tpu.dma_semaphore, #tpu.memory_space<semaphore_mem>>) src(%arg13 : memref<16xf32, #tpu.memory_space<vmem>>) dst(%dma_wait3A_857 : memref<16xf32, #tpu.memory_space<hbm>>)
      tpu.yield
    }) : () -> ()
    return
  }
}

module attributes {stable_mosaic.version = 14 : i64} {
  func.func @_tc_body(%arg0: i32, %arg1: memref<672x3x128xf32, #tpu.memory_space<vmem>>, %arg2: memref<672x128xi32, #tpu.memory_space<vmem>>, %arg3: memref<8x128xf32, #tpu.memory_space<vmem>>) attributes {dimension_semantics = [#tpu.dimension_semantics<arbitrary>], iteration_bounds = array<i64: 18>, scalar_prefetch = 0 : i64, scratch_operands = 0 : i64, tpu.core_type = #tpu.core_type<tc>, window_params = [{transform_indices = @transform_0, window_bounds = array<i64: 672, 3, 128>}, {transform_indices = @transform_1, window_bounds = array<i64: 672, 128>}, {pipeline_mode = #tpu.pipeline_mode<synchronous>, transform_indices = @transform_2, window_bounds = array<i64: 8, 128>}]} {
    %eq3A = arith.constant 0 : i32
    %eq3A_0 = arith.cmpi eq, %arg0, %eq3A : i32
    %convert_element_type3A = arith.extui %eq3A_0 : i1 to i32
    %cond3A = arith.constant 0 : i32
    %cond3A_1 = arith.cmpi ne, %convert_element_type3A, %cond3A : i32
    scf.if %cond3A_1 {
      %broadcast_in_dim3A = arith.constant 0.000000e+00 : f32
      %broadcast_in_dim3A_46 = vector.broadcast %broadcast_in_dim3A : f32 to vector<8x128xf32>
      %swap3A_47 = arith.constant 0 : index
      %swap3A_48 = arith.constant 0 : index
      %swap3A_49 = vector.load %arg3[%swap3A_47, %swap3A_48] : memref<8x128xf32, #tpu.memory_space<vmem>>, vector<8x128xf32>
      tpu.vector_store %arg3[%swap3A_47, %swap3A_48], %broadcast_in_dim3A_46 {strides = array<i32>} : memref<8x128xf32, #tpu.memory_space<vmem>>, vector<8x128xf32>,
    } else {
    }
    %get3A = arith.constant 0 : index
    %get3A_2 = arith.constant 0 : index
    %get3A_3 = arith.constant 0 : index
    %get3A_4 = vector.load %arg1[%get3A, %get3A_2, %get3A_3] : memref<672x3x128xf32, #tpu.memory_space<vmem>>, vector<672x1x128xf32>
    %get3A_5 = vector.shape_cast %get3A_4 : vector<672x1x128xf32> to vector<672x128xf32>
    %get3A_6 = arith.constant 0 : index
    %get3A_7 = arith.constant 1 : index
    %get3A_8 = arith.constant 0 : index
    %get3A_9 = vector.load %arg1[%get3A_6, %get3A_7, %get3A_8] : memref<672x3x128xf32, #tpu.memory_space<vmem>>, vector<672x1x128xf32>
    %get3A_10 = vector.shape_cast %get3A_9 : vector<672x1x128xf32> to vector<672x128xf32>
    %get3A_11 = arith.constant 0 : index
    %get3A_12 = arith.constant 2 : index
    %get3A_13 = arith.constant 0 : index
    %get3A_14 = vector.load %arg1[%get3A_11, %get3A_12, %get3A_13] : memref<672x3x128xf32, #tpu.memory_space<vmem>>, vector<672x1x128xf32>
    %get3A_15 = vector.shape_cast %get3A_14 : vector<672x1x128xf32> to vector<672x128xf32>
    %get3A_16 = arith.constant 0 : index
    %get3A_17 = arith.constant 0 : index
    %get3A_18 = vector.load %arg2[%get3A_16, %get3A_17] : memref<672x128xi32, #tpu.memory_space<vmem>>, vector<672x128xi32>
    %mul3A = arith.mulf %get3A_5, %get3A_5 : vector<672x128xf32>
    %mul3A_19 = arith.mulf %get3A_10, %get3A_10 : vector<672x128xf32>
    %add3A = arith.addf %mul3A, %mul3A_19 : vector<672x128xf32>
    %mul3A_20 = arith.mulf %get3A_15, %get3A_15 : vector<672x128xf32>
    %add3A_21 = arith.addf %add3A, %mul3A_20 : vector<672x128xf32>
    %convert_element_type3A_22 = arith.sitofp %get3A_18 : vector<672x128xi32> to vector<672x128xf32>
    %mul3A_23 = arith.constant 1.600000e+01 : f32
    %mul3A_24 = vector.broadcast %mul3A_23 : f32 to vector<672x128xf32>
    %mul3A_25 = arith.mulf %convert_element_type3A_22, %mul3A_24 : vector<672x128xf32>
    %add3A_26 = arith.addf %add3A_21, %mul3A_25 : vector<672x128xf32>
    %mul3A_27 = arith.mulf %add3A_26, %add3A_26 : vector<672x128xf32>
    %mul3A_28 = arith.mulf %mul3A_27, %add3A_26 : vector<672x128xf32>
    %div3A = arith.constant 1.000000e+00 : f32
    %div3A_29 = vector.broadcast %div3A : f32 to vector<672x128xf32>
    %div3A_30 = arith.divf %div3A_29, %mul3A_28 : vector<672x128xf32>
    %max3A = arith.constant 0.00137174211 : f32
    %max3A_31 = vector.broadcast %max3A : f32 to vector<672x128xf32>
    %max3A_32 = arith.maximumf %div3A_30, %max3A_31 : vector<672x128xf32>
    %sub3A = arith.constant 0.00137174211 : f32
    %sub3A_33 = vector.broadcast %sub3A : f32 to vector<672x128xf32>
    %sub3A_34 = arith.subf %max3A_32, %sub3A_33 : vector<672x128xf32>
    %add3A_35 = arith.constant -0.998628258 : f32
    %add3A_36 = vector.broadcast %add3A_35 : f32 to vector<672x128xf32>
    %add3A_37 = arith.addf %max3A_32, %add3A_36 : vector<672x128xf32>
    %mul3A_38 = arith.mulf %sub3A_34, %add3A_37 : vector<672x128xf32>
    %get3A_39 = arith.constant 0 : index
    %get3A_40 = arith.constant 0 : index
    %get3A_41 = vector.load %arg3[%get3A_39, %get3A_40] : memref<8x128xf32, #tpu.memory_space<vmem>>, vector<8x128xf32>
    %reshape3A = vector.shape_cast %mul3A_38 : vector<672x128xf32> to vector<84x8x128xf32>
    %reduce_sum3A = arith.constant dense<0.000000e+00> : vector<8x128xf32>
    %reduce_sum3A_42 = vector.multi_reduction <add>, %reshape3A, %reduce_sum3A [0] : vector<84x8x128xf32> to vector<8x128xf32>
    %add3A_43 = arith.addf %get3A_41, %reduce_sum3A_42 : vector<8x128xf32>
    %swap3A = arith.constant 0 : index
    %swap3A_44 = arith.constant 0 : index
    %swap3A_45 = vector.load %arg3[%swap3A, %swap3A_44] : memref<8x128xf32, #tpu.memory_space<vmem>>, vector<8x128xf32>
    tpu.vector_store %arg3[%swap3A, %swap3A_44], %add3A_43 {strides = array<i32>} : memref<8x128xf32, #tpu.memory_space<vmem>>, vector<8x128xf32>,
    return
  }
  func.func @transform_0(%arg0: i32) -> (i32, i32, i32) {
    %c0_i32 = arith.constant 0 : i32
    %c0_i32_0 = arith.constant 0 : i32
    %c0_i32_1 = arith.constant 0 : i32
    return %arg0, %c0_i32, %c0_i32_0 : i32, i32, i32
  }
  func.func @transform_1(%arg0: i32) -> (i32, i32) {
    %c0_i32 = arith.constant 0 : i32
    %c0_i32_0 = arith.constant 0 : i32
    return %arg0, %c0_i32 : i32, i32
  }
  func.func @transform_2(%arg0: i32) -> (i32, i32) {
    %c0_i32 = arith.constant 0 : i32
    %c0_i32_0 = arith.constant 0 : i32
    %c0_i32_1 = arith.constant 0 : i32
    return %c0_i32, %c0_i32_0 : i32, i32
  }
}

</mosaic_0001>

<sc_bundles>
// kernel: kernel.4.cloned.1.call-start
scs
__scs_entry_jumppad:
0x0: {  	(pc) =	sbr.rel $0x88, $3  }
0x1: {  	(tag) =	ssettag $0x0;
	lr =	simm.s32 $0x1  }
0x2: {  	[smem:$0x3F9E] =	sst lr;
	_ =	strace $0xD0000000  }
0x3: {  	_ = 	snop  }
0x4: {  	_ = 	snop  }
0x5: {  	_ = 	snop  }
0x6: {  	_ = 	snop  }
0x7: {  	_ = 	snop  }
__scs_overlays_trampoline_lowered:
0x8: {  	[smem:$0x3FAD] =	sst s0  }
0x9: {  	[smem:$0x3FAE] =	sst s1  }
0xa: {  	[smem:$0x3FAF] =	sst s2  }
0xb: {  	[smem:$0x3FB0] =	sst s3  }
0xc: {  	[smem:$0x3FB1] =	sst s4  }
0xd: {  	[smem:$0x3FB2] =	sst s5  }
0xe: {  	[smem:$0x3FB3] =	sst s6  }
0xf: {  	[smem:$0x3FB4] =	sst s7  }
0x10: {  	[smem:$0x3FB5] =	sst s8  }
0x11: {  	[smem:$0x3FB6] =	sst s9;
	s0 =	simm.s32 @!p0 $0x0  }
0x12: {  	s1 =	sld [smem:$0x3F9C];
	s0 =	simm.s32 @p0 $0x1  }
0x13: {  	[smem:$0x3FB7] =	sst s0;
	s0 =	simm.s32 @!p1 $0x0  }
0x14: {  	s2 =	sld [smem:$0x3F9B];
	s0 =	simm.s32 @p1 $0x1  }
0x15: {  	[smem:$0x3FB8] =	sst s0;
	s0 =	simm.s32 @!p2 $0x0  }
0x16: {  	s3 =	sld [smem:$0x3FDB];
	s0 =	simm.s32 @p2 $0x1  }
0x17: {  	s4 =	simm.s32 $0x1BF5;
	[smem:$0x3FBA] =	sst s0  }
0x18: {  	s0 =	sld [smem:$0x3F9D];
	_ =	swait.ge [sflag:s4], $0x0  }
0x19: {  	s7 =	sld [smem:$0x3F9E]  }
0x1a: {  	s8 =	sadd.s32 $0xFFFFE003, lr  }
0x1b: {  	s9 =	sadd.s32 $0xFFFFFEF7, lr;
	s5 =	simm.s32 $0xFFFFFFFF;
	p2 =	slt.u32 s8, $0xFFFFF086  }
0x1c: {  	p1 =	slt.u32 s9, $0xF7A;
	s5 =	simm.s32 @!p2 $0x0  }
0x1d: {  	s5 =	simm.s32 @p1 $0x1;
	p0 =	seq.s32 s7, s2  }
0x1e: {  	s7 =	smul.u32 @!p0 $0xF7A, s2;
	p2 =	seq.s32 @!p0 s5, $0x0  }
0x1f: {  	s9 =	smul.u32 $0xF7A, s1;
	s8 =	simm.s32 @!p0 $0x1BF5;
	p2 =	por !p2, p0  }
0x20: {  	[sflag:s8] =	ssyncset.s32 @!p0 $0xFFFFF086;
	s6 =	sadd.s32 @!p0 s3, s7;
	s7 =	simm.s32 @!p0 $0x108  }
0x21: {  	s3 =	sadd.s32 s3, s9;
	s6 =	sadd.s32 @!p0 $0x88, s6;
	s7 =	simm.s32 @p2 $0x1082  }
0x22: {  	[simem:s7], [sflag:s8] =	dma.local @!p0 [hbm:s6], $0xF7A  }
0x23: {  	s9 =	sor.u32 $0xD0000000, s2;
	s6 =	simm.s32 $0x108;
	_ =	swait.ge @!p0 [sflag:s8], $0x0  }
0x24: {  	s3 =	sadd.s32 $0x88, s3;
	s6 =	simm.s32 @!p1 $0x1082;
	[sflag:s4] =	ssyncset.s32 $0xFFFFF086  }
0x25: {  	[simem:s6], [sflag:s4] =	dma.local [hbm:s3], $0xF7A  }
0x26: {  	[smem:$0x3F9E] =	sst s1;
	(tag) =	ssettag s2;
	_ =	strace s9  }
0x27: {  	s1 =	sld [smem:$0x3FAE]  }
0x28: {  	s2 =	sld [smem:$0x3FAF]  }
0x29: {  	s4 =	sld [smem:$0x3FB1]  }
0x2a: {  	p0 =	seq.s32 s5, $0x0;
	s5 =	sld [smem:$0x3FB2]  }
0x2b: {  	s6 =	sld [smem:$0x3FB3]  }
0x2c: {  	s7 =	sld [smem:$0x3FB4]  }
0x2d: {  	s3 =	simm.s32 $0x108;
	s8 =	sld [smem:$0x3FB5]  }
0x2e: {  	s3 =	simm.s32 @!p0 $0x1082;
	s9 =	sld [smem:$0x3FB6]  }
0x2f: {  	lr =	sadd.s32 s0, s3;
	s0 =	sld [smem:$0x3FAD]  }
0x30: {  	s3 =	sld [smem:$0x3FB0]  }
0x31: {  	[smem:$0x3FB9] =	sst s10  }
0x32: {  	s10 =	sld [smem:$0x3FB7];
	_ =	sdelay $0x3  }
0x33: {  	p0 =	seq.s32 s10, $0x1;
	s10 =	sld [smem:$0x3FB9];
	_ =	sdelay $0x3  }
0x34: {  	[smem:$0x3FB9] =	sst s10  }
0x35: {  	s10 =	sld [smem:$0x3FB8];
	_ =	sdelay $0x3  }
0x36: {  	p1 =	seq.s32 s10, $0x1;
	s10 =	sld [smem:$0x3FB9];
	_ =	sdelay $0x3  }
0x37: {  	[smem:$0x3FB9] =	sst s10  }
0x38: {  	s10 =	sld [smem:$0x3FBA]  }
0x39: {  	_ = 	snop;
	(pc) =	sbr.ind lr, $3  }
0x3a: {  	_ = 	snop  }
0x3b: {  	_ = 	snop  }
0x3c: {  	p2 =	seq.s32 s10, $0x1;
	s10 =	sld [smem:$0x3FB9]  }
0x3d: {  	_ =	shalt  }
0x3e: {  	_ =	shalt  }
0x3f: {  	_ =	shalt  }
0x40: {  	_ =	shalt  }
0x41: {  	_ =	shalt  }
0x42: {  	_ =	shalt  }
0x43: {  	_ =	shalt  }
0x44: {  	_ =	shalt  }
0x45: {  	_ =	shalt  }
0x46: {  	_ =	shalt  }
0x47: {  	_ =	shalt  }
0x48: {  	_ =	shalt  }
0x49: {  	_ =	shalt  }
0x4a: {  	_ =	shalt  }
0x4b: {  	_ =	shalt  }
0x4c: {  	_ =	shalt  }
0x4d: {  	_ =	shalt  }
0x4e: {  	_ =	shalt  }
0x4f: {  	_ =	shalt  }
0x50: {  	_ =	shalt  }
0x51: {  	_ =	shalt  }
0x52: {  	_ =	shalt  }
0x53: {  	_ =	shalt  }
0x54: {  	_ =	shalt  }
0x55: {  	_ =	shalt  }
0x56: {  	_ =	shalt  }
0x57: {  	_ =	shalt  }
0x58: {  	_ =	shalt  }
0x59: {  	_ =	shalt  }
0x5a: {  	_ =	shalt  }
0x5b: {  	_ =	shalt  }
0x5c: {  	_ =	shalt  }
0x5d: {  	_ =	shalt  }
0x5e: {  	_ =	shalt  }
0x5f: {  	_ =	shalt  }
0x60: {  	_ =	shalt  }
0x61: {  	_ =	shalt  }
0x62: {  	_ =	shalt  }
0x63: {  	_ =	shalt  }
0x64: {  	_ =	shalt  }
0x65: {  	_ =	shalt  }
0x66: {  	_ =	shalt  }
0x67: {  	_ =	shalt  }
0x68: {  	_ =	shalt  }
0x69: {  	_ =	shalt  }
0x6a: {  	_ =	shalt  }
0x6b: {  	_ =	shalt  }
0x6c: {  	_ =	shalt  }
0x6d: {  	_ =	shalt  }
0x6e: {  	_ =	shalt  }
0x6f: {  	_ =	shalt  }
0x70: {  	_ =	shalt  }
0x71: {  	_ =	shalt  }
0x72: {  	_ =	shalt  }
0x73: {  	_ =	shalt  }
0x74: {  	_ =	shalt  }
0x75: {  	_ =	shalt  }
0x76: {  	_ =	shalt  }
0x77: {  	_ =	shalt  }
0x78: {  	_ =	shalt  }
0x79: {  	_ =	shalt  }
0x7a: {  	_ =	shalt  }
0x7b: {  	_ =	shalt  }
0x7c: {  	_ =	shalt  }
0x7d: {  	_ =	shalt  }
0x7e: {  	_ =	shalt  }
0x7f: {  	_ =	shalt  }
0x80: {  	_ =	shalt  }
0x81: {  	_ =	shalt  }
0x82: {  	_ =	shalt  }
0x83: {  	_ =	shalt  }
0x84: {  	_ =	shalt  }
0x85: {  	_ =	shalt  }
0x86: {  	_ =	shalt  }
0x87: {  	_ =	shalt  }
.Lfunc_end0:
.L_simem_size_0:
called_computation_lowered:
.L_overlay_start_0:
0x88: {  	s2 =	sld [smem:$0x3FD9]  }
0x89: {  	s3 =	sld [smem:$0x3FFE];
	_ =	sdelay $0x1  }
0x8a: {  	s1 =	srdreg.scid  }
0x8b: {  	s0 =	sand.u32 $0x1, s1  }
0x8c: {  	s17 =	sshll.u32 s0, $0xA;
	s2 =	sadd.s32 s3, s2  }
0x8d: {  	s2 =	sadd.s32 s2, s17  }
0x8e: {  	[smem:$0x3FC5] =	sst s2  }
0x8f: {  	_ = 	snop  }
0x90: {  	s2 =	sld [smem:$0x3FC8]  }
0x91: {  	s18 =	sld [smem:$0x3FC7];
	(tm) =	ssettm $0x1  }
0x92: {  	s4 =	sld [smem:$0x3FFB];
	_ =	sdelay $0x3  }
0x93: {  	_ =	strace s4  }
0x94: {  	s4 =	sld [smem:$0x3FFC];
	_ =	sdelay $0x3  }
0x95: {  	_ =	strace s4  }
0x96: {  	s4 =	sld [smem:$0x3FFD];
	_ =	sdelay $0x3  }
0x97: {  	_ =	strace s4  }
0x98: {  	_ =	strace $0x8FFFFFFF  }
0x99: {  	s19 =	sld [smem:$0x3FDB];
	_ =	sdelay $0x1  }
0x9a: {  	s5 =	simm.s32 $_scs_section_size  }
0x9b: {  	s6 =	simm.s32 $_size__tile_overlayer_lowered;
	s7 =	simm.s32 $_tile_overlayer_lowered  }
0x9c: {  	s22 =	simm.s32 $0x1BFF;
	s21 =	sshll.u32 s7, $0x1;
	s4 =	sadd.s32 s5, s19  }
0x9d: {  	s8 =	simm.s32 $0x0;
	s20 =	sshll.u32 s6, $0x1;
	s6 =	sadd.s32 s21, s4  }
0x9e: {  	[timem:s8], [sflag:s22] =	dma.local [hbm:s6], s20  }
0x9f: {  	_ =	swait.ge [sflag:s22], s20  }
0xa0: {  	s5 =	ssub.s32 $0x0, s20;
	[sflag:s22] =	ssyncset.done $0x0  }
0xa1: {  	[sflag:s22] =	ssyncadd.s32 s5;
	_ =	sdelay $0x1  }
0xa2: {  	s23 =	simm.s32 $0x1B8B  }
0xa3: {  	_ =	swait.ge [sflag:s23], $0x1  }
0xa4: {  	[sflag:s23] =	ssyncset.done $0x0  }
0xa5: {  	s25 =	simm.s32 $0x1B8E;
	s24 =	sld [smem:$0x3FFE];
	[sflag:s23] =	ssyncadd.s32 $0xFFFFFFFF  }
0xa6: {  	s26 =	simm.s32 $execute0_lowered;
	[smem:$0x3FD2] =	sst s25  }
0xa7: {  	s6 =	sshll.u32 s26, $0x1;
	_ =	strace $0x80000046;
	[dreg:$0x1] =	wrdreg $0xFFFFFFFF  }
0xa8: {  	s28 =	simm.s32 $_size_execute0_lowered;
	s4 =	sadd.s32 s4, s6;
	[dreg:$0x0] =	wrdreg $0x0  }
0xa9: {  	s6 =	sshll.u32 s28, $0x1;
	[dreg:$0x2] =	wrdreg s4  }
0xaa: {  	[dreg:$0x3] =	wrdreg s6  }
0xab: {  	[dreg:$0x4] =	wrdreg $0xC0  }
0xac: {  	_ =	task [dreg:s8], $0x5FFFF  }
0xad: {  	[dreg:$0x1] =	wrdreg $0xFFFFFFFF  }
0xae: {  	[dreg:$0x0] =	wrdreg $0x60  }
0xaf: {  	[dreg:$0x2] =	wrdreg s2  }
0xb0: {  	[dreg:$0x3] =	wrdreg s18  }
0xb1: {  	[dreg:$0x4] =	wrdreg s24  }
0xb2: {  	[dreg:$0x5] =	wrdreg $0x9  }
0xb3: {  	_ =	task.clear_ibuf [dreg:s8], $0x6FFFF;
	_ =	strace $0x90000046  }
0xb4: {  	s29 =	simm.s32 $0x9;
	_ =	strace $0x80000048  }
0xb5: {  	_ =	swait.ge [sflag:s29], $0x1  }
0xb6: {  	[sflag:s29] =	ssyncadd.s32 $0xFFFFFFFF  }
0xb7: {  	_ =	strace $0x90000048  }
0xb8: {  	_ =	sfence  }
0xb9: {  	s30 =	sld [smem:$0x0];
	_ =	sdelay $0x2  }
0xba: {  	s31 =	sshll.u32 s1, $0xD;
	s1 =	sshrl.u32 s1, $0x2  }
0xbb: {  	s3 =	sand.u32 $0x4000, s31;
	s1 =	sadd.s32 s1, s30  }
0xbc: {  	s0 =	sor.u32 s3, s0;
	s1 =	sshll.u32 s1, $0x11  }
0xbd: {  	s0 =	sor.u32 s1, s0  }
0xbe: {  	s0 =	sadd.s32 $0x8F2B, s0  }
0xbf: {  	[sflag:s0] =	ssyncadd.remote.s32 $0x1  }
0xc0: {  	_ =	sfence.sel $0xFFFF  }
0xc1: {  	[dreg:$0x0] =	wrdreg $0xFFFFFFFF;
	(pc) =	sbr.abs _section_cstart, $3  }
0xc2: {  	[dreg:$0x1] =	wrdreg $0xFFFFFFFF  }
0xc3: {  	_ =	task.clear_ibuf [dreg:s8], $0x2FFFF;
	_ =	strace $0x9FFFFFFF  }
0xc4: {  	(tm) =	ssettm $0x7FFFFFFF  }
0xc5: {  	_ =	shalt  }
tec
execute0_lowered:
.L_overlay_start_1:
0x0: {  	(tag) =	ssettag $0x1  }
0x1: {  	s0 =	srdreg.scid;
	s1 =	stileid.u32  }
0x2: {  	s0 =	sand.u32 $0x1, s0;
	s1 =	sshll.u32 s1, $0x1  }
0x3: {  	s2 =	sor.u32 s0, s1  }
0x4: {  	s0 =	ssub.s32 $0x2, s0;
	s1 =	smul.u32 $0x627, s2  }
0x5: {  	[smem:$0x7FB] =	sst s2;
	s2 =	smin.u32 s2, $0x4;
	s7 =	sshrl.u32 s0, $0x1  }
0x6: {  	s26 =	rddreg [dreg:$0x1];
	s0 =	ssub.s32 s0, s7;
	s24 =	sadd.s32 s2, s1  }
0x7: {  	[smem:$0x7FC] =	sst s0;
	s3 =	sadd.s32 $0x2F7F, s24  }
0x8: {  	s12 =	sadd.s32 $0x2FBE, s24;
	[smem:$0x7E4] =	sst s3  }
0x9: {  	s29 =	sadd.s32 $0x2F40, s24;
	s4 =	sadd.s32 $0x2FFD, s24;
	[smem:$0x7E5] =	sst s12  }
0xa: {  	s30 =	sadd.s32 $0x3567, s24;
	s15 =	sadd.s32 $0x303C, s24;
	[smem:$0x7E6] =	sst s4  }
0xb: {  	s16 =	sadd.s32 $0x307B, s24;
	s6 =	sadd.s32 $0x30BA, s24;
	[smem:$0x7E7] =	sst s15  }
0xc: {  	s19 =	sadd.s32 $0x30F9, s24;
	s20 =	sadd.s32 $0x3138, s24;
	[smem:$0x7E8] =	sst s16  }
0xd: {  	s23 =	sadd.s32 $0x31B6, s24;
	s25 =	sadd.s32 $0x31F5, s24;
	[smem:$0x7E9] =	sst s6  }
0xe: {  	s31 =	sadd.s32 $0x34AA, s24;
	s8 =	sshll.u32 s29, $0x6;
	[smem:$0x7EA] =	sst s19  }
0xf: {  	s3 =	sshll.u32 s3, $0x6;
	s11 =	sshll.u32 s30, $0x6;
	[smem:$0x7EB] =	sst s20  }
0x10: {  	s4 =	sshll.u32 s4, $0x6;
	s7 =	sshll.u32 s6, $0x6;
	[smem:$0x7ED] =	sst s23  }
0x11: {  	[smem:$0x7EE] =	sst s25;
	s9 =	sand.u32 $0x1FFFFFC0, s8;
	s10 =	sand.u32 $0x1FFFFFC0, s3  }
0x12: {  	s0 =	sand.u32 $0x1FFFFFC0, s11;
	s3 =	sshll.u32 s12, $0x6;
	s14 =	sand.u32 $0x1FFFFFC0, s4  }
0x13: {  	s18 =	sand.u32 $0x1FFFFFC0, s7;
	s12 =	sadd.s32 $0x3234, s24;
	s1 =	sadd.s32 s26, s9  }
0x14: {  	s2 =	sadd.s32 s26, s10;
	s0 =	sadd.s32 s26, s0;
	s13 =	sand.u32 $0x1FFFFFC0, s3  }
0x15: {  	s5 =	sadd.s32 s26, s14;
	s3 =	sshll.u32 s16, $0x6;
	s8 =	sadd.s32 s26, s18  }
0x16: {  	s9 =	sadd.s32 $0x3177, s24;
	[smem:$0x7EF] =	sst s12;
	s16 =	sadd.s32 $0x32B2, s24  }
0x17: {  	[dreg:$0x4] =	wrdreg s0;
	s4 =	sadd.s32 s26, s13;
	s0 =	sshll.u32 s15, $0x6  }
0x18: {  	s17 =	sand.u32 $0x1FFFFFC0, s3;
	[smem:$0x7EC] =	sst s9;
	s3 =	sshll.u32 s20, $0x6  }
0x19: {  	s10 =	sshll.u32 s9, $0x6;
	s13 =	sshll.u32 s12, $0x6;
	s15 =	sadd.s32 $0x3273, s24  }
0x1a: {  	[smem:$0x7F1] =	sst s16;
	s20 =	sadd.s32 $0x336F, s24;
	s0 =	sand.u32 $0x1FFFFFC0, s0  }
0x1b: {  	s7 =	sadd.s32 s26, s17;
	s21 =	sand.u32 $0x1FFFFFC0, s3;
	s22 =	sand.u32 $0x1FFFFFC0, s10  }
0x1c: {  	s3 =	sshll.u32 s25, $0x6;
	s14 =	sand.u32 $0x1FFFFFC0, s13;
	[smem:$0x7F0] =	sst s15  }
0x1d: {  	[smem:$0x7F4] =	sst s20;
	s25 =	sadd.s32 $0x342C, s24;
	s6 =	sadd.s32 s26, s0  }
0x1e: {  	s0 =	sshll.u32 s19, $0x6;
	s10 =	sadd.s32 s26, s21;
	s11 =	sadd.s32 s26, s22  }
0x1f: {  	s3 =	sand.u32 $0x1FFFFFC0, s3;
	s14 =	sadd.s32 s26, s14;
	s19 =	sadd.s32 $0x3330, s24  }
0x20: {  	[smem:$0x7F7] =	sst s25;
	s0 =	sand.u32 $0x1FFFFFC0, s0;
	s13 =	sadd.s32 s26, s3  }
0x21: {  	s3 =	sshll.u32 s16, $0x6;
	[smem:$0x7F3] =	sst s19;
	s9 =	sadd.s32 s26, s0  }
0x22: {  	s0 =	sshll.u32 s23, $0x6;
	s17 =	sand.u32 $0x1FFFFFC0, s3;
	s3 =	sshll.u32 s20, $0x6  }
0x23: {  	s23 =	sadd.s32 $0x33ED, s24;
	s0 =	sand.u32 $0x1FFFFFC0, s0;
	s21 =	sand.u32 $0x1FFFFFC0, s3  }
0x24: {  	[smem:$0x7F6] =	sst s23;
	s3 =	sshll.u32 s25, $0x6;
	s25 =	sadd.s32 $0x34E9, s24  }
0x25: {  	s12 =	sadd.s32 s26, s0;
	s0 =	sshll.u32 s15, $0x6;
	s15 =	sadd.s32 $0x32F1, s24  }
0x26: {  	s3 =	sand.u32 $0x1FFFFFC0, s3;
	[smem:$0x7F9] =	sst s25;
	s28 =	sshll.u32 s25, $0x6  }
0x27: {  	[smem:$0x7F2] =	sst s15;
	s0 =	sand.u32 $0x1FFFFFC0, s0;
	s16 =	sshll.u32 s15, $0x6  }
0x28: {  	s25 =	sand.u32 $0x1FFFFFC0, s28;
	s15 =	sadd.s32 s26, s0;
	s18 =	sand.u32 $0x1FFFFFC0, s16  }
0x29: {  	s16 =	sadd.s32 s26, s17;
	s0 =	sshll.u32 s19, $0x6;
	s25 =	sadd.s32 s26, s25  }
0x2a: {  	s17 =	sadd.s32 s26, s18;
	s18 =	sadd.s32 $0x33AE, s24;
	s0 =	sand.u32 $0x1FFFFFC0, s0  }
0x2b: {  	[smem:$0x7F5] =	sst s18;
	s19 =	sshll.u32 s18, $0x6;
	s18 =	sadd.s32 s26, s0  }
0x2c: {  	s0 =	sshll.u32 s23, $0x6;
	s22 =	sand.u32 $0x1FFFFFC0, s19;
	s19 =	sadd.s32 s26, s21  }
0x2d: {  	s21 =	sadd.s32 $0x346B, s24;
	s0 =	sand.u32 $0x1FFFFFC0, s0;
	s20 =	sadd.s32 s26, s22  }
0x2e: {  	[smem:$0x7F8] =	sst s21;
	s22 =	sshll.u32 s21, $0x6;
	s21 =	sadd.s32 s26, s0  }
0x2f: {  	s23 =	sand.u32 $0x1FFFFFC0, s22;
	s22 =	sadd.s32 s26, s3;
	s3 =	sadd.s32 $0x3528, s24  }
0x30: {  	s24 =	sshll.u32 s31, $0x6;
	[smem:$0x7FA] =	sst s3;
	s3 =	sshll.u32 s3, $0x6  }
0x31: {  	s23 =	sadd.s32 s26, s23;
	s0 =	sand.u32 $0x1FFFFFC0, s24;
	s3 =	sand.u32 $0x1FFFFFC0, s3  }
0x32: {  	s24 =	sadd.s32 s26, s0;
	s26 =	sadd.s32 s26, s3;
	s3 =	sshll.u32 s29, $0x4  }
0x33: {  	s0 =	rddreg [dreg:$0x0];
	s3 =	sand.u32 $0x1FFFFFF0, s3  }
0x34: {  	s3 =	sadd.s32 s0, s3  }
0x35: {  	[dreg:$0x5] =	wrdreg s3  }
0x36: {  	s3 =	sld [smem:$0x7E4];
	_ =	sdelay $0x1  }
0x37: {  	s29 =	sshll.u32 s30, $0x4;
	s30 =	sld [smem:$0x7E5]  }
0x38: {  	s3 =	sshll.u32 s3, $0x4  }
0x39: {  	s3 =	sand.u32 $0x1FFFFFF0, s3  }
0x3a: {  	s30 =	sshll.u32 s30, $0x4;
	s3 =	sadd.s32 s0, s3  }
0x3b: {  	[dreg:$0x6] =	wrdreg s3;
	s3 =	sand.u32 $0x1FFFFFF0, s29;
	s29 =	sand.u32 $0x1FFFFFF0, s30  }
0x3c: {  	s30 =	sadd.s32 s0, s29  }
0x3d: {  	[dreg:$0x8] =	wrdreg s30  }
0x3e: {  	s30 =	sld [smem:$0x7E6]  }
0x3f: {  	s3 =	sadd.s32 s0, s3;
	s29 =	sld [smem:$0x7E7]  }
0x40: {  	[dreg:$0x7] =	wrdreg s3  }
0x41: {  	s3 =	sshll.u32 s30, $0x4;
	s30 =	sld [smem:$0x7E8];
	_ =	sdelay $0x1  }
0x42: {  	s3 =	sand.u32 $0x1FFFFFF0, s3  }
0x43: {  	s29 =	sshll.u32 s29, $0x4;
	s3 =	sadd.s32 s0, s3;
	s30 =	sshll.u32 s30, $0x4  }
0x44: {  	[dreg:$0x9] =	wrdreg s3;
	s3 =	sand.u32 $0x1FFFFFF0, s29;
	s29 =	sand.u32 $0x1FFFFFF0, s30  }
0x45: {  	s30 =	sadd.s32 s0, s29  }
0x46: {  	[dreg:$0xb] =	wrdreg s30  }
0x47: {  	s3 =	sadd.s32 s0, s3;
	s30 =	sld [smem:$0x7E9]  }
0x48: {  	[dreg:$0xa] =	wrdreg s3  }
0x49: {  	s29 =	sld [smem:$0x7EA]  }
0x4a: {  	s3 =	sshll.u32 s30, $0x4;
	s30 =	sld [smem:$0x7EB];
	_ =	sdelay $0x1  }
0x4b: {  	s3 =	sand.u32 $0x1FFFFFF0, s3  }
0x4c: {  	s29 =	sshll.u32 s29, $0x4;
	s3 =	sadd.s32 s0, s3;
	s30 =	sshll.u32 s30, $0x4  }
0x4d: {  	[dreg:$0xc] =	wrdreg s3;
	s3 =	sand.u32 $0x1FFFFFF0, s29;
	s29 =	sand.u32 $0x1FFFFFF0, s30  }
0x4e: {  	s30 =	sadd.s32 s0, s29  }
0x4f: {  	[dreg:$0xe] =	wrdreg s30  }
0x50: {  	s3 =	sadd.s32 s0, s3;
	s30 =	sld [smem:$0x7EC]  }
0x51: {  	[dreg:$0xd] =	wrdreg s3  }
0x52: {  	s29 =	sld [smem:$0x7ED]  }
0x53: {  	s3 =	sshll.u32 s30, $0x4;
	s30 =	sld [smem:$0x7EE];
	_ =	sdelay $0x1  }
0x54: {  	s3 =	sand.u32 $0x1FFFFFF0, s3  }
0x55: {  	s29 =	sshll.u32 s29, $0x4;
	s3 =	sadd.s32 s0, s3;
	s30 =	sshll.u32 s30, $0x4  }
0x56: {  	[dreg:$0xf] =	wrdreg s3;
	s3 =	sand.u32 $0x1FFFFFF0, s29;
	s29 =	sand.u32 $0x1FFFFFF0, s30  }
0x57: {  	s30 =	sadd.s32 s0, s29  }
0x58: {  	[dreg:$0x11] =	wrdreg s30  }
0x59: {  	s3 =	sadd.s32 s0, s3;
	s30 =	sld [smem:$0x7EF]  }
0x5a: {  	[dreg:$0x10] =	wrdreg s3  }
0x5b: {  	s29 =	sld [smem:$0x7F0]  }
0x5c: {  	s3 =	sshll.u32 s30, $0x4;
	s30 =	sld [smem:$0x7F1];
	_ =	sdelay $0x1  }
0x5d: {  	s3 =	sand.u32 $0x1FFFFFF0, s3  }
0x5e: {  	s29 =	sshll.u32 s29, $0x4;
	s3 =	sadd.s32 s0, s3;
	s30 =	sshll.u32 s30, $0x4  }
0x5f: {  	[dreg:$0x12] =	wrdreg s3;
	s3 =	sand.u32 $0x1FFFFFF0, s29;
	s29 =	sand.u32 $0x1FFFFFF0, s30  }
0x60: {  	s30 =	sadd.s32 s0, s29  }
0x61: {  	[dreg:$0x14] =	wrdreg s30  }
0x62: {  	s3 =	sadd.s32 s0, s3;
	s30 =	sld [smem:$0x7F2]  }
0x63: {  	[dreg:$0x13] =	wrdreg s3  }
0x64: {  	s29 =	sld [smem:$0x7F3]  }
0x65: {  	s3 =	sshll.u32 s30, $0x4;
	s30 =	sld [smem:$0x7F4];
	_ =	sdelay $0x1  }
0x66: {  	s3 =	sand.u32 $0x1FFFFFF0, s3  }
0x67: {  	s29 =	sshll.u32 s29, $0x4;
	s3 =	sadd.s32 s0, s3;
	s30 =	sshll.u32 s30, $0x4  }
0x68: {  	[dreg:$0x15] =	wrdreg s3;
	s3 =	sand.u32 $0x1FFFFFF0, s29;
	s29 =	sand.u32 $0x1FFFFFF0, s30  }
0x69: {  	s30 =	sadd.s32 s0, s29  }
0x6a: {  	[dreg:$0x17] =	wrdreg s30  }
0x6b: {  	s3 =	sadd.s32 s0, s3;
	s30 =	sld [smem:$0x7F5]  }
0x6c: {  	[dreg:$0x16] =	wrdreg s3  }
0x6d: {  	s29 =	sld [smem:$0x7F6]  }
0x6e: {  	s3 =	sshll.u32 s30, $0x4;
	s30 =	sld [smem:$0x7F7];
	_ =	sdelay $0x1  }
0x6f: {  	s3 =	sand.u32 $0x1FFFFFF0, s3  }
0x70: {  	s29 =	sshll.u32 s29, $0x4;
	s3 =	sadd.s32 s0, s3;
	s30 =	sshll.u32 s30, $0x4  }
0x71: {  	[dreg:$0x18] =	wrdreg s3;
	s3 =	sand.u32 $0x1FFFFFF0, s29;
	s29 =	sand.u32 $0x1FFFFFF0, s30  }
0x72: {  	s30 =	sadd.s32 s0, s29  }
0x73: {  	[dreg:$0x1a] =	wrdreg s30  }
0x74: {  	s30 =	sld [smem:$0x7F8]  }
0x75: {  	s3 =	sadd.s32 s0, s3  }
0x76: {  	[dreg:$0x19] =	wrdreg s3  }
0x77: {  	s3 =	sshll.u32 s30, $0x4;
	s30 =	sld [smem:$0x7F9];
	_ =	sdelay $0x1  }
0x78: {  	s3 =	sand.u32 $0x1FFFFFF0, s3  }
0x79: {  	s29 =	sshll.u32 s31, $0x4;
	s3 =	sadd.s32 s0, s3;
	s30 =	sshll.u32 s30, $0x4  }
0x7a: {  	[dreg:$0x1b] =	wrdreg s3;
	s3 =	sand.u32 $0x1FFFFFF0, s29;
	s29 =	sand.u32 $0x1FFFFFF0, s30  }
0x7b: {  	s30 =	sadd.s32 s0, s29;
	s29 =	sld [smem:$0x7FB]  }
0x7c: {  	[dreg:$0x1d] =	wrdreg s30  }
0x7d: {  	s30 =	sld [smem:$0x7FA]  }
0x7e: {  	s3 =	sadd.s32 s0, s3  }
0x7f: {  	s28 =	simm.s32 $0x0;
	[dreg:$0x1c] =	wrdreg s3  }
0x80: {  	s29 =	sshll.u32 s29, $0x4;
	s3 =	sshll.u32 s30, $0x4;
	s30 =	rddreg [dreg:$0x2]  }
0x81: {  	[smem:$0x7FF] =	sst s28;
	s3 =	sand.u32 $0x1FFFFFF0, s3;
	s30 =	sadd.s32 s30, s29  }
0x82: {  	s0 =	sadd.s32 s0, s3;
	[dreg:$0x1f] =	wrdreg s30  }
0x83: {  	[dreg:$0x1e] =	wrdreg s0  }
0x84: {  	_ =	strace $0x80000047  }
0x85: {  	s3 =	sld [smem:$0x7FC];
	_ =	sdelay $0x2  }
0x86: {  	s31 =	simm.s32 $0x4;
	s30 =	stileid.u32;
	s0 =	smax.u32 s3, $0x1  }
0x87: {  	v0 =	vimm.s32 $0x1;
	v1 =	vimm.f32 $0.0e+00;
	s29 =	simm.s32 $0x0;
	p0 =	sgt.u32 s30, $0x1;
	[smem:$0x7FD] =	sst s0  }
.LBB2_1:
0x88: {  	[tilespmem:$0x1DA80] =	vst v0  }
0x89: {  	[tilespmem:$0x1D880] =	vst v1  }
0x8a: {  	[tilespmem:$0x1D900] =	vst v1  }
0x8b: {  	[tilespmem:$0x1D980] =	vst v1  }
0x8c: {  	[tilespmem:$0x1DA90] =	vst v0  }
0x8d: {  	[tilespmem:$0x1D890] =	vst v1  }
0x8e: {  	[tilespmem:$0x1D910] =	vst v1  }
0x8f: {  	[tilespmem:$0x1D990] =	vst v1  }
0x90: {  	[tilespmem:$0x1DAA0] =	vst v0  }
0x91: {  	[tilespmem:$0x1D8A0] =	vst v1  }
0x92: {  	[tilespmem:$0x1D920] =	vst v1  }
0x93: {  	[tilespmem:$0x1D9A0] =	vst v1  }
0x94: {  	[tilespmem:$0x1DAB0] =	vst v0  }
0x95: {  	[tilespmem:$0x1D8B0] =	vst v1  }
0x96: {  	[tilespmem:$0x1D930] =	vst v1  }
0x97: {  	[tilespmem:$0x1D9B0] =	vst v1  }
0x98: {  	[tilespmem:$0x1DAC0] =	vst v0  }
0x99: {  	[tilespmem:$0x1D8C0] =	vst v1  }
0x9a: {  	[tilespmem:$0x1D940] =	vst v1  }
0x9b: {  	[tilespmem:$0x1D9C0] =	vst v1  }
0x9c: {  	[tilespmem:$0x1DAD0] =	vst v0  }
0x9d: {  	[tilespmem:$0x1D8D0] =	vst v1  }
0x9e: {  	[tilespmem:$0x1D950] =	vst v1  }
0x9f: {  	[tilespmem:$0x1D9D0] =	vst v1  }
0xa0: {  	[tilespmem:$0x1DAE0] =	vst v0  }
0xa1: {  	[tilespmem:$0x1D8E0] =	vst v1  }
0xa2: {  	[tilespmem:$0x1D960] =	vst v1  }
0xa3: {  	[tilespmem:$0x1D9E0] =	vst v1  }
0xa4: {  	[tilespmem:$0x1DAF0] =	vst v0  }
0xa5: {  	[tilespmem:$0x1D8F0] =	vst v1  }
0xa6: {  	[smem:$0x7E3] =	sst s29;
	[tilespmem:$0x1D970] =	vst v1;
	s0 =	simm.s32 $0x40  }
0xa7: {  	[tilespmem:$0x1D9F0] =	vst v1;
	s30 =	sadd.s32 $0x0, s1;
	s29 =	simm.s32 $0x200;
	s3 =	simm.s32 $0x0  }
.LBB2_2:
0xa8: {  	[tilespmem:s3], [sflag:$0x1] =	stream.linear.gather [hbm4b:s30+s28], $0x180, $0x38;
	[tilespmem:$0x1DB80] =	vst v63  }
0xa9: {  	s30 =	smov.u32 s0;
	s3 =	smov.u32 s29;
	p1 =	sne.s32 s0, $0xF80  }
.Ltmp0:
0xaa: {  	s0 =	sadd.s32 $0x40, s0;
	(pc) =	sbr.rel @p1 .LBB2_2-.Ltmp0, $2  }
0xab: {  	_ =	sdelay $0x2  }
0xac: {  	s29 =	sadd.s32 $0x200, s29;
	s30 =	sadd.s32 s30, s1  }
0xad: {  	[tilespmem:s3], [sflag:$0x1] =	stream.linear.gather [hbm4b:s30+s28], $0x180, $0x38;
	[tilespmem:$0x1DB80] =	vst v63  }
0xae: {  	s0 =	simm.s32 $0x0  }
0xaf: {  	s3 =	rddreg [dreg:$0x5];
	s29 =	simm.s32 $0x17A00;
	s30 =	sadd.s32 $0x0, s2  }
0xb0: {  	[tilespmem:s29], [sflag:$0x4] =	stream.linear.gather [hbm4b:s3+s0], $0x1F80, $0x38;
	[tilespmem:$0x1DB80] =	vst v63  }
0xb1: {  	s0 =	simm.s32 $0x7E00;
	s29 =	simm.s32 $0x40;
	s3 =	simm.s32 $0x8000  }
.LBB2_4:
0xb2: {  	[tilespmem:s0], [sflag:$0x2] =	stream.linear.gather [hbm4b:s30+s28], $0x180, $0x38;
	[tilespmem:$0x1DB80] =	vst v63  }
0xb3: {  	s30 =	smov.u32 s29;
	s0 =	smov.u32 s3;
	p1 =	sne.s32 s29, $0xF80  }
.Ltmp1:
0xb4: {  	s29 =	sadd.s32 $0x40, s29;
	(pc) =	sbr.rel @p1 .LBB2_4-.Ltmp1, $2  }
0xb5: {  	_ =	sdelay $0x2  }
0xb6: {  	s3 =	sadd.s32 $0x200, s3;
	s30 =	sadd.s32 s30, s2  }
0xb7: {  	[tilespmem:s0], [sflag:$0x2] =	stream.linear.gather [hbm4b:s30+s28], $0x180, $0x38;
	[tilespmem:$0x1DB80] =	vst v63  }
0xb8: {  	s0 =	rddreg [dreg:$0x6];
	s3 =	simm.s32 $0x19980  }
0xb9: {  	[tilespmem:s3], [sflag:$0x5] =	stream.linear.gather [hbm4b:s0+s28], $0x1F80, $0x38;
	[tilespmem:$0x1DB80] =	vst v63  }
0xba: {  	s29 =	rddreg [dreg:$0x4];
	s0 =	simm.s32 @!p0 $0x0;
	s3 =	simm.s32 @!p0 $0x1D880  }
0xbb: {  	[tilespmem:s3], [sflag:$0x7] =	stream.linear.gather @!p0 [hbm4b:s29+s0], $0x180, $0x38;
	[tilespmem:$0x1DB80] =	vst v63  }
0xbc: {  	s30 =	sadd.s32 $0x0, s4;
	s3 =	simm.s32 @!p0 $0x1DA80;
	s29 =	rddreg [dreg:$0x7]  }
0xbd: {  	[tilespmem:s3], [sflag:$0x7] =	stream.linear.gather @!p0 [hbm4b:s29+s0], $0x80, $0x38;
	[tilespmem:$0x1DB80] =	vst v63  }
0xbe: {  	s0 =	simm.s32 $0xFC00;
	s29 =	simm.s32 $0x40;
	s3 =	simm.s32 $0xFE00  }
.LBB2_6:
0xbf: {  	[tilespmem:s0], [sflag:$0x3] =	stream.linear.gather [hbm4b:s30+s28], $0x180, $0x38;
	[tilespmem:$0x1DB80] =	vst v63  }
0xc0: {  	s30 =	smov.u32 s29;
	s0 =	smov.u32 s3;
	p1 =	sne.s32 s29, $0xF80  }
.Ltmp2:
0xc1: {  	s29 =	sadd.s32 $0x40, s29;
	(pc) =	sbr.rel @p1 .LBB2_6-.Ltmp2, $2  }
0xc2: {  	_ =	sdelay $0x2  }
0xc3: {  	s3 =	sadd.s32 $0x200, s3;
	s30 =	sadd.s32 s30, s4  }
0xc4: {  	[tilespmem:s0], [sflag:$0x3] =	stream.linear.gather [hbm4b:s30+s28], $0x180, $0x38;
	[tilespmem:$0x1DB80] =	vst v63  }
0xc5: {  	s0 =	simm.s32 $0x0  }
0xc6: {  	s3 =	rddreg [dreg:$0x8];
	s29 =	simm.s32 $0x1B900;
	s30 =	simm.s32 $0x1  }
0xc7: {  	[tilespmem:s29], [sflag:$0x6] =	stream.linear.gather [hbm4b:s3+s0], $0x1F80, $0x38;
	[tilespmem:$0x1DB80] =	vst v63  }
0xc8: {  	_ =	swait.ge [sflag:s30], $0x5E80  }
0xc9: {  	[sflag:s30] =	ssyncset.done $0x0  }
0xca: {  	[sflag:s30] =	ssyncadd.s32 $0xFFFFA180  }
0xcb: {  	_ =	swait.ge [sflag:s31], $0x1F80  }
0xcc: {  	s30 =	sand.u32 $0x70, s0;
	s0 =	sand.u32 $0x7E00, s0;
	[sflag:s31] =	ssyncset.done $0x0  }
0xcd: {  	s0 =	sor.u32 s30, s0;
	[sflag:s31] =	ssyncadd.s32 $0xFFFFE080  }
0xce: {  	v2 =	vld [tilespmem:s0+$0x0]  }
0xcf: {  	s30 =	simm.s32 $0x0;
	v3 =	vld [tilespmem:s0+$0x80]  }
0xd0: {  	v4 =	vld [tilespmem:s30+$0x17A00]  }
0xd1: {  	v5 =	vld [tilespmem:s0+$0x100]  }
0xd2: {  	s3 =	simm.s32 $0x10;
	s30 =	simm.s32 $0x40  }
0xd3: {  	s0 =	sand.u32 $0x70, s3;
	s3 =	sand.u32 $0x7E00, s30  }
0xd4: {  	s0 =	sor.u32 s0, s3;
	v2 =	vmul.f32 v2, v2;
	v3 =	vmul.f32 v3, v3  }
0xd5: {  	v6 =	vld [tilespmem:s0+$0x0]  }
0xd6: {  	s30 =	simm.s32 $0x10;
	v4 =	vcvt.s32.f32 v4;
	v2 =	vadd.f32 v3, v2;
	v3 =	vmul.f32 v5, v5;
	v5 =	vld [tilespmem:s0+$0x80]  }
0xd7: {  	v7 =	vld [tilespmem:s30+$0x17A00]  }
0xd8: {  	s29 =	simm.s32 $0x20;
	s3 =	simm.s32 $0x80;
	v4 =	vmul.f32 $1.600000000e+01, v4;
	v2 =	vadd.f32 v3, v2;
	v3 =	vld [tilespmem:s0+$0x100]  }
0xd9: {  	s30 =	sand.u32 $0x70, s29;
	s3 =	sand.u32 $0x7E00, s3  }
0xda: {  	s0 =	sor.u32 s30, s3;
	v2 =	vadd.f32 v4, v2  }
0xdb: {  	v8 =	vld [tilespmem:s0+$0x80];
	v4 =	vmul.f32 v6, v6;
	v5 =	vmul.f32 v5, v5  }
0xdc: {  	s30 =	simm.s32 $0x20;
	v6 =	vld [tilespmem:s0+$0x0];
	v9 =	vmul.f32 v2, v2  }
0xdd: {  	v7 =	vcvt.s32.f32 v7;
	v10 =	vld [tilespmem:s30+$0x17A00];
	v4 =	vadd.f32 v5, v4;
	v3 =	vmul.f32 v3, v3  }
0xde: {  	s29 =	simm.s32 $0x30;
	s3 =	simm.s32 $0xC0;
	v5 =	vld [tilespmem:s0+$0x100];
	v2 =	vmul.f32 v9, v2  }
0xdf: {  	v7 =	vmul.f32 $1.600000000e+01, v7;
	s30 =	sand.u32 $0x70, s29;
	s3 =	sand.u32 $0x7E00, s3;
	v3 =	vadd.f32 v3, v4  }
0xe0: {  	s0 =	sor.u32 s30, s3;
	(erf) = vrcp.f32 v2  }
0xe1: {  	v4 =	vld [tilespmem:s0+$0x0];
	v2 =	vmul.f32 v6, v6;
	v6 =	vmul.f32 v8, v8;
	v3 =	vadd.f32 v7, v3  }
0xe2: {  	s30 =	simm.s32 $0x30;
	v9 =	vcvt.s32.f32 v10;
	v8 =	vld [tilespmem:s0+$0x80]  }
0xe3: {  	v7 =	vld [tilespmem:s30+$0x17A00];
	v2 =	vadd.f32 v6, v2;
	v5 =	vmul.f32 v5, v5;
	v6 =	vmul.f32 v3, v3  }
0xe4: {  	s3 =	simm.s32 $0x40;
	v10 =	vld [tilespmem:s0+$0x100];
	s30 =	simm.s32 $0x100  }
0xe5: {  	s3 =	sand.u32 $0x70, s3;
	v9 =	vmul.f32 $1.600000000e+01, v9;
	s0 =	sand.u32 $0x7E00, s30;
	v2 =	vadd.f32 v5, v2;
	v6 =	vmul.f32 v6, v3  }
0xe6: {  	s0 =	sor.u32 s3, s0;
	v12 =	vmul.f32 v4, v4  }
0xe7: {  	v3 =	vld [tilespmem:s0+$0x0];
	v8 =	vmul.f32 v8, v8;
	v4 =	vadd.f32 v9, v2;
	(erf) = vrcp.f32 v6  }
0xe8: {  	s30 =	simm.s32 $0x40;
	v5 =	vld [tilespmem:s0+$0x80];
	v13 =	vcvt.s32.f32 v7  }
0xe9: {  	v11 =	vmul.f32 v10, v10;
	v6 =	vld [tilespmem:s30+$0x17A00];
	v12 =	vadd.f32 v8, v12;
	v9 =	vmul.f32 v4, v4  }
0xea: {  	s29 =	simm.s32 $0x50;
	v2 =	vimm.f32 $0.0e+00;
	v7 =	vld [tilespmem:s0+$0x100];
	s0 =	simm.s32 $0x140;
	v8 =	vmul.f32 $1.600000000e+01, v13;
	v10 =	vpop (erf)  }
.LBB2_8:
0xeb: {  	s3 =	sand.u32 $0x70, s29;
	s30 =	sand.u32 $0x7E00, s0;
	v11 =	vadd.f32 v11, v12;
	v9 =	vmul.f32 v9, v4;
	v4 =	vmax.f32 v10, $1.371742110e-03;
	p1 =	sne.s32 s29, $0x1F70  }
.Ltmp3:
0xec: {  	s29 =	sadd.s32 $0x10, s29;
	s3 =	sor.u32 s3, s30;
	v10 =	vmul.f32 v3, v3;
	v12 =	vadd.f32 $-1.371742110e-03, v4;
	v13 =	vadd.f32 $-9.986282580e-01, v4;
	(pc) =	sbr.rel @p1 .LBB2_8-.Ltmp3, $4  }
0xed: {  	v3 =	vld [tilespmem:s3+$0x0];
	v14 =	vmul.f32 v5, v5;
	v4 =	vadd.f32 v8, v11;
	(erf) = vrcp.f32 v9  }
0xee: {  	s30 =	sshra.s32 s0, $0x2;
	v5 =	vld [tilespmem:s3+$0x80];
	v8 =	vcvt.s32.f32 v6;
	v13 =	vmul.f32 v13, v12  }
0xef: {  	v6 =	vld [tilespmem:s30+$0x17A00];
	v12 =	vadd.f32 v14, v10;
	v11 =	vmul.f32 v7, v7;
	v9 =	vmul.f32 v4, v4  }
0xf0: {  	s0 =	sadd.s32 $0x40, s0;
	v7 =	vld [tilespmem:s3+$0x100];
	v8 =	vmul.f32 $1.600000000e+01, v8;
	v10 =	vpop (erf);
	v2 =	vadd.f32 v13, v2  }
0xf1: {  	_ =	sdelay $0x1  }
0xf2: {  	v3 =	vmul.f32 v3, v3;
	v5 =	vmul.f32 v5, v5  }
0xf3: {  	v11 =	vadd.f32 v11, v12  }
0xf4: {  	v6 =	vcvt.s32.f32 v6;
	v3 =	vadd.f32 v5, v3;
	v49 =	vmul.f32 v7, v7;
	_ =	sdelay $0x1  }
0xf5: {  	v50 =	vadd.f32 v8, v11;
	v6 =	vmul.f32 $1.600000000e+01, v6;
	v3 =	vadd.f32 v49, v3  }
0xf6: {  	v4 =	vmul.f32 v9, v4  }
0xf7: {  	v51 =	vmul.f32 v50, v50;
	v3 =	vadd.f32 v6, v3  }
0xf8: {  	(erf) = vrcp.f32 v4  }
0xf9: {  	v52 =	vmul.f32 v51, v50;
	v53 =	vmul.f32 v3, v3;
	_ =	sdelay $0x1  }
0xfa: {  	(erf) = vrcp.f32 v52;
	v3 =	vmul.f32 v53, v3;
	_ =	sdelay $0x1  }
0xfb: {  	v54 =	vmax.f32 v10, $1.371742110e-03;
	(erf) = vrcp.f32 v3  }
0xfc: {  	v4 =	vadd.f32 $-9.986282580e-01, v54;
	v3 =	vadd.f32 $-1.371742110e-03, v54  }
0xfd: {  	v55 =	vpop (erf)  }
0xfe: {  	v56 =	vmax.f32 v55, $1.371742110e-03;
	v3 =	vmul.f32 v4, v3  }
0xff: {  	v58 =	vadd.f32 $-1.371742110e-03, v56;
	v57 =	vpop (erf);
	v4 =	vadd.f32 $-9.986282580e-01, v56  }
0x100: {  	v2 =	vadd.f32 v3, v2;
	v3 =	vmax.f32 v57, $1.371742110e-03  }
0x101: {  	v4 =	vmul.f32 v4, v58;
	v5 =	vadd.f32 $-1.371742110e-03, v3;
	v3 =	vadd.f32 $-9.986282580e-01, v3  }
0x102: {  	v59 =	vpop (erf)  }
0x103: {  	v60 =	vmax.f32 v59, $1.371742110e-03;
	v2 =	vadd.f32 v4, v2;
	v3 =	vmul.f32 v3, v5  }
0x104: {  	v61 =	vadd.f32 $-1.371742110e-03, v60;
	v4 =	vadd.f32 $-9.986282580e-01, v60;
	v62 =	vpop (erf)  }
0x105: {  	v2 =	vadd.f32 v3, v2;
	v3 =	vmax.f32 v62, $1.371742110e-03  }
0x106: {  	v4 =	vmul.f32 v4, v61;
	v63 =	vadd.f32 $-1.371742110e-03, v3;
	v3 =	vadd.f32 $-9.986282580e-01, v3;
	_ =	sdelay $0x1  }
0x107: {  	v2 =	vadd.f32 v4, v2;
	v3 =	vmul.f32 v3, v63  }
0x108: {  	s0 =	simm.s32 $0x0  }
0x109: {  	s29 =	simm.s32 $0x40;
	s30 =	sadd.s32 $0x0, s5;
	s3 =	simm.s32 $0x200;
	v2 =	vadd.f32 v3, v2  }
.LBB2_10:
0x10a: {  	[tilespmem:s0], [sflag:$0x1] =	stream.linear.gather [hbm4b:s30+s28], $0x180, $0x38;
	[tilespmem:$0x1DB80] =	vst v63  }
0x10b: {  	s30 =	smov.u32 s29;
	s0 =	smov.u32 s3;
	p1 =	sne.s32 s29, $0xF80  }
.Ltmp4:
0x10c: {  	s29 =	sadd.s32 $0x40, s29;
	(pc) =	sbr.rel @p1 .LBB2_10-.Ltmp4, $2  }
0x10d: {  	_ =	sdelay $0x2  }
0x10e: {  	s3 =	sadd.s32 $0x200, s3;
	s30 =	sadd.s32 s30, s5  }
0x10f: {  	[tilespmem:s0], [sflag:$0x1] =	stream.linear.gather [hbm4b:s30+s28], $0x180, $0x38;
	[tilespmem:$0x1DB80] =	vst v63  }
0x110: {  	s0 =	simm.s32 $0x0  }
0x111: {  	s3 =	rddreg [dreg:$0x9];
	s29 =	simm.s32 $0x17A00;
	s30 =	simm.s32 $0x2  }
0x112: {  	[tilespmem:s29], [sflag:$0x4] =	stream.linear.gather [hbm4b:s3+s0], $0x1F80, $0x38;
	[tilespmem:$0x1DB80] =	vst v63  }
0x113: {  	_ =	swait.ge [sflag:s30], $0x5E80  }
0x114: {  	[sflag:s30] =	ssyncset.done $0x0  }
0x115: {  	s29 =	simm.s32 $0x5;
	[sflag:s30] =	ssyncadd.s32 $0xFFFFA180  }
0x116: {  	_ =	swait.ge [sflag:s29], $0x1F80  }
0x117: {  	s30 =	sand.u32 $0x70, s0;
	s0 =	sand.u32 $0x7E00, s0;
	[sflag:s29] =	ssyncset.done $0x0  }
0x118: {  	s0 =	sor.u32 s30, s0;
	[sflag:s29] =	ssyncadd.s32 $0xFFFFE080  }
0x119: {  	v3 =	vld [tilespmem:s0+$0x7E00]  }
0x11a: {  	s30 =	simm.s32 $0x0;
	v4 =	vld [tilespmem:s0+$0x7E80]  }
0x11b: {  	v5 =	vld [tilespmem:s30+$0x19980]  }
0x11c: {  	v6 =	vld [tilespmem:s0+$0x7F00]  }
0x11d: {  	s3 =	simm.s32 $0x10;
	s30 =	simm.s32 $0x40  }
0x11e: {  	s0 =	sand.u32 $0x70, s3;
	s3 =	sand.u32 $0x7E00, s30  }
0x11f: {  	s0 =	sor.u32 s0, s3;
	v3 =	vmul.f32 v3, v3;
	v4 =	vmul.f32 v4, v4  }
0x120: {  	v7 =	vld [tilespmem:s0+$0x7E00]  }
0x121: {  	s30 =	simm.s32 $0x10;
	v5 =	vcvt.s32.f32 v5;
	v3 =	vadd.f32 v4, v3;
	v4 =	vmul.f32 v6, v6;
	v6 =	vld [tilespmem:s0+$0x7E80]  }
0x122: {  	v8 =	vld [tilespmem:s30+$0x19980]  }
0x123: {  	s29 =	simm.s32 $0x20;
	s3 =	simm.s32 $0x80;
	v5 =	vmul.f32 $1.600000000e+01, v5;
	v3 =	vadd.f32 v4, v3;
	v4 =	vld [tilespmem:s0+$0x7F00]  }
0x124: {  	s30 =	sand.u32 $0x70, s29;
	s3 =	sand.u32 $0x7E00, s3  }
0x125: {  	s0 =	sor.u32 s30, s3;
	v3 =	vadd.f32 v5, v3  }
0x126: {  	v9 =	vld [tilespmem:s0+$0x7E80];
	v5 =	vmul.f32 v7, v7;
	v6 =	vmul.f32 v6, v6  }
0x127: {  	s30 =	simm.s32 $0x20;
	v7 =	vld [tilespmem:s0+$0x7E00];
	v10 =	vmul.f32 v3, v3  }
0x128: {  	v8 =	vcvt.s32.f32 v8;
	v11 =	vld [tilespmem:s30+$0x19980];
	v5 =	vadd.f32 v6, v5;
	v4 =	vmul.f32 v4, v4  }
0x129: {  	s29 =	simm.s32 $0x30;
	s3 =	simm.s32 $0xC0;
	v6 =	vld [tilespmem:s0+$0x7F00];
	v3 =	vmul.f32 v10, v3  }
0x12a: {  	v8 =	vmul.f32 $1.600000000e+01, v8;
	s30 =	sand.u32 $0x70, s29;
	s3 =	sand.u32 $0x7E00, s3;
	v4 =	vadd.f32 v4, v5  }
0x12b: {  	s0 =	sor.u32 s30, s3;
	(erf) = vrcp.f32 v3  }
0x12c: {  	v5 =	vld [tilespmem:s0+$0x7E00];
	v3 =	vmul.f32 v7, v7;
	v7 =	vmul.f32 v9, v9;
	v4 =	vadd.f32 v8, v4  }
0x12d: {  	s30 =	simm.s32 $0x30;
	v10 =	vcvt.s32.f32 v11;
	v9 =	vld [tilespmem:s0+$0x7E80]  }
0x12e: {  	v8 =	vld [tilespmem:s30+$0x19980];
	v3 =	vadd.f32 v7, v3;
	v6 =	vmul.f32 v6, v6;
	v11 =	vmul.f32 v4, v4  }
0x12f: {  	s3 =	simm.s32 $0x40;
	s30 =	simm.s32 $0x100;
	v7 =	vld [tilespmem:s0+$0x7F00]  }
0x130: {  	s3 =	sand.u32 $0x70, s3;
	v10 =	vmul.f32 $1.600000000e+01, v10;
	s0 =	sand.u32 $0x7E00, s30;
	v6 =	vadd.f32 v6, v3;
	v11 =	vmul.f32 v11, v4  }
0x131: {  	s0 =	sor.u32 s3, s0;
	v12 =	vmul.f32 v5, v5  }
0x132: {  	v3 =	vld [tilespmem:s0+$0x7E00];
	v9 =	vmul.f32 v9, v9;
	v4 =	vadd.f32 v10, v6;
	(erf) = vrcp.f32 v11  }
0x133: {  	s30 =	simm.s32 $0x40;
	v5 =	vld [tilespmem:s0+$0x7E80];
	v8 =	vcvt.s32.f32 v8  }
0x134: {  	v6 =	vld [tilespmem:s30+$0x19980];
	v11 =	vmul.f32 v7, v7;
	v12 =	vadd.f32 v9, v12;
	v9 =	vmul.f32 v4, v4  }
0x135: {  	s29 =	simm.s32 $0x50;
	v7 =	vld [tilespmem:s0+$0x7F00];
	s0 =	simm.s32 $0x140;
	v8 =	vmul.f32 $1.600000000e+01, v8;
	v10 =	vpop (erf)  }
.LBB2_12:
0x136: {  	s3 =	sand.u32 $0x70, s29;
	s30 =	sand.u32 $0x7E00, s0;
	v11 =	vadd.f32 v11, v12;
	v9 =	vmul.f32 v9, v4;
	v4 =	vmax.f32 v10, $1.371742110e-03;
	p1 =	sne.s32 s29, $0x1F70  }
.Ltmp5:
0x137: {  	s29 =	sadd.s32 $0x10, s29;
	s3 =	sor.u32 s3, s30;
	v10 =	vmul.f32 v3, v3;
	v12 =	vadd.f32 $-1.371742110e-03, v4;
	v13 =	vadd.f32 $-9.986282580e-01, v4;
	(pc) =	sbr.rel @p1 .LBB2_12-.Ltmp5, $4  }
0x138: {  	v3 =	vld [tilespmem:s3+$0x7E00];
	v14 =	vmul.f32 v5, v5;
	v4 =	vadd.f32 v8, v11;
	(erf) = vrcp.f32 v9  }
0x139: {  	s30 =	sshra.s32 s0, $0x2;
	v5 =	vld [tilespmem:s3+$0x7E80];
	v8 =	vcvt.s32.f32 v6;
	v13 =	vmul.f32 v13, v12  }
0x13a: {  	v6 =	vld [tilespmem:s30+$0x19980];
	v12 =	vadd.f32 v14, v10;
	v11 =	vmul.f32 v7, v7;
	v9 =	vmul.f32 v4, v4  }
0x13b: {  	s0 =	sadd.s32 $0x40, s0;
	v7 =	vld [tilespmem:s3+$0x7F00];
	v8 =	vmul.f32 $1.600000000e+01, v8;
	v10 =	vpop (erf);
	v2 =	vadd.f32 v13, v2  }
0x13c: {  	_ =	sdelay $0x1  }
0x13d: {  	v3 =	vmul.f32 v3, v3;
	v5 =	vmul.f32 v5, v5  }
0x13e: {  	v11 =	vadd.f32 v11, v12  }
0x13f: {  	v6 =	vcvt.s32.f32 v6;
	v3 =	vadd.f32 v5, v3;
	v49 =	vmul.f32 v7, v7;
	_ =	sdelay $0x1  }
0x140: {  	v50 =	vadd.f32 v8, v11;
	v6 =	vmul.f32 $1.600000000e+01, v6;
	v3 =	vadd.f32 v49, v3  }
0x141: {  	v4 =	vmul.f32 v9, v4  }
0x142: {  	v51 =	vmul.f32 v50, v50;
	v3 =	vadd.f32 v6, v3  }
0x143: {  	(erf) = vrcp.f32 v4  }
0x144: {  	v52 =	vmul.f32 v51, v50;
	v53 =	vmul.f32 v3, v3;
	_ =	sdelay $0x1  }
0x145: {  	(erf) = vrcp.f32 v52;
	v3 =	vmul.f32 v53, v3;
	_ =	sdelay $0x1  }
0x146: {  	v54 =	vmax.f32 v10, $1.371742110e-03;
	(erf) = vrcp.f32 v3  }
0x147: {  	v4 =	vadd.f32 $-9.986282580e-01, v54;
	v3 =	vadd.f32 $-1.371742110e-03, v54  }
0x148: {  	v55 =	vpop (erf)  }
0x149: {  	v56 =	vmax.f32 v55, $1.371742110e-03;
	v3 =	vmul.f32 v4, v3  }
0x14a: {  	v58 =	vadd.f32 $-1.371742110e-03, v56;
	v57 =	vpop (erf);
	v4 =	vadd.f32 $-9.986282580e-01, v56  }
0x14b: {  	v2 =	vadd.f32 v3, v2;
	v3 =	vmax.f32 v57, $1.371742110e-03  }
0x14c: {  	v4 =	vmul.f32 v4, v58;
	v5 =	vadd.f32 $-1.371742110e-03, v3;
	v3 =	vadd.f32 $-9.986282580e-01, v3  }
0x14d: {  	v59 =	vpop (erf)  }
0x14e: {  	v60 =	vmax.f32 v59, $1.371742110e-03;
	v2 =	vadd.f32 v4, v2;
	v3 =	vmul.f32 v3, v5  }
0x14f: {  	v61 =	vadd.f32 $-1.371742110e-03, v60;
	v4 =	vadd.f32 $-9.986282580e-01, v60;
	v62 =	vpop (erf)  }
0x150: {  	v2 =	vadd.f32 v3, v2;
	v3 =	vmax.f32 v62, $1.371742110e-03  }
0x151: {  	v4 =	vmul.f32 v4, v61;
	v63 =	vadd.f32 $-1.371742110e-03, v3;
	v3 =	vadd.f32 $-9.986282580e-01, v3;
	_ =	sdelay $0x1  }
0x152: {  	v2 =	vadd.f32 v4, v2;
	v3 =	vmul.f32 v3, v63  }
0x153: {  	s0 =	simm.s32 $0x7E00  }
0x154: {  	s29 =	simm.s32 $0x40;
	s30 =	sadd.s32 $0x0, s6;
	s3 =	simm.s32 $0x8000;
	v2 =	vadd.f32 v3, v2  }
.LBB2_14:
0x155: {  	[tilespmem:s0], [sflag:$0x2] =	stream.linear.gather [hbm4b:s30+s28], $0x180, $0x38;
	[tilespmem:$0x1DB80] =	vst v63  }
0x156: {  	s30 =	smov.u32 s29;
	s0 =	smov.u32 s3;
	p1 =	sne.s32 s29, $0xF80  }
.Ltmp6:
0x157: {  	s29 =	sadd.s32 $0x40, s29;
	(pc) =	sbr.rel @p1 .LBB2_14-.Ltmp6, $2  }
0x158: {  	_ =	sdelay $0x2  }
0x159: {  	s3 =	sadd.s32 $0x200, s3;
	s30 =	sadd.s32 s30, s6  }
0x15a: {  	[tilespmem:s0], [sflag:$0x2] =	stream.linear.gather [hbm4b:s30+s28], $0x180, $0x38;
	[tilespmem:$0x1DB80] =	vst v63  }
0x15b: {  	s0 =	simm.s32 $0x0  }
0x15c: {  	s3 =	rddreg [dreg:$0xa];
	s29 =	simm.s32 $0x19980;
	s30 =	simm.s32 $0x3  }
0x15d: {  	[tilespmem:s29], [sflag:$0x5] =	stream.linear.gather [hbm4b:s3+s0], $0x1F80, $0x38;
	[tilespmem:$0x1DB80] =	vst v63  }
0x15e: {  	_ =	swait.ge [sflag:s30], $0x5E80  }
0x15f: {  	[sflag:s30] =	ssyncset.done $0x0  }
0x160: {  	s29 =	simm.s32 $0x6;
	[sflag:s30] =	ssyncadd.s32 $0xFFFFA180  }
0x161: {  	_ =	swait.ge [sflag:s29], $0x1F80  }
0x162: {  	s30 =	sand.u32 $0x70, s0;
	s0 =	sand.u32 $0x7E00, s0;
	[sflag:s29] =	ssyncset.done $0x0  }
0x163: {  	s0 =	sor.u32 s30, s0;
	[sflag:s29] =	ssyncadd.s32 $0xFFFFE080  }
0x164: {  	v3 =	vld [tilespmem:s0+$0xFC00]  }
0x165: {  	s30 =	simm.s32 $0x0;
	v4 =	vld [tilespmem:s0+$0xFC80]  }
0x166: {  	v5 =	vld [tilespmem:s30+$0x1B900]  }
0x167: {  	v6 =	vld [tilespmem:s0+$0xFD00]  }
0x168: {  	s3 =	simm.s32 $0x10;
	s30 =	simm.s32 $0x40  }
0x169: {  	s0 =	sand.u32 $0x70, s3;
	s3 =	sand.u32 $0x7E00, s30  }
0x16a: {  	s0 =	sor.u32 s0, s3;
	v3 =	vmul.f32 v3, v3;
	v4 =	vmul.f32 v4, v4  }
0x16b: {  	v7 =	vld [tilespmem:s0+$0xFC00]  }
0x16c: {  	s30 =	simm.s32 $0x10;
	v5 =	vcvt.s32.f32 v5;
	v3 =	vadd.f32 v4, v3;
	v4 =	vmul.f32 v6, v6;
	v6 =	vld [tilespmem:s0+$0xFC80]  }
0x16d: {  	v8 =	vld [tilespmem:s30+$0x1B900]  }
0x16e: {  	s29 =	simm.s32 $0x20;
	s3 =	simm.s32 $0x80;
	v5 =	vmul.f32 $1.600000000e+01, v5;
	v3 =	vadd.f32 v4, v3;
	v4 =	vld [tilespmem:s0+$0xFD00]  }
0x16f: {  	s30 =	sand.u32 $0x70, s29;
	s3 =	sand.u32 $0x7E00, s3  }
0x170: {  	s0 =	sor.u32 s30, s3;
	v3 =	vadd.f32 v5, v3  }
0x171: {  	v9 =	vld [tilespmem:s0+$0xFC80];
	v5 =	vmul.f32 v7, v7;
	v6 =	vmul.f32 v6, v6  }
0x172: {  	s30 =	simm.s32 $0x20;
	v7 =	vld [tilespmem:s0+$0xFC00];
	v10 =	vmul.f32 v3, v3  }
0x173: {  	v8 =	vcvt.s32.f32 v8;
	v11 =	vld [tilespmem:s30+$0x1B900];
	v5 =	vadd.f32 v6, v5;
	v4 =	vmul.f32 v4, v4  }
0x174: {  	s29 =	simm.s32 $0x30;
	s3 =	simm.s32 $0xC0;
	v6 =	vld [tilespmem:s0+$0xFD00];
	v3 =	vmul.f32 v10, v3  }
0x175: {  	v8 =	vmul.f32 $1.600000000e+01, v8;
	s30 =	sand.u32 $0x70, s29;
	s3 =	sand.u32 $0x7E00, s3;
	v4 =	vadd.f32 v4, v5  }
0x176: {  	s0 =	sor.u32 s30, s3;
	(erf) = vrcp.f32 v3  }
0x177: {  	v5 =	vld [tilespmem:s0+$0xFC00];
	v3 =	vmul.f32 v7, v7;
	v7 =	vmul.f32 v9, v9;
	v4 =	vadd.f32 v8, v4  }
0x178: {  	s30 =	simm.s32 $0x30;
	v10 =	vcvt.s32.f32 v11;
	v9 =	vld [tilespmem:s0+$0xFC80]  }
0x179: {  	v8 =	vld [tilespmem:s30+$0x1B900];
	v3 =	vadd.f32 v7, v3;
	v6 =	vmul.f32 v6, v6;
	v11 =	vmul.f32 v4, v4  }
0x17a: {  	s3 =	simm.s32 $0x40;
	s30 =	simm.s32 $0x100;
	v7 =	vld [tilespmem:s0+$0xFD00]  }
0x17b: {  	s3 =	sand.u32 $0x70, s3;
	v10 =	vmul.f32 $1.600000000e+01, v10;
	s0 =	sand.u32 $0x7E00, s30;
	v6 =	vadd.f32 v6, v3;
	v11 =	vmul.f32 v11, v4  }
0x17c: {  	s0 =	sor.u32 s3, s0;
	v12 =	vmul.f32 v5, v5  }
0x17d: {  	v3 =	vld [tilespmem:s0+$0xFC00];
	v9 =	vmul.f32 v9, v9;
	v4 =	vadd.f32 v10, v6;
	(erf) = vrcp.f32 v11  }
0x17e: {  	s30 =	simm.s32 $0x40;
	v5 =	vld [tilespmem:s0+$0xFC80];
	v8 =	vcvt.s32.f32 v8  }
0x17f: {  	v6 =	vld [tilespmem:s30+$0x1B900];
	v11 =	vmul.f32 v7, v7;
	v12 =	vadd.f32 v9, v12;
	v9 =	vmul.f32 v4, v4  }
0x180: {  	s29 =	simm.s32 $0x50;
	v7 =	vld [tilespmem:s0+$0xFD00];
	s0 =	simm.s32 $0x140;
	v8 =	vmul.f32 $1.600000000e+01, v8;
	v10 =	vpop (erf)  }
.LBB2_16:
0x181: {  	s3 =	sand.u32 $0x70, s29;
	s30 =	sand.u32 $0x7E00, s0;
	v11 =	vadd.f32 v11, v12;
	v9 =	vmul.f32 v9, v4;
	v4 =	vmax.f32 v10, $1.371742110e-03;
	p1 =	sne.s32 s29, $0x1F70  }
.Ltmp7:
0x182: {  	s29 =	sadd.s32 $0x10, s29;
	s3 =	sor.u32 s3, s30;
	v10 =	vmul.f32 v3, v3;
	v12 =	vadd.f32 $-1.371742110e-03, v4;
	v13 =	vadd.f32 $-9.986282580e-01, v4;
	(pc) =	sbr.rel @p1 .LBB2_16-.Ltmp7, $4  }
0x183: {  	v3 =	vld [tilespmem:s3+$0xFC00];
	v14 =	vmul.f32 v5, v5;
	v4 =	vadd.f32 v8, v11;
	(erf) = vrcp.f32 v9  }
0x184: {  	s30 =	sshra.s32 s0, $0x2;
	v5 =	vld [tilespmem:s3+$0xFC80];
	v8 =	vcvt.s32.f32 v6;
	v13 =	vmul.f32 v13, v12  }
0x185: {  	v6 =	vld [tilespmem:s30+$0x1B900];
	v12 =	vadd.f32 v14, v10;
	v11 =	vmul.f32 v7, v7;
	v9 =	vmul.f32 v4, v4  }
0x186: {  	s0 =	sadd.s32 $0x40, s0;
	v7 =	vld [tilespmem:s3+$0xFD00];
	v8 =	vmul.f32 $1.600000000e+01, v8;
	v10 =	vpop (erf);
	v2 =	vadd.f32 v13, v2  }
0x187: {  	_ =	sdelay $0x1  }
0x188: {  	v3 =	vmul.f32 v3, v3;
	v5 =	vmul.f32 v5, v5  }
0x189: {  	v11 =	vadd.f32 v11, v12  }
0x18a: {  	v6 =	vcvt.s32.f32 v6;
	v3 =	vadd.f32 v5, v3;
	v49 =	vmul.f32 v7, v7;
	_ =	sdelay $0x1  }
0x18b: {  	v50 =	vadd.f32 v8, v11;
	v6 =	vmul.f32 $1.600000000e+01, v6;
	v3 =	vadd.f32 v49, v3  }
0x18c: {  	v4 =	vmul.f32 v9, v4  }
0x18d: {  	v51 =	vmul.f32 v50, v50;
	v3 =	vadd.f32 v6, v3  }
0x18e: {  	(erf) = vrcp.f32 v4  }
0x18f: {  	v52 =	vmul.f32 v51, v50;
	v53 =	vmul.f32 v3, v3;
	_ =	sdelay $0x1  }
0x190: {  	(erf) = vrcp.f32 v52;
	v3 =	vmul.f32 v53, v3;
	_ =	sdelay $0x1  }
0x191: {  	v54 =	vmax.f32 v10, $1.371742110e-03;
	(erf) = vrcp.f32 v3  }
0x192: {  	v4 =	vadd.f32 $-9.986282580e-01, v54;
	v3 =	vadd.f32 $-1.371742110e-03, v54  }
0x193: {  	v55 =	vpop (erf)  }
0x194: {  	v56 =	vmax.f32 v55, $1.371742110e-03;
	v3 =	vmul.f32 v4, v3  }
0x195: {  	v58 =	vadd.f32 $-1.371742110e-03, v56;
	v57 =	vpop (erf);
	v4 =	vadd.f32 $-9.986282580e-01, v56  }
0x196: {  	v2 =	vadd.f32 v3, v2;
	v3 =	vmax.f32 v57, $1.371742110e-03  }
0x197: {  	v4 =	vmul.f32 v4, v58;
	v5 =	vadd.f32 $-1.371742110e-03, v3;
	v3 =	vadd.f32 $-9.986282580e-01, v3  }
0x198: {  	v59 =	vpop (erf)  }
0x199: {  	v60 =	vmax.f32 v59, $1.371742110e-03;
	v2 =	vadd.f32 v4, v2;
	v3 =	vmul.f32 v3, v5  }
0x19a: {  	v61 =	vadd.f32 $-1.371742110e-03, v60;
	v4 =	vadd.f32 $-9.986282580e-01, v60;
	v62 =	vpop (erf)  }
0x19b: {  	v2 =	vadd.f32 v3, v2;
	v3 =	vmax.f32 v62, $1.371742110e-03  }
0x19c: {  	v4 =	vmul.f32 v4, v61;
	v63 =	vadd.f32 $-1.371742110e-03, v3;
	v3 =	vadd.f32 $-9.986282580e-01, v3;
	_ =	sdelay $0x1  }
0x19d: {  	v2 =	vadd.f32 v4, v2;
	v3 =	vmul.f32 v3, v63  }
0x19e: {  	s0 =	simm.s32 $0xFC00  }
0x19f: {  	s29 =	simm.s32 $0x40;
	s30 =	sadd.s32 $0x0, s7;
	s3 =	simm.s32 $0xFE00;
	v2 =	vadd.f32 v3, v2  }
.LBB2_18:
0x1a0: {  	[tilespmem:s0], [sflag:$0x3] =	stream.linear.gather [hbm4b:s30+s28], $0x180, $0x38;
	[tilespmem:$0x1DB80] =	vst v63  }
0x1a1: {  	s30 =	smov.u32 s29;
	s0 =	smov.u32 s3;
	p1 =	sne.s32 s29, $0xF80  }
.Ltmp8:
0x1a2: {  	s29 =	sadd.s32 $0x40, s29;
	(pc) =	sbr.rel @p1 .LBB2_18-.Ltmp8, $2  }
0x1a3: {  	_ =	sdelay $0x2  }
0x1a4: {  	s3 =	sadd.s32 $0x200, s3;
	s30 =	sadd.s32 s30, s7  }
0x1a5: {  	[tilespmem:s0], [sflag:$0x3] =	stream.linear.gather [hbm4b:s30+s28], $0x180, $0x38;
	[tilespmem:$0x1DB80] =	vst v63  }
0x1a6: {  	s0 =	simm.s32 $0x0  }
0x1a7: {  	s3 =	rddreg [dreg:$0xb];
	s29 =	simm.s32 $0x1B900;
	s30 =	simm.s32 $0x1  }
0x1a8: {  	[tilespmem:s29], [sflag:$0x6] =	stream.linear.gather [hbm4b:s3+s0], $0x1F80, $0x38;
	[tilespmem:$0x1DB80] =	vst v63  }
0x1a9: {  	_ =	swait.ge [sflag:s30], $0x5E80  }
0x1aa: {  	[sflag:s30] =	ssyncset.done $0x0  }
0x1ab: {  	[sflag:s30] =	ssyncadd.s32 $0xFFFFA180  }
0x1ac: {  	_ =	swait.ge [sflag:s31], $0x1F80  }
0x1ad: {  	s30 =	sand.u32 $0x70, s0;
	s0 =	sand.u32 $0x7E00, s0;
	[sflag:s31] =	ssyncset.done $0x0  }
0x1ae: {  	s0 =	sor.u32 s30, s0;
	[sflag:s31] =	ssyncadd.s32 $0xFFFFE080  }
0x1af: {  	v3 =	vld [tilespmem:s0+$0x0]  }
0x1b0: {  	s30 =	simm.s32 $0x0;
	v4 =	vld [tilespmem:s0+$0x80]  }
0x1b1: {  	v5 =	vld [tilespmem:s30+$0x17A00]  }
0x1b2: {  	v6 =	vld [tilespmem:s0+$0x100]  }
0x1b3: {  	s3 =	simm.s32 $0x10;
	s30 =	simm.s32 $0x40  }
0x1b4: {  	s0 =	sand.u32 $0x70, s3;
	s3 =	sand.u32 $0x7E00, s30  }
0x1b5: {  	s0 =	sor.u32 s0, s3;
	v3 =	vmul.f32 v3, v3;
	v4 =	vmul.f32 v4, v4  }
0x1b6: {  	v7 =	vld [tilespmem:s0+$0x0]  }
0x1b7: {  	s30 =	simm.s32 $0x10;
	v5 =	vcvt.s32.f32 v5;
	v3 =	vadd.f32 v4, v3;
	v4 =	vmul.f32 v6, v6;
	v6 =	vld [tilespmem:s0+$0x80]  }
0x1b8: {  	v8 =	vld [tilespmem:s30+$0x17A00]  }
0x1b9: {  	s29 =	simm.s32 $0x20;
	s3 =	simm.s32 $0x80;
	v5 =	vmul.f32 $1.600000000e+01, v5;
	v3 =	vadd.f32 v4, v3;
	v4 =	vld [tilespmem:s0+$0x100]  }
0x1ba: {  	s30 =	sand.u32 $0x70, s29;
	s3 =	sand.u32 $0x7E00, s3  }
0x1bb: {  	s0 =	sor.u32 s30, s3;
	v3 =	vadd.f32 v5, v3  }
0x1bc: {  	v9 =	vld [tilespmem:s0+$0x80];
	v5 =	vmul.f32 v7, v7;
	v6 =	vmul.f32 v6, v6  }
0x1bd: {  	s30 =	simm.s32 $0x20;
	v7 =	vld [tilespmem:s0+$0x0];
	v10 =	vmul.f32 v3, v3  }
0x1be: {  	v8 =	vcvt.s32.f32 v8;
	v11 =	vld [tilespmem:s30+$0x17A00];
	v5 =	vadd.f32 v6, v5;
	v4 =	vmul.f32 v4, v4  }
0x1bf: {  	s29 =	simm.s32 $0x30;
	s3 =	simm.s32 $0xC0;
	v6 =	vld [tilespmem:s0+$0x100];
	v3 =	vmul.f32 v10, v3  }
0x1c0: {  	v8 =	vmul.f32 $1.600000000e+01, v8;
	s30 =	sand.u32 $0x70, s29;
	s3 =	sand.u32 $0x7E00, s3;
	v4 =	vadd.f32 v4, v5  }
0x1c1: {  	s0 =	sor.u32 s30, s3;
	(erf) = vrcp.f32 v3  }
0x1c2: {  	v5 =	vld [tilespmem:s0+$0x0];
	v3 =	vmul.f32 v7, v7;
	v7 =	vmul.f32 v9, v9;
	v4 =	vadd.f32 v8, v4  }
0x1c3: {  	s30 =	simm.s32 $0x30;
	v10 =	vcvt.s32.f32 v11;
	v9 =	vld [tilespmem:s0+$0x80]  }
0x1c4: {  	v8 =	vld [tilespmem:s30+$0x17A00];
	v3 =	vadd.f32 v7, v3;
	v6 =	vmul.f32 v6, v6;
	v11 =	vmul.f32 v4, v4  }
0x1c5: {  	s3 =	simm.s32 $0x40;
	s30 =	simm.s32 $0x100;
	v7 =	vld [tilespmem:s0+$0x100]  }
0x1c6: {  	s3 =	sand.u32 $0x70, s3;
	v10 =	vmul.f32 $1.600000000e+01, v10;
	s0 =	sand.u32 $0x7E00, s30;
	v6 =	vadd.f32 v6, v3;
	v11 =	vmul.f32 v11, v4  }
0x1c7: {  	s0 =	sor.u32 s3, s0;
	v12 =	vmul.f32 v5, v5  }
0x1c8: {  	v3 =	vld [tilespmem:s0+$0x0];
	v9 =	vmul.f32 v9, v9;
	v4 =	vadd.f32 v10, v6;
	(erf) = vrcp.f32 v11  }
0x1c9: {  	s30 =	simm.s32 $0x40;
	v5 =	vld [tilespmem:s0+$0x80];
	v8 =	vcvt.s32.f32 v8  }
0x1ca: {  	v6 =	vld [tilespmem:s30+$0x17A00];
	v11 =	vmul.f32 v7, v7;
	v12 =	vadd.f32 v9, v12;
	v9 =	vmul.f32 v4, v4  }
0x1cb: {  	s29 =	simm.s32 $0x50;
	v7 =	vld [tilespmem:s0+$0x100];
	s0 =	simm.s32 $0x140;
	v8 =	vmul.f32 $1.600000000e+01, v8;
	v10 =	vpop (erf)  }
.LBB2_20:
0x1cc: {  	s3 =	sand.u32 $0x70, s29;
	s30 =	sand.u32 $0x7E00, s0;
	v11 =	vadd.f32 v11, v12;
	v9 =	vmul.f32 v9, v4;
	v4 =	vmax.f32 v10, $1.371742110e-03;
	p1 =	sne.s32 s29, $0x1F70  }
.Ltmp9:
0x1cd: {  	s29 =	sadd.s32 $0x10, s29;
	s3 =	sor.u32 s3, s30;
	v10 =	vmul.f32 v3, v3;
	v12 =	vadd.f32 $-1.371742110e-03, v4;
	v13 =	vadd.f32 $-9.986282580e-01, v4;
	(pc) =	sbr.rel @p1 .LBB2_20-.Ltmp9, $4  }
0x1ce: {  	v3 =	vld [tilespmem:s3+$0x0];
	v14 =	vmul.f32 v5, v5;
	v4 =	vadd.f32 v8, v11;
	(erf) = vrcp.f32 v9  }
0x1cf: {  	s30 =	sshra.s32 s0, $0x2;
	v5 =	vld [tilespmem:s3+$0x80];
	v8 =	vcvt.s32.f32 v6;
	v13 =	vmul.f32 v13, v12  }
0x1d0: {  	v6 =	vld [tilespmem:s30+$0x17A00];
	v12 =	vadd.f32 v14, v10;
	v11 =	vmul.f32 v7, v7;
	v9 =	vmul.f32 v4, v4  }
0x1d1: {  	s0 =	sadd.s32 $0x40, s0;
	v7 =	vld [tilespmem:s3+$0x100];
	v8 =	vmul.f32 $1.600000000e+01, v8;
	v10 =	vpop (erf);
	v2 =	vadd.f32 v13, v2  }
0x1d2: {  	_ =	sdelay $0x1  }
0x1d3: {  	v3 =	vmul.f32 v3, v3;
	v5 =	vmul.f32 v5, v5  }
0x1d4: {  	v11 =	vadd.f32 v11, v12  }
0x1d5: {  	v6 =	vcvt.s32.f32 v6;
	v3 =	vadd.f32 v5, v3;
	v49 =	vmul.f32 v7, v7;
	_ =	sdelay $0x1  }
0x1d6: {  	v50 =	vadd.f32 v8, v11;
	v6 =	vmul.f32 $1.600000000e+01, v6;
	v3 =	vadd.f32 v49, v3  }
0x1d7: {  	v4 =	vmul.f32 v9, v4  }
0x1d8: {  	v51 =	vmul.f32 v50, v50;
	v3 =	vadd.f32 v6, v3  }
0x1d9: {  	(erf) = vrcp.f32 v4  }
0x1da: {  	v52 =	vmul.f32 v51, v50;
	v53 =	vmul.f32 v3, v3;
	_ =	sdelay $0x1  }
0x1db: {  	(erf) = vrcp.f32 v52;
	v3 =	vmul.f32 v53, v3;
	_ =	sdelay $0x1  }
0x1dc: {  	v54 =	vmax.f32 v10, $1.371742110e-03;
	(erf) = vrcp.f32 v3  }
0x1dd: {  	v4 =	vadd.f32 $-9.986282580e-01, v54;
	v3 =	vadd.f32 $-1.371742110e-03, v54  }
0x1de: {  	v55 =	vpop (erf)  }
0x1df: {  	v56 =	vmax.f32 v55, $1.371742110e-03;
	v3 =	vmul.f32 v4, v3  }
0x1e0: {  	v58 =	vadd.f32 $-1.371742110e-03, v56;
	v57 =	vpop (erf);
	v4 =	vadd.f32 $-9.986282580e-01, v56  }
0x1e1: {  	v2 =	vadd.f32 v3, v2;
	v3 =	vmax.f32 v57, $1.371742110e-03  }
0x1e2: {  	v4 =	vmul.f32 v4, v58;
	v5 =	vadd.f32 $-1.371742110e-03, v3;
	v3 =	vadd.f32 $-9.986282580e-01, v3  }
0x1e3: {  	v59 =	vpop (erf)  }
0x1e4: {  	v60 =	vmax.f32 v59, $1.371742110e-03;
	v2 =	vadd.f32 v4, v2;
	v3 =	vmul.f32 v3, v5  }
0x1e5: {  	v61 =	vadd.f32 $-1.371742110e-03, v60;
	v4 =	vadd.f32 $-9.986282580e-01, v60;
	v62 =	vpop (erf)  }
0x1e6: {  	v2 =	vadd.f32 v3, v2;
	v3 =	vmax.f32 v62, $1.371742110e-03  }
0x1e7: {  	v4 =	vmul.f32 v4, v61;
	v63 =	vadd.f32 $-1.371742110e-03, v3;
	v3 =	vadd.f32 $-9.986282580e-01, v3;
	_ =	sdelay $0x1  }
0x1e8: {  	v2 =	vadd.f32 v4, v2;
	v3 =	vmul.f32 v3, v63  }
0x1e9: {  	s0 =	simm.s32 $0x0  }
0x1ea: {  	s29 =	simm.s32 $0x40;
	s30 =	sadd.s32 $0x0, s8;
	s3 =	simm.s32 $0x200;
	v2 =	vadd.f32 v3, v2  }
.LBB2_22:
0x1eb: {  	[tilespmem:s0], [sflag:$0x1] =	stream.linear.gather [hbm4b:s30+s28], $0x180, $0x38;
	[tilespmem:$0x1DB80] =	vst v63  }
0x1ec: {  	s30 =	smov.u32 s29;
	s0 =	smov.u32 s3;
	p1 =	sne.s32 s29, $0xF80  }
.Ltmp10:
0x1ed: {  	s29 =	sadd.s32 $0x40, s29;
	(pc) =	sbr.rel @p1 .LBB2_22-.Ltmp10, $2  }
0x1ee: {  	_ =	sdelay $0x2  }
0x1ef: {  	s3 =	sadd.s32 $0x200, s3;
	s30 =	sadd.s32 s30, s8  }
0x1f0: {  	[tilespmem:s0], [sflag:$0x1] =	stream.linear.gather [hbm4b:s30+s28], $0x180, $0x38;
	[tilespmem:$0x1DB80] =	vst v63  }
0x1f1: {  	s0 =	simm.s32 $0x0  }
0x1f2: {  	s3 =	rddreg [dreg:$0xc];
	s29 =	simm.s32 $0x17A00;
	s30 =	simm.s32 $0x2  }
0x1f3: {  	[tilespmem:s29], [sflag:$0x4] =	stream.linear.gather [hbm4b:s3+s0], $0x1F80, $0x38;
	[tilespmem:$0x1DB80] =	vst v63  }
0x1f4: {  	_ =	swait.ge [sflag:s30], $0x5E80  }
0x1f5: {  	[sflag:s30] =	ssyncset.done $0x0  }
0x1f6: {  	s29 =	simm.s32 $0x5;
	[sflag:s30] =	ssyncadd.s32 $0xFFFFA180  }
0x1f7: {  	_ =	swait.ge [sflag:s29], $0x1F80  }
0x1f8: {  	s30 =	sand.u32 $0x70, s0;
	s0 =	sand.u32 $0x7E00, s0;
	[sflag:s29] =	ssyncset.done $0x0  }
0x1f9: {  	s0 =	sor.u32 s30, s0;
	[sflag:s29] =	ssyncadd.s32 $0xFFFFE080  }
0x1fa: {  	v3 =	vld [tilespmem:s0+$0x7E00]  }
0x1fb: {  	s30 =	simm.s32 $0x0;
	v4 =	vld [tilespmem:s0+$0x7E80]  }
0x1fc: {  	v5 =	vld [tilespmem:s30+$0x19980]  }
0x1fd: {  	v6 =	vld [tilespmem:s0+$0x7F00]  }
0x1fe: {  	s3 =	simm.s32 $0x10;
	s30 =	simm.s32 $0x40  }
0x1ff: {  	s0 =	sand.u32 $0x70, s3;
	s3 =	sand.u32 $0x7E00, s30  }
0x200: {  	s0 =	sor.u32 s0, s3;
	v3 =	vmul.f32 v3, v3;
	v4 =	vmul.f32 v4, v4  }
0x201: {  	v7 =	vld [tilespmem:s0+$0x7E00]  }
0x202: {  	s30 =	simm.s32 $0x10;
	v5 =	vcvt.s32.f32 v5;
	v3 =	vadd.f32 v4, v3;
	v4 =	vmul.f32 v6, v6;
	v6 =	vld [tilespmem:s0+$0x7E80]  }
0x203: {  	v8 =	vld [tilespmem:s30+$0x19980]  }
0x204: {  	s29 =	simm.s32 $0x20;
	s3 =	simm.s32 $0x80;
	v5 =	vmul.f32 $1.600000000e+01, v5;
	v3 =	vadd.f32 v4, v3;
	v4 =	vld [tilespmem:s0+$0x7F00]  }
0x205: {  	s30 =	sand.u32 $0x70, s29;
	s3 =	sand.u32 $0x7E00, s3  }
0x206: {  	s0 =	sor.u32 s30, s3;
	v3 =	vadd.f32 v5, v3  }
0x207: {  	v9 =	vld [tilespmem:s0+$0x7E80];
	v5 =	vmul.f32 v7, v7;
	v6 =	vmul.f32 v6, v6  }
0x208: {  	s30 =	simm.s32 $0x20;
	v7 =	vld [tilespmem:s0+$0x7E00];
	v10 =	vmul.f32 v3, v3  }
0x209: {  	v8 =	vcvt.s32.f32 v8;
	v11 =	vld [tilespmem:s30+$0x19980];
	v5 =	vadd.f32 v6, v5;
	v4 =	vmul.f32 v4, v4  }
0x20a: {  	s29 =	simm.s32 $0x30;
	s3 =	simm.s32 $0xC0;
	v6 =	vld [tilespmem:s0+$0x7F00];
	v3 =	vmul.f32 v10, v3  }
0x20b: {  	v8 =	vmul.f32 $1.600000000e+01, v8;
	s30 =	sand.u32 $0x70, s29;
	s3 =	sand.u32 $0x7E00, s3;
	v4 =	vadd.f32 v4, v5  }
0x20c: {  	s0 =	sor.u32 s30, s3;
	(erf) = vrcp.f32 v3  }
0x20d: {  	v5 =	vld [tilespmem:s0+$0x7E00];
	v3 =	vmul.f32 v7, v7;
	v7 =	vmul.f32 v9, v9;
	v4 =	vadd.f32 v8, v4  }
0x20e: {  	s30 =	simm.s32 $0x30;
	v10 =	vcvt.s32.f32 v11;
	v9 =	vld [tilespmem:s0+$0x7E80]  }
0x20f: {  	v8 =	vld [tilespmem:s30+$0x19980];
	v3 =	vadd.f32 v7, v3;
	v6 =	vmul.f32 v6, v6;
	v11 =	vmul.f32 v4, v4  }
0x210: {  	s3 =	simm.s32 $0x40;
	s30 =	simm.s32 $0x100;
	v7 =	vld [tilespmem:s0+$0x7F00]  }
0x211: {  	s3 =	sand.u32 $0x70, s3;
	v10 =	vmul.f32 $1.600000000e+01, v10;
	s0 =	sand.u32 $0x7E00, s30;
	v6 =	vadd.f32 v6, v3;
	v11 =	vmul.f32 v11, v4  }
0x212: {  	s0 =	sor.u32 s3, s0;
	v12 =	vmul.f32 v5, v5  }
0x213: {  	v3 =	vld [tilespmem:s0+$0x7E00];
	v9 =	vmul.f32 v9, v9;
	v4 =	vadd.f32 v10, v6;
	(erf) = vrcp.f32 v11  }
0x214: {  	s30 =	simm.s32 $0x40;
	v5 =	vld [tilespmem:s0+$0x7E80];
	v8 =	vcvt.s32.f32 v8  }
0x215: {  	v6 =	vld [tilespmem:s30+$0x19980];
	v11 =	vmul.f32 v7, v7;
	v12 =	vadd.f32 v9, v12;
	v9 =	vmul.f32 v4, v4  }
0x216: {  	s29 =	simm.s32 $0x50;
	v7 =	vld [tilespmem:s0+$0x7F00];
	s0 =	simm.s32 $0x140;
	v8 =	vmul.f32 $1.600000000e+01, v8;
	v10 =	vpop (erf)  }
.LBB2_24:
0x217: {  	s3 =	sand.u32 $0x70, s29;
	s30 =	sand.u32 $0x7E00, s0;
	v11 =	vadd.f32 v11, v12;
	v9 =	vmul.f32 v9, v4;
	v4 =	vmax.f32 v10, $1.371742110e-03;
	p1 =	sne.s32 s29, $0x1F70  }
.Ltmp11:
0x218: {  	s29 =	sadd.s32 $0x10, s29;
	s3 =	sor.u32 s3, s30;
	v10 =	vmul.f32 v3, v3;
	v12 =	vadd.f32 $-1.371742110e-03, v4;
	v13 =	vadd.f32 $-9.986282580e-01, v4;
	(pc) =	sbr.rel @p1 .LBB2_24-.Ltmp11, $4  }
0x219: {  	v3 =	vld [tilespmem:s3+$0x7E00];
	v14 =	vmul.f32 v5, v5;
	v4 =	vadd.f32 v8, v11;
	(erf) = vrcp.f32 v9  }
0x21a: {  	s30 =	sshra.s32 s0, $0x2;
	v5 =	vld [tilespmem:s3+$0x7E80];
	v8 =	vcvt.s32.f32 v6;
	v13 =	vmul.f32 v13, v12  }
0x21b: {  	v6 =	vld [tilespmem:s30+$0x19980];
	v12 =	vadd.f32 v14, v10;
	v11 =	vmul.f32 v7, v7;
	v9 =	vmul.f32 v4, v4  }
0x21c: {  	s0 =	sadd.s32 $0x40, s0;
	v7 =	vld [tilespmem:s3+$0x7F00];
	v8 =	vmul.f32 $1.600000000e+01, v8;
	v10 =	vpop (erf);
	v2 =	vadd.f32 v13, v2  }
0x21d: {  	_ =	sdelay $0x1  }
0x21e: {  	v3 =	vmul.f32 v3, v3;
	v5 =	vmul.f32 v5, v5  }
0x21f: {  	v11 =	vadd.f32 v11, v12  }
0x220: {  	v6 =	vcvt.s32.f32 v6;
	v3 =	vadd.f32 v5, v3;
	v49 =	vmul.f32 v7, v7;
	_ =	sdelay $0x1  }
0x221: {  	v50 =	vadd.f32 v8, v11;
	v6 =	vmul.f32 $1.600000000e+01, v6;
	v3 =	vadd.f32 v49, v3  }
0x222: {  	v4 =	vmul.f32 v9, v4  }
0x223: {  	v51 =	vmul.f32 v50, v50;
	v3 =	vadd.f32 v6, v3  }
0x224: {  	(erf) = vrcp.f32 v4  }
0x225: {  	v52 =	vmul.f32 v51, v50;
	v53 =	vmul.f32 v3, v3;
	_ =	sdelay $0x1  }
0x226: {  	(erf) = vrcp.f32 v52;
	v3 =	vmul.f32 v53, v3;
	_ =	sdelay $0x1  }
0x227: {  	v54 =	vmax.f32 v10, $1.371742110e-03;
	(erf) = vrcp.f32 v3  }
0x228: {  	v4 =	vadd.f32 $-9.986282580e-01, v54;
	v3 =	vadd.f32 $-1.371742110e-03, v54  }
0x229: {  	v55 =	vpop (erf)  }
0x22a: {  	v56 =	vmax.f32 v55, $1.371742110e-03;
	v3 =	vmul.f32 v4, v3  }
0x22b: {  	v58 =	vadd.f32 $-1.371742110e-03, v56;
	v57 =	vpop (erf);
	v4 =	vadd.f32 $-9.986282580e-01, v56  }
0x22c: {  	v2 =	vadd.f32 v3, v2;
	v3 =	vmax.f32 v57, $1.371742110e-03  }
0x22d: {  	v4 =	vmul.f32 v4, v58;
	v5 =	vadd.f32 $-1.371742110e-03, v3;
	v3 =	vadd.f32 $-9.986282580e-01, v3  }
0x22e: {  	v59 =	vpop (erf)  }
0x22f: {  	v60 =	vmax.f32 v59, $1.371742110e-03;
	v2 =	vadd.f32 v4, v2;
	v3 =	vmul.f32 v3, v5  }
0x230: {  	v61 =	vadd.f32 $-1.371742110e-03, v60;
	v4 =	vadd.f32 $-9.986282580e-01, v60;
	v62 =	vpop (erf)  }
0x231: {  	v2 =	vadd.f32 v3, v2;
	v3 =	vmax.f32 v62, $1.371742110e-03  }
0x232: {  	v4 =	vmul.f32 v4, v61;
	v63 =	vadd.f32 $-1.371742110e-03, v3;
	v3 =	vadd.f32 $-9.986282580e-01, v3;
	_ =	sdelay $0x1  }
0x233: {  	v2 =	vadd.f32 v4, v2;
	v3 =	vmul.f32 v3, v63  }
0x234: {  	s0 =	simm.s32 $0x7E00  }
0x235: {  	s29 =	simm.s32 $0x40;
	s30 =	sadd.s32 $0x0, s9;
	s3 =	simm.s32 $0x8000;
	v2 =	vadd.f32 v3, v2  }
.LBB2_26:
0x236: {  	[tilespmem:s0], [sflag:$0x2] =	stream.linear.gather [hbm4b:s30+s28], $0x180, $0x38;
	[tilespmem:$0x1DB80] =	vst v63  }
0x237: {  	s30 =	smov.u32 s29;
	s0 =	smov.u32 s3;
	p1 =	sne.s32 s29, $0xF80  }
.Ltmp12:
0x238: {  	s29 =	sadd.s32 $0x40, s29;
	(pc) =	sbr.rel @p1 .LBB2_26-.Ltmp12, $2  }
0x239: {  	_ =	sdelay $0x2  }
0x23a: {  	s3 =	sadd.s32 $0x200, s3;
	s30 =	sadd.s32 s30, s9  }
0x23b: {  	[tilespmem:s0], [sflag:$0x2] =	stream.linear.gather [hbm4b:s30+s28], $0x180, $0x38;
	[tilespmem:$0x1DB80] =	vst v63  }
0x23c: {  	s0 =	simm.s32 $0x0  }
0x23d: {  	s3 =	rddreg [dreg:$0xd];
	s29 =	simm.s32 $0x19980;
	s30 =	simm.s32 $0x3  }
0x23e: {  	[tilespmem:s29], [sflag:$0x5] =	stream.linear.gather [hbm4b:s3+s0], $0x1F80, $0x38;
	[tilespmem:$0x1DB80] =	vst v63  }
0x23f: {  	_ =	swait.ge [sflag:s30], $0x5E80  }
0x240: {  	[sflag:s30] =	ssyncset.done $0x0  }
0x241: {  	s29 =	simm.s32 $0x6;
	[sflag:s30] =	ssyncadd.s32 $0xFFFFA180  }
0x242: {  	_ =	swait.ge [sflag:s29], $0x1F80  }
0x243: {  	s30 =	sand.u32 $0x70, s0;
	s0 =	sand.u32 $0x7E00, s0;
	[sflag:s29] =	ssyncset.done $0x0  }
0x244: {  	s0 =	sor.u32 s30, s0;
	[sflag:s29] =	ssyncadd.s32 $0xFFFFE080  }
0x245: {  	v3 =	vld [tilespmem:s0+$0xFC00]  }
0x246: {  	s30 =	simm.s32 $0x0;
	v4 =	vld [tilespmem:s0+$0xFC80]  }
0x247: {  	v5 =	vld [tilespmem:s30+$0x1B900]  }
0x248: {  	v6 =	vld [tilespmem:s0+$0xFD00]  }
0x249: {  	s3 =	simm.s32 $0x10;
	s30 =	simm.s32 $0x40  }
0x24a: {  	s0 =	sand.u32 $0x70, s3;
	s3 =	sand.u32 $0x7E00, s30  }
0x24b: {  	s0 =	sor.u32 s0, s3;
	v3 =	vmul.f32 v3, v3;
	v4 =	vmul.f32 v4, v4  }
0x24c: {  	v7 =	vld [tilespmem:s0+$0xFC00]  }
0x24d: {  	s30 =	simm.s32 $0x10;
	v5 =	vcvt.s32.f32 v5;
	v3 =	vadd.f32 v4, v3;
	v4 =	vmul.f32 v6, v6;
	v6 =	vld [tilespmem:s0+$0xFC80]  }
0x24e: {  	v8 =	vld [tilespmem:s30+$0x1B900]  }
0x24f: {  	s29 =	simm.s32 $0x20;
	s3 =	simm.s32 $0x80;
	v5 =	vmul.f32 $1.600000000e+01, v5;
	v3 =	vadd.f32 v4, v3;
	v4 =	vld [tilespmem:s0+$0xFD00]  }
0x250: {  	s30 =	sand.u32 $0x70, s29;
	s3 =	sand.u32 $0x7E00, s3  }
0x251: {  	s0 =	sor.u32 s30, s3;
	v3 =	vadd.f32 v5, v3  }
0x252: {  	v9 =	vld [tilespmem:s0+$0xFC80];
	v5 =	vmul.f32 v7, v7;
	v6 =	vmul.f32 v6, v6  }
0x253: {  	s30 =	simm.s32 $0x20;
	v7 =	vld [tilespmem:s0+$0xFC00];
	v10 =	vmul.f32 v3, v3  }
0x254: {  	v8 =	vcvt.s32.f32 v8;
	v11 =	vld [tilespmem:s30+$0x1B900];
	v5 =	vadd.f32 v6, v5;
	v4 =	vmul.f32 v4, v4  }
0x255: {  	s29 =	simm.s32 $0x30;
	s3 =	simm.s32 $0xC0;
	v6 =	vld [tilespmem:s0+$0xFD00];
	v3 =	vmul.f32 v10, v3  }
0x256: {  	v8 =	vmul.f32 $1.600000000e+01, v8;
	s30 =	sand.u32 $0x70, s29;
	s3 =	sand.u32 $0x7E00, s3;
	v4 =	vadd.f32 v4, v5  }
0x257: {  	s0 =	sor.u32 s30, s3;
	(erf) = vrcp.f32 v3  }
0x258: {  	v5 =	vld [tilespmem:s0+$0xFC00];
	v3 =	vmul.f32 v7, v7;
	v7 =	vmul.f32 v9, v9;
	v4 =	vadd.f32 v8, v4  }
0x259: {  	s30 =	simm.s32 $0x30;
	v10 =	vcvt.s32.f32 v11;
	v9 =	vld [tilespmem:s0+$0xFC80]  }
0x25a: {  	v8 =	vld [tilespmem:s30+$0x1B900];
	v3 =	vadd.f32 v7, v3;
	v6 =	vmul.f32 v6, v6;
	v11 =	vmul.f32 v4, v4  }
0x25b: {  	s3 =	simm.s32 $0x40;
	s30 =	simm.s32 $0x100;
	v7 =	vld [tilespmem:s0+$0xFD00]  }
0x25c: {  	s3 =	sand.u32 $0x70, s3;
	v10 =	vmul.f32 $1.600000000e+01, v10;
	s0 =	sand.u32 $0x7E00, s30;
	v6 =	vadd.f32 v6, v3;
	v11 =	vmul.f32 v11, v4  }
0x25d: {  	s0 =	sor.u32 s3, s0;
	v12 =	vmul.f32 v5, v5  }
0x25e: {  	v3 =	vld [tilespmem:s0+$0xFC00];
	v9 =	vmul.f32 v9, v9;
	v4 =	vadd.f32 v10, v6;
	(erf) = vrcp.f32 v11  }
0x25f: {  	s30 =	simm.s32 $0x40;
	v5 =	vld [tilespmem:s0+$0xFC80];
	v8 =	vcvt.s32.f32 v8  }
0x260: {  	v6 =	vld [tilespmem:s30+$0x1B900];
	v11 =	vmul.f32 v7, v7;
	v12 =	vadd.f32 v9, v12;
	v9 =	vmul.f32 v4, v4  }
0x261: {  	s29 =	simm.s32 $0x50;
	v7 =	vld [tilespmem:s0+$0xFD00];
	s0 =	simm.s32 $0x140;
	v8 =	vmul.f32 $1.600000000e+01, v8;
	v10 =	vpop (erf)  }
.LBB2_28:
0x262: {  	s3 =	sand.u32 $0x70, s29;
	s30 =	sand.u32 $0x7E00, s0;
	v11 =	vadd.f32 v11, v12;
	v9 =	vmul.f32 v9, v4;
	v4 =	vmax.f32 v10, $1.371742110e-03;
	p1 =	sne.s32 s29, $0x1F70  }
.Ltmp13:
0x263: {  	s29 =	sadd.s32 $0x10, s29;
	s3 =	sor.u32 s3, s30;
	v10 =	vmul.f32 v3, v3;
	v12 =	vadd.f32 $-1.371742110e-03, v4;
	v13 =	vadd.f32 $-9.986282580e-01, v4;
	(pc) =	sbr.rel @p1 .LBB2_28-.Ltmp13, $4  }
0x264: {  	v3 =	vld [tilespmem:s3+$0xFC00];
	v14 =	vmul.f32 v5, v5;
	v4 =	vadd.f32 v8, v11;
	(erf) = vrcp.f32 v9  }
0x265: {  	s30 =	sshra.s32 s0, $0x2;
	v5 =	vld [tilespmem:s3+$0xFC80];
	v8 =	vcvt.s32.f32 v6;
	v13 =	vmul.f32 v13, v12  }
0x266: {  	v6 =	vld [tilespmem:s30+$0x1B900];
	v12 =	vadd.f32 v14, v10;
	v11 =	vmul.f32 v7, v7;
	v9 =	vmul.f32 v4, v4  }
0x267: {  	s0 =	sadd.s32 $0x40, s0;
	v7 =	vld [tilespmem:s3+$0xFD00];
	v8 =	vmul.f32 $1.600000000e+01, v8;
	v10 =	vpop (erf);
	v2 =	vadd.f32 v13, v2  }
0x268: {  	_ =	sdelay $0x1  }
0x269: {  	v3 =	vmul.f32 v3, v3;
	v5 =	vmul.f32 v5, v5  }
0x26a: {  	v11 =	vadd.f32 v11, v12  }
0x26b: {  	v6 =	vcvt.s32.f32 v6;
	v3 =	vadd.f32 v5, v3;
	v49 =	vmul.f32 v7, v7;
	_ =	sdelay $0x1  }
0x26c: {  	v50 =	vadd.f32 v8, v11;
	v6 =	vmul.f32 $1.600000000e+01, v6;
	v3 =	vadd.f32 v49, v3  }
0x26d: {  	v4 =	vmul.f32 v9, v4  }
0x26e: {  	v51 =	vmul.f32 v50, v50;
	v3 =	vadd.f32 v6, v3  }
0x26f: {  	(erf) = vrcp.f32 v4  }
0x270: {  	v52 =	vmul.f32 v51, v50;
	v53 =	vmul.f32 v3, v3;
	_ =	sdelay $0x1  }
0x271: {  	(erf) = vrcp.f32 v52;
	v3 =	vmul.f32 v53, v3;
	_ =	sdelay $0x1  }
0x272: {  	v54 =	vmax.f32 v10, $1.371742110e-03;
	(erf) = vrcp.f32 v3  }
0x273: {  	v4 =	vadd.f32 $-9.986282580e-01, v54;
	v3 =	vadd.f32 $-1.371742110e-03, v54  }
0x274: {  	v55 =	vpop (erf)  }
0x275: {  	v56 =	vmax.f32 v55, $1.371742110e-03;
	v3 =	vmul.f32 v4, v3  }
0x276: {  	v58 =	vadd.f32 $-1.371742110e-03, v56;
	v57 =	vpop (erf);
	v4 =	vadd.f32 $-9.986282580e-01, v56  }
0x277: {  	v2 =	vadd.f32 v3, v2;
	v3 =	vmax.f32 v57, $1.371742110e-03  }
0x278: {  	v4 =	vmul.f32 v4, v58;
	v5 =	vadd.f32 $-1.371742110e-03, v3;
	v3 =	vadd.f32 $-9.986282580e-01, v3  }
0x279: {  	v59 =	vpop (erf)  }
0x27a: {  	v60 =	vmax.f32 v59, $1.371742110e-03;
	v2 =	vadd.f32 v4, v2;
	v3 =	vmul.f32 v3, v5  }
0x27b: {  	v61 =	vadd.f32 $-1.371742110e-03, v60;
	v4 =	vadd.f32 $-9.986282580e-01, v60;
	v62 =	vpop (erf)  }
0x27c: {  	v2 =	vadd.f32 v3, v2;
	v3 =	vmax.f32 v62, $1.371742110e-03  }
0x27d: {  	v4 =	vmul.f32 v4, v61;
	v63 =	vadd.f32 $-1.371742110e-03, v3;
	v3 =	vadd.f32 $-9.986282580e-01, v3;
	_ =	sdelay $0x1  }
0x27e: {  	v2 =	vadd.f32 v4, v2;
	v3 =	vmul.f32 v3, v63  }
0x27f: {  	s0 =	simm.s32 $0xFC00  }
0x280: {  	s29 =	simm.s32 $0x40;
	s30 =	sadd.s32 $0x0, s10;
	s3 =	simm.s32 $0xFE00;
	v2 =	vadd.f32 v3, v2  }
.LBB2_30:
0x281: {  	[tilespmem:s0], [sflag:$0x3] =	stream.linear.gather [hbm4b:s30+s28], $0x180, $0x38;
	[tilespmem:$0x1DB80] =	vst v63  }
0x282: {  	s30 =	smov.u32 s29;
	s0 =	smov.u32 s3;
	p1 =	sne.s32 s29, $0xF80  }
.Ltmp14:
0x283: {  	s29 =	sadd.s32 $0x40, s29;
	(pc) =	sbr.rel @p1 .LBB2_30-.Ltmp14, $2  }
0x284: {  	_ =	sdelay $0x2  }
0x285: {  	s3 =	sadd.s32 $0x200, s3;
	s30 =	sadd.s32 s30, s10  }
0x286: {  	[tilespmem:s0], [sflag:$0x3] =	stream.linear.gather [hbm4b:s30+s28], $0x180, $0x38;
	[tilespmem:$0x1DB80] =	vst v63  }
0x287: {  	s0 =	simm.s32 $0x0  }
0x288: {  	s3 =	rddreg [dreg:$0xe];
	s29 =	simm.s32 $0x1B900;
	s30 =	simm.s32 $0x1  }
0x289: {  	[tilespmem:s29], [sflag:$0x6] =	stream.linear.gather [hbm4b:s3+s0], $0x1F80, $0x38;
	[tilespmem:$0x1DB80] =	vst v63  }
0x28a: {  	_ =	swait.ge [sflag:s30], $0x5E80  }
0x28b: {  	[sflag:s30] =	ssyncset.done $0x0  }
0x28c: {  	[sflag:s30] =	ssyncadd.s32 $0xFFFFA180  }
0x28d: {  	_ =	swait.ge [sflag:s31], $0x1F80  }
0x28e: {  	s30 =	sand.u32 $0x70, s0;
	s0 =	sand.u32 $0x7E00, s0;
	[sflag:s31] =	ssyncset.done $0x0  }
0x28f: {  	s0 =	sor.u32 s30, s0;
	[sflag:s31] =	ssyncadd.s32 $0xFFFFE080  }
0x290: {  	v3 =	vld [tilespmem:s0+$0x0]  }
0x291: {  	s30 =	simm.s32 $0x0;
	v4 =	vld [tilespmem:s0+$0x80]  }
0x292: {  	v5 =	vld [tilespmem:s30+$0x17A00]  }
0x293: {  	v6 =	vld [tilespmem:s0+$0x100]  }
0x294: {  	s3 =	simm.s32 $0x10;
	s30 =	simm.s32 $0x40  }
0x295: {  	s0 =	sand.u32 $0x70, s3;
	s3 =	sand.u32 $0x7E00, s30  }
0x296: {  	s0 =	sor.u32 s0, s3;
	v3 =	vmul.f32 v3, v3;
	v4 =	vmul.f32 v4, v4  }
0x297: {  	v7 =	vld [tilespmem:s0+$0x0]  }
0x298: {  	s30 =	simm.s32 $0x10;
	v5 =	vcvt.s32.f32 v5;
	v3 =	vadd.f32 v4, v3;
	v4 =	vmul.f32 v6, v6;
	v6 =	vld [tilespmem:s0+$0x80]  }
0x299: {  	v8 =	vld [tilespmem:s30+$0x17A00]  }
0x29a: {  	s29 =	simm.s32 $0x20;
	s3 =	simm.s32 $0x80;
	v5 =	vmul.f32 $1.600000000e+01, v5;
	v3 =	vadd.f32 v4, v3;
	v4 =	vld [tilespmem:s0+$0x100]  }
0x29b: {  	s30 =	sand.u32 $0x70, s29;
	s3 =	sand.u32 $0x7E00, s3  }
0x29c: {  	s0 =	sor.u32 s30, s3;
	v3 =	vadd.f32 v5, v3  }
0x29d: {  	v9 =	vld [tilespmem:s0+$0x80];
	v5 =	vmul.f32 v7, v7;
	v6 =	vmul.f32 v6, v6  }
0x29e: {  	s30 =	simm.s32 $0x20;
	v7 =	vld [tilespmem:s0+$0x0];
	v10 =	vmul.f32 v3, v3  }
0x29f: {  	v8 =	vcvt.s32.f32 v8;
	v11 =	vld [tilespmem:s30+$0x17A00];
	v5 =	vadd.f32 v6, v5;
	v4 =	vmul.f32 v4, v4  }
0x2a0: {  	s29 =	simm.s32 $0x30;
	s3 =	simm.s32 $0xC0;
	v6 =	vld [tilespmem:s0+$0x100];
	v3 =	vmul.f32 v10, v3  }
0x2a1: {  	v8 =	vmul.f32 $1.600000000e+01, v8;
	s30 =	sand.u32 $0x70, s29;
	s3 =	sand.u32 $0x7E00, s3;
	v4 =	vadd.f32 v4, v5  }
0x2a2: {  	s0 =	sor.u32 s30, s3;
	(erf) = vrcp.f32 v3  }
0x2a3: {  	v5 =	vld [tilespmem:s0+$0x0];
	v3 =	vmul.f32 v7, v7;
	v7 =	vmul.f32 v9, v9;
	v4 =	vadd.f32 v8, v4  }
0x2a4: {  	s30 =	simm.s32 $0x30;
	v10 =	vcvt.s32.f32 v11;
	v9 =	vld [tilespmem:s0+$0x80]  }
0x2a5: {  	v8 =	vld [tilespmem:s30+$0x17A00];
	v3 =	vadd.f32 v7, v3;
	v6 =	vmul.f32 v6, v6;
	v11 =	vmul.f32 v4, v4  }
0x2a6: {  	s3 =	simm.s32 $0x40;
	s30 =	simm.s32 $0x100;
	v7 =	vld [tilespmem:s0+$0x100]  }
0x2a7: {  	s3 =	sand.u32 $0x70, s3;
	v10 =	vmul.f32 $1.600000000e+01, v10;
	s0 =	sand.u32 $0x7E00, s30;
	v6 =	vadd.f32 v6, v3;
	v11 =	vmul.f32 v11, v4  }
0x2a8: {  	s0 =	sor.u32 s3, s0;
	v12 =	vmul.f32 v5, v5  }
0x2a9: {  	v3 =	vld [tilespmem:s0+$0x0];
	v9 =	vmul.f32 v9, v9;
	v4 =	vadd.f32 v10, v6;
	(erf) = vrcp.f32 v11  }
0x2aa: {  	s30 =	simm.s32 $0x40;
	v5 =	vld [tilespmem:s0+$0x80];
	v8 =	vcvt.s32.f32 v8  }
0x2ab: {  	v6 =	vld [tilespmem:s30+$0x17A00];
	v11 =	vmul.f32 v7, v7;
	v12 =	vadd.f32 v9, v12;
	v9 =	vmul.f32 v4, v4  }
0x2ac: {  	s29 =	simm.s32 $0x50;
	v7 =	vld [tilespmem:s0+$0x100];
	s0 =	simm.s32 $0x140;
	v8 =	vmul.f32 $1.600000000e+01, v8;
	v10 =	vpop (erf)  }
.LBB2_32:
0x2ad: {  	s3 =	sand.u32 $0x70, s29;
	s30 =	sand.u32 $0x7E00, s0;
	v11 =	vadd.f32 v11, v12;
	v9 =	vmul.f32 v9, v4;
	v4 =	vmax.f32 v10, $1.371742110e-03;
	p1 =	sne.s32 s29, $0x1F70  }
.Ltmp15:
0x2ae: {  	s29 =	sadd.s32 $0x10, s29;
	s3 =	sor.u32 s3, s30;
	v10 =	vmul.f32 v3, v3;
	v12 =	vadd.f32 $-1.371742110e-03, v4;
	v13 =	vadd.f32 $-9.986282580e-01, v4;
	(pc) =	sbr.rel @p1 .LBB2_32-.Ltmp15, $4  }
0x2af: {  	v3 =	vld [tilespmem:s3+$0x0];
	v14 =	vmul.f32 v5, v5;
	v4 =	vadd.f32 v8, v11;
	(erf) = vrcp.f32 v9  }
0x2b0: {  	s30 =	sshra.s32 s0, $0x2;
	v5 =	vld [tilespmem:s3+$0x80];
	v8 =	vcvt.s32.f32 v6;
	v13 =	vmul.f32 v13, v12  }
0x2b1: {  	v6 =	vld [tilespmem:s30+$0x17A00];
	v12 =	vadd.f32 v14, v10;
	v11 =	vmul.f32 v7, v7;
	v9 =	vmul.f32 v4, v4  }
0x2b2: {  	s0 =	sadd.s32 $0x40, s0;
	v7 =	vld [tilespmem:s3+$0x100];
	v8 =	vmul.f32 $1.600000000e+01, v8;
	v10 =	vpop (erf);
	v2 =	vadd.f32 v13, v2  }
0x2b3: {  	_ =	sdelay $0x1  }
0x2b4: {  	v3 =	vmul.f32 v3, v3;
	v5 =	vmul.f32 v5, v5  }
0x2b5: {  	v11 =	vadd.f32 v11, v12  }
0x2b6: {  	v6 =	vcvt.s32.f32 v6;
	v3 =	vadd.f32 v5, v3;
	v49 =	vmul.f32 v7, v7;
	_ =	sdelay $0x1  }
0x2b7: {  	v50 =	vadd.f32 v8, v11;
	v6 =	vmul.f32 $1.600000000e+01, v6;
	v3 =	vadd.f32 v49, v3  }
0x2b8: {  	v4 =	vmul.f32 v9, v4  }
0x2b9: {  	v51 =	vmul.f32 v50, v50;
	v3 =	vadd.f32 v6, v3  }
0x2ba: {  	(erf) = vrcp.f32 v4  }
0x2bb: {  	v52 =	vmul.f32 v51, v50;
	v53 =	vmul.f32 v3, v3;
	_ =	sdelay $0x1  }
0x2bc: {  	(erf) = vrcp.f32 v52;
	v3 =	vmul.f32 v53, v3;
	_ =	sdelay $0x1  }
0x2bd: {  	v54 =	vmax.f32 v10, $1.371742110e-03;
	(erf) = vrcp.f32 v3  }
0x2be: {  	v4 =	vadd.f32 $-9.986282580e-01, v54;
	v3 =	vadd.f32 $-1.371742110e-03, v54  }
0x2bf: {  	v55 =	vpop (erf)  }
0x2c0: {  	v56 =	vmax.f32 v55, $1.371742110e-03;
	v3 =	vmul.f32 v4, v3  }
0x2c1: {  	v58 =	vadd.f32 $-1.371742110e-03, v56;
	v57 =	vpop (erf);
	v4 =	vadd.f32 $-9.986282580e-01, v56  }
0x2c2: {  	v2 =	vadd.f32 v3, v2;
	v3 =	vmax.f32 v57, $1.371742110e-03  }
0x2c3: {  	v4 =	vmul.f32 v4, v58;
	v5 =	vadd.f32 $-1.371742110e-03, v3;
	v3 =	vadd.f32 $-9.986282580e-01, v3  }
0x2c4: {  	v59 =	vpop (erf)  }
0x2c5: {  	v60 =	vmax.f32 v59, $1.371742110e-03;
	v2 =	vadd.f32 v4, v2;
	v3 =	vmul.f32 v3, v5  }
0x2c6: {  	v61 =	vadd.f32 $-1.371742110e-03, v60;
	v4 =	vadd.f32 $-9.986282580e-01, v60;
	v62 =	vpop (erf)  }
0x2c7: {  	v2 =	vadd.f32 v3, v2;
	v3 =	vmax.f32 v62, $1.371742110e-03  }
0x2c8: {  	v4 =	vmul.f32 v4, v61;
	v63 =	vadd.f32 $-1.371742110e-03, v3;
	v3 =	vadd.f32 $-9.986282580e-01, v3;
	_ =	sdelay $0x1  }
0x2c9: {  	v2 =	vadd.f32 v4, v2;
	v3 =	vmul.f32 v3, v63  }
0x2ca: {  	s0 =	simm.s32 $0x0  }
0x2cb: {  	s29 =	simm.s32 $0x40;
	s30 =	sadd.s32 $0x0, s11;
	s3 =	simm.s32 $0x200;
	v2 =	vadd.f32 v3, v2  }
.LBB2_34:
0x2cc: {  	[tilespmem:s0], [sflag:$0x1] =	stream.linear.gather [hbm4b:s30+s28], $0x180, $0x38;
	[tilespmem:$0x1DB80] =	vst v63  }
0x2cd: {  	s30 =	smov.u32 s29;
	s0 =	smov.u32 s3;
	p1 =	sne.s32 s29, $0xF80  }
.Ltmp16:
0x2ce: {  	s29 =	sadd.s32 $0x40, s29;
	(pc) =	sbr.rel @p1 .LBB2_34-.Ltmp16, $2  }
0x2cf: {  	_ =	sdelay $0x2  }
0x2d0: {  	s3 =	sadd.s32 $0x200, s3;
	s30 =	sadd.s32 s30, s11  }
0x2d1: {  	[tilespmem:s0], [sflag:$0x1] =	stream.linear.gather [hbm4b:s30+s28], $0x180, $0x38;
	[tilespmem:$0x1DB80] =	vst v63  }
0x2d2: {  	s0 =	simm.s32 $0x0  }
0x2d3: {  	s3 =	rddreg [dreg:$0xf];
	s29 =	simm.s32 $0x17A00;
	s30 =	simm.s32 $0x2  }
0x2d4: {  	[tilespmem:s29], [sflag:$0x4] =	stream.linear.gather [hbm4b:s3+s0], $0x1F80, $0x38;
	[tilespmem:$0x1DB80] =	vst v63  }
0x2d5: {  	_ =	swait.ge [sflag:s30], $0x5E80  }
0x2d6: {  	[sflag:s30] =	ssyncset.done $0x0  }
0x2d7: {  	s29 =	simm.s32 $0x5;
	[sflag:s30] =	ssyncadd.s32 $0xFFFFA180  }
0x2d8: {  	_ =	swait.ge [sflag:s29], $0x1F80  }
0x2d9: {  	s30 =	sand.u32 $0x70, s0;
	s0 =	sand.u32 $0x7E00, s0;
	[sflag:s29] =	ssyncset.done $0x0  }
0x2da: {  	s0 =	sor.u32 s30, s0;
	[sflag:s29] =	ssyncadd.s32 $0xFFFFE080  }
0x2db: {  	v3 =	vld [tilespmem:s0+$0x7E00]  }
0x2dc: {  	s30 =	simm.s32 $0x0;
	v4 =	vld [tilespmem:s0+$0x7E80]  }
0x2dd: {  	v5 =	vld [tilespmem:s30+$0x19980]  }
0x2de: {  	v6 =	vld [tilespmem:s0+$0x7F00]  }
0x2df: {  	s3 =	simm.s32 $0x10;
	s30 =	simm.s32 $0x40  }
0x2e0: {  	s0 =	sand.u32 $0x70, s3;
	s3 =	sand.u32 $0x7E00, s30  }
0x2e1: {  	s0 =	sor.u32 s0, s3;
	v3 =	vmul.f32 v3, v3;
	v4 =	vmul.f32 v4, v4  }
0x2e2: {  	v7 =	vld [tilespmem:s0+$0x7E00]  }
0x2e3: {  	s30 =	simm.s32 $0x10;
	v5 =	vcvt.s32.f32 v5;
	v3 =	vadd.f32 v4, v3;
	v4 =	vmul.f32 v6, v6;
	v6 =	vld [tilespmem:s0+$0x7E80]  }
0x2e4: {  	v8 =	vld [tilespmem:s30+$0x19980]  }
0x2e5: {  	s29 =	simm.s32 $0x20;
	s3 =	simm.s32 $0x80;
	v5 =	vmul.f32 $1.600000000e+01, v5;
	v3 =	vadd.f32 v4, v3;
	v4 =	vld [tilespmem:s0+$0x7F00]  }
0x2e6: {  	s30 =	sand.u32 $0x70, s29;
	s3 =	sand.u32 $0x7E00, s3  }
0x2e7: {  	s0 =	sor.u32 s30, s3;
	v3 =	vadd.f32 v5, v3  }
0x2e8: {  	v9 =	vld [tilespmem:s0+$0x7E80];
	v5 =	vmul.f32 v7, v7;
	v6 =	vmul.f32 v6, v6  }
0x2e9: {  	s30 =	simm.s32 $0x20;
	v7 =	vld [tilespmem:s0+$0x7E00];
	v10 =	vmul.f32 v3, v3  }
0x2ea: {  	v8 =	vcvt.s32.f32 v8;
	v11 =	vld [tilespmem:s30+$0x19980];
	v5 =	vadd.f32 v6, v5;
	v4 =	vmul.f32 v4, v4  }
0x2eb: {  	s29 =	simm.s32 $0x30;
	s3 =	simm.s32 $0xC0;
	v6 =	vld [tilespmem:s0+$0x7F00];
	v3 =	vmul.f32 v10, v3  }
0x2ec: {  	v8 =	vmul.f32 $1.600000000e+01, v8;
	s30 =	sand.u32 $0x70, s29;
	s3 =	sand.u32 $0x7E00, s3;
	v4 =	vadd.f32 v4, v5  }
0x2ed: {  	s0 =	sor.u32 s30, s3;
	(erf) = vrcp.f32 v3  }
0x2ee: {  	v5 =	vld [tilespmem:s0+$0x7E00];
	v3 =	vmul.f32 v7, v7;
	v7 =	vmul.f32 v9, v9;
	v4 =	vadd.f32 v8, v4  }
0x2ef: {  	s30 =	simm.s32 $0x30;
	v10 =	vcvt.s32.f32 v11;
	v9 =	vld [tilespmem:s0+$0x7E80]  }
0x2f0: {  	v8 =	vld [tilespmem:s30+$0x19980];
	v3 =	vadd.f32 v7, v3;
	v6 =	vmul.f32 v6, v6;
	v11 =	vmul.f32 v4, v4  }
0x2f1: {  	s3 =	simm.s32 $0x40;
	s30 =	simm.s32 $0x100;
	v7 =	vld [tilespmem:s0+$0x7F00]  }
0x2f2: {  	s3 =	sand.u32 $0x70, s3;
	v10 =	vmul.f32 $1.600000000e+01, v10;
	s0 =	sand.u32 $0x7E00, s30;
	v6 =	vadd.f32 v6, v3;
	v11 =	vmul.f32 v11, v4  }
0x2f3: {  	s0 =	sor.u32 s3, s0;
	v12 =	vmul.f32 v5, v5  }
0x2f4: {  	v3 =	vld [tilespmem:s0+$0x7E00];
	v9 =	vmul.f32 v9, v9;
	v4 =	vadd.f32 v10, v6;
	(erf) = vrcp.f32 v11  }
0x2f5: {  	s30 =	simm.s32 $0x40;
	v5 =	vld [tilespmem:s0+$0x7E80];
	v8 =	vcvt.s32.f32 v8  }
0x2f6: {  	v6 =	vld [tilespmem:s30+$0x19980];
	v11 =	vmul.f32 v7, v7;
	v12 =	vadd.f32 v9, v12;
	v9 =	vmul.f32 v4, v4  }
0x2f7: {  	s29 =	simm.s32 $0x50;
	v7 =	vld [tilespmem:s0+$0x7F00];
	s0 =	simm.s32 $0x140;
	v8 =	vmul.f32 $1.600000000e+01, v8;
	v10 =	vpop (erf)  }
.LBB2_36:
0x2f8: {  	s3 =	sand.u32 $0x70, s29;
	s30 =	sand.u32 $0x7E00, s0;
	v11 =	vadd.f32 v11, v12;
	v9 =	vmul.f32 v9, v4;
	v4 =	vmax.f32 v10, $1.371742110e-03;
	p1 =	sne.s32 s29, $0x1F70  }
.Ltmp17:
0x2f9: {  	s29 =	sadd.s32 $0x10, s29;
	s3 =	sor.u32 s3, s30;
	v10 =	vmul.f32 v3, v3;
	v12 =	vadd.f32 $-1.371742110e-03, v4;
	v13 =	vadd.f32 $-9.986282580e-01, v4;
	(pc) =	sbr.rel @p1 .LBB2_36-.Ltmp17, $4  }
0x2fa: {  	v3 =	vld [tilespmem:s3+$0x7E00];
	v14 =	vmul.f32 v5, v5;
	v4 =	vadd.f32 v8, v11;
	(erf) = vrcp.f32 v9  }
0x2fb: {  	s30 =	sshra.s32 s0, $0x2;
	v5 =	vld [tilespmem:s3+$0x7E80];
	v8 =	vcvt.s32.f32 v6;
	v13 =	vmul.f32 v13, v12  }
0x2fc: {  	v6 =	vld [tilespmem:s30+$0x19980];
	v12 =	vadd.f32 v14, v10;
	v11 =	vmul.f32 v7, v7;
	v9 =	vmul.f32 v4, v4  }
0x2fd: {  	s0 =	sadd.s32 $0x40, s0;
	v7 =	vld [tilespmem:s3+$0x7F00];
	v8 =	vmul.f32 $1.600000000e+01, v8;
	v10 =	vpop (erf);
	v2 =	vadd.f32 v13, v2  }
0x2fe: {  	_ =	sdelay $0x1  }
0x2ff: {  	v3 =	vmul.f32 v3, v3;
	v5 =	vmul.f32 v5, v5  }
0x300: {  	v11 =	vadd.f32 v11, v12  }
0x301: {  	v6 =	vcvt.s32.f32 v6;
	v3 =	vadd.f32 v5, v3;
	v49 =	vmul.f32 v7, v7;
	_ =	sdelay $0x1  }
0x302: {  	v50 =	vadd.f32 v8, v11;
	v6 =	vmul.f32 $1.600000000e+01, v6;
	v3 =	vadd.f32 v49, v3  }
0x303: {  	v4 =	vmul.f32 v9, v4  }
0x304: {  	v51 =	vmul.f32 v50, v50;
	v3 =	vadd.f32 v6, v3  }
0x305: {  	(erf) = vrcp.f32 v4  }
0x306: {  	v52 =	vmul.f32 v51, v50;
	v53 =	vmul.f32 v3, v3;
	_ =	sdelay $0x1  }
0x307: {  	(erf) = vrcp.f32 v52;
	v3 =	vmul.f32 v53, v3;
	_ =	sdelay $0x1  }
0x308: {  	v54 =	vmax.f32 v10, $1.371742110e-03;
	(erf) = vrcp.f32 v3  }
0x309: {  	v4 =	vadd.f32 $-9.986282580e-01, v54;
	v3 =	vadd.f32 $-1.371742110e-03, v54  }
0x30a: {  	v55 =	vpop (erf)  }
0x30b: {  	v56 =	vmax.f32 v55, $1.371742110e-03;
	v3 =	vmul.f32 v4, v3  }
0x30c: {  	v58 =	vadd.f32 $-1.371742110e-03, v56;
	v57 =	vpop (erf);
	v4 =	vadd.f32 $-9.986282580e-01, v56  }
0x30d: {  	v2 =	vadd.f32 v3, v2;
	v3 =	vmax.f32 v57, $1.371742110e-03  }
0x30e: {  	v4 =	vmul.f32 v4, v58;
	v5 =	vadd.f32 $-1.371742110e-03, v3;
	v3 =	vadd.f32 $-9.986282580e-01, v3  }
0x30f: {  	v59 =	vpop (erf)  }
0x310: {  	v60 =	vmax.f32 v59, $1.371742110e-03;
	v2 =	vadd.f32 v4, v2;
	v3 =	vmul.f32 v3, v5  }
0x311: {  	v61 =	vadd.f32 $-1.371742110e-03, v60;
	v4 =	vadd.f32 $-9.986282580e-01, v60;
	v62 =	vpop (erf)  }
0x312: {  	v2 =	vadd.f32 v3, v2;
	v3 =	vmax.f32 v62, $1.371742110e-03  }
0x313: {  	v4 =	vmul.f32 v4, v61;
	v63 =	vadd.f32 $-1.371742110e-03, v3;
	v3 =	vadd.f32 $-9.986282580e-01, v3;
	_ =	sdelay $0x1  }
0x314: {  	v2 =	vadd.f32 v4, v2;
	v3 =	vmul.f32 v3, v63  }
0x315: {  	s0 =	simm.s32 $0x7E00  }
0x316: {  	s29 =	simm.s32 $0x40;
	s30 =	sadd.s32 $0x0, s12;
	s3 =	simm.s32 $0x8000;
	v2 =	vadd.f32 v3, v2  }
.LBB2_38:
0x317: {  	[tilespmem:s0], [sflag:$0x2] =	stream.linear.gather [hbm4b:s30+s28], $0x180, $0x38;
	[tilespmem:$0x1DB80] =	vst v63  }
0x318: {  	s30 =	smov.u32 s29;
	s0 =	smov.u32 s3;
	p1 =	sne.s32 s29, $0xF80  }
.Ltmp18:
0x319: {  	s29 =	sadd.s32 $0x40, s29;
	(pc) =	sbr.rel @p1 .LBB2_38-.Ltmp18, $2  }
0x31a: {  	_ =	sdelay $0x2  }
0x31b: {  	s3 =	sadd.s32 $0x200, s3;
	s30 =	sadd.s32 s30, s12  }
0x31c: {  	[tilespmem:s0], [sflag:$0x2] =	stream.linear.gather [hbm4b:s30+s28], $0x180, $0x38;
	[tilespmem:$0x1DB80] =	vst v63  }
0x31d: {  	s0 =	simm.s32 $0x0  }
0x31e: {  	s3 =	rddreg [dreg:$0x10];
	s29 =	simm.s32 $0x19980;
	s30 =	simm.s32 $0x3  }
0x31f: {  	[tilespmem:s29], [sflag:$0x5] =	stream.linear.gather [hbm4b:s3+s0], $0x1F80, $0x38;
	[tilespmem:$0x1DB80] =	vst v63  }
0x320: {  	_ =	swait.ge [sflag:s30], $0x5E80  }
0x321: {  	[sflag:s30] =	ssyncset.done $0x0  }
0x322: {  	s29 =	simm.s32 $0x6;
	[sflag:s30] =	ssyncadd.s32 $0xFFFFA180  }
0x323: {  	_ =	swait.ge [sflag:s29], $0x1F80  }
0x324: {  	s30 =	sand.u32 $0x70, s0;
	s0 =	sand.u32 $0x7E00, s0;
	[sflag:s29] =	ssyncset.done $0x0  }
0x325: {  	s0 =	sor.u32 s30, s0;
	[sflag:s29] =	ssyncadd.s32 $0xFFFFE080  }
0x326: {  	v3 =	vld [tilespmem:s0+$0xFC00]  }
0x327: {  	s30 =	simm.s32 $0x0;
	v4 =	vld [tilespmem:s0+$0xFC80]  }
0x328: {  	v5 =	vld [tilespmem:s30+$0x1B900]  }
0x329: {  	v6 =	vld [tilespmem:s0+$0xFD00]  }
0x32a: {  	s3 =	simm.s32 $0x10;
	s30 =	simm.s32 $0x40  }
0x32b: {  	s0 =	sand.u32 $0x70, s3;
	s3 =	sand.u32 $0x7E00, s30  }
0x32c: {  	s0 =	sor.u32 s0, s3;
	v3 =	vmul.f32 v3, v3;
	v4 =	vmul.f32 v4, v4  }
0x32d: {  	v7 =	vld [tilespmem:s0+$0xFC00]  }
0x32e: {  	s30 =	simm.s32 $0x10;
	v5 =	vcvt.s32.f32 v5;
	v3 =	vadd.f32 v4, v3;
	v4 =	vmul.f32 v6, v6;
	v6 =	vld [tilespmem:s0+$0xFC80]  }
0x32f: {  	v8 =	vld [tilespmem:s30+$0x1B900]  }
0x330: {  	s29 =	simm.s32 $0x20;
	s3 =	simm.s32 $0x80;
	v5 =	vmul.f32 $1.600000000e+01, v5;
	v3 =	vadd.f32 v4, v3;
	v4 =	vld [tilespmem:s0+$0xFD00]  }
0x331: {  	s30 =	sand.u32 $0x70, s29;
	s3 =	sand.u32 $0x7E00, s3  }
0x332: {  	s0 =	sor.u32 s30, s3;
	v3 =	vadd.f32 v5, v3  }
0x333: {  	v9 =	vld [tilespmem:s0+$0xFC80];
	v5 =	vmul.f32 v7, v7;
	v6 =	vmul.f32 v6, v6  }
0x334: {  	s30 =	simm.s32 $0x20;
	v7 =	vld [tilespmem:s0+$0xFC00];
	v10 =	vmul.f32 v3, v3  }
0x335: {  	v8 =	vcvt.s32.f32 v8;
	v11 =	vld [tilespmem:s30+$0x1B900];
	v5 =	vadd.f32 v6, v5;
	v4 =	vmul.f32 v4, v4  }
0x336: {  	s29 =	simm.s32 $0x30;
	s3 =	simm.s32 $0xC0;
	v6 =	vld [tilespmem:s0+$0xFD00];
	v3 =	vmul.f32 v10, v3  }
0x337: {  	v8 =	vmul.f32 $1.600000000e+01, v8;
	s30 =	sand.u32 $0x70, s29;
	s3 =	sand.u32 $0x7E00, s3;
	v4 =	vadd.f32 v4, v5  }
0x338: {  	s0 =	sor.u32 s30, s3;
	(erf) = vrcp.f32 v3  }
0x339: {  	v5 =	vld [tilespmem:s0+$0xFC00];
	v3 =	vmul.f32 v7, v7;
	v7 =	vmul.f32 v9, v9;
	v4 =	vadd.f32 v8, v4  }
0x33a: {  	s30 =	simm.s32 $0x30;
	v10 =	vcvt.s32.f32 v11;
	v9 =	vld [tilespmem:s0+$0xFC80]  }
0x33b: {  	v8 =	vld [tilespmem:s30+$0x1B900];
	v3 =	vadd.f32 v7, v3;
	v6 =	vmul.f32 v6, v6;
	v11 =	vmul.f32 v4, v4  }
0x33c: {  	s3 =	simm.s32 $0x40;
	s30 =	simm.s32 $0x100;
	v7 =	vld [tilespmem:s0+$0xFD00]  }
0x33d: {  	s3 =	sand.u32 $0x70, s3;
	v10 =	vmul.f32 $1.600000000e+01, v10;
	s0 =	sand.u32 $0x7E00, s30;
	v6 =	vadd.f32 v6, v3;
	v11 =	vmul.f32 v11, v4  }
0x33e: {  	s0 =	sor.u32 s3, s0;
	v12 =	vmul.f32 v5, v5  }
0x33f: {  	v3 =	vld [tilespmem:s0+$0xFC00];
	v9 =	vmul.f32 v9, v9;
	v4 =	vadd.f32 v10, v6;
	(erf) = vrcp.f32 v11  }
0x340: {  	s30 =	simm.s32 $0x40;
	v5 =	vld [tilespmem:s0+$0xFC80];
	v8 =	vcvt.s32.f32 v8  }
0x341: {  	v6 =	vld [tilespmem:s30+$0x1B900];
	v11 =	vmul.f32 v7, v7;
	v12 =	vadd.f32 v9, v12;
	v9 =	vmul.f32 v4, v4  }
0x342: {  	s29 =	simm.s32 $0x50;
	v7 =	vld [tilespmem:s0+$0xFD00];
	s0 =	simm.s32 $0x140;
	v8 =	vmul.f32 $1.600000000e+01, v8;
	v10 =	vpop (erf)  }
.LBB2_40:
0x343: {  	s3 =	sand.u32 $0x70, s29;
	s30 =	sand.u32 $0x7E00, s0;
	v11 =	vadd.f32 v11, v12;
	v9 =	vmul.f32 v9, v4;
	v4 =	vmax.f32 v10, $1.371742110e-03;
	p1 =	sne.s32 s29, $0x1F70  }
.Ltmp19:
0x344: {  	s29 =	sadd.s32 $0x10, s29;
	s3 =	sor.u32 s3, s30;
	v10 =	vmul.f32 v3, v3;
	v12 =	vadd.f32 $-1.371742110e-03, v4;
	v13 =	vadd.f32 $-9.986282580e-01, v4;
	(pc) =	sbr.rel @p1 .LBB2_40-.Ltmp19, $4  }
0x345: {  	v3 =	vld [tilespmem:s3+$0xFC00];
	v14 =	vmul.f32 v5, v5;
	v4 =	vadd.f32 v8, v11;
	(erf) = vrcp.f32 v9  }
0x346: {  	s30 =	sshra.s32 s0, $0x2;
	v5 =	vld [tilespmem:s3+$0xFC80];
	v8 =	vcvt.s32.f32 v6;
	v13 =	vmul.f32 v13, v12  }
0x347: {  	v6 =	vld [tilespmem:s30+$0x1B900];
	v12 =	vadd.f32 v14, v10;
	v11 =	vmul.f32 v7, v7;
	v9 =	vmul.f32 v4, v4  }
0x348: {  	s0 =	sadd.s32 $0x40, s0;
	v7 =	vld [tilespmem:s3+$0xFD00];
	v8 =	vmul.f32 $1.600000000e+01, v8;
	v10 =	vpop (erf);
	v2 =	vadd.f32 v13, v2  }
0x349: {  	_ =	sdelay $0x1  }
0x34a: {  	v3 =	vmul.f32 v3, v3;
	v5 =	vmul.f32 v5, v5  }
0x34b: {  	v11 =	vadd.f32 v11, v12  }
0x34c: {  	v6 =	vcvt.s32.f32 v6;
	v3 =	vadd.f32 v5, v3;
	v49 =	vmul.f32 v7, v7;
	_ =	sdelay $0x1  }
0x34d: {  	v50 =	vadd.f32 v8, v11;
	v6 =	vmul.f32 $1.600000000e+01, v6;
	v3 =	vadd.f32 v49, v3  }
0x34e: {  	v4 =	vmul.f32 v9, v4  }
0x34f: {  	v51 =	vmul.f32 v50, v50;
	v3 =	vadd.f32 v6, v3  }
0x350: {  	(erf) = vrcp.f32 v4  }
0x351: {  	v52 =	vmul.f32 v51, v50;
	v53 =	vmul.f32 v3, v3;
	_ =	sdelay $0x1  }
0x352: {  	(erf) = vrcp.f32 v52;
	v3 =	vmul.f32 v53, v3;
	_ =	sdelay $0x1  }
0x353: {  	v54 =	vmax.f32 v10, $1.371742110e-03;
	(erf) = vrcp.f32 v3  }
0x354: {  	v4 =	vadd.f32 $-9.986282580e-01, v54;
	v3 =	vadd.f32 $-1.371742110e-03, v54  }
0x355: {  	v55 =	vpop (erf)  }
0x356: {  	v56 =	vmax.f32 v55, $1.371742110e-03;
	v3 =	vmul.f32 v4, v3  }
0x357: {  	v58 =	vadd.f32 $-1.371742110e-03, v56;
	v57 =	vpop (erf);
	v4 =	vadd.f32 $-9.986282580e-01, v56  }
0x358: {  	v2 =	vadd.f32 v3, v2;
	v3 =	vmax.f32 v57, $1.371742110e-03  }
0x359: {  	v4 =	vmul.f32 v4, v58;
	v5 =	vadd.f32 $-1.371742110e-03, v3;
	v3 =	vadd.f32 $-9.986282580e-01, v3  }
0x35a: {  	v59 =	vpop (erf)  }
0x35b: {  	v60 =	vmax.f32 v59, $1.371742110e-03;
	v2 =	vadd.f32 v4, v2;
	v3 =	vmul.f32 v3, v5  }
0x35c: {  	v61 =	vadd.f32 $-1.371742110e-03, v60;
	v4 =	vadd.f32 $-9.986282580e-01, v60;
	v62 =	vpop (erf)  }
0x35d: {  	v2 =	vadd.f32 v3, v2;
	v3 =	vmax.f32 v62, $1.371742110e-03  }
0x35e: {  	v4 =	vmul.f32 v4, v61;
	v63 =	vadd.f32 $-1.371742110e-03, v3;
	v3 =	vadd.f32 $-9.986282580e-01, v3;
	_ =	sdelay $0x1  }
0x35f: {  	v2 =	vadd.f32 v4, v2;
	v3 =	vmul.f32 v3, v63  }
0x360: {  	s0 =	simm.s32 $0xFC00  }
0x361: {  	s29 =	simm.s32 $0x40;
	s30 =	sadd.s32 $0x0, s13;
	s3 =	simm.s32 $0xFE00;
	v2 =	vadd.f32 v3, v2  }
.LBB2_42:
0x362: {  	[tilespmem:s0], [sflag:$0x3] =	stream.linear.gather [hbm4b:s30+s28], $0x180, $0x38;
	[tilespmem:$0x1DB80] =	vst v63  }
0x363: {  	s30 =	smov.u32 s29;
	s0 =	smov.u32 s3;
	p1 =	sne.s32 s29, $0xF80  }
.Ltmp20:
0x364: {  	s29 =	sadd.s32 $0x40, s29;
	(pc) =	sbr.rel @p1 .LBB2_42-.Ltmp20, $2  }
0x365: {  	_ =	sdelay $0x2  }
0x366: {  	s3 =	sadd.s32 $0x200, s3;
	s30 =	sadd.s32 s30, s13  }
0x367: {  	[tilespmem:s0], [sflag:$0x3] =	stream.linear.gather [hbm4b:s30+s28], $0x180, $0x38;
	[tilespmem:$0x1DB80] =	vst v63  }
0x368: {  	s0 =	simm.s32 $0x0  }
0x369: {  	s3 =	rddreg [dreg:$0x11];
	s29 =	simm.s32 $0x1B900;
	s30 =	simm.s32 $0x1  }
0x36a: {  	[tilespmem:s29], [sflag:$0x6] =	stream.linear.gather [hbm4b:s3+s0], $0x1F80, $0x38;
	[tilespmem:$0x1DB80] =	vst v63  }
0x36b: {  	_ =	swait.ge [sflag:s30], $0x5E80  }
0x36c: {  	[sflag:s30] =	ssyncset.done $0x0  }
0x36d: {  	[sflag:s30] =	ssyncadd.s32 $0xFFFFA180  }
0x36e: {  	_ =	swait.ge [sflag:s31], $0x1F80  }
0x36f: {  	s30 =	sand.u32 $0x70, s0;
	s0 =	sand.u32 $0x7E00, s0;
	[sflag:s31] =	ssyncset.done $0x0  }
0x370: {  	s0 =	sor.u32 s30, s0;
	[sflag:s31] =	ssyncadd.s32 $0xFFFFE080  }
0x371: {  	v3 =	vld [tilespmem:s0+$0x0]  }
0x372: {  	s30 =	simm.s32 $0x0;
	v4 =	vld [tilespmem:s0+$0x80]  }
0x373: {  	v5 =	vld [tilespmem:s30+$0x17A00]  }
0x374: {  	v6 =	vld [tilespmem:s0+$0x100]  }
0x375: {  	s3 =	simm.s32 $0x10;
	s30 =	simm.s32 $0x40  }
0x376: {  	s0 =	sand.u32 $0x70, s3;
	s3 =	sand.u32 $0x7E00, s30  }
0x377: {  	s0 =	sor.u32 s0, s3;
	v3 =	vmul.f32 v3, v3;
	v4 =	vmul.f32 v4, v4  }
0x378: {  	v7 =	vld [tilespmem:s0+$0x0]  }
0x379: {  	s30 =	simm.s32 $0x10;
	v5 =	vcvt.s32.f32 v5;
	v3 =	vadd.f32 v4, v3;
	v4 =	vmul.f32 v6, v6;
	v6 =	vld [tilespmem:s0+$0x80]  }
0x37a: {  	v8 =	vld [tilespmem:s30+$0x17A00]  }
0x37b: {  	s29 =	simm.s32 $0x20;
	s3 =	simm.s32 $0x80;
	v5 =	vmul.f32 $1.600000000e+01, v5;
	v3 =	vadd.f32 v4, v3;
	v4 =	vld [tilespmem:s0+$0x100]  }
0x37c: {  	s30 =	sand.u32 $0x70, s29;
	s3 =	sand.u32 $0x7E00, s3  }
0x37d: {  	s0 =	sor.u32 s30, s3;
	v3 =	vadd.f32 v5, v3  }
0x37e: {  	v9 =	vld [tilespmem:s0+$0x80];
	v5 =	vmul.f32 v7, v7;
	v6 =	vmul.f32 v6, v6  }
0x37f: {  	s30 =	simm.s32 $0x20;
	v7 =	vld [tilespmem:s0+$0x0];
	v10 =	vmul.f32 v3, v3  }
0x380: {  	v8 =	vcvt.s32.f32 v8;
	v11 =	vld [tilespmem:s30+$0x17A00];
	v5 =	vadd.f32 v6, v5;
	v4 =	vmul.f32 v4, v4  }
0x381: {  	s29 =	simm.s32 $0x30;
	s3 =	simm.s32 $0xC0;
	v6 =	vld [tilespmem:s0+$0x100];
	v3 =	vmul.f32 v10, v3  }
0x382: {  	v8 =	vmul.f32 $1.600000000e+01, v8;
	s30 =	sand.u32 $0x70, s29;
	s3 =	sand.u32 $0x7E00, s3;
	v4 =	vadd.f32 v4, v5  }
0x383: {  	s0 =	sor.u32 s30, s3;
	(erf) = vrcp.f32 v3  }
0x384: {  	v5 =	vld [tilespmem:s0+$0x0];
	v3 =	vmul.f32 v7, v7;
	v7 =	vmul.f32 v9, v9;
	v4 =	vadd.f32 v8, v4  }
0x385: {  	s30 =	simm.s32 $0x30;
	v10 =	vcvt.s32.f32 v11;
	v9 =	vld [tilespmem:s0+$0x80]  }
0x386: {  	v8 =	vld [tilespmem:s30+$0x17A00];
	v3 =	vadd.f32 v7, v3;
	v6 =	vmul.f32 v6, v6;
	v11 =	vmul.f32 v4, v4  }
0x387: {  	s3 =	simm.s32 $0x40;
	s30 =	simm.s32 $0x100;
	v7 =	vld [tilespmem:s0+$0x100]  }
0x388: {  	s3 =	sand.u32 $0x70, s3;
	v10 =	vmul.f32 $1.600000000e+01, v10;
	s0 =	sand.u32 $0x7E00, s30;
	v6 =	vadd.f32 v6, v3;
	v11 =	vmul.f32 v11, v4  }
0x389: {  	s0 =	sor.u32 s3, s0;
	v12 =	vmul.f32 v5, v5  }
0x38a: {  	v3 =	vld [tilespmem:s0+$0x0];
	v9 =	vmul.f32 v9, v9;
	v4 =	vadd.f32 v10, v6;
	(erf) = vrcp.f32 v11  }
0x38b: {  	s30 =	simm.s32 $0x40;
	v5 =	vld [tilespmem:s0+$0x80];
	v8 =	vcvt.s32.f32 v8  }
0x38c: {  	v6 =	vld [tilespmem:s30+$0x17A00];
	v11 =	vmul.f32 v7, v7;
	v12 =	vadd.f32 v9, v12;
	v9 =	vmul.f32 v4, v4  }
0x38d: {  	s29 =	simm.s32 $0x50;
	v7 =	vld [tilespmem:s0+$0x100];
	s0 =	simm.s32 $0x140;
	v8 =	vmul.f32 $1.600000000e+01, v8;
	v10 =	vpop (erf)  }
.LBB2_44:
0x38e: {  	s3 =	sand.u32 $0x70, s29;
	s30 =	sand.u32 $0x7E00, s0;
	v11 =	vadd.f32 v11, v12;
	v9 =	vmul.f32 v9, v4;
	v4 =	vmax.f32 v10, $1.371742110e-03;
	p1 =	sne.s32 s29, $0x1F70  }
.Ltmp21:
0x38f: {  	s29 =	sadd.s32 $0x10, s29;
	s3 =	sor.u32 s3, s30;
	v10 =	vmul.f32 v3, v3;
	v12 =	vadd.f32 $-1.371742110e-03, v4;
	v13 =	vadd.f32 $-9.986282580e-01, v4;
	(pc) =	sbr.rel @p1 .LBB2_44-.Ltmp21, $4  }
0x390: {  	v3 =	vld [tilespmem:s3+$0x0];
	v14 =	vmul.f32 v5, v5;
	v4 =	vadd.f32 v8, v11;
	(erf) = vrcp.f32 v9  }
0x391: {  	s30 =	sshra.s32 s0, $0x2;
	v5 =	vld [tilespmem:s3+$0x80];
	v8 =	vcvt.s32.f32 v6;
	v13 =	vmul.f32 v13, v12  }
0x392: {  	v6 =	vld [tilespmem:s30+$0x17A00];
	v12 =	vadd.f32 v14, v10;
	v11 =	vmul.f32 v7, v7;
	v9 =	vmul.f32 v4, v4  }
0x393: {  	s0 =	sadd.s32 $0x40, s0;
	v7 =	vld [tilespmem:s3+$0x100];
	v8 =	vmul.f32 $1.600000000e+01, v8;
	v10 =	vpop (erf);
	v2 =	vadd.f32 v13, v2  }
0x394: {  	_ =	sdelay $0x1  }
0x395: {  	v3 =	vmul.f32 v3, v3;
	v5 =	vmul.f32 v5, v5  }
0x396: {  	v11 =	vadd.f32 v11, v12  }
0x397: {  	v6 =	vcvt.s32.f32 v6;
	v3 =	vadd.f32 v5, v3;
	v49 =	vmul.f32 v7, v7;
	_ =	sdelay $0x1  }
0x398: {  	v50 =	vadd.f32 v8, v11;
	v6 =	vmul.f32 $1.600000000e+01, v6;
	v3 =	vadd.f32 v49, v3  }
0x399: {  	v4 =	vmul.f32 v9, v4  }
0x39a: {  	v51 =	vmul.f32 v50, v50;
	v3 =	vadd.f32 v6, v3  }
0x39b: {  	(erf) = vrcp.f32 v4  }
0x39c: {  	v52 =	vmul.f32 v51, v50;
	v53 =	vmul.f32 v3, v3;
	_ =	sdelay $0x1  }
0x39d: {  	(erf) = vrcp.f32 v52;
	v3 =	vmul.f32 v53, v3;
	_ =	sdelay $0x1  }
0x39e: {  	v54 =	vmax.f32 v10, $1.371742110e-03;
	(erf) = vrcp.f32 v3  }
0x39f: {  	v4 =	vadd.f32 $-9.986282580e-01, v54;
	v3 =	vadd.f32 $-1.371742110e-03, v54  }
0x3a0: {  	v55 =	vpop (erf)  }
0x3a1: {  	v56 =	vmax.f32 v55, $1.371742110e-03;
	v3 =	vmul.f32 v4, v3  }
0x3a2: {  	v58 =	vadd.f32 $-1.371742110e-03, v56;
	v57 =	vpop (erf);
	v4 =	vadd.f32 $-9.986282580e-01, v56  }
0x3a3: {  	v2 =	vadd.f32 v3, v2;
	v3 =	vmax.f32 v57, $1.371742110e-03  }
0x3a4: {  	v4 =	vmul.f32 v4, v58;
	v5 =	vadd.f32 $-1.371742110e-03, v3;
	v3 =	vadd.f32 $-9.986282580e-01, v3  }
0x3a5: {  	v59 =	vpop (erf)  }
0x3a6: {  	v60 =	vmax.f32 v59, $1.371742110e-03;
	v2 =	vadd.f32 v4, v2;
	v3 =	vmul.f32 v3, v5  }
0x3a7: {  	v61 =	vadd.f32 $-1.371742110e-03, v60;
	v4 =	vadd.f32 $-9.986282580e-01, v60;
	v62 =	vpop (erf)  }
0x3a8: {  	v2 =	vadd.f32 v3, v2;
	v3 =	vmax.f32 v62, $1.371742110e-03  }
0x3a9: {  	v4 =	vmul.f32 v4, v61;
	v63 =	vadd.f32 $-1.371742110e-03, v3;
	v3 =	vadd.f32 $-9.986282580e-01, v3;
	_ =	sdelay $0x1  }
0x3aa: {  	v2 =	vadd.f32 v4, v2;
	v3 =	vmul.f32 v3, v63  }
0x3ab: {  	s0 =	simm.s32 $0x0  }
0x3ac: {  	s29 =	simm.s32 $0x40;
	s30 =	sadd.s32 $0x0, s14;
	s3 =	simm.s32 $0x200;
	v2 =	vadd.f32 v3, v2  }
.LBB2_46:
0x3ad: {  	[tilespmem:s0], [sflag:$0x1] =	stream.linear.gather [hbm4b:s30+s28], $0x180, $0x38;
	[tilespmem:$0x1DB80] =	vst v63  }
0x3ae: {  	s30 =	smov.u32 s29;
	s0 =	smov.u32 s3;
	p1 =	sne.s32 s29, $0xF80  }
.Ltmp22:
0x3af: {  	s29 =	sadd.s32 $0x40, s29;
	(pc) =	sbr.rel @p1 .LBB2_46-.Ltmp22, $2  }
0x3b0: {  	_ =	sdelay $0x2  }
0x3b1: {  	s3 =	sadd.s32 $0x200, s3;
	s30 =	sadd.s32 s30, s14  }
0x3b2: {  	[tilespmem:s0], [sflag:$0x1] =	stream.linear.gather [hbm4b:s30+s28], $0x180, $0x38;
	[tilespmem:$0x1DB80] =	vst v63  }
0x3b3: {  	s0 =	simm.s32 $0x0  }
0x3b4: {  	s3 =	rddreg [dreg:$0x12];
	s29 =	simm.s32 $0x17A00;
	s30 =	simm.s32 $0x2  }
0x3b5: {  	[tilespmem:s29], [sflag:$0x4] =	stream.linear.gather [hbm4b:s3+s0], $0x1F80, $0x38;
	[tilespmem:$0x1DB80] =	vst v63  }
0x3b6: {  	_ =	swait.ge [sflag:s30], $0x5E80  }
0x3b7: {  	[sflag:s30] =	ssyncset.done $0x0  }
0x3b8: {  	s29 =	simm.s32 $0x5;
	[sflag:s30] =	ssyncadd.s32 $0xFFFFA180  }
0x3b9: {  	_ =	swait.ge [sflag:s29], $0x1F80  }
0x3ba: {  	s30 =	sand.u32 $0x70, s0;
	s0 =	sand.u32 $0x7E00, s0;
	[sflag:s29] =	ssyncset.done $0x0  }
0x3bb: {  	s0 =	sor.u32 s30, s0;
	[sflag:s29] =	ssyncadd.s32 $0xFFFFE080  }
0x3bc: {  	v3 =	vld [tilespmem:s0+$0x7E00]  }
0x3bd: {  	s30 =	simm.s32 $0x0;
	v4 =	vld [tilespmem:s0+$0x7E80]  }
0x3be: {  	v5 =	vld [tilespmem:s30+$0x19980]  }
0x3bf: {  	v6 =	vld [tilespmem:s0+$0x7F00]  }
0x3c0: {  	s3 =	simm.s32 $0x10;
	s30 =	simm.s32 $0x40  }
0x3c1: {  	s0 =	sand.u32 $0x70, s3;
	s3 =	sand.u32 $0x7E00, s30  }
0x3c2: {  	s0 =	sor.u32 s0, s3;
	v3 =	vmul.f32 v3, v3;
	v4 =	vmul.f32 v4, v4  }
0x3c3: {  	v7 =	vld [tilespmem:s0+$0x7E00]  }
0x3c4: {  	s30 =	simm.s32 $0x10;
	v5 =	vcvt.s32.f32 v5;
	v3 =	vadd.f32 v4, v3;
	v4 =	vmul.f32 v6, v6;
	v6 =	vld [tilespmem:s0+$0x7E80]  }
0x3c5: {  	v8 =	vld [tilespmem:s30+$0x19980]  }
0x3c6: {  	s29 =	simm.s32 $0x20;
	s3 =	simm.s32 $0x80;
	v5 =	vmul.f32 $1.600000000e+01, v5;
	v3 =	vadd.f32 v4, v3;
	v4 =	vld [tilespmem:s0+$0x7F00]  }
0x3c7: {  	s30 =	sand.u32 $0x70, s29;
	s3 =	sand.u32 $0x7E00, s3  }
0x3c8: {  	s0 =	sor.u32 s30, s3;
	v3 =	vadd.f32 v5, v3  }
0x3c9: {  	v9 =	vld [tilespmem:s0+$0x7E80];
	v5 =	vmul.f32 v7, v7;
	v6 =	vmul.f32 v6, v6  }
0x3ca: {  	s30 =	simm.s32 $0x20;
	v7 =	vld [tilespmem:s0+$0x7E00];
	v10 =	vmul.f32 v3, v3  }
0x3cb: {  	v8 =	vcvt.s32.f32 v8;
	v11 =	vld [tilespmem:s30+$0x19980];
	v5 =	vadd.f32 v6, v5;
	v4 =	vmul.f32 v4, v4  }
0x3cc: {  	s29 =	simm.s32 $0x30;
	s3 =	simm.s32 $0xC0;
	v6 =	vld [tilespmem:s0+$0x7F00];
	v3 =	vmul.f32 v10, v3  }
0x3cd: {  	v8 =	vmul.f32 $1.600000000e+01, v8;
	s30 =	sand.u32 $0x70, s29;
	s3 =	sand.u32 $0x7E00, s3;
	v4 =	vadd.f32 v4, v5  }
0x3ce: {  	s0 =	sor.u32 s30, s3;
	(erf) = vrcp.f32 v3  }
0x3cf: {  	v5 =	vld [tilespmem:s0+$0x7E00];
	v3 =	vmul.f32 v7, v7;
	v7 =	vmul.f32 v9, v9;
	v4 =	vadd.f32 v8, v4  }
0x3d0: {  	s30 =	simm.s32 $0x30;
	v10 =	vcvt.s32.f32 v11;
	v9 =	vld [tilespmem:s0+$0x7E80]  }
0x3d1: {  	v8 =	vld [tilespmem:s30+$0x19980];
	v3 =	vadd.f32 v7, v3;
	v6 =	vmul.f32 v6, v6;
	v11 =	vmul.f32 v4, v4  }
0x3d2: {  	s3 =	simm.s32 $0x40;
	s30 =	simm.s32 $0x100;
	v7 =	vld [tilespmem:s0+$0x7F00]  }
0x3d3: {  	s3 =	sand.u32 $0x70, s3;
	v10 =	vmul.f32 $1.600000000e+01, v10;
	s0 =	sand.u32 $0x7E00, s30;
	v6 =	vadd.f32 v6, v3;
	v11 =	vmul.f32 v11, v4  }
0x3d4: {  	s0 =	sor.u32 s3, s0;
	v12 =	vmul.f32 v5, v5  }
0x3d5: {  	v3 =	vld [tilespmem:s0+$0x7E00];
	v9 =	vmul.f32 v9, v9;
	v4 =	vadd.f32 v10, v6;
	(erf) = vrcp.f32 v11  }
0x3d6: {  	s30 =	simm.s32 $0x40;
	v5 =	vld [tilespmem:s0+$0x7E80];
	v8 =	vcvt.s32.f32 v8  }
0x3d7: {  	v6 =	vld [tilespmem:s30+$0x19980];
	v11 =	vmul.f32 v7, v7;
	v12 =	vadd.f32 v9, v12;
	v9 =	vmul.f32 v4, v4  }
0x3d8: {  	s29 =	simm.s32 $0x50;
	v7 =	vld [tilespmem:s0+$0x7F00];
	s0 =	simm.s32 $0x140;
	v8 =	vmul.f32 $1.600000000e+01, v8;
	v10 =	vpop (erf)  }
.LBB2_48:
0x3d9: {  	s3 =	sand.u32 $0x70, s29;
	s30 =	sand.u32 $0x7E00, s0;
	v11 =	vadd.f32 v11, v12;
	v9 =	vmul.f32 v9, v4;
	v4 =	vmax.f32 v10, $1.371742110e-03;
	p1 =	sne.s32 s29, $0x1F70  }
.Ltmp23:
0x3da: {  	s29 =	sadd.s32 $0x10, s29;
	s3 =	sor.u32 s3, s30;
	v10 =	vmul.f32 v3, v3;
	v12 =	vadd.f32 $-1.371742110e-03, v4;
	v13 =	vadd.f32 $-9.986282580e-01, v4;
	(pc) =	sbr.rel @p1 .LBB2_48-.Ltmp23, $4  }
0x3db: {  	v3 =	vld [tilespmem:s3+$0x7E00];
	v14 =	vmul.f32 v5, v5;
	v4 =	vadd.f32 v8, v11;
	(erf) = vrcp.f32 v9  }
0x3dc: {  	s30 =	sshra.s32 s0, $0x2;
	v5 =	vld [tilespmem:s3+$0x7E80];
	v8 =	vcvt.s32.f32 v6;
	v13 =	vmul.f32 v13, v12  }
0x3dd: {  	v6 =	vld [tilespmem:s30+$0x19980];
	v12 =	vadd.f32 v14, v10;
	v11 =	vmul.f32 v7, v7;
	v9 =	vmul.f32 v4, v4  }
0x3de: {  	s0 =	sadd.s32 $0x40, s0;
	v7 =	vld [tilespmem:s3+$0x7F00];
	v8 =	vmul.f32 $1.600000000e+01, v8;
	v10 =	vpop (erf);
	v2 =	vadd.f32 v13, v2  }
0x3df: {  	_ =	sdelay $0x1  }
0x3e0: {  	v3 =	vmul.f32 v3, v3;
	v5 =	vmul.f32 v5, v5  }
0x3e1: {  	v11 =	vadd.f32 v11, v12  }
0x3e2: {  	v6 =	vcvt.s32.f32 v6;
	v3 =	vadd.f32 v5, v3;
	v49 =	vmul.f32 v7, v7;
	_ =	sdelay $0x1  }
0x3e3: {  	v50 =	vadd.f32 v8, v11;
	v6 =	vmul.f32 $1.600000000e+01, v6;
	v3 =	vadd.f32 v49, v3  }
0x3e4: {  	v4 =	vmul.f32 v9, v4  }
0x3e5: {  	v51 =	vmul.f32 v50, v50;
	v3 =	vadd.f32 v6, v3  }
0x3e6: {  	(erf) = vrcp.f32 v4  }
0x3e7: {  	v52 =	vmul.f32 v51, v50;
	v53 =	vmul.f32 v3, v3;
	_ =	sdelay $0x1  }
0x3e8: {  	(erf) = vrcp.f32 v52;
	v3 =	vmul.f32 v53, v3;
	_ =	sdelay $0x1  }
0x3e9: {  	v54 =	vmax.f32 v10, $1.371742110e-03;
	(erf) = vrcp.f32 v3  }
0x3ea: {  	v4 =	vadd.f32 $-9.986282580e-01, v54;
	v3 =	vadd.f32 $-1.371742110e-03, v54  }
0x3eb: {  	v55 =	vpop (erf)  }
0x3ec: {  	v56 =	vmax.f32 v55, $1.371742110e-03;
	v3 =	vmul.f32 v4, v3  }
0x3ed: {  	v58 =	vadd.f32 $-1.371742110e-03, v56;
	v57 =	vpop (erf);
	v4 =	vadd.f32 $-9.986282580e-01, v56  }
0x3ee: {  	v2 =	vadd.f32 v3, v2;
	v3 =	vmax.f32 v57, $1.371742110e-03  }
0x3ef: {  	v4 =	vmul.f32 v4, v58;
	v5 =	vadd.f32 $-1.371742110e-03, v3;
	v3 =	vadd.f32 $-9.986282580e-01, v3  }
0x3f0: {  	v59 =	vpop (erf)  }
0x3f1: {  	v60 =	vmax.f32 v59, $1.371742110e-03;
	v2 =	vadd.f32 v4, v2;
	v3 =	vmul.f32 v3, v5  }
0x3f2: {  	v61 =	vadd.f32 $-1.371742110e-03, v60;
	v4 =	vadd.f32 $-9.986282580e-01, v60;
	v62 =	vpop (erf)  }
0x3f3: {  	v2 =	vadd.f32 v3, v2;
	v3 =	vmax.f32 v62, $1.371742110e-03  }
0x3f4: {  	v4 =	vmul.f32 v4, v61;
	v63 =	vadd.f32 $-1.371742110e-03, v3;
	v3 =	vadd.f32 $-9.986282580e-01, v3;
	_ =	sdelay $0x1  }
0x3f5: {  	v2 =	vadd.f32 v4, v2;
	v3 =	vmul.f32 v3, v63  }
0x3f6: {  	s0 =	simm.s32 $0x7E00  }
0x3f7: {  	s29 =	simm.s32 $0x40;
	s30 =	sadd.s32 $0x0, s15;
	s3 =	simm.s32 $0x8000;
	v2 =	vadd.f32 v3, v2  }
.LBB2_50:
0x3f8: {  	[tilespmem:s0], [sflag:$0x2] =	stream.linear.gather [hbm4b:s30+s28], $0x180, $0x38;
	[tilespmem:$0x1DB80] =	vst v63  }
0x3f9: {  	s30 =	smov.u32 s29;
	s0 =	smov.u32 s3;
	p1 =	sne.s32 s29, $0xF80  }
.Ltmp24:
0x3fa: {  	s29 =	sadd.s32 $0x40, s29;
	(pc) =	sbr.rel @p1 .LBB2_50-.Ltmp24, $2  }
0x3fb: {  	_ =	sdelay $0x2  }
0x3fc: {  	s3 =	sadd.s32 $0x200, s3;
	s30 =	sadd.s32 s30, s15  }
0x3fd: {  	[tilespmem:s0], [sflag:$0x2] =	stream.linear.gather [hbm4b:s30+s28], $0x180, $0x38;
	[tilespmem:$0x1DB80] =	vst v63  }
0x3fe: {  	s0 =	simm.s32 $0x0  }
0x3ff: {  	s3 =	rddreg [dreg:$0x13];
	s29 =	simm.s32 $0x19980;
	s30 =	simm.s32 $0x3  }
0x400: {  	[tilespmem:s29], [sflag:$0x5] =	stream.linear.gather [hbm4b:s3+s0], $0x1F80, $0x38;
	[tilespmem:$0x1DB80] =	vst v63  }
0x401: {  	_ =	swait.ge [sflag:s30], $0x5E80  }
0x402: {  	[sflag:s30] =	ssyncset.done $0x0  }
0x403: {  	s29 =	simm.s32 $0x6;
	[sflag:s30] =	ssyncadd.s32 $0xFFFFA180  }
0x404: {  	_ =	swait.ge [sflag:s29], $0x1F80  }
0x405: {  	s30 =	sand.u32 $0x70, s0;
	s0 =	sand.u32 $0x7E00, s0;
	[sflag:s29] =	ssyncset.done $0x0  }
0x406: {  	s0 =	sor.u32 s30, s0;
	[sflag:s29] =	ssyncadd.s32 $0xFFFFE080  }
0x407: {  	v3 =	vld [tilespmem:s0+$0xFC00]  }
0x408: {  	s30 =	simm.s32 $0x0;
	v4 =	vld [tilespmem:s0+$0xFC80]  }
0x409: {  	v5 =	vld [tilespmem:s30+$0x1B900]  }
0x40a: {  	v6 =	vld [tilespmem:s0+$0xFD00]  }
0x40b: {  	s3 =	simm.s32 $0x10;
	s30 =	simm.s32 $0x40  }
0x40c: {  	s0 =	sand.u32 $0x70, s3;
	s3 =	sand.u32 $0x7E00, s30  }
0x40d: {  	s0 =	sor.u32 s0, s3;
	v3 =	vmul.f32 v3, v3;
	v4 =	vmul.f32 v4, v4  }
0x40e: {  	v7 =	vld [tilespmem:s0+$0xFC00]  }
0x40f: {  	s30 =	simm.s32 $0x10;
	v5 =	vcvt.s32.f32 v5;
	v3 =	vadd.f32 v4, v3;
	v4 =	vmul.f32 v6, v6;
	v6 =	vld [tilespmem:s0+$0xFC80]  }
0x410: {  	v8 =	vld [tilespmem:s30+$0x1B900]  }
0x411: {  	s29 =	simm.s32 $0x20;
	s3 =	simm.s32 $0x80;
	v5 =	vmul.f32 $1.600000000e+01, v5;
	v3 =	vadd.f32 v4, v3;
	v4 =	vld [tilespmem:s0+$0xFD00]  }
0x412: {  	s30 =	sand.u32 $0x70, s29;
	s3 =	sand.u32 $0x7E00, s3  }
0x413: {  	s0 =	sor.u32 s30, s3;
	v3 =	vadd.f32 v5, v3  }
0x414: {  	v9 =	vld [tilespmem:s0+$0xFC80];
	v5 =	vmul.f32 v7, v7;
	v6 =	vmul.f32 v6, v6  }
0x415: {  	s30 =	simm.s32 $0x20;
	v7 =	vld [tilespmem:s0+$0xFC00];
	v10 =	vmul.f32 v3, v3  }
0x416: {  	v8 =	vcvt.s32.f32 v8;
	v11 =	vld [tilespmem:s30+$0x1B900];
	v5 =	vadd.f32 v6, v5;
	v4 =	vmul.f32 v4, v4  }
0x417: {  	s29 =	simm.s32 $0x30;
	s3 =	simm.s32 $0xC0;
	v6 =	vld [tilespmem:s0+$0xFD00];
	v3 =	vmul.f32 v10, v3  }
0x418: {  	v8 =	vmul.f32 $1.600000000e+01, v8;
	s30 =	sand.u32 $0x70, s29;
	s3 =	sand.u32 $0x7E00, s3;
	v4 =	vadd.f32 v4, v5  }
0x419: {  	s0 =	sor.u32 s30, s3;
	(erf) = vrcp.f32 v3  }
0x41a: {  	v5 =	vld [tilespmem:s0+$0xFC00];
	v3 =	vmul.f32 v7, v7;
	v7 =	vmul.f32 v9, v9;
	v4 =	vadd.f32 v8, v4  }
0x41b: {  	s30 =	simm.s32 $0x30;
	v10 =	vcvt.s32.f32 v11;
	v9 =	vld [tilespmem:s0+$0xFC80]  }
0x41c: {  	v8 =	vld [tilespmem:s30+$0x1B900];
	v3 =	vadd.f32 v7, v3;
	v6 =	vmul.f32 v6, v6;
	v11 =	vmul.f32 v4, v4  }
0x41d: {  	s3 =	simm.s32 $0x40;
	s30 =	simm.s32 $0x100;
	v7 =	vld [tilespmem:s0+$0xFD00]  }
0x41e: {  	s3 =	sand.u32 $0x70, s3;
	v10 =	vmul.f32 $1.600000000e+01, v10;
	s0 =	sand.u32 $0x7E00, s30;
	v6 =	vadd.f32 v6, v3;
	v11 =	vmul.f32 v11, v4  }
0x41f: {  	s0 =	sor.u32 s3, s0;
	v12 =	vmul.f32 v5, v5  }
0x420: {  	v3 =	vld [tilespmem:s0+$0xFC00];
	v9 =	vmul.f32 v9, v9;
	v4 =	vadd.f32 v10, v6;
	(erf) = vrcp.f32 v11  }
0x421: {  	s30 =	simm.s32 $0x40;
	v5 =	vld [tilespmem:s0+$0xFC80];
	v8 =	vcvt.s32.f32 v8  }
0x422: {  	v6 =	vld [tilespmem:s30+$0x1B900];
	v11 =	vmul.f32 v7, v7;
	v12 =	vadd.f32 v9, v12;
	v9 =	vmul.f32 v4, v4  }
0x423: {  	s29 =	simm.s32 $0x50;
	v7 =	vld [tilespmem:s0+$0xFD00];
	s0 =	simm.s32 $0x140;
	v8 =	vmul.f32 $1.600000000e+01, v8;
	v10 =	vpop (erf)  }
.LBB2_52:
0x424: {  	s3 =	sand.u32 $0x70, s29;
	s30 =	sand.u32 $0x7E00, s0;
	v11 =	vadd.f32 v11, v12;
	v9 =	vmul.f32 v9, v4;
	v4 =	vmax.f32 v10, $1.371742110e-03;
	p1 =	sne.s32 s29, $0x1F70  }
.Ltmp25:
0x425: {  	s29 =	sadd.s32 $0x10, s29;
	s3 =	sor.u32 s3, s30;
	v10 =	vmul.f32 v3, v3;
	v12 =	vadd.f32 $-1.371742110e-03, v4;
	v13 =	vadd.f32 $-9.986282580e-01, v4;
	(pc) =	sbr.rel @p1 .LBB2_52-.Ltmp25, $4  }
0x426: {  	v3 =	vld [tilespmem:s3+$0xFC00];
	v14 =	vmul.f32 v5, v5;
	v4 =	vadd.f32 v8, v11;
	(erf) = vrcp.f32 v9  }
0x427: {  	s30 =	sshra.s32 s0, $0x2;
	v5 =	vld [tilespmem:s3+$0xFC80];
	v8 =	vcvt.s32.f32 v6;
	v13 =	vmul.f32 v13, v12  }
0x428: {  	v6 =	vld [tilespmem:s30+$0x1B900];
	v12 =	vadd.f32 v14, v10;
	v11 =	vmul.f32 v7, v7;
	v9 =	vmul.f32 v4, v4  }
0x429: {  	s0 =	sadd.s32 $0x40, s0;
	v7 =	vld [tilespmem:s3+$0xFD00];
	v8 =	vmul.f32 $1.600000000e+01, v8;
	v10 =	vpop (erf);
	v2 =	vadd.f32 v13, v2  }
0x42a: {  	_ =	sdelay $0x1  }
0x42b: {  	v3 =	vmul.f32 v3, v3;
	v5 =	vmul.f32 v5, v5  }
0x42c: {  	v11 =	vadd.f32 v11, v12  }
0x42d: {  	v6 =	vcvt.s32.f32 v6;
	v3 =	vadd.f32 v5, v3;
	v49 =	vmul.f32 v7, v7;
	_ =	sdelay $0x1  }
0x42e: {  	v50 =	vadd.f32 v8, v11;
	v6 =	vmul.f32 $1.600000000e+01, v6;
	v3 =	vadd.f32 v49, v3  }
0x42f: {  	v4 =	vmul.f32 v9, v4  }
0x430: {  	v51 =	vmul.f32 v50, v50;
	v3 =	vadd.f32 v6, v3  }
0x431: {  	(erf) = vrcp.f32 v4  }
0x432: {  	v52 =	vmul.f32 v51, v50;
	v53 =	vmul.f32 v3, v3;
	_ =	sdelay $0x1  }
0x433: {  	(erf) = vrcp.f32 v52;
	v3 =	vmul.f32 v53, v3;
	_ =	sdelay $0x1  }
0x434: {  	v54 =	vmax.f32 v10, $1.371742110e-03;
	(erf) = vrcp.f32 v3  }
0x435: {  	v4 =	vadd.f32 $-9.986282580e-01, v54;
	v3 =	vadd.f32 $-1.371742110e-03, v54  }
0x436: {  	v55 =	vpop (erf)  }
0x437: {  	v56 =	vmax.f32 v55, $1.371742110e-03;
	v3 =	vmul.f32 v4, v3  }
0x438: {  	v58 =	vadd.f32 $-1.371742110e-03, v56;
	v57 =	vpop (erf);
	v4 =	vadd.f32 $-9.986282580e-01, v56  }
0x439: {  	v2 =	vadd.f32 v3, v2;
	v3 =	vmax.f32 v57, $1.371742110e-03  }
0x43a: {  	v4 =	vmul.f32 v4, v58;
	v5 =	vadd.f32 $-1.371742110e-03, v3;
	v3 =	vadd.f32 $-9.986282580e-01, v3  }
0x43b: {  	v59 =	vpop (erf)  }
0x43c: {  	v60 =	vmax.f32 v59, $1.371742110e-03;
	v2 =	vadd.f32 v4, v2;
	v3 =	vmul.f32 v3, v5  }
0x43d: {  	v61 =	vadd.f32 $-1.371742110e-03, v60;
	v4 =	vadd.f32 $-9.986282580e-01, v60;
	v62 =	vpop (erf)  }
0x43e: {  	v2 =	vadd.f32 v3, v2;
	v3 =	vmax.f32 v62, $1.371742110e-03  }
0x43f: {  	v4 =	vmul.f32 v4, v61;
	v63 =	vadd.f32 $-1.371742110e-03, v3;
	v3 =	vadd.f32 $-9.986282580e-01, v3;
	_ =	sdelay $0x1  }
0x440: {  	v2 =	vadd.f32 v4, v2;
	v3 =	vmul.f32 v3, v63  }
0x441: {  	s0 =	simm.s32 $0xFC00  }
0x442: {  	s29 =	simm.s32 $0x40;
	s30 =	sadd.s32 $0x0, s16;
	s3 =	simm.s32 $0xFE00;
	v2 =	vadd.f32 v3, v2  }
.LBB2_54:
0x443: {  	[tilespmem:s0], [sflag:$0x3] =	stream.linear.gather [hbm4b:s30+s28], $0x180, $0x38;
	[tilespmem:$0x1DB80] =	vst v63  }
0x444: {  	s30 =	smov.u32 s29;
	s0 =	smov.u32 s3;
	p1 =	sne.s32 s29, $0xF80  }
.Ltmp26:
0x445: {  	s29 =	sadd.s32 $0x40, s29;
	(pc) =	sbr.rel @p1 .LBB2_54-.Ltmp26, $2  }
0x446: {  	_ =	sdelay $0x2  }
0x447: {  	s3 =	sadd.s32 $0x200, s3;
	s30 =	sadd.s32 s30, s16  }
0x448: {  	[tilespmem:s0], [sflag:$0x3] =	stream.linear.gather [hbm4b:s30+s28], $0x180, $0x38;
	[tilespmem:$0x1DB80] =	vst v63  }
0x449: {  	s0 =	simm.s32 $0x0  }
0x44a: {  	s3 =	rddreg [dreg:$0x14];
	s29 =	simm.s32 $0x1B900;
	s30 =	simm.s32 $0x1  }
0x44b: {  	[tilespmem:s29], [sflag:$0x6] =	stream.linear.gather [hbm4b:s3+s0], $0x1F80, $0x38;
	[tilespmem:$0x1DB80] =	vst v63  }
0x44c: {  	_ =	swait.ge [sflag:s30], $0x5E80  }
0x44d: {  	[sflag:s30] =	ssyncset.done $0x0  }
0x44e: {  	[sflag:s30] =	ssyncadd.s32 $0xFFFFA180  }
0x44f: {  	_ =	swait.ge [sflag:s31], $0x1F80  }
0x450: {  	s30 =	sand.u32 $0x70, s0;
	s0 =	sand.u32 $0x7E00, s0;
	[sflag:s31] =	ssyncset.done $0x0  }
0x451: {  	s0 =	sor.u32 s30, s0;
	[sflag:s31] =	ssyncadd.s32 $0xFFFFE080  }
0x452: {  	v3 =	vld [tilespmem:s0+$0x0]  }
0x453: {  	s30 =	simm.s32 $0x0;
	v4 =	vld [tilespmem:s0+$0x80]  }
0x454: {  	v5 =	vld [tilespmem:s30+$0x17A00]  }
0x455: {  	v6 =	vld [tilespmem:s0+$0x100]  }
0x456: {  	s3 =	simm.s32 $0x10;
	s30 =	simm.s32 $0x40  }
0x457: {  	s0 =	sand.u32 $0x70, s3;
	s3 =	sand.u32 $0x7E00, s30  }
0x458: {  	s0 =	sor.u32 s0, s3;
	v3 =	vmul.f32 v3, v3;
	v4 =	vmul.f32 v4, v4  }
0x459: {  	v7 =	vld [tilespmem:s0+$0x0]  }
0x45a: {  	s30 =	simm.s32 $0x10;
	v5 =	vcvt.s32.f32 v5;
	v3 =	vadd.f32 v4, v3;
	v4 =	vmul.f32 v6, v6;
	v6 =	vld [tilespmem:s0+$0x80]  }
0x45b: {  	v8 =	vld [tilespmem:s30+$0x17A00]  }
0x45c: {  	s29 =	simm.s32 $0x20;
	s3 =	simm.s32 $0x80;
	v5 =	vmul.f32 $1.600000000e+01, v5;
	v3 =	vadd.f32 v4, v3;
	v4 =	vld [tilespmem:s0+$0x100]  }
0x45d: {  	s30 =	sand.u32 $0x70, s29;
	s3 =	sand.u32 $0x7E00, s3  }
0x45e: {  	s0 =	sor.u32 s30, s3;
	v3 =	vadd.f32 v5, v3  }
0x45f: {  	v9 =	vld [tilespmem:s0+$0x80];
	v5 =	vmul.f32 v7, v7;
	v6 =	vmul.f32 v6, v6  }
0x460: {  	s30 =	simm.s32 $0x20;
	v7 =	vld [tilespmem:s0+$0x0];
	v10 =	vmul.f32 v3, v3  }
0x461: {  	v8 =	vcvt.s32.f32 v8;
	v11 =	vld [tilespmem:s30+$0x17A00];
	v5 =	vadd.f32 v6, v5;
	v4 =	vmul.f32 v4, v4  }
0x462: {  	s29 =	simm.s32 $0x30;
	s3 =	simm.s32 $0xC0;
	v6 =	vld [tilespmem:s0+$0x100];
	v3 =	vmul.f32 v10, v3  }
0x463: {  	v8 =	vmul.f32 $1.600000000e+01, v8;
	s30 =	sand.u32 $0x70, s29;
	s3 =	sand.u32 $0x7E00, s3;
	v4 =	vadd.f32 v4, v5  }
0x464: {  	s0 =	sor.u32 s30, s3;
	(erf) = vrcp.f32 v3  }
0x465: {  	v5 =	vld [tilespmem:s0+$0x0];
	v3 =	vmul.f32 v7, v7;
	v7 =	vmul.f32 v9, v9;
	v4 =	vadd.f32 v8, v4  }
0x466: {  	s30 =	simm.s32 $0x30;
	v10 =	vcvt.s32.f32 v11;
	v9 =	vld [tilespmem:s0+$0x80]  }
0x467: {  	v8 =	vld [tilespmem:s30+$0x17A00];
	v3 =	vadd.f32 v7, v3;
	v6 =	vmul.f32 v6, v6;
	v11 =	vmul.f32 v4, v4  }
0x468: {  	s3 =	simm.s32 $0x40;
	s30 =	simm.s32 $0x100;
	v7 =	vld [tilespmem:s0+$0x100]  }
0x469: {  	s3 =	sand.u32 $0x70, s3;
	v10 =	vmul.f32 $1.600000000e+01, v10;
	s0 =	sand.u32 $0x7E00, s30;
	v6 =	vadd.f32 v6, v3;
	v11 =	vmul.f32 v11, v4  }
0x46a: {  	s0 =	sor.u32 s3, s0;
	v12 =	vmul.f32 v5, v5  }
0x46b: {  	v3 =	vld [tilespmem:s0+$0x0];
	v9 =	vmul.f32 v9, v9;
	v4 =	vadd.f32 v10, v6;
	(erf) = vrcp.f32 v11  }
0x46c: {  	s30 =	simm.s32 $0x40;
	v5 =	vld [tilespmem:s0+$0x80];
	v8 =	vcvt.s32.f32 v8  }
0x46d: {  	v6 =	vld [tilespmem:s30+$0x17A00];
	v11 =	vmul.f32 v7, v7;
	v12 =	vadd.f32 v9, v12;
	v9 =	vmul.f32 v4, v4  }
0x46e: {  	s29 =	simm.s32 $0x50;
	v7 =	vld [tilespmem:s0+$0x100];
	s0 =	simm.s32 $0x140;
	v8 =	vmul.f32 $1.600000000e+01, v8;
	v10 =	vpop (erf)  }
.LBB2_56:
0x46f: {  	s3 =	sand.u32 $0x70, s29;
	s30 =	sand.u32 $0x7E00, s0;
	v11 =	vadd.f32 v11, v12;
	v9 =	vmul.f32 v9, v4;
	v4 =	vmax.f32 v10, $1.371742110e-03;
	p1 =	sne.s32 s29, $0x1F70  }
.Ltmp27:
0x470: {  	s29 =	sadd.s32 $0x10, s29;
	s3 =	sor.u32 s3, s30;
	v10 =	vmul.f32 v3, v3;
	v12 =	vadd.f32 $-1.371742110e-03, v4;
	v13 =	vadd.f32 $-9.986282580e-01, v4;
	(pc) =	sbr.rel @p1 .LBB2_56-.Ltmp27, $4  }
0x471: {  	v3 =	vld [tilespmem:s3+$0x0];
	v14 =	vmul.f32 v5, v5;
	v4 =	vadd.f32 v8, v11;
	(erf) = vrcp.f32 v9  }
0x472: {  	s30 =	sshra.s32 s0, $0x2;
	v5 =	vld [tilespmem:s3+$0x80];
	v8 =	vcvt.s32.f32 v6;
	v13 =	vmul.f32 v13, v12  }
0x473: {  	v6 =	vld [tilespmem:s30+$0x17A00];
	v12 =	vadd.f32 v14, v10;
	v11 =	vmul.f32 v7, v7;
	v9 =	vmul.f32 v4, v4  }
0x474: {  	s0 =	sadd.s32 $0x40, s0;
	v7 =	vld [tilespmem:s3+$0x100];
	v8 =	vmul.f32 $1.600000000e+01, v8;
	v10 =	vpop (erf);
	v2 =	vadd.f32 v13, v2  }
0x475: {  	_ =	sdelay $0x1  }
0x476: {  	v3 =	vmul.f32 v3, v3;
	v5 =	vmul.f32 v5, v5  }
0x477: {  	v11 =	vadd.f32 v11, v12  }
0x478: {  	v6 =	vcvt.s32.f32 v6;
	v3 =	vadd.f32 v5, v3;
	v49 =	vmul.f32 v7, v7;
	_ =	sdelay $0x1  }
0x479: {  	v50 =	vadd.f32 v8, v11;
	v6 =	vmul.f32 $1.600000000e+01, v6;
	v3 =	vadd.f32 v49, v3  }
0x47a: {  	v4 =	vmul.f32 v9, v4  }
0x47b: {  	v51 =	vmul.f32 v50, v50;
	v3 =	vadd.f32 v6, v3  }
0x47c: {  	(erf) = vrcp.f32 v4  }
0x47d: {  	v52 =	vmul.f32 v51, v50;
	v53 =	vmul.f32 v3, v3;
	_ =	sdelay $0x1  }
0x47e: {  	(erf) = vrcp.f32 v52;
	v3 =	vmul.f32 v53, v3;
	_ =	sdelay $0x1  }
0x47f: {  	v54 =	vmax.f32 v10, $1.371742110e-03;
	(erf) = vrcp.f32 v3  }
0x480: {  	v4 =	vadd.f32 $-9.986282580e-01, v54;
	v3 =	vadd.f32 $-1.371742110e-03, v54  }
0x481: {  	v55 =	vpop (erf)  }
0x482: {  	v56 =	vmax.f32 v55, $1.371742110e-03;
	v3 =	vmul.f32 v4, v3  }
0x483: {  	v58 =	vadd.f32 $-1.371742110e-03, v56;
	v57 =	vpop (erf);
	v4 =	vadd.f32 $-9.986282580e-01, v56  }
0x484: {  	v2 =	vadd.f32 v3, v2;
	v3 =	vmax.f32 v57, $1.371742110e-03  }
0x485: {  	v4 =	vmul.f32 v4, v58;
	v5 =	vadd.f32 $-1.371742110e-03, v3;
	v3 =	vadd.f32 $-9.986282580e-01, v3  }
0x486: {  	v59 =	vpop (erf)  }
0x487: {  	v60 =	vmax.f32 v59, $1.371742110e-03;
	v2 =	vadd.f32 v4, v2;
	v3 =	vmul.f32 v3, v5  }
0x488: {  	v61 =	vadd.f32 $-1.371742110e-03, v60;
	v4 =	vadd.f32 $-9.986282580e-01, v60;
	v62 =	vpop (erf)  }
0x489: {  	v2 =	vadd.f32 v3, v2;
	v3 =	vmax.f32 v62, $1.371742110e-03  }
0x48a: {  	v4 =	vmul.f32 v4, v61;
	v63 =	vadd.f32 $-1.371742110e-03, v3;
	v3 =	vadd.f32 $-9.986282580e-01, v3;
	_ =	sdelay $0x1  }
0x48b: {  	v2 =	vadd.f32 v4, v2;
	v3 =	vmul.f32 v3, v63  }
0x48c: {  	s0 =	simm.s32 $0x0  }
0x48d: {  	s29 =	simm.s32 $0x40;
	s30 =	sadd.s32 $0x0, s17;
	s3 =	simm.s32 $0x200;
	v2 =	vadd.f32 v3, v2  }
.LBB2_58:
0x48e: {  	[tilespmem:s0], [sflag:$0x1] =	stream.linear.gather [hbm4b:s30+s28], $0x180, $0x38;
	[tilespmem:$0x1DB80] =	vst v63  }
0x48f: {  	s30 =	smov.u32 s29;
	s0 =	smov.u32 s3;
	p1 =	sne.s32 s29, $0xF80  }
.Ltmp28:
0x490: {  	s29 =	sadd.s32 $0x40, s29;
	(pc) =	sbr.rel @p1 .LBB2_58-.Ltmp28, $2  }
0x491: {  	_ =	sdelay $0x2  }
0x492: {  	s3 =	sadd.s32 $0x200, s3;
	s30 =	sadd.s32 s30, s17  }
0x493: {  	[tilespmem:s0], [sflag:$0x1] =	stream.linear.gather [hbm4b:s30+s28], $0x180, $0x38;
	[tilespmem:$0x1DB80] =	vst v63  }
0x494: {  	s0 =	simm.s32 $0x0  }
0x495: {  	s3 =	rddreg [dreg:$0x15];
	s29 =	simm.s32 $0x17A00;
	s30 =	simm.s32 $0x2  }
0x496: {  	[tilespmem:s29], [sflag:$0x4] =	stream.linear.gather [hbm4b:s3+s0], $0x1F80, $0x38;
	[tilespmem:$0x1DB80] =	vst v63  }
0x497: {  	_ =	swait.ge [sflag:s30], $0x5E80  }
0x498: {  	[sflag:s30] =	ssyncset.done $0x0  }
0x499: {  	s29 =	simm.s32 $0x5;
	[sflag:s30] =	ssyncadd.s32 $0xFFFFA180  }
0x49a: {  	_ =	swait.ge [sflag:s29], $0x1F80  }
0x49b: {  	s30 =	sand.u32 $0x70, s0;
	s0 =	sand.u32 $0x7E00, s0;
	[sflag:s29] =	ssyncset.done $0x0  }
0x49c: {  	s0 =	sor.u32 s30, s0;
	[sflag:s29] =	ssyncadd.s32 $0xFFFFE080  }
0x49d: {  	v3 =	vld [tilespmem:s0+$0x7E00]  }
0x49e: {  	s30 =	simm.s32 $0x0;
	v4 =	vld [tilespmem:s0+$0x7E80]  }
0x49f: {  	v5 =	vld [tilespmem:s30+$0x19980]  }
0x4a0: {  	v6 =	vld [tilespmem:s0+$0x7F00]  }
0x4a1: {  	s3 =	simm.s32 $0x10;
	s30 =	simm.s32 $0x40  }
0x4a2: {  	s0 =	sand.u32 $0x70, s3;
	s3 =	sand.u32 $0x7E00, s30  }
0x4a3: {  	s0 =	sor.u32 s0, s3;
	v3 =	vmul.f32 v3, v3;
	v4 =	vmul.f32 v4, v4  }
0x4a4: {  	v7 =	vld [tilespmem:s0+$0x7E00]  }
0x4a5: {  	s30 =	simm.s32 $0x10;
	v5 =	vcvt.s32.f32 v5;
	v3 =	vadd.f32 v4, v3;
	v4 =	vmul.f32 v6, v6;
	v6 =	vld [tilespmem:s0+$0x7E80]  }
0x4a6: {  	v8 =	vld [tilespmem:s30+$0x19980]  }
0x4a7: {  	s29 =	simm.s32 $0x20;
	s3 =	simm.s32 $0x80;
	v5 =	vmul.f32 $1.600000000e+01, v5;
	v3 =	vadd.f32 v4, v3;
	v4 =	vld [tilespmem:s0+$0x7F00]  }
0x4a8: {  	s30 =	sand.u32 $0x70, s29;
	s3 =	sand.u32 $0x7E00, s3  }
0x4a9: {  	s0 =	sor.u32 s30, s3;
	v3 =	vadd.f32 v5, v3  }
0x4aa: {  	v9 =	vld [tilespmem:s0+$0x7E80];
	v5 =	vmul.f32 v7, v7;
	v6 =	vmul.f32 v6, v6  }
0x4ab: {  	s30 =	simm.s32 $0x20;
	v7 =	vld [tilespmem:s0+$0x7E00];
	v10 =	vmul.f32 v3, v3  }
0x4ac: {  	v8 =	vcvt.s32.f32 v8;
	v11 =	vld [tilespmem:s30+$0x19980];
	v5 =	vadd.f32 v6, v5;
	v4 =	vmul.f32 v4, v4  }
0x4ad: {  	s29 =	simm.s32 $0x30;
	s3 =	simm.s32 $0xC0;
	v6 =	vld [tilespmem:s0+$0x7F00];
	v3 =	vmul.f32 v10, v3  }
0x4ae: {  	v8 =	vmul.f32 $1.600000000e+01, v8;
	s30 =	sand.u32 $0x70, s29;
	s3 =	sand.u32 $0x7E00, s3;
	v4 =	vadd.f32 v4, v5  }
0x4af: {  	s0 =	sor.u32 s30, s3;
	(erf) = vrcp.f32 v3  }
0x4b0: {  	v5 =	vld [tilespmem:s0+$0x7E00];
	v3 =	vmul.f32 v7, v7;
	v7 =	vmul.f32 v9, v9;
	v4 =	vadd.f32 v8, v4  }
0x4b1: {  	s30 =	simm.s32 $0x30;
	v10 =	vcvt.s32.f32 v11;
	v9 =	vld [tilespmem:s0+$0x7E80]  }
0x4b2: {  	v8 =	vld [tilespmem:s30+$0x19980];
	v3 =	vadd.f32 v7, v3;
	v6 =	vmul.f32 v6, v6;
	v11 =	vmul.f32 v4, v4  }
0x4b3: {  	s3 =	simm.s32 $0x40;
	s30 =	simm.s32 $0x100;
	v7 =	vld [tilespmem:s0+$0x7F00]  }
0x4b4: {  	s3 =	sand.u32 $0x70, s3;
	v10 =	vmul.f32 $1.600000000e+01, v10;
	s0 =	sand.u32 $0x7E00, s30;
	v6 =	vadd.f32 v6, v3;
	v11 =	vmul.f32 v11, v4  }
0x4b5: {  	s0 =	sor.u32 s3, s0;
	v12 =	vmul.f32 v5, v5  }
0x4b6: {  	v3 =	vld [tilespmem:s0+$0x7E00];
	v9 =	vmul.f32 v9, v9;
	v4 =	vadd.f32 v10, v6;
	(erf) = vrcp.f32 v11  }
0x4b7: {  	s30 =	simm.s32 $0x40;
	v5 =	vld [tilespmem:s0+$0x7E80];
	v8 =	vcvt.s32.f32 v8  }
0x4b8: {  	v6 =	vld [tilespmem:s30+$0x19980];
	v11 =	vmul.f32 v7, v7;
	v12 =	vadd.f32 v9, v12;
	v9 =	vmul.f32 v4, v4  }
0x4b9: {  	s29 =	simm.s32 $0x50;
	v7 =	vld [tilespmem:s0+$0x7F00];
	s0 =	simm.s32 $0x140;
	v8 =	vmul.f32 $1.600000000e+01, v8;
	v10 =	vpop (erf)  }
.LBB2_60:
0x4ba: {  	s3 =	sand.u32 $0x70, s29;
	s30 =	sand.u32 $0x7E00, s0;
	v11 =	vadd.f32 v11, v12;
	v9 =	vmul.f32 v9, v4;
	v4 =	vmax.f32 v10, $1.371742110e-03;
	p1 =	sne.s32 s29, $0x1F70  }
.Ltmp29:
0x4bb: {  	s29 =	sadd.s32 $0x10, s29;
	s3 =	sor.u32 s3, s30;
	v10 =	vmul.f32 v3, v3;
	v12 =	vadd.f32 $-1.371742110e-03, v4;
	v13 =	vadd.f32 $-9.986282580e-01, v4;
	(pc) =	sbr.rel @p1 .LBB2_60-.Ltmp29, $4  }
0x4bc: {  	v3 =	vld [tilespmem:s3+$0x7E00];
	v14 =	vmul.f32 v5, v5;
	v4 =	vadd.f32 v8, v11;
	(erf) = vrcp.f32 v9  }
0x4bd: {  	s30 =	sshra.s32 s0, $0x2;
	v5 =	vld [tilespmem:s3+$0x7E80];
	v8 =	vcvt.s32.f32 v6;
	v13 =	vmul.f32 v13, v12  }
0x4be: {  	v6 =	vld [tilespmem:s30+$0x19980];
	v12 =	vadd.f32 v14, v10;
	v11 =	vmul.f32 v7, v7;
	v9 =	vmul.f32 v4, v4  }
0x4bf: {  	s0 =	sadd.s32 $0x40, s0;
	v7 =	vld [tilespmem:s3+$0x7F00];
	v8 =	vmul.f32 $1.600000000e+01, v8;
	v10 =	vpop (erf);
	v2 =	vadd.f32 v13, v2  }
0x4c0: {  	_ =	sdelay $0x1  }
0x4c1: {  	v3 =	vmul.f32 v3, v3;
	v5 =	vmul.f32 v5, v5  }
0x4c2: {  	v11 =	vadd.f32 v11, v12  }
0x4c3: {  	v6 =	vcvt.s32.f32 v6;
	v3 =	vadd.f32 v5, v3;
	v49 =	vmul.f32 v7, v7;
	_ =	sdelay $0x1  }
0x4c4: {  	v50 =	vadd.f32 v8, v11;
	v6 =	vmul.f32 $1.600000000e+01, v6;
	v3 =	vadd.f32 v49, v3  }
0x4c5: {  	v4 =	vmul.f32 v9, v4  }
0x4c6: {  	v51 =	vmul.f32 v50, v50;
	v3 =	vadd.f32 v6, v3  }
0x4c7: {  	(erf) = vrcp.f32 v4  }
0x4c8: {  	v52 =	vmul.f32 v51, v50;
	v53 =	vmul.f32 v3, v3;
	_ =	sdelay $0x1  }
0x4c9: {  	(erf) = vrcp.f32 v52;
	v3 =	vmul.f32 v53, v3;
	_ =	sdelay $0x1  }
0x4ca: {  	v54 =	vmax.f32 v10, $1.371742110e-03;
	(erf) = vrcp.f32 v3  }
0x4cb: {  	v4 =	vadd.f32 $-9.986282580e-01, v54;
	v3 =	vadd.f32 $-1.371742110e-03, v54  }
0x4cc: {  	v55 =	vpop (erf)  }
0x4cd: {  	v56 =	vmax.f32 v55, $1.371742110e-03;
	v3 =	vmul.f32 v4, v3  }
0x4ce: {  	v58 =	vadd.f32 $-1.371742110e-03, v56;
	v57 =	vpop (erf);
	v4 =	vadd.f32 $-9.986282580e-01, v56  }
0x4cf: {  	v2 =	vadd.f32 v3, v2;
	v3 =	vmax.f32 v57, $1.371742110e-03  }
0x4d0: {  	v4 =	vmul.f32 v4, v58;
	v5 =	vadd.f32 $-1.371742110e-03, v3;
	v3 =	vadd.f32 $-9.986282580e-01, v3  }
0x4d1: {  	v59 =	vpop (erf)  }
0x4d2: {  	v60 =	vmax.f32 v59, $1.371742110e-03;
	v2 =	vadd.f32 v4, v2;
	v3 =	vmul.f32 v3, v5  }
0x4d3: {  	v61 =	vadd.f32 $-1.371742110e-03, v60;
	v4 =	vadd.f32 $-9.986282580e-01, v60;
	v62 =	vpop (erf)  }
0x4d4: {  	v2 =	vadd.f32 v3, v2;
	v3 =	vmax.f32 v62, $1.371742110e-03  }
0x4d5: {  	v4 =	vmul.f32 v4, v61;
	v63 =	vadd.f32 $-1.371742110e-03, v3;
	v3 =	vadd.f32 $-9.986282580e-01, v3;
	_ =	sdelay $0x1  }
0x4d6: {  	v2 =	vadd.f32 v4, v2;
	v3 =	vmul.f32 v3, v63  }
0x4d7: {  	s0 =	simm.s32 $0x7E00  }
0x4d8: {  	s29 =	simm.s32 $0x40;
	s30 =	sadd.s32 $0x0, s18;
	s3 =	simm.s32 $0x8000;
	v2 =	vadd.f32 v3, v2  }
.LBB2_62:
0x4d9: {  	[tilespmem:s0], [sflag:$0x2] =	stream.linear.gather [hbm4b:s30+s28], $0x180, $0x38;
	[tilespmem:$0x1DB80] =	vst v63  }
0x4da: {  	s30 =	smov.u32 s29;
	s0 =	smov.u32 s3;
	p1 =	sne.s32 s29, $0xF80  }
.Ltmp30:
0x4db: {  	s29 =	sadd.s32 $0x40, s29;
	(pc) =	sbr.rel @p1 .LBB2_62-.Ltmp30, $2  }
0x4dc: {  	_ =	sdelay $0x2  }
0x4dd: {  	s3 =	sadd.s32 $0x200, s3;
	s30 =	sadd.s32 s30, s18  }
0x4de: {  	[tilespmem:s0], [sflag:$0x2] =	stream.linear.gather [hbm4b:s30+s28], $0x180, $0x38;
	[tilespmem:$0x1DB80] =	vst v63  }
0x4df: {  	s0 =	simm.s32 $0x0  }
0x4e0: {  	s3 =	rddreg [dreg:$0x16];
	s29 =	simm.s32 $0x19980;
	s30 =	simm.s32 $0x3  }
0x4e1: {  	[tilespmem:s29], [sflag:$0x5] =	stream.linear.gather [hbm4b:s3+s0], $0x1F80, $0x38;
	[tilespmem:$0x1DB80] =	vst v63  }
0x4e2: {  	_ =	swait.ge [sflag:s30], $0x5E80  }
0x4e3: {  	[sflag:s30] =	ssyncset.done $0x0  }
0x4e4: {  	s29 =	simm.s32 $0x6;
	[sflag:s30] =	ssyncadd.s32 $0xFFFFA180  }
0x4e5: {  	_ =	swait.ge [sflag:s29], $0x1F80  }
0x4e6: {  	s30 =	sand.u32 $0x70, s0;
	s0 =	sand.u32 $0x7E00, s0;
	[sflag:s29] =	ssyncset.done $0x0  }
0x4e7: {  	s0 =	sor.u32 s30, s0;
	[sflag:s29] =	ssyncadd.s32 $0xFFFFE080  }
0x4e8: {  	v3 =	vld [tilespmem:s0+$0xFC00]  }
0x4e9: {  	s30 =	simm.s32 $0x0;
	v4 =	vld [tilespmem:s0+$0xFC80]  }
0x4ea: {  	v5 =	vld [tilespmem:s30+$0x1B900]  }
0x4eb: {  	v6 =	vld [tilespmem:s0+$0xFD00]  }
0x4ec: {  	s3 =	simm.s32 $0x10;
	s30 =	simm.s32 $0x40  }
0x4ed: {  	s0 =	sand.u32 $0x70, s3;
	s3 =	sand.u32 $0x7E00, s30  }
0x4ee: {  	s0 =	sor.u32 s0, s3;
	v3 =	vmul.f32 v3, v3;
	v4 =	vmul.f32 v4, v4  }
0x4ef: {  	v7 =	vld [tilespmem:s0+$0xFC00]  }
0x4f0: {  	s30 =	simm.s32 $0x10;
	v5 =	vcvt.s32.f32 v5;
	v3 =	vadd.f32 v4, v3;
	v4 =	vmul.f32 v6, v6;
	v6 =	vld [tilespmem:s0+$0xFC80]  }
0x4f1: {  	v8 =	vld [tilespmem:s30+$0x1B900]  }
0x4f2: {  	s29 =	simm.s32 $0x20;
	s3 =	simm.s32 $0x80;
	v5 =	vmul.f32 $1.600000000e+01, v5;
	v3 =	vadd.f32 v4, v3;
	v4 =	vld [tilespmem:s0+$0xFD00]  }
0x4f3: {  	s30 =	sand.u32 $0x70, s29;
	s3 =	sand.u32 $0x7E00, s3  }
0x4f4: {  	s0 =	sor.u32 s30, s3;
	v3 =	vadd.f32 v5, v3  }
0x4f5: {  	v9 =	vld [tilespmem:s0+$0xFC80];
	v5 =	vmul.f32 v7, v7;
	v6 =	vmul.f32 v6, v6  }
0x4f6: {  	s30 =	simm.s32 $0x20;
	v7 =	vld [tilespmem:s0+$0xFC00];
	v10 =	vmul.f32 v3, v3  }
0x4f7: {  	v8 =	vcvt.s32.f32 v8;
	v11 =	vld [tilespmem:s30+$0x1B900];
	v5 =	vadd.f32 v6, v5;
	v4 =	vmul.f32 v4, v4  }
0x4f8: {  	s29 =	simm.s32 $0x30;
	s3 =	simm.s32 $0xC0;
	v6 =	vld [tilespmem:s0+$0xFD00];
	v3 =	vmul.f32 v10, v3  }
0x4f9: {  	v8 =	vmul.f32 $1.600000000e+01, v8;
	s30 =	sand.u32 $0x70, s29;
	s3 =	sand.u32 $0x7E00, s3;
	v4 =	vadd.f32 v4, v5  }
0x4fa: {  	s0 =	sor.u32 s30, s3;
	(erf) = vrcp.f32 v3  }
0x4fb: {  	v5 =	vld [tilespmem:s0+$0xFC00];
	v3 =	vmul.f32 v7, v7;
	v7 =	vmul.f32 v9, v9;
	v4 =	vadd.f32 v8, v4  }
0x4fc: {  	s30 =	simm.s32 $0x30;
	v10 =	vcvt.s32.f32 v11;
	v9 =	vld [tilespmem:s0+$0xFC80]  }
0x4fd: {  	v8 =	vld [tilespmem:s30+$0x1B900];
	v3 =	vadd.f32 v7, v3;
	v6 =	vmul.f32 v6, v6;
	v11 =	vmul.f32 v4, v4  }
0x4fe: {  	s3 =	simm.s32 $0x40;
	s30 =	simm.s32 $0x100;
	v7 =	vld [tilespmem:s0+$0xFD00]  }
0x4ff: {  	s3 =	sand.u32 $0x70, s3;
	v10 =	vmul.f32 $1.600000000e+01, v10;
	s0 =	sand.u32 $0x7E00, s30;
	v6 =	vadd.f32 v6, v3;
	v11 =	vmul.f32 v11, v4  }
0x500: {  	s0 =	sor.u32 s3, s0;
	v12 =	vmul.f32 v5, v5  }
0x501: {  	v3 =	vld [tilespmem:s0+$0xFC00];
	v9 =	vmul.f32 v9, v9;
	v4 =	vadd.f32 v10, v6;
	(erf) = vrcp.f32 v11  }
0x502: {  	s30 =	simm.s32 $0x40;
	v5 =	vld [tilespmem:s0+$0xFC80];
	v8 =	vcvt.s32.f32 v8  }
0x503: {  	v6 =	vld [tilespmem:s30+$0x1B900];
	v11 =	vmul.f32 v7, v7;
	v12 =	vadd.f32 v9, v12;
	v9 =	vmul.f32 v4, v4  }
0x504: {  	s29 =	simm.s32 $0x50;
	v7 =	vld [tilespmem:s0+$0xFD00];
	s0 =	simm.s32 $0x140;
	v8 =	vmul.f32 $1.600000000e+01, v8;
	v10 =	vpop (erf)  }
.LBB2_64:
0x505: {  	s3 =	sand.u32 $0x70, s29;
	s30 =	sand.u32 $0x7E00, s0;
	v11 =	vadd.f32 v11, v12;
	v9 =	vmul.f32 v9, v4;
	v4 =	vmax.f32 v10, $1.371742110e-03;
	p1 =	sne.s32 s29, $0x1F70  }
.Ltmp31:
0x506: {  	s29 =	sadd.s32 $0x10, s29;
	s3 =	sor.u32 s3, s30;
	v10 =	vmul.f32 v3, v3;
	v12 =	vadd.f32 $-1.371742110e-03, v4;
	v13 =	vadd.f32 $-9.986282580e-01, v4;
	(pc) =	sbr.rel @p1 .LBB2_64-.Ltmp31, $4  }
0x507: {  	v3 =	vld [tilespmem:s3+$0xFC00];
	v14 =	vmul.f32 v5, v5;
	v4 =	vadd.f32 v8, v11;
	(erf) = vrcp.f32 v9  }
0x508: {  	s30 =	sshra.s32 s0, $0x2;
	v5 =	vld [tilespmem:s3+$0xFC80];
	v8 =	vcvt.s32.f32 v6;
	v13 =	vmul.f32 v13, v12  }
0x509: {  	v6 =	vld [tilespmem:s30+$0x1B900];
	v12 =	vadd.f32 v14, v10;
	v11 =	vmul.f32 v7, v7;
	v9 =	vmul.f32 v4, v4  }
0x50a: {  	s0 =	sadd.s32 $0x40, s0;
	v7 =	vld [tilespmem:s3+$0xFD00];
	v8 =	vmul.f32 $1.600000000e+01, v8;
	v10 =	vpop (erf);
	v2 =	vadd.f32 v13, v2  }
0x50b: {  	_ =	sdelay $0x1  }
0x50c: {  	v3 =	vmul.f32 v3, v3;
	v5 =	vmul.f32 v5, v5  }
0x50d: {  	v11 =	vadd.f32 v11, v12  }
0x50e: {  	v6 =	vcvt.s32.f32 v6;
	v3 =	vadd.f32 v5, v3;
	v49 =	vmul.f32 v7, v7;
	_ =	sdelay $0x1  }
0x50f: {  	v50 =	vadd.f32 v8, v11;
	v6 =	vmul.f32 $1.600000000e+01, v6;
	v3 =	vadd.f32 v49, v3  }
0x510: {  	v4 =	vmul.f32 v9, v4  }
0x511: {  	v51 =	vmul.f32 v50, v50;
	v3 =	vadd.f32 v6, v3  }
0x512: {  	(erf) = vrcp.f32 v4  }
0x513: {  	v52 =	vmul.f32 v51, v50;
	v53 =	vmul.f32 v3, v3;
	_ =	sdelay $0x1  }
0x514: {  	(erf) = vrcp.f32 v52;
	v3 =	vmul.f32 v53, v3;
	_ =	sdelay $0x1  }
0x515: {  	v54 =	vmax.f32 v10, $1.371742110e-03;
	(erf) = vrcp.f32 v3  }
0x516: {  	v4 =	vadd.f32 $-9.986282580e-01, v54;
	v3 =	vadd.f32 $-1.371742110e-03, v54  }
0x517: {  	v55 =	vpop (erf)  }
0x518: {  	v56 =	vmax.f32 v55, $1.371742110e-03;
	v3 =	vmul.f32 v4, v3  }
0x519: {  	v58 =	vadd.f32 $-1.371742110e-03, v56;
	v57 =	vpop (erf);
	v4 =	vadd.f32 $-9.986282580e-01, v56  }
0x51a: {  	v2 =	vadd.f32 v3, v2;
	v3 =	vmax.f32 v57, $1.371742110e-03  }
0x51b: {  	v4 =	vmul.f32 v4, v58;
	v5 =	vadd.f32 $-1.371742110e-03, v3;
	v3 =	vadd.f32 $-9.986282580e-01, v3  }
0x51c: {  	v59 =	vpop (erf)  }
0x51d: {  	v60 =	vmax.f32 v59, $1.371742110e-03;
	v2 =	vadd.f32 v4, v2;
	v3 =	vmul.f32 v3, v5  }
0x51e: {  	v61 =	vadd.f32 $-1.371742110e-03, v60;
	v4 =	vadd.f32 $-9.986282580e-01, v60;
	v62 =	vpop (erf)  }
0x51f: {  	v2 =	vadd.f32 v3, v2;
	v3 =	vmax.f32 v62, $1.371742110e-03  }
0x520: {  	v4 =	vmul.f32 v4, v61;
	v63 =	vadd.f32 $-1.371742110e-03, v3;
	v3 =	vadd.f32 $-9.986282580e-01, v3;
	_ =	sdelay $0x1  }
0x521: {  	v2 =	vadd.f32 v4, v2;
	v3 =	vmul.f32 v3, v63  }
0x522: {  	s0 =	simm.s32 $0xFC00  }
0x523: {  	s29 =	simm.s32 $0x40;
	s30 =	sadd.s32 $0x0, s19;
	s3 =	simm.s32 $0xFE00;
	v2 =	vadd.f32 v3, v2  }
.LBB2_66:
0x524: {  	[tilespmem:s0], [sflag:$0x3] =	stream.linear.gather [hbm4b:s30+s28], $0x180, $0x38;
	[tilespmem:$0x1DB80] =	vst v63  }
0x525: {  	s30 =	smov.u32 s29;
	s0 =	smov.u32 s3;
	p1 =	sne.s32 s29, $0xF80  }
.Ltmp32:
0x526: {  	s29 =	sadd.s32 $0x40, s29;
	(pc) =	sbr.rel @p1 .LBB2_66-.Ltmp32, $2  }
0x527: {  	_ =	sdelay $0x2  }
0x528: {  	s3 =	sadd.s32 $0x200, s3;
	s30 =	sadd.s32 s30, s19  }
0x529: {  	[tilespmem:s0], [sflag:$0x3] =	stream.linear.gather [hbm4b:s30+s28], $0x180, $0x38;
	[tilespmem:$0x1DB80] =	vst v63  }
0x52a: {  	s0 =	simm.s32 $0x0  }
0x52b: {  	s3 =	rddreg [dreg:$0x17];
	s29 =	simm.s32 $0x1B900;
	s30 =	simm.s32 $0x1  }
0x52c: {  	[tilespmem:s29], [sflag:$0x6] =	stream.linear.gather [hbm4b:s3+s0], $0x1F80, $0x38;
	[tilespmem:$0x1DB80] =	vst v63  }
0x52d: {  	_ =	swait.ge [sflag:s30], $0x5E80  }
0x52e: {  	[sflag:s30] =	ssyncset.done $0x0  }
0x52f: {  	[sflag:s30] =	ssyncadd.s32 $0xFFFFA180  }
0x530: {  	_ =	swait.ge [sflag:s31], $0x1F80  }
0x531: {  	s30 =	sand.u32 $0x70, s0;
	s0 =	sand.u32 $0x7E00, s0;
	[sflag:s31] =	ssyncset.done $0x0  }
0x532: {  	s0 =	sor.u32 s30, s0;
	[sflag:s31] =	ssyncadd.s32 $0xFFFFE080  }
0x533: {  	v3 =	vld [tilespmem:s0+$0x0]  }
0x534: {  	s30 =	simm.s32 $0x0;
	v4 =	vld [tilespmem:s0+$0x80]  }
0x535: {  	v5 =	vld [tilespmem:s30+$0x17A00]  }
0x536: {  	v6 =	vld [tilespmem:s0+$0x100]  }
0x537: {  	s3 =	simm.s32 $0x10;
	s30 =	simm.s32 $0x40  }
0x538: {  	s0 =	sand.u32 $0x70, s3;
	s3 =	sand.u32 $0x7E00, s30  }
0x539: {  	s0 =	sor.u32 s0, s3;
	v3 =	vmul.f32 v3, v3;
	v4 =	vmul.f32 v4, v4  }
0x53a: {  	v7 =	vld [tilespmem:s0+$0x0]  }
0x53b: {  	s30 =	simm.s32 $0x10;
	v5 =	vcvt.s32.f32 v5;
	v3 =	vadd.f32 v4, v3;
	v4 =	vmul.f32 v6, v6;
	v6 =	vld [tilespmem:s0+$0x80]  }
0x53c: {  	v8 =	vld [tilespmem:s30+$0x17A00]  }
0x53d: {  	s29 =	simm.s32 $0x20;
	s3 =	simm.s32 $0x80;
	v5 =	vmul.f32 $1.600000000e+01, v5;
	v3 =	vadd.f32 v4, v3;
	v4 =	vld [tilespmem:s0+$0x100]  }
0x53e: {  	s30 =	sand.u32 $0x70, s29;
	s3 =	sand.u32 $0x7E00, s3  }
0x53f: {  	s0 =	sor.u32 s30, s3;
	v3 =	vadd.f32 v5, v3  }
0x540: {  	v9 =	vld [tilespmem:s0+$0x80];
	v5 =	vmul.f32 v7, v7;
	v6 =	vmul.f32 v6, v6  }
0x541: {  	s30 =	simm.s32 $0x20;
	v7 =	vld [tilespmem:s0+$0x0];
	v10 =	vmul.f32 v3, v3  }
0x542: {  	v8 =	vcvt.s32.f32 v8;
	v11 =	vld [tilespmem:s30+$0x17A00];
	v5 =	vadd.f32 v6, v5;
	v4 =	vmul.f32 v4, v4  }
0x543: {  	s29 =	simm.s32 $0x30;
	s3 =	simm.s32 $0xC0;
	v6 =	vld [tilespmem:s0+$0x100];
	v3 =	vmul.f32 v10, v3  }
0x544: {  	v8 =	vmul.f32 $1.600000000e+01, v8;
	s30 =	sand.u32 $0x70, s29;
	s3 =	sand.u32 $0x7E00, s3;
	v4 =	vadd.f32 v4, v5  }
0x545: {  	s0 =	sor.u32 s30, s3;
	(erf) = vrcp.f32 v3  }
0x546: {  	v5 =	vld [tilespmem:s0+$0x0];
	v3 =	vmul.f32 v7, v7;
	v7 =	vmul.f32 v9, v9;
	v4 =	vadd.f32 v8, v4  }
0x547: {  	s30 =	simm.s32 $0x30;
	v10 =	vcvt.s32.f32 v11;
	v9 =	vld [tilespmem:s0+$0x80]  }
0x548: {  	v8 =	vld [tilespmem:s30+$0x17A00];
	v3 =	vadd.f32 v7, v3;
	v6 =	vmul.f32 v6, v6;
	v11 =	vmul.f32 v4, v4  }
0x549: {  	s3 =	simm.s32 $0x40;
	s30 =	simm.s32 $0x100;
	v7 =	vld [tilespmem:s0+$0x100]  }
0x54a: {  	s3 =	sand.u32 $0x70, s3;
	v10 =	vmul.f32 $1.600000000e+01, v10;
	s0 =	sand.u32 $0x7E00, s30;
	v6 =	vadd.f32 v6, v3;
	v11 =	vmul.f32 v11, v4  }
0x54b: {  	s0 =	sor.u32 s3, s0;
	v12 =	vmul.f32 v5, v5  }
0x54c: {  	v3 =	vld [tilespmem:s0+$0x0];
	v9 =	vmul.f32 v9, v9;
	v4 =	vadd.f32 v10, v6;
	(erf) = vrcp.f32 v11  }
0x54d: {  	s30 =	simm.s32 $0x40;
	v5 =	vld [tilespmem:s0+$0x80];
	v8 =	vcvt.s32.f32 v8  }
0x54e: {  	v6 =	vld [tilespmem:s30+$0x17A00];
	v11 =	vmul.f32 v7, v7;
	v12 =	vadd.f32 v9, v12;
	v9 =	vmul.f32 v4, v4  }
0x54f: {  	s29 =	simm.s32 $0x50;
	v7 =	vld [tilespmem:s0+$0x100];
	s0 =	simm.s32 $0x140;
	v8 =	vmul.f32 $1.600000000e+01, v8;
	v10 =	vpop (erf)  }
.LBB2_68:
0x550: {  	s3 =	sand.u32 $0x70, s29;
	s30 =	sand.u32 $0x7E00, s0;
	v11 =	vadd.f32 v11, v12;
	v9 =	vmul.f32 v9, v4;
	v4 =	vmax.f32 v10, $1.371742110e-03;
	p1 =	sne.s32 s29, $0x1F70  }
.Ltmp33:
0x551: {  	s29 =	sadd.s32 $0x10, s29;
	s3 =	sor.u32 s3, s30;
	v10 =	vmul.f32 v3, v3;
	v12 =	vadd.f32 $-1.371742110e-03, v4;
	v13 =	vadd.f32 $-9.986282580e-01, v4;
	(pc) =	sbr.rel @p1 .LBB2_68-.Ltmp33, $4  }
0x552: {  	v3 =	vld [tilespmem:s3+$0x0];
	v14 =	vmul.f32 v5, v5;
	v4 =	vadd.f32 v8, v11;
	(erf) = vrcp.f32 v9  }
0x553: {  	s30 =	sshra.s32 s0, $0x2;
	v5 =	vld [tilespmem:s3+$0x80];
	v8 =	vcvt.s32.f32 v6;
	v13 =	vmul.f32 v13, v12  }
0x554: {  	v6 =	vld [tilespmem:s30+$0x17A00];
	v12 =	vadd.f32 v14, v10;
	v11 =	vmul.f32 v7, v7;
	v9 =	vmul.f32 v4, v4  }
0x555: {  	s0 =	sadd.s32 $0x40, s0;
	v7 =	vld [tilespmem:s3+$0x100];
	v8 =	vmul.f32 $1.600000000e+01, v8;
	v10 =	vpop (erf);
	v2 =	vadd.f32 v13, v2  }
0x556: {  	_ =	sdelay $0x1  }
0x557: {  	v3 =	vmul.f32 v3, v3;
	v5 =	vmul.f32 v5, v5  }
0x558: {  	v11 =	vadd.f32 v11, v12  }
0x559: {  	v6 =	vcvt.s32.f32 v6;
	v3 =	vadd.f32 v5, v3;
	v49 =	vmul.f32 v7, v7;
	_ =	sdelay $0x1  }
0x55a: {  	v50 =	vadd.f32 v8, v11;
	v6 =	vmul.f32 $1.600000000e+01, v6;
	v3 =	vadd.f32 v49, v3  }
0x55b: {  	v4 =	vmul.f32 v9, v4  }
0x55c: {  	v51 =	vmul.f32 v50, v50;
	v3 =	vadd.f32 v6, v3  }
0x55d: {  	(erf) = vrcp.f32 v4  }
0x55e: {  	v52 =	vmul.f32 v51, v50;
	v53 =	vmul.f32 v3, v3;
	_ =	sdelay $0x1  }
0x55f: {  	(erf) = vrcp.f32 v52;
	v3 =	vmul.f32 v53, v3;
	_ =	sdelay $0x1  }
0x560: {  	v54 =	vmax.f32 v10, $1.371742110e-03;
	(erf) = vrcp.f32 v3  }
0x561: {  	v4 =	vadd.f32 $-9.986282580e-01, v54;
	v3 =	vadd.f32 $-1.371742110e-03, v54  }
0x562: {  	v55 =	vpop (erf)  }
0x563: {  	v56 =	vmax.f32 v55, $1.371742110e-03;
	v3 =	vmul.f32 v4, v3  }
0x564: {  	v58 =	vadd.f32 $-1.371742110e-03, v56;
	v57 =	vpop (erf);
	v4 =	vadd.f32 $-9.986282580e-01, v56  }
0x565: {  	v2 =	vadd.f32 v3, v2;
	v3 =	vmax.f32 v57, $1.371742110e-03  }
0x566: {  	v4 =	vmul.f32 v4, v58;
	v5 =	vadd.f32 $-1.371742110e-03, v3;
	v3 =	vadd.f32 $-9.986282580e-01, v3  }
0x567: {  	v59 =	vpop (erf)  }
0x568: {  	v60 =	vmax.f32 v59, $1.371742110e-03;
	v2 =	vadd.f32 v4, v2;
	v3 =	vmul.f32 v3, v5  }
0x569: {  	v61 =	vadd.f32 $-1.371742110e-03, v60;
	v4 =	vadd.f32 $-9.986282580e-01, v60;
	v62 =	vpop (erf)  }
0x56a: {  	v2 =	vadd.f32 v3, v2;
	v3 =	vmax.f32 v62, $1.371742110e-03  }
0x56b: {  	v4 =	vmul.f32 v4, v61;
	v63 =	vadd.f32 $-1.371742110e-03, v3;
	v3 =	vadd.f32 $-9.986282580e-01, v3;
	_ =	sdelay $0x1  }
0x56c: {  	v2 =	vadd.f32 v4, v2;
	v3 =	vmul.f32 v3, v63  }
0x56d: {  	s0 =	simm.s32 $0x0  }
0x56e: {  	s29 =	simm.s32 $0x40;
	s30 =	sadd.s32 $0x0, s20;
	s3 =	simm.s32 $0x200;
	v2 =	vadd.f32 v3, v2  }
.LBB2_70:
0x56f: {  	[tilespmem:s0], [sflag:$0x1] =	stream.linear.gather [hbm4b:s30+s28], $0x180, $0x38;
	[tilespmem:$0x1DB80] =	vst v63  }
0x570: {  	s30 =	smov.u32 s29;
	s0 =	smov.u32 s3;
	p1 =	sne.s32 s29, $0xF80  }
.Ltmp34:
0x571: {  	s29 =	sadd.s32 $0x40, s29;
	(pc) =	sbr.rel @p1 .LBB2_70-.Ltmp34, $2  }
0x572: {  	_ =	sdelay $0x2  }
0x573: {  	s3 =	sadd.s32 $0x200, s3;
	s30 =	sadd.s32 s30, s20  }
0x574: {  	[tilespmem:s0], [sflag:$0x1] =	stream.linear.gather [hbm4b:s30+s28], $0x180, $0x38;
	[tilespmem:$0x1DB80] =	vst v63  }
0x575: {  	s0 =	simm.s32 $0x0  }
0x576: {  	s3 =	rddreg [dreg:$0x18];
	s29 =	simm.s32 $0x17A00;
	s30 =	simm.s32 $0x2  }
0x577: {  	[tilespmem:s29], [sflag:$0x4] =	stream.linear.gather [hbm4b:s3+s0], $0x1F80, $0x38;
	[tilespmem:$0x1DB80] =	vst v63  }
0x578: {  	_ =	swait.ge [sflag:s30], $0x5E80  }
0x579: {  	[sflag:s30] =	ssyncset.done $0x0  }
0x57a: {  	s29 =	simm.s32 $0x5;
	[sflag:s30] =	ssyncadd.s32 $0xFFFFA180  }
0x57b: {  	_ =	swait.ge [sflag:s29], $0x1F80  }
0x57c: {  	s30 =	sand.u32 $0x70, s0;
	s0 =	sand.u32 $0x7E00, s0;
	[sflag:s29] =	ssyncset.done $0x0  }
0x57d: {  	s0 =	sor.u32 s30, s0;
	[sflag:s29] =	ssyncadd.s32 $0xFFFFE080  }
0x57e: {  	v3 =	vld [tilespmem:s0+$0x7E00]  }
0x57f: {  	s30 =	simm.s32 $0x0;
	v4 =	vld [tilespmem:s0+$0x7E80]  }
0x580: {  	v5 =	vld [tilespmem:s30+$0x19980]  }
0x581: {  	v6 =	vld [tilespmem:s0+$0x7F00]  }
0x582: {  	s3 =	simm.s32 $0x10;
	s30 =	simm.s32 $0x40  }
0x583: {  	s0 =	sand.u32 $0x70, s3;
	s3 =	sand.u32 $0x7E00, s30  }
0x584: {  	s0 =	sor.u32 s0, s3;
	v3 =	vmul.f32 v3, v3;
	v4 =	vmul.f32 v4, v4  }
0x585: {  	v7 =	vld [tilespmem:s0+$0x7E00]  }
0x586: {  	s30 =	simm.s32 $0x10;
	v5 =	vcvt.s32.f32 v5;
	v3 =	vadd.f32 v4, v3;
	v4 =	vmul.f32 v6, v6;
	v6 =	vld [tilespmem:s0+$0x7E80]  }
0x587: {  	v8 =	vld [tilespmem:s30+$0x19980]  }
0x588: {  	s29 =	simm.s32 $0x20;
	s3 =	simm.s32 $0x80;
	v5 =	vmul.f32 $1.600000000e+01, v5;
	v3 =	vadd.f32 v4, v3;
	v4 =	vld [tilespmem:s0+$0x7F00]  }
0x589: {  	s30 =	sand.u32 $0x70, s29;
	s3 =	sand.u32 $0x7E00, s3  }
0x58a: {  	s0 =	sor.u32 s30, s3;
	v3 =	vadd.f32 v5, v3  }
0x58b: {  	v9 =	vld [tilespmem:s0+$0x7E80];
	v5 =	vmul.f32 v7, v7;
	v6 =	vmul.f32 v6, v6  }
0x58c: {  	s30 =	simm.s32 $0x20;
	v7 =	vld [tilespmem:s0+$0x7E00];
	v10 =	vmul.f32 v3, v3  }
0x58d: {  	v8 =	vcvt.s32.f32 v8;
	v11 =	vld [tilespmem:s30+$0x19980];
	v5 =	vadd.f32 v6, v5;
	v4 =	vmul.f32 v4, v4  }
0x58e: {  	s29 =	simm.s32 $0x30;
	s3 =	simm.s32 $0xC0;
	v6 =	vld [tilespmem:s0+$0x7F00];
	v3 =	vmul.f32 v10, v3  }
0x58f: {  	v8 =	vmul.f32 $1.600000000e+01, v8;
	s30 =	sand.u32 $0x70, s29;
	s3 =	sand.u32 $0x7E00, s3;
	v4 =	vadd.f32 v4, v5  }
0x590: {  	s0 =	sor.u32 s30, s3;
	(erf) = vrcp.f32 v3  }
0x591: {  	v5 =	vld [tilespmem:s0+$0x7E00];
	v3 =	vmul.f32 v7, v7;
	v7 =	vmul.f32 v9, v9;
	v4 =	vadd.f32 v8, v4  }
0x592: {  	s30 =	simm.s32 $0x30;
	v10 =	vcvt.s32.f32 v11;
	v9 =	vld [tilespmem:s0+$0x7E80]  }
0x593: {  	v8 =	vld [tilespmem:s30+$0x19980];
	v3 =	vadd.f32 v7, v3;
	v6 =	vmul.f32 v6, v6;
	v11 =	vmul.f32 v4, v4  }
0x594: {  	s3 =	simm.s32 $0x40;
	s30 =	simm.s32 $0x100;
	v7 =	vld [tilespmem:s0+$0x7F00]  }
0x595: {  	s3 =	sand.u32 $0x70, s3;
	v10 =	vmul.f32 $1.600000000e+01, v10;
	s0 =	sand.u32 $0x7E00, s30;
	v6 =	vadd.f32 v6, v3;
	v11 =	vmul.f32 v11, v4  }
0x596: {  	s0 =	sor.u32 s3, s0;
	v12 =	vmul.f32 v5, v5  }
0x597: {  	v3 =	vld [tilespmem:s0+$0x7E00];
	v9 =	vmul.f32 v9, v9;
	v4 =	vadd.f32 v10, v6;
	(erf) = vrcp.f32 v11  }
0x598: {  	s30 =	simm.s32 $0x40;
	v5 =	vld [tilespmem:s0+$0x7E80];
	v8 =	vcvt.s32.f32 v8  }
0x599: {  	v6 =	vld [tilespmem:s30+$0x19980];
	v11 =	vmul.f32 v7, v7;
	v12 =	vadd.f32 v9, v12;
	v9 =	vmul.f32 v4, v4  }
0x59a: {  	s29 =	simm.s32 $0x50;
	v7 =	vld [tilespmem:s0+$0x7F00];
	s0 =	simm.s32 $0x140;
	v8 =	vmul.f32 $1.600000000e+01, v8;
	v10 =	vpop (erf)  }
.LBB2_72:
0x59b: {  	s3 =	sand.u32 $0x70, s29;
	s30 =	sand.u32 $0x7E00, s0;
	v11 =	vadd.f32 v11, v12;
	v9 =	vmul.f32 v9, v4;
	v4 =	vmax.f32 v10, $1.371742110e-03;
	p1 =	sne.s32 s29, $0x1F70  }
.Ltmp35:
0x59c: {  	s29 =	sadd.s32 $0x10, s29;
	s3 =	sor.u32 s3, s30;
	v10 =	vmul.f32 v3, v3;
	v12 =	vadd.f32 $-1.371742110e-03, v4;
	v13 =	vadd.f32 $-9.986282580e-01, v4;
	(pc) =	sbr.rel @p1 .LBB2_72-.Ltmp35, $4  }
0x59d: {  	v3 =	vld [tilespmem:s3+$0x7E00];
	v14 =	vmul.f32 v5, v5;
	v4 =	vadd.f32 v8, v11;
	(erf) = vrcp.f32 v9  }
0x59e: {  	s30 =	sshra.s32 s0, $0x2;
	v5 =	vld [tilespmem:s3+$0x7E80];
	v8 =	vcvt.s32.f32 v6;
	v13 =	vmul.f32 v13, v12  }
0x59f: {  	v6 =	vld [tilespmem:s30+$0x19980];
	v12 =	vadd.f32 v14, v10;
	v11 =	vmul.f32 v7, v7;
	v9 =	vmul.f32 v4, v4  }
0x5a0: {  	s0 =	sadd.s32 $0x40, s0;
	v7 =	vld [tilespmem:s3+$0x7F00];
	v8 =	vmul.f32 $1.600000000e+01, v8;
	v10 =	vpop (erf);
	v2 =	vadd.f32 v13, v2  }
0x5a1: {  	_ =	sdelay $0x1  }
0x5a2: {  	v3 =	vmul.f32 v3, v3;
	v5 =	vmul.f32 v5, v5  }
0x5a3: {  	v11 =	vadd.f32 v11, v12  }
0x5a4: {  	v6 =	vcvt.s32.f32 v6;
	v3 =	vadd.f32 v5, v3;
	v49 =	vmul.f32 v7, v7;
	_ =	sdelay $0x1  }
0x5a5: {  	v50 =	vadd.f32 v8, v11;
	v6 =	vmul.f32 $1.600000000e+01, v6;
	v3 =	vadd.f32 v49, v3  }
0x5a6: {  	v4 =	vmul.f32 v9, v4  }
0x5a7: {  	v51 =	vmul.f32 v50, v50;
	v3 =	vadd.f32 v6, v3  }
0x5a8: {  	(erf) = vrcp.f32 v4  }
0x5a9: {  	v52 =	vmul.f32 v51, v50;
	v53 =	vmul.f32 v3, v3;
	_ =	sdelay $0x1  }
0x5aa: {  	(erf) = vrcp.f32 v52;
	v3 =	vmul.f32 v53, v3;
	_ =	sdelay $0x1  }
0x5ab: {  	v54 =	vmax.f32 v10, $1.371742110e-03;
	(erf) = vrcp.f32 v3  }
0x5ac: {  	v4 =	vadd.f32 $-9.986282580e-01, v54;
	v3 =	vadd.f32 $-1.371742110e-03, v54  }
0x5ad: {  	v55 =	vpop (erf)  }
0x5ae: {  	v56 =	vmax.f32 v55, $1.371742110e-03;
	v3 =	vmul.f32 v4, v3  }
0x5af: {  	v58 =	vadd.f32 $-1.371742110e-03, v56;
	v57 =	vpop (erf);
	v4 =	vadd.f32 $-9.986282580e-01, v56  }
0x5b0: {  	v2 =	vadd.f32 v3, v2;
	v3 =	vmax.f32 v57, $1.371742110e-03  }
0x5b1: {  	v4 =	vmul.f32 v4, v58;
	v5 =	vadd.f32 $-1.371742110e-03, v3;
	v3 =	vadd.f32 $-9.986282580e-01, v3  }
0x5b2: {  	v59 =	vpop (erf)  }
0x5b3: {  	v60 =	vmax.f32 v59, $1.371742110e-03;
	v2 =	vadd.f32 v4, v2;
	v3 =	vmul.f32 v3, v5  }
0x5b4: {  	v61 =	vadd.f32 $-1.371742110e-03, v60;
	v4 =	vadd.f32 $-9.986282580e-01, v60;
	v62 =	vpop (erf)  }
0x5b5: {  	v2 =	vadd.f32 v3, v2;
	v3 =	vmax.f32 v62, $1.371742110e-03  }
0x5b6: {  	v4 =	vmul.f32 v4, v61;
	v63 =	vadd.f32 $-1.371742110e-03, v3;
	v3 =	vadd.f32 $-9.986282580e-01, v3;
	_ =	sdelay $0x1  }
0x5b7: {  	v2 =	vadd.f32 v4, v2;
	v3 =	vmul.f32 v3, v63  }
0x5b8: {  	s0 =	simm.s32 $0x7E00  }
0x5b9: {  	s29 =	simm.s32 $0x40;
	s30 =	sadd.s32 $0x0, s21;
	s3 =	simm.s32 $0x8000;
	v2 =	vadd.f32 v3, v2  }
.LBB2_74:
0x5ba: {  	[tilespmem:s0], [sflag:$0x2] =	stream.linear.gather [hbm4b:s30+s28], $0x180, $0x38;
	[tilespmem:$0x1DB80] =	vst v63  }
0x5bb: {  	s30 =	smov.u32 s29;
	s0 =	smov.u32 s3;
	p1 =	sne.s32 s29, $0xF80  }
.Ltmp36:
0x5bc: {  	s29 =	sadd.s32 $0x40, s29;
	(pc) =	sbr.rel @p1 .LBB2_74-.Ltmp36, $2  }
0x5bd: {  	_ =	sdelay $0x2  }
0x5be: {  	s3 =	sadd.s32 $0x200, s3;
	s30 =	sadd.s32 s30, s21  }
0x5bf: {  	[tilespmem:s0], [sflag:$0x2] =	stream.linear.gather [hbm4b:s30+s28], $0x180, $0x38;
	[tilespmem:$0x1DB80] =	vst v63  }
0x5c0: {  	s0 =	simm.s32 $0x0  }
0x5c1: {  	s3 =	rddreg [dreg:$0x19];
	s29 =	simm.s32 $0x19980;
	s30 =	simm.s32 $0x3  }
0x5c2: {  	[tilespmem:s29], [sflag:$0x5] =	stream.linear.gather [hbm4b:s3+s0], $0x1F80, $0x38;
	[tilespmem:$0x1DB80] =	vst v63  }
0x5c3: {  	_ =	swait.ge [sflag:s30], $0x5E80  }
0x5c4: {  	[sflag:s30] =	ssyncset.done $0x0  }
0x5c5: {  	s29 =	simm.s32 $0x6;
	[sflag:s30] =	ssyncadd.s32 $0xFFFFA180  }
0x5c6: {  	_ =	swait.ge [sflag:s29], $0x1F80  }
0x5c7: {  	s30 =	sand.u32 $0x70, s0;
	s0 =	sand.u32 $0x7E00, s0;
	[sflag:s29] =	ssyncset.done $0x0  }
0x5c8: {  	s0 =	sor.u32 s30, s0;
	[sflag:s29] =	ssyncadd.s32 $0xFFFFE080  }
0x5c9: {  	v3 =	vld [tilespmem:s0+$0xFC00]  }
0x5ca: {  	s30 =	simm.s32 $0x0;
	v4 =	vld [tilespmem:s0+$0xFC80]  }
0x5cb: {  	v5 =	vld [tilespmem:s30+$0x1B900]  }
0x5cc: {  	v6 =	vld [tilespmem:s0+$0xFD00]  }
0x5cd: {  	s3 =	simm.s32 $0x10;
	s30 =	simm.s32 $0x40  }
0x5ce: {  	s0 =	sand.u32 $0x70, s3;
	s3 =	sand.u32 $0x7E00, s30  }
0x5cf: {  	s0 =	sor.u32 s0, s3;
	v3 =	vmul.f32 v3, v3;
	v4 =	vmul.f32 v4, v4  }
0x5d0: {  	v7 =	vld [tilespmem:s0+$0xFC00]  }
0x5d1: {  	s30 =	simm.s32 $0x10;
	v5 =	vcvt.s32.f32 v5;
	v3 =	vadd.f32 v4, v3;
	v4 =	vmul.f32 v6, v6;
	v6 =	vld [tilespmem:s0+$0xFC80]  }
0x5d2: {  	v8 =	vld [tilespmem:s30+$0x1B900]  }
0x5d3: {  	s29 =	simm.s32 $0x20;
	s3 =	simm.s32 $0x80;
	v5 =	vmul.f32 $1.600000000e+01, v5;
	v3 =	vadd.f32 v4, v3;
	v4 =	vld [tilespmem:s0+$0xFD00]  }
0x5d4: {  	s30 =	sand.u32 $0x70, s29;
	s3 =	sand.u32 $0x7E00, s3  }
0x5d5: {  	s0 =	sor.u32 s30, s3;
	v3 =	vadd.f32 v5, v3  }
0x5d6: {  	v9 =	vld [tilespmem:s0+$0xFC80];
	v5 =	vmul.f32 v7, v7;
	v6 =	vmul.f32 v6, v6  }
0x5d7: {  	s30 =	simm.s32 $0x20;
	v7 =	vld [tilespmem:s0+$0xFC00];
	v10 =	vmul.f32 v3, v3  }
0x5d8: {  	v8 =	vcvt.s32.f32 v8;
	v11 =	vld [tilespmem:s30+$0x1B900];
	v5 =	vadd.f32 v6, v5;
	v4 =	vmul.f32 v4, v4  }
0x5d9: {  	s29 =	simm.s32 $0x30;
	s3 =	simm.s32 $0xC0;
	v6 =	vld [tilespmem:s0+$0xFD00];
	v3 =	vmul.f32 v10, v3  }
0x5da: {  	v8 =	vmul.f32 $1.600000000e+01, v8;
	s30 =	sand.u32 $0x70, s29;
	s3 =	sand.u32 $0x7E00, s3;
	v4 =	vadd.f32 v4, v5  }
0x5db: {  	s0 =	sor.u32 s30, s3;
	(erf) = vrcp.f32 v3  }
0x5dc: {  	v5 =	vld [tilespmem:s0+$0xFC00];
	v3 =	vmul.f32 v7, v7;
	v7 =	vmul.f32 v9, v9;
	v4 =	vadd.f32 v8, v4  }
0x5dd: {  	s30 =	simm.s32 $0x30;
	v10 =	vcvt.s32.f32 v11;
	v9 =	vld [tilespmem:s0+$0xFC80]  }
0x5de: {  	v8 =	vld [tilespmem:s30+$0x1B900];
	v3 =	vadd.f32 v7, v3;
	v6 =	vmul.f32 v6, v6;
	v11 =	vmul.f32 v4, v4  }
0x5df: {  	s3 =	simm.s32 $0x40;
	s30 =	simm.s32 $0x100;
	v7 =	vld [tilespmem:s0+$0xFD00]  }
0x5e0: {  	s3 =	sand.u32 $0x70, s3;
	v10 =	vmul.f32 $1.600000000e+01, v10;
	s0 =	sand.u32 $0x7E00, s30;
	v6 =	vadd.f32 v6, v3;
	v11 =	vmul.f32 v11, v4  }
0x5e1: {  	s0 =	sor.u32 s3, s0;
	v12 =	vmul.f32 v5, v5  }
0x5e2: {  	v3 =	vld [tilespmem:s0+$0xFC00];
	v9 =	vmul.f32 v9, v9;
	v4 =	vadd.f32 v10, v6;
	(erf) = vrcp.f32 v11  }
0x5e3: {  	s30 =	simm.s32 $0x40;
	v5 =	vld [tilespmem:s0+$0xFC80];
	v8 =	vcvt.s32.f32 v8  }
0x5e4: {  	v6 =	vld [tilespmem:s30+$0x1B900];
	v11 =	vmul.f32 v7, v7;
	v12 =	vadd.f32 v9, v12;
	v9 =	vmul.f32 v4, v4  }
0x5e5: {  	s29 =	simm.s32 $0x50;
	v7 =	vld [tilespmem:s0+$0xFD00];
	s0 =	simm.s32 $0x140;
	v8 =	vmul.f32 $1.600000000e+01, v8;
	v10 =	vpop (erf)  }
.LBB2_76:
0x5e6: {  	s3 =	sand.u32 $0x70, s29;
	s30 =	sand.u32 $0x7E00, s0;
	v11 =	vadd.f32 v11, v12;
	v9 =	vmul.f32 v9, v4;
	v4 =	vmax.f32 v10, $1.371742110e-03;
	p1 =	sne.s32 s29, $0x1F70  }
.Ltmp37:
0x5e7: {  	s29 =	sadd.s32 $0x10, s29;
	s3 =	sor.u32 s3, s30;
	v10 =	vmul.f32 v3, v3;
	v12 =	vadd.f32 $-1.371742110e-03, v4;
	v13 =	vadd.f32 $-9.986282580e-01, v4;
	(pc) =	sbr.rel @p1 .LBB2_76-.Ltmp37, $4  }
0x5e8: {  	v3 =	vld [tilespmem:s3+$0xFC00];
	v14 =	vmul.f32 v5, v5;
	v4 =	vadd.f32 v8, v11;
	(erf) = vrcp.f32 v9  }
0x5e9: {  	s30 =	sshra.s32 s0, $0x2;
	v5 =	vld [tilespmem:s3+$0xFC80];
	v8 =	vcvt.s32.f32 v6;
	v13 =	vmul.f32 v13, v12  }
0x5ea: {  	v6 =	vld [tilespmem:s30+$0x1B900];
	v12 =	vadd.f32 v14, v10;
	v11 =	vmul.f32 v7, v7;
	v9 =	vmul.f32 v4, v4  }
0x5eb: {  	s0 =	sadd.s32 $0x40, s0;
	v7 =	vld [tilespmem:s3+$0xFD00];
	v8 =	vmul.f32 $1.600000000e+01, v8;
	v10 =	vpop (erf);
	v2 =	vadd.f32 v13, v2  }
0x5ec: {  	_ =	sdelay $0x1  }
0x5ed: {  	v3 =	vmul.f32 v3, v3;
	v5 =	vmul.f32 v5, v5  }
0x5ee: {  	v11 =	vadd.f32 v11, v12  }
0x5ef: {  	v6 =	vcvt.s32.f32 v6;
	v3 =	vadd.f32 v5, v3;
	v49 =	vmul.f32 v7, v7;
	_ =	sdelay $0x1  }
0x5f0: {  	v50 =	vadd.f32 v8, v11;
	v6 =	vmul.f32 $1.600000000e+01, v6;
	v3 =	vadd.f32 v49, v3  }
0x5f1: {  	v4 =	vmul.f32 v9, v4  }
0x5f2: {  	v51 =	vmul.f32 v50, v50;
	v3 =	vadd.f32 v6, v3  }
0x5f3: {  	(erf) = vrcp.f32 v4  }
0x5f4: {  	v52 =	vmul.f32 v51, v50;
	v53 =	vmul.f32 v3, v3;
	_ =	sdelay $0x1  }
0x5f5: {  	(erf) = vrcp.f32 v52;
	v3 =	vmul.f32 v53, v3;
	_ =	sdelay $0x1  }
0x5f6: {  	v54 =	vmax.f32 v10, $1.371742110e-03;
	(erf) = vrcp.f32 v3  }
0x5f7: {  	v4 =	vadd.f32 $-9.986282580e-01, v54;
	v3 =	vadd.f32 $-1.371742110e-03, v54  }
0x5f8: {  	v55 =	vpop (erf)  }
0x5f9: {  	v56 =	vmax.f32 v55, $1.371742110e-03;
	v3 =	vmul.f32 v4, v3  }
0x5fa: {  	v58 =	vadd.f32 $-1.371742110e-03, v56;
	v57 =	vpop (erf);
	v4 =	vadd.f32 $-9.986282580e-01, v56  }
0x5fb: {  	v2 =	vadd.f32 v3, v2;
	v3 =	vmax.f32 v57, $1.371742110e-03  }
0x5fc: {  	v4 =	vmul.f32 v4, v58;
	v5 =	vadd.f32 $-1.371742110e-03, v3;
	v3 =	vadd.f32 $-9.986282580e-01, v3  }
0x5fd: {  	v59 =	vpop (erf)  }
0x5fe: {  	v60 =	vmax.f32 v59, $1.371742110e-03;
	v2 =	vadd.f32 v4, v2;
	v3 =	vmul.f32 v3, v5  }
0x5ff: {  	v61 =	vadd.f32 $-1.371742110e-03, v60;
	v4 =	vadd.f32 $-9.986282580e-01, v60;
	v62 =	vpop (erf)  }
0x600: {  	v2 =	vadd.f32 v3, v2;
	v3 =	vmax.f32 v62, $1.371742110e-03  }
0x601: {  	v4 =	vmul.f32 v4, v61;
	v63 =	vadd.f32 $-1.371742110e-03, v3;
	v3 =	vadd.f32 $-9.986282580e-01, v3;
	_ =	sdelay $0x1  }
0x602: {  	v2 =	vadd.f32 v4, v2;
	v3 =	vmul.f32 v3, v63  }
0x603: {  	s0 =	simm.s32 $0xFC00  }
0x604: {  	s29 =	simm.s32 $0x40;
	s30 =	sadd.s32 $0x0, s22;
	s3 =	simm.s32 $0xFE00;
	v2 =	vadd.f32 v3, v2  }
.LBB2_78:
0x605: {  	[tilespmem:s0], [sflag:$0x3] =	stream.linear.gather [hbm4b:s30+s28], $0x180, $0x38;
	[tilespmem:$0x1DB80] =	vst v63  }
0x606: {  	s30 =	smov.u32 s29;
	s0 =	smov.u32 s3;
	p1 =	sne.s32 s29, $0xF80  }
.Ltmp38:
0x607: {  	s29 =	sadd.s32 $0x40, s29;
	(pc) =	sbr.rel @p1 .LBB2_78-.Ltmp38, $2  }
0x608: {  	_ =	sdelay $0x2  }
0x609: {  	s3 =	sadd.s32 $0x200, s3;
	s30 =	sadd.s32 s30, s22  }
0x60a: {  	[tilespmem:s0], [sflag:$0x3] =	stream.linear.gather [hbm4b:s30+s28], $0x180, $0x38;
	[tilespmem:$0x1DB80] =	vst v63  }
0x60b: {  	s0 =	simm.s32 $0x0  }
0x60c: {  	s3 =	rddreg [dreg:$0x1a];
	s29 =	simm.s32 $0x1B900;
	s30 =	simm.s32 $0x1  }
0x60d: {  	[tilespmem:s29], [sflag:$0x6] =	stream.linear.gather [hbm4b:s3+s0], $0x1F80, $0x38;
	[tilespmem:$0x1DB80] =	vst v63  }
0x60e: {  	_ =	swait.ge [sflag:s30], $0x5E80  }
0x60f: {  	[sflag:s30] =	ssyncset.done $0x0  }
0x610: {  	[sflag:s30] =	ssyncadd.s32 $0xFFFFA180  }
0x611: {  	_ =	swait.ge [sflag:s31], $0x1F80  }
0x612: {  	s30 =	sand.u32 $0x70, s0;
	s0 =	sand.u32 $0x7E00, s0;
	[sflag:s31] =	ssyncset.done $0x0  }
0x613: {  	s0 =	sor.u32 s30, s0;
	[sflag:s31] =	ssyncadd.s32 $0xFFFFE080  }
0x614: {  	v3 =	vld [tilespmem:s0+$0x0]  }
0x615: {  	s30 =	simm.s32 $0x0;
	v4 =	vld [tilespmem:s0+$0x80]  }
0x616: {  	v5 =	vld [tilespmem:s30+$0x17A00]  }
0x617: {  	v6 =	vld [tilespmem:s0+$0x100]  }
0x618: {  	s3 =	simm.s32 $0x10;
	s30 =	simm.s32 $0x40  }
0x619: {  	s0 =	sand.u32 $0x70, s3;
	s3 =	sand.u32 $0x7E00, s30  }
0x61a: {  	s0 =	sor.u32 s0, s3;
	v3 =	vmul.f32 v3, v3;
	v4 =	vmul.f32 v4, v4  }
0x61b: {  	v7 =	vld [tilespmem:s0+$0x0]  }
0x61c: {  	s30 =	simm.s32 $0x10;
	v5 =	vcvt.s32.f32 v5;
	v3 =	vadd.f32 v4, v3;
	v4 =	vmul.f32 v6, v6;
	v6 =	vld [tilespmem:s0+$0x80]  }
0x61d: {  	v8 =	vld [tilespmem:s30+$0x17A00]  }
0x61e: {  	s29 =	simm.s32 $0x20;
	s3 =	simm.s32 $0x80;
	v5 =	vmul.f32 $1.600000000e+01, v5;
	v3 =	vadd.f32 v4, v3;
	v4 =	vld [tilespmem:s0+$0x100]  }
0x61f: {  	s30 =	sand.u32 $0x70, s29;
	s3 =	sand.u32 $0x7E00, s3  }
0x620: {  	s0 =	sor.u32 s30, s3;
	v3 =	vadd.f32 v5, v3  }
0x621: {  	v9 =	vld [tilespmem:s0+$0x80];
	v5 =	vmul.f32 v7, v7;
	v6 =	vmul.f32 v6, v6  }
0x622: {  	s30 =	simm.s32 $0x20;
	v7 =	vld [tilespmem:s0+$0x0];
	v10 =	vmul.f32 v3, v3  }
0x623: {  	v8 =	vcvt.s32.f32 v8;
	v11 =	vld [tilespmem:s30+$0x17A00];
	v5 =	vadd.f32 v6, v5;
	v4 =	vmul.f32 v4, v4  }
0x624: {  	s29 =	simm.s32 $0x30;
	s3 =	simm.s32 $0xC0;
	v6 =	vld [tilespmem:s0+$0x100];
	v3 =	vmul.f32 v10, v3  }
0x625: {  	v8 =	vmul.f32 $1.600000000e+01, v8;
	s30 =	sand.u32 $0x70, s29;
	s3 =	sand.u32 $0x7E00, s3;
	v4 =	vadd.f32 v4, v5  }
0x626: {  	s0 =	sor.u32 s30, s3;
	(erf) = vrcp.f32 v3  }
0x627: {  	v5 =	vld [tilespmem:s0+$0x0];
	v3 =	vmul.f32 v7, v7;
	v7 =	vmul.f32 v9, v9;
	v4 =	vadd.f32 v8, v4  }
0x628: {  	s30 =	simm.s32 $0x30;
	v10 =	vcvt.s32.f32 v11;
	v9 =	vld [tilespmem:s0+$0x80]  }
0x629: {  	v8 =	vld [tilespmem:s30+$0x17A00];
	v3 =	vadd.f32 v7, v3;
	v6 =	vmul.f32 v6, v6;
	v11 =	vmul.f32 v4, v4  }
0x62a: {  	s3 =	simm.s32 $0x40;
	s30 =	simm.s32 $0x100;
	v7 =	vld [tilespmem:s0+$0x100]  }
0x62b: {  	s3 =	sand.u32 $0x70, s3;
	v10 =	vmul.f32 $1.600000000e+01, v10;
	s0 =	sand.u32 $0x7E00, s30;
	v6 =	vadd.f32 v6, v3;
	v11 =	vmul.f32 v11, v4  }
0x62c: {  	s0 =	sor.u32 s3, s0;
	v12 =	vmul.f32 v5, v5  }
0x62d: {  	v3 =	vld [tilespmem:s0+$0x0];
	v9 =	vmul.f32 v9, v9;
	v4 =	vadd.f32 v10, v6;
	(erf) = vrcp.f32 v11  }
0x62e: {  	s30 =	simm.s32 $0x40;
	v5 =	vld [tilespmem:s0+$0x80];
	v8 =	vcvt.s32.f32 v8  }
0x62f: {  	v6 =	vld [tilespmem:s30+$0x17A00];
	v11 =	vmul.f32 v7, v7;
	v12 =	vadd.f32 v9, v12;
	v9 =	vmul.f32 v4, v4  }
0x630: {  	s29 =	simm.s32 $0x50;
	v7 =	vld [tilespmem:s0+$0x100];
	s0 =	simm.s32 $0x140;
	v8 =	vmul.f32 $1.600000000e+01, v8;
	v10 =	vpop (erf)  }
.LBB2_80:
0x631: {  	s3 =	sand.u32 $0x70, s29;
	s30 =	sand.u32 $0x7E00, s0;
	v11 =	vadd.f32 v11, v12;
	v9 =	vmul.f32 v9, v4;
	v4 =	vmax.f32 v10, $1.371742110e-03;
	p1 =	sne.s32 s29, $0x1F70  }
.Ltmp39:
0x632: {  	s29 =	sadd.s32 $0x10, s29;
	s3 =	sor.u32 s3, s30;
	v10 =	vmul.f32 v3, v3;
	v12 =	vadd.f32 $-1.371742110e-03, v4;
	v13 =	vadd.f32 $-9.986282580e-01, v4;
	(pc) =	sbr.rel @p1 .LBB2_80-.Ltmp39, $4  }
0x633: {  	v3 =	vld [tilespmem:s3+$0x0];
	v14 =	vmul.f32 v5, v5;
	v4 =	vadd.f32 v8, v11;
	(erf) = vrcp.f32 v9  }
0x634: {  	s30 =	sshra.s32 s0, $0x2;
	v5 =	vld [tilespmem:s3+$0x80];
	v8 =	vcvt.s32.f32 v6;
	v13 =	vmul.f32 v13, v12  }
0x635: {  	v6 =	vld [tilespmem:s30+$0x17A00];
	v12 =	vadd.f32 v14, v10;
	v11 =	vmul.f32 v7, v7;
	v9 =	vmul.f32 v4, v4  }
0x636: {  	s0 =	sadd.s32 $0x40, s0;
	v7 =	vld [tilespmem:s3+$0x100];
	v8 =	vmul.f32 $1.600000000e+01, v8;
	v10 =	vpop (erf);
	v2 =	vadd.f32 v13, v2  }
0x637: {  	_ =	sdelay $0x1  }
0x638: {  	v3 =	vmul.f32 v3, v3;
	v5 =	vmul.f32 v5, v5  }
0x639: {  	v11 =	vadd.f32 v11, v12  }
0x63a: {  	v6 =	vcvt.s32.f32 v6;
	v3 =	vadd.f32 v5, v3;
	v49 =	vmul.f32 v7, v7;
	_ =	sdelay $0x1  }
0x63b: {  	v50 =	vadd.f32 v8, v11;
	v6 =	vmul.f32 $1.600000000e+01, v6;
	v3 =	vadd.f32 v49, v3  }
0x63c: {  	v4 =	vmul.f32 v9, v4  }
0x63d: {  	v51 =	vmul.f32 v50, v50;
	v3 =	vadd.f32 v6, v3  }
0x63e: {  	(erf) = vrcp.f32 v4  }
0x63f: {  	v52 =	vmul.f32 v51, v50;
	v53 =	vmul.f32 v3, v3;
	_ =	sdelay $0x1  }
0x640: {  	(erf) = vrcp.f32 v52;
	v3 =	vmul.f32 v53, v3;
	_ =	sdelay $0x1  }
0x641: {  	v54 =	vmax.f32 v10, $1.371742110e-03;
	(erf) = vrcp.f32 v3  }
0x642: {  	v4 =	vadd.f32 $-9.986282580e-01, v54;
	v3 =	vadd.f32 $-1.371742110e-03, v54  }
0x643: {  	v55 =	vpop (erf)  }
0x644: {  	v56 =	vmax.f32 v55, $1.371742110e-03;
	v3 =	vmul.f32 v4, v3  }
0x645: {  	v58 =	vadd.f32 $-1.371742110e-03, v56;
	v57 =	vpop (erf);
	v4 =	vadd.f32 $-9.986282580e-01, v56  }
0x646: {  	v2 =	vadd.f32 v3, v2;
	v3 =	vmax.f32 v57, $1.371742110e-03  }
0x647: {  	v4 =	vmul.f32 v4, v58;
	v5 =	vadd.f32 $-1.371742110e-03, v3;
	v3 =	vadd.f32 $-9.986282580e-01, v3  }
0x648: {  	v59 =	vpop (erf)  }
0x649: {  	v60 =	vmax.f32 v59, $1.371742110e-03;
	v2 =	vadd.f32 v4, v2;
	v3 =	vmul.f32 v3, v5  }
0x64a: {  	v61 =	vadd.f32 $-1.371742110e-03, v60;
	v4 =	vadd.f32 $-9.986282580e-01, v60;
	v62 =	vpop (erf)  }
0x64b: {  	v2 =	vadd.f32 v3, v2;
	v3 =	vmax.f32 v62, $1.371742110e-03  }
0x64c: {  	v4 =	vmul.f32 v4, v61;
	v63 =	vadd.f32 $-1.371742110e-03, v3;
	v3 =	vadd.f32 $-9.986282580e-01, v3;
	_ =	sdelay $0x1  }
0x64d: {  	v2 =	vadd.f32 v4, v2;
	v3 =	vmul.f32 v3, v63  }
0x64e: {  	s0 =	simm.s32 $0x0  }
0x64f: {  	s29 =	simm.s32 $0x40;
	s30 =	sadd.s32 $0x0, s23;
	s3 =	simm.s32 $0x200;
	v2 =	vadd.f32 v3, v2  }
.LBB2_82:
0x650: {  	[tilespmem:s0], [sflag:$0x1] =	stream.linear.gather [hbm4b:s30+s28], $0x180, $0x38;
	[tilespmem:$0x1DB80] =	vst v63  }
0x651: {  	s30 =	smov.u32 s29;
	s0 =	smov.u32 s3;
	p1 =	sne.s32 s29, $0xF80  }
.Ltmp40:
0x652: {  	s29 =	sadd.s32 $0x40, s29;
	(pc) =	sbr.rel @p1 .LBB2_82-.Ltmp40, $2  }
0x653: {  	_ =	sdelay $0x2  }
0x654: {  	s3 =	sadd.s32 $0x200, s3;
	s30 =	sadd.s32 s30, s23  }
0x655: {  	[tilespmem:s0], [sflag:$0x1] =	stream.linear.gather [hbm4b:s30+s28], $0x180, $0x38;
	[tilespmem:$0x1DB80] =	vst v63  }
0x656: {  	s0 =	simm.s32 $0x0  }
0x657: {  	s3 =	rddreg [dreg:$0x1b];
	s29 =	simm.s32 $0x17A00;
	s30 =	simm.s32 $0x2  }
0x658: {  	[tilespmem:s29], [sflag:$0x4] =	stream.linear.gather [hbm4b:s3+s0], $0x1F80, $0x38;
	[tilespmem:$0x1DB80] =	vst v63  }
0x659: {  	_ =	swait.ge [sflag:s30], $0x5E80  }
0x65a: {  	[sflag:s30] =	ssyncset.done $0x0  }
0x65b: {  	s29 =	simm.s32 $0x5;
	[sflag:s30] =	ssyncadd.s32 $0xFFFFA180  }
0x65c: {  	_ =	swait.ge [sflag:s29], $0x1F80  }
0x65d: {  	s30 =	sand.u32 $0x70, s0;
	s0 =	sand.u32 $0x7E00, s0;
	[sflag:s29] =	ssyncset.done $0x0  }
0x65e: {  	s0 =	sor.u32 s30, s0;
	[sflag:s29] =	ssyncadd.s32 $0xFFFFE080  }
0x65f: {  	v3 =	vld [tilespmem:s0+$0x7E00]  }
0x660: {  	s30 =	simm.s32 $0x0;
	v4 =	vld [tilespmem:s0+$0x7E80]  }
0x661: {  	v5 =	vld [tilespmem:s30+$0x19980]  }
0x662: {  	v6 =	vld [tilespmem:s0+$0x7F00]  }
0x663: {  	s3 =	simm.s32 $0x10;
	s30 =	simm.s32 $0x40  }
0x664: {  	s0 =	sand.u32 $0x70, s3;
	s3 =	sand.u32 $0x7E00, s30  }
0x665: {  	s0 =	sor.u32 s0, s3;
	v3 =	vmul.f32 v3, v3;
	v4 =	vmul.f32 v4, v4  }
0x666: {  	v7 =	vld [tilespmem:s0+$0x7E00]  }
0x667: {  	s30 =	simm.s32 $0x10;
	v5 =	vcvt.s32.f32 v5;
	v3 =	vadd.f32 v4, v3;
	v4 =	vmul.f32 v6, v6;
	v6 =	vld [tilespmem:s0+$0x7E80]  }
0x668: {  	v8 =	vld [tilespmem:s30+$0x19980]  }
0x669: {  	s29 =	simm.s32 $0x20;
	s3 =	simm.s32 $0x80;
	v5 =	vmul.f32 $1.600000000e+01, v5;
	v3 =	vadd.f32 v4, v3;
	v4 =	vld [tilespmem:s0+$0x7F00]  }
0x66a: {  	s30 =	sand.u32 $0x70, s29;
	s3 =	sand.u32 $0x7E00, s3  }
0x66b: {  	s0 =	sor.u32 s30, s3;
	v3 =	vadd.f32 v5, v3  }
0x66c: {  	v9 =	vld [tilespmem:s0+$0x7E80];
	v5 =	vmul.f32 v7, v7;
	v6 =	vmul.f32 v6, v6  }
0x66d: {  	s30 =	simm.s32 $0x20;
	v7 =	vld [tilespmem:s0+$0x7E00];
	v10 =	vmul.f32 v3, v3  }
0x66e: {  	v8 =	vcvt.s32.f32 v8;
	v11 =	vld [tilespmem:s30+$0x19980];
	v5 =	vadd.f32 v6, v5;
	v4 =	vmul.f32 v4, v4  }
0x66f: {  	s29 =	simm.s32 $0x30;
	s3 =	simm.s32 $0xC0;
	v6 =	vld [tilespmem:s0+$0x7F00];
	v3 =	vmul.f32 v10, v3  }
0x670: {  	v8 =	vmul.f32 $1.600000000e+01, v8;
	s30 =	sand.u32 $0x70, s29;
	s3 =	sand.u32 $0x7E00, s3;
	v4 =	vadd.f32 v4, v5  }
0x671: {  	s0 =	sor.u32 s30, s3;
	(erf) = vrcp.f32 v3  }
0x672: {  	v5 =	vld [tilespmem:s0+$0x7E00];
	v3 =	vmul.f32 v7, v7;
	v7 =	vmul.f32 v9, v9;
	v4 =	vadd.f32 v8, v4  }
0x673: {  	s30 =	simm.s32 $0x30;
	v10 =	vcvt.s32.f32 v11;
	v9 =	vld [tilespmem:s0+$0x7E80]  }
0x674: {  	v8 =	vld [tilespmem:s30+$0x19980];
	v3 =	vadd.f32 v7, v3;
	v6 =	vmul.f32 v6, v6;
	v11 =	vmul.f32 v4, v4  }
0x675: {  	s3 =	simm.s32 $0x40;
	s30 =	simm.s32 $0x100;
	v7 =	vld [tilespmem:s0+$0x7F00]  }
0x676: {  	s3 =	sand.u32 $0x70, s3;
	v10 =	vmul.f32 $1.600000000e+01, v10;
	s0 =	sand.u32 $0x7E00, s30;
	v6 =	vadd.f32 v6, v3;
	v11 =	vmul.f32 v11, v4  }
0x677: {  	s0 =	sor.u32 s3, s0;
	v12 =	vmul.f32 v5, v5  }
0x678: {  	v3 =	vld [tilespmem:s0+$0x7E00];
	v9 =	vmul.f32 v9, v9;
	v4 =	vadd.f32 v10, v6;
	(erf) = vrcp.f32 v11  }
0x679: {  	s30 =	simm.s32 $0x40;
	v5 =	vld [tilespmem:s0+$0x7E80];
	v8 =	vcvt.s32.f32 v8  }
0x67a: {  	v6 =	vld [tilespmem:s30+$0x19980];
	v11 =	vmul.f32 v7, v7;
	v12 =	vadd.f32 v9, v12;
	v9 =	vmul.f32 v4, v4  }
0x67b: {  	s29 =	simm.s32 $0x50;
	v7 =	vld [tilespmem:s0+$0x7F00];
	s0 =	simm.s32 $0x140;
	v8 =	vmul.f32 $1.600000000e+01, v8;
	v10 =	vpop (erf)  }
.LBB2_84:
0x67c: {  	s3 =	sand.u32 $0x70, s29;
	s30 =	sand.u32 $0x7E00, s0;
	v11 =	vadd.f32 v11, v12;
	v9 =	vmul.f32 v9, v4;
	v4 =	vmax.f32 v10, $1.371742110e-03;
	p1 =	sne.s32 s29, $0x1F70  }
.Ltmp41:
0x67d: {  	s29 =	sadd.s32 $0x10, s29;
	s3 =	sor.u32 s3, s30;
	v10 =	vmul.f32 v3, v3;
	v12 =	vadd.f32 $-1.371742110e-03, v4;
	v13 =	vadd.f32 $-9.986282580e-01, v4;
	(pc) =	sbr.rel @p1 .LBB2_84-.Ltmp41, $4  }
0x67e: {  	v3 =	vld [tilespmem:s3+$0x7E00];
	v14 =	vmul.f32 v5, v5;
	v4 =	vadd.f32 v8, v11;
	(erf) = vrcp.f32 v9  }
0x67f: {  	s30 =	sshra.s32 s0, $0x2;
	v5 =	vld [tilespmem:s3+$0x7E80];
	v8 =	vcvt.s32.f32 v6;
	v13 =	vmul.f32 v13, v12  }
0x680: {  	v6 =	vld [tilespmem:s30+$0x19980];
	v12 =	vadd.f32 v14, v10;
	v11 =	vmul.f32 v7, v7;
	v9 =	vmul.f32 v4, v4  }
0x681: {  	s0 =	sadd.s32 $0x40, s0;
	v7 =	vld [tilespmem:s3+$0x7F00];
	v8 =	vmul.f32 $1.600000000e+01, v8;
	v10 =	vpop (erf);
	v2 =	vadd.f32 v13, v2  }
0x682: {  	_ =	sdelay $0x1  }
0x683: {  	v3 =	vmul.f32 v3, v3;
	v5 =	vmul.f32 v5, v5  }
0x684: {  	v11 =	vadd.f32 v11, v12  }
0x685: {  	v6 =	vcvt.s32.f32 v6;
	v3 =	vadd.f32 v5, v3;
	v49 =	vmul.f32 v7, v7;
	_ =	sdelay $0x1  }
0x686: {  	v50 =	vadd.f32 v8, v11;
	v6 =	vmul.f32 $1.600000000e+01, v6;
	v3 =	vadd.f32 v49, v3  }
0x687: {  	v4 =	vmul.f32 v9, v4  }
0x688: {  	v51 =	vmul.f32 v50, v50;
	v3 =	vadd.f32 v6, v3  }
0x689: {  	(erf) = vrcp.f32 v4  }
0x68a: {  	v52 =	vmul.f32 v51, v50;
	v53 =	vmul.f32 v3, v3;
	_ =	sdelay $0x1  }
0x68b: {  	(erf) = vrcp.f32 v52;
	v3 =	vmul.f32 v53, v3;
	_ =	sdelay $0x1  }
0x68c: {  	v54 =	vmax.f32 v10, $1.371742110e-03;
	(erf) = vrcp.f32 v3  }
0x68d: {  	v4 =	vadd.f32 $-9.986282580e-01, v54;
	v3 =	vadd.f32 $-1.371742110e-03, v54  }
0x68e: {  	v55 =	vpop (erf)  }
0x68f: {  	v56 =	vmax.f32 v55, $1.371742110e-03;
	v3 =	vmul.f32 v4, v3  }
0x690: {  	v58 =	vadd.f32 $-1.371742110e-03, v56;
	v57 =	vpop (erf);
	v4 =	vadd.f32 $-9.986282580e-01, v56  }
0x691: {  	v2 =	vadd.f32 v3, v2;
	v3 =	vmax.f32 v57, $1.371742110e-03  }
0x692: {  	v4 =	vmul.f32 v4, v58;
	v5 =	vadd.f32 $-1.371742110e-03, v3;
	v3 =	vadd.f32 $-9.986282580e-01, v3  }
0x693: {  	v59 =	vpop (erf)  }
0x694: {  	v60 =	vmax.f32 v59, $1.371742110e-03;
	v2 =	vadd.f32 v4, v2;
	v3 =	vmul.f32 v3, v5  }
0x695: {  	v61 =	vadd.f32 $-1.371742110e-03, v60;
	v4 =	vadd.f32 $-9.986282580e-01, v60;
	v62 =	vpop (erf)  }
0x696: {  	v2 =	vadd.f32 v3, v2;
	v3 =	vmax.f32 v62, $1.371742110e-03  }
0x697: {  	v4 =	vmul.f32 v4, v61;
	v63 =	vadd.f32 $-1.371742110e-03, v3;
	v3 =	vadd.f32 $-9.986282580e-01, v3;
	_ =	sdelay $0x1  }
0x698: {  	v2 =	vadd.f32 v4, v2;
	v3 =	vmul.f32 v3, v63  }
0x699: {  	s0 =	simm.s32 $0x7E00  }
0x69a: {  	s29 =	simm.s32 $0x40;
	s30 =	sadd.s32 $0x0, s24;
	s3 =	simm.s32 $0x8000;
	v2 =	vadd.f32 v3, v2  }
.LBB2_86:
0x69b: {  	[tilespmem:s0], [sflag:$0x2] =	stream.linear.gather [hbm4b:s30+s28], $0x180, $0x38;
	[tilespmem:$0x1DB80] =	vst v63  }
0x69c: {  	s30 =	smov.u32 s29;
	s0 =	smov.u32 s3;
	p1 =	sne.s32 s29, $0xF80  }
.Ltmp42:
0x69d: {  	s29 =	sadd.s32 $0x40, s29;
	(pc) =	sbr.rel @p1 .LBB2_86-.Ltmp42, $2  }
0x69e: {  	_ =	sdelay $0x2  }
0x69f: {  	s3 =	sadd.s32 $0x200, s3;
	s30 =	sadd.s32 s30, s24  }
0x6a0: {  	[tilespmem:s0], [sflag:$0x2] =	stream.linear.gather [hbm4b:s30+s28], $0x180, $0x38;
	[tilespmem:$0x1DB80] =	vst v63  }
0x6a1: {  	s0 =	simm.s32 $0x0  }
0x6a2: {  	s3 =	rddreg [dreg:$0x1c];
	s29 =	simm.s32 $0x19980;
	s30 =	simm.s32 $0x3  }
0x6a3: {  	[tilespmem:s29], [sflag:$0x5] =	stream.linear.gather [hbm4b:s3+s0], $0x1F80, $0x38;
	[tilespmem:$0x1DB80] =	vst v63  }
0x6a4: {  	_ =	swait.ge [sflag:s30], $0x5E80  }
0x6a5: {  	[sflag:s30] =	ssyncset.done $0x0  }
0x6a6: {  	s29 =	simm.s32 $0x6;
	[sflag:s30] =	ssyncadd.s32 $0xFFFFA180  }
0x6a7: {  	_ =	swait.ge [sflag:s29], $0x1F80  }
0x6a8: {  	s30 =	sand.u32 $0x70, s0;
	s0 =	sand.u32 $0x7E00, s0;
	[sflag:s29] =	ssyncset.done $0x0  }
0x6a9: {  	s0 =	sor.u32 s30, s0;
	[sflag:s29] =	ssyncadd.s32 $0xFFFFE080  }
0x6aa: {  	v3 =	vld [tilespmem:s0+$0xFC00]  }
0x6ab: {  	s30 =	simm.s32 $0x0;
	v4 =	vld [tilespmem:s0+$0xFC80]  }
0x6ac: {  	v5 =	vld [tilespmem:s30+$0x1B900]  }
0x6ad: {  	v6 =	vld [tilespmem:s0+$0xFD00]  }
0x6ae: {  	s3 =	simm.s32 $0x10;
	s30 =	simm.s32 $0x40  }
0x6af: {  	s0 =	sand.u32 $0x70, s3;
	s3 =	sand.u32 $0x7E00, s30  }
0x6b0: {  	s0 =	sor.u32 s0, s3;
	v3 =	vmul.f32 v3, v3;
	v4 =	vmul.f32 v4, v4  }
0x6b1: {  	v7 =	vld [tilespmem:s0+$0xFC00]  }
0x6b2: {  	s30 =	simm.s32 $0x10;
	v5 =	vcvt.s32.f32 v5;
	v3 =	vadd.f32 v4, v3;
	v4 =	vmul.f32 v6, v6;
	v6 =	vld [tilespmem:s0+$0xFC80]  }
0x6b3: {  	v8 =	vld [tilespmem:s30+$0x1B900]  }
0x6b4: {  	s29 =	simm.s32 $0x20;
	s3 =	simm.s32 $0x80;
	v5 =	vmul.f32 $1.600000000e+01, v5;
	v3 =	vadd.f32 v4, v3;
	v4 =	vld [tilespmem:s0+$0xFD00]  }
0x6b5: {  	s30 =	sand.u32 $0x70, s29;
	s3 =	sand.u32 $0x7E00, s3  }
0x6b6: {  	s0 =	sor.u32 s30, s3;
	v3 =	vadd.f32 v5, v3  }
0x6b7: {  	v9 =	vld [tilespmem:s0+$0xFC80];
	v5 =	vmul.f32 v7, v7;
	v6 =	vmul.f32 v6, v6  }
0x6b8: {  	s30 =	simm.s32 $0x20;
	v7 =	vld [tilespmem:s0+$0xFC00];
	v10 =	vmul.f32 v3, v3  }
0x6b9: {  	v8 =	vcvt.s32.f32 v8;
	v11 =	vld [tilespmem:s30+$0x1B900];
	v5 =	vadd.f32 v6, v5;
	v4 =	vmul.f32 v4, v4  }
0x6ba: {  	s29 =	simm.s32 $0x30;
	s3 =	simm.s32 $0xC0;
	v6 =	vld [tilespmem:s0+$0xFD00];
	v3 =	vmul.f32 v10, v3  }
0x6bb: {  	v8 =	vmul.f32 $1.600000000e+01, v8;
	s30 =	sand.u32 $0x70, s29;
	s3 =	sand.u32 $0x7E00, s3;
	v4 =	vadd.f32 v4, v5  }
0x6bc: {  	s0 =	sor.u32 s30, s3;
	(erf) = vrcp.f32 v3  }
0x6bd: {  	v5 =	vld [tilespmem:s0+$0xFC00];
	v3 =	vmul.f32 v7, v7;
	v7 =	vmul.f32 v9, v9;
	v4 =	vadd.f32 v8, v4  }
0x6be: {  	s30 =	simm.s32 $0x30;
	v10 =	vcvt.s32.f32 v11;
	v9 =	vld [tilespmem:s0+$0xFC80]  }
0x6bf: {  	v8 =	vld [tilespmem:s30+$0x1B900];
	v3 =	vadd.f32 v7, v3;
	v6 =	vmul.f32 v6, v6;
	v11 =	vmul.f32 v4, v4  }
0x6c0: {  	s3 =	simm.s32 $0x40;
	s30 =	simm.s32 $0x100;
	v7 =	vld [tilespmem:s0+$0xFD00]  }
0x6c1: {  	s3 =	sand.u32 $0x70, s3;
	v10 =	vmul.f32 $1.600000000e+01, v10;
	s0 =	sand.u32 $0x7E00, s30;
	v6 =	vadd.f32 v6, v3;
	v11 =	vmul.f32 v11, v4  }
0x6c2: {  	s0 =	sor.u32 s3, s0;
	v12 =	vmul.f32 v5, v5  }
0x6c3: {  	v3 =	vld [tilespmem:s0+$0xFC00];
	v9 =	vmul.f32 v9, v9;
	v4 =	vadd.f32 v10, v6;
	(erf) = vrcp.f32 v11  }
0x6c4: {  	s30 =	simm.s32 $0x40;
	v5 =	vld [tilespmem:s0+$0xFC80];
	v8 =	vcvt.s32.f32 v8  }
0x6c5: {  	v6 =	vld [tilespmem:s30+$0x1B900];
	v11 =	vmul.f32 v7, v7;
	v12 =	vadd.f32 v9, v12;
	v9 =	vmul.f32 v4, v4  }
0x6c6: {  	s29 =	simm.s32 $0x50;
	v7 =	vld [tilespmem:s0+$0xFD00];
	s0 =	simm.s32 $0x140;
	v8 =	vmul.f32 $1.600000000e+01, v8;
	v10 =	vpop (erf)  }
.LBB2_88:
0x6c7: {  	s3 =	sand.u32 $0x70, s29;
	s30 =	sand.u32 $0x7E00, s0;
	v11 =	vadd.f32 v11, v12;
	v9 =	vmul.f32 v9, v4;
	v4 =	vmax.f32 v10, $1.371742110e-03;
	p1 =	sne.s32 s29, $0x1F70  }
.Ltmp43:
0x6c8: {  	s29 =	sadd.s32 $0x10, s29;
	s3 =	sor.u32 s3, s30;
	v10 =	vmul.f32 v3, v3;
	v12 =	vadd.f32 $-1.371742110e-03, v4;
	v13 =	vadd.f32 $-9.986282580e-01, v4;
	(pc) =	sbr.rel @p1 .LBB2_88-.Ltmp43, $4  }
0x6c9: {  	v3 =	vld [tilespmem:s3+$0xFC00];
	v14 =	vmul.f32 v5, v5;
	v4 =	vadd.f32 v8, v11;
	(erf) = vrcp.f32 v9  }
0x6ca: {  	s30 =	sshra.s32 s0, $0x2;
	v5 =	vld [tilespmem:s3+$0xFC80];
	v8 =	vcvt.s32.f32 v6;
	v13 =	vmul.f32 v13, v12  }
0x6cb: {  	v6 =	vld [tilespmem:s30+$0x1B900];
	v12 =	vadd.f32 v14, v10;
	v11 =	vmul.f32 v7, v7;
	v9 =	vmul.f32 v4, v4  }
0x6cc: {  	s0 =	sadd.s32 $0x40, s0;
	v7 =	vld [tilespmem:s3+$0xFD00];
	v8 =	vmul.f32 $1.600000000e+01, v8;
	v10 =	vpop (erf);
	v2 =	vadd.f32 v13, v2  }
0x6cd: {  	_ =	sdelay $0x1  }
0x6ce: {  	v3 =	vmul.f32 v3, v3;
	v5 =	vmul.f32 v5, v5  }
0x6cf: {  	v11 =	vadd.f32 v11, v12  }
0x6d0: {  	v6 =	vcvt.s32.f32 v6;
	v3 =	vadd.f32 v5, v3;
	v49 =	vmul.f32 v7, v7;
	_ =	sdelay $0x1  }
0x6d1: {  	v50 =	vadd.f32 v8, v11;
	v6 =	vmul.f32 $1.600000000e+01, v6;
	v3 =	vadd.f32 v49, v3  }
0x6d2: {  	v4 =	vmul.f32 v9, v4  }
0x6d3: {  	v51 =	vmul.f32 v50, v50;
	v3 =	vadd.f32 v6, v3  }
0x6d4: {  	(erf) = vrcp.f32 v4  }
0x6d5: {  	v52 =	vmul.f32 v51, v50;
	v53 =	vmul.f32 v3, v3;
	_ =	sdelay $0x1  }
0x6d6: {  	(erf) = vrcp.f32 v52;
	v3 =	vmul.f32 v53, v3;
	_ =	sdelay $0x1  }
0x6d7: {  	v54 =	vmax.f32 v10, $1.371742110e-03;
	(erf) = vrcp.f32 v3  }
0x6d8: {  	v4 =	vadd.f32 $-9.986282580e-01, v54;
	v3 =	vadd.f32 $-1.371742110e-03, v54  }
0x6d9: {  	v55 =	vpop (erf)  }
0x6da: {  	v56 =	vmax.f32 v55, $1.371742110e-03;
	v3 =	vmul.f32 v4, v3  }
0x6db: {  	v58 =	vadd.f32 $-1.371742110e-03, v56;
	v57 =	vpop (erf);
	v4 =	vadd.f32 $-9.986282580e-01, v56  }
0x6dc: {  	v2 =	vadd.f32 v3, v2;
	v3 =	vmax.f32 v57, $1.371742110e-03  }
0x6dd: {  	v4 =	vmul.f32 v4, v58;
	v5 =	vadd.f32 $-1.371742110e-03, v3;
	v3 =	vadd.f32 $-9.986282580e-01, v3  }
0x6de: {  	v59 =	vpop (erf)  }
0x6df: {  	v60 =	vmax.f32 v59, $1.371742110e-03;
	v2 =	vadd.f32 v4, v2;
	v3 =	vmul.f32 v3, v5  }
0x6e0: {  	v61 =	vadd.f32 $-1.371742110e-03, v60;
	v4 =	vadd.f32 $-9.986282580e-01, v60;
	v62 =	vpop (erf)  }
0x6e1: {  	v2 =	vadd.f32 v3, v2;
	v3 =	vmax.f32 v62, $1.371742110e-03  }
0x6e2: {  	v4 =	vmul.f32 v4, v61;
	v63 =	vadd.f32 $-1.371742110e-03, v3;
	v3 =	vadd.f32 $-9.986282580e-01, v3;
	_ =	sdelay $0x1  }
0x6e3: {  	v2 =	vadd.f32 v4, v2;
	v3 =	vmul.f32 v3, v63  }
0x6e4: {  	s0 =	simm.s32 $0xFC00  }
0x6e5: {  	s29 =	simm.s32 $0x40;
	s30 =	sadd.s32 $0x0, s25;
	s3 =	simm.s32 $0xFE00;
	v2 =	vadd.f32 v3, v2  }
.LBB2_90:
0x6e6: {  	[tilespmem:s0], [sflag:$0x3] =	stream.linear.gather [hbm4b:s30+s28], $0x180, $0x38;
	[tilespmem:$0x1DB80] =	vst v63  }
0x6e7: {  	s30 =	smov.u32 s29;
	s0 =	smov.u32 s3;
	p1 =	sne.s32 s29, $0xF80  }
.Ltmp44:
0x6e8: {  	s29 =	sadd.s32 $0x40, s29;
	(pc) =	sbr.rel @p1 .LBB2_90-.Ltmp44, $2  }
0x6e9: {  	_ =	sdelay $0x2  }
0x6ea: {  	s3 =	sadd.s32 $0x200, s3;
	s30 =	sadd.s32 s30, s25  }
0x6eb: {  	[tilespmem:s0], [sflag:$0x3] =	stream.linear.gather [hbm4b:s30+s28], $0x180, $0x38;
	[tilespmem:$0x1DB80] =	vst v63  }
0x6ec: {  	s0 =	simm.s32 $0x0  }
0x6ed: {  	s3 =	rddreg [dreg:$0x1d];
	s29 =	simm.s32 $0x1B900;
	s30 =	simm.s32 $0x1  }
0x6ee: {  	[tilespmem:s29], [sflag:$0x6] =	stream.linear.gather [hbm4b:s3+s0], $0x1F80, $0x38;
	[tilespmem:$0x1DB80] =	vst v63  }
0x6ef: {  	_ =	swait.ge [sflag:s30], $0x5E80  }
0x6f0: {  	[sflag:s30] =	ssyncset.done $0x0  }
0x6f1: {  	[sflag:s30] =	ssyncadd.s32 $0xFFFFA180  }
0x6f2: {  	_ =	swait.ge [sflag:s31], $0x1F80  }
0x6f3: {  	s30 =	sand.u32 $0x70, s0;
	s0 =	sand.u32 $0x7E00, s0;
	[sflag:s31] =	ssyncset.done $0x0  }
0x6f4: {  	s0 =	sor.u32 s30, s0;
	[sflag:s31] =	ssyncadd.s32 $0xFFFFE080  }
0x6f5: {  	v3 =	vld [tilespmem:s0+$0x0]  }
0x6f6: {  	s30 =	simm.s32 $0x0;
	v4 =	vld [tilespmem:s0+$0x80]  }
0x6f7: {  	v5 =	vld [tilespmem:s30+$0x17A00]  }
0x6f8: {  	v6 =	vld [tilespmem:s0+$0x100]  }
0x6f9: {  	s3 =	simm.s32 $0x10;
	s30 =	simm.s32 $0x40  }
0x6fa: {  	s0 =	sand.u32 $0x70, s3;
	s3 =	sand.u32 $0x7E00, s30  }
0x6fb: {  	s0 =	sor.u32 s0, s3;
	v3 =	vmul.f32 v3, v3;
	v4 =	vmul.f32 v4, v4  }
0x6fc: {  	v7 =	vld [tilespmem:s0+$0x0]  }
0x6fd: {  	s30 =	simm.s32 $0x10;
	v5 =	vcvt.s32.f32 v5;
	v3 =	vadd.f32 v4, v3;
	v4 =	vmul.f32 v6, v6;
	v6 =	vld [tilespmem:s0+$0x80]  }
0x6fe: {  	v8 =	vld [tilespmem:s30+$0x17A00]  }
0x6ff: {  	s29 =	simm.s32 $0x20;
	s3 =	simm.s32 $0x80;
	v5 =	vmul.f32 $1.600000000e+01, v5;
	v3 =	vadd.f32 v4, v3;
	v4 =	vld [tilespmem:s0+$0x100]  }
0x700: {  	s30 =	sand.u32 $0x70, s29;
	s3 =	sand.u32 $0x7E00, s3  }
0x701: {  	s0 =	sor.u32 s30, s3;
	v3 =	vadd.f32 v5, v3  }
0x702: {  	v9 =	vld [tilespmem:s0+$0x80];
	v5 =	vmul.f32 v7, v7;
	v6 =	vmul.f32 v6, v6  }
0x703: {  	s30 =	simm.s32 $0x20;
	v7 =	vld [tilespmem:s0+$0x0];
	v10 =	vmul.f32 v3, v3  }
0x704: {  	v8 =	vcvt.s32.f32 v8;
	v11 =	vld [tilespmem:s30+$0x17A00];
	v5 =	vadd.f32 v6, v5;
	v4 =	vmul.f32 v4, v4  }
0x705: {  	s29 =	simm.s32 $0x30;
	s3 =	simm.s32 $0xC0;
	v6 =	vld [tilespmem:s0+$0x100];
	v3 =	vmul.f32 v10, v3  }
0x706: {  	v8 =	vmul.f32 $1.600000000e+01, v8;
	s30 =	sand.u32 $0x70, s29;
	s3 =	sand.u32 $0x7E00, s3;
	v4 =	vadd.f32 v4, v5  }
0x707: {  	s0 =	sor.u32 s30, s3;
	(erf) = vrcp.f32 v3  }
0x708: {  	v5 =	vld [tilespmem:s0+$0x0];
	v3 =	vmul.f32 v7, v7;
	v7 =	vmul.f32 v9, v9;
	v4 =	vadd.f32 v8, v4  }
0x709: {  	s30 =	simm.s32 $0x30;
	v10 =	vcvt.s32.f32 v11;
	v9 =	vld [tilespmem:s0+$0x80]  }
0x70a: {  	v8 =	vld [tilespmem:s30+$0x17A00];
	v3 =	vadd.f32 v7, v3;
	v6 =	vmul.f32 v6, v6;
	v11 =	vmul.f32 v4, v4  }
0x70b: {  	s3 =	simm.s32 $0x40;
	s30 =	simm.s32 $0x100;
	v7 =	vld [tilespmem:s0+$0x100]  }
0x70c: {  	s3 =	sand.u32 $0x70, s3;
	v10 =	vmul.f32 $1.600000000e+01, v10;
	s0 =	sand.u32 $0x7E00, s30;
	v6 =	vadd.f32 v6, v3;
	v11 =	vmul.f32 v11, v4  }
0x70d: {  	s0 =	sor.u32 s3, s0;
	v12 =	vmul.f32 v5, v5  }
0x70e: {  	v3 =	vld [tilespmem:s0+$0x0];
	v9 =	vmul.f32 v9, v9;
	v4 =	vadd.f32 v10, v6;
	(erf) = vrcp.f32 v11  }
0x70f: {  	s30 =	simm.s32 $0x40;
	v5 =	vld [tilespmem:s0+$0x80];
	v8 =	vcvt.s32.f32 v8  }
0x710: {  	v6 =	vld [tilespmem:s30+$0x17A00];
	v11 =	vmul.f32 v7, v7;
	v12 =	vadd.f32 v9, v12;
	v9 =	vmul.f32 v4, v4  }
0x711: {  	s29 =	simm.s32 $0x50;
	v7 =	vld [tilespmem:s0+$0x100];
	s0 =	simm.s32 $0x140;
	v8 =	vmul.f32 $1.600000000e+01, v8;
	v10 =	vpop (erf)  }
.LBB2_92:
0x712: {  	s3 =	sand.u32 $0x70, s29;
	s30 =	sand.u32 $0x7E00, s0;
	v11 =	vadd.f32 v11, v12;
	v9 =	vmul.f32 v9, v4;
	v4 =	vmax.f32 v10, $1.371742110e-03;
	p1 =	sne.s32 s29, $0x1F70  }
.Ltmp45:
0x713: {  	s29 =	sadd.s32 $0x10, s29;
	s3 =	sor.u32 s3, s30;
	v10 =	vmul.f32 v3, v3;
	v12 =	vadd.f32 $-1.371742110e-03, v4;
	v13 =	vadd.f32 $-9.986282580e-01, v4;
	(pc) =	sbr.rel @p1 .LBB2_92-.Ltmp45, $4  }
0x714: {  	v3 =	vld [tilespmem:s3+$0x0];
	v14 =	vmul.f32 v5, v5;
	v4 =	vadd.f32 v8, v11;
	(erf) = vrcp.f32 v9  }
0x715: {  	s30 =	sshra.s32 s0, $0x2;
	v5 =	vld [tilespmem:s3+$0x80];
	v8 =	vcvt.s32.f32 v6;
	v13 =	vmul.f32 v13, v12  }
0x716: {  	v6 =	vld [tilespmem:s30+$0x17A00];
	v12 =	vadd.f32 v14, v10;
	v11 =	vmul.f32 v7, v7;
	v9 =	vmul.f32 v4, v4  }
0x717: {  	s0 =	sadd.s32 $0x40, s0;
	v7 =	vld [tilespmem:s3+$0x100];
	v8 =	vmul.f32 $1.600000000e+01, v8;
	v10 =	vpop (erf);
	v2 =	vadd.f32 v13, v2  }
0x718: {  	_ =	sdelay $0x1  }
0x719: {  	v3 =	vmul.f32 v3, v3;
	v5 =	vmul.f32 v5, v5  }
0x71a: {  	v11 =	vadd.f32 v11, v12  }
0x71b: {  	v6 =	vcvt.s32.f32 v6;
	v3 =	vadd.f32 v5, v3;
	v49 =	vmul.f32 v7, v7;
	_ =	sdelay $0x1  }
0x71c: {  	v50 =	vadd.f32 v8, v11;
	v6 =	vmul.f32 $1.600000000e+01, v6;
	v3 =	vadd.f32 v49, v3  }
0x71d: {  	v4 =	vmul.f32 v9, v4  }
0x71e: {  	v51 =	vmul.f32 v50, v50;
	v3 =	vadd.f32 v6, v3  }
0x71f: {  	(erf) = vrcp.f32 v4  }
0x720: {  	v52 =	vmul.f32 v51, v50;
	v53 =	vmul.f32 v3, v3;
	_ =	sdelay $0x1  }
0x721: {  	(erf) = vrcp.f32 v52;
	v3 =	vmul.f32 v53, v3;
	_ =	sdelay $0x1  }
0x722: {  	v54 =	vmax.f32 v10, $1.371742110e-03;
	(erf) = vrcp.f32 v3  }
0x723: {  	v4 =	vadd.f32 $-9.986282580e-01, v54;
	v3 =	vadd.f32 $-1.371742110e-03, v54  }
0x724: {  	v55 =	vpop (erf)  }
0x725: {  	v56 =	vmax.f32 v55, $1.371742110e-03;
	v3 =	vmul.f32 v4, v3  }
0x726: {  	v58 =	vadd.f32 $-1.371742110e-03, v56;
	v57 =	vpop (erf);
	v4 =	vadd.f32 $-9.986282580e-01, v56  }
0x727: {  	v2 =	vadd.f32 v3, v2;
	v3 =	vmax.f32 v57, $1.371742110e-03  }
0x728: {  	v4 =	vmul.f32 v4, v58;
	v5 =	vadd.f32 $-1.371742110e-03, v3;
	v3 =	vadd.f32 $-9.986282580e-01, v3  }
0x729: {  	v59 =	vpop (erf)  }
0x72a: {  	v60 =	vmax.f32 v59, $1.371742110e-03;
	v2 =	vadd.f32 v4, v2;
	v3 =	vmul.f32 v3, v5  }
0x72b: {  	v61 =	vadd.f32 $-1.371742110e-03, v60;
	v4 =	vadd.f32 $-9.986282580e-01, v60;
	v62 =	vpop (erf)  }
0x72c: {  	v2 =	vadd.f32 v3, v2;
	v3 =	vmax.f32 v62, $1.371742110e-03  }
0x72d: {  	v4 =	vmul.f32 v4, v61;
	v63 =	vadd.f32 $-1.371742110e-03, v3;
	v3 =	vadd.f32 $-9.986282580e-01, v3;
	_ =	sdelay $0x1  }
0x72e: {  	v2 =	vadd.f32 v4, v2;
	v3 =	vmul.f32 v3, v63  }
0x72f: {  	s0 =	simm.s32 $0x0  }
0x730: {  	s29 =	simm.s32 $0x40;
	s30 =	sadd.s32 $0x0, s26;
	s3 =	simm.s32 $0x200;
	v2 =	vadd.f32 v3, v2  }
.LBB2_94:
0x731: {  	[tilespmem:s0], [sflag:$0x1] =	stream.linear.gather [hbm4b:s30+s28], $0x180, $0x38;
	[tilespmem:$0x1DB80] =	vst v63  }
0x732: {  	s30 =	smov.u32 s29;
	s0 =	smov.u32 s3;
	p1 =	sne.s32 s29, $0xF80  }
.Ltmp46:
0x733: {  	s29 =	sadd.s32 $0x40, s29;
	(pc) =	sbr.rel @p1 .LBB2_94-.Ltmp46, $2  }
0x734: {  	_ =	sdelay $0x2  }
0x735: {  	s3 =	sadd.s32 $0x200, s3;
	s30 =	sadd.s32 s30, s26  }
0x736: {  	[tilespmem:s0], [sflag:$0x1] =	stream.linear.gather [hbm4b:s30+s28], $0x180, $0x38;
	[tilespmem:$0x1DB80] =	vst v63  }
0x737: {  	s0 =	simm.s32 $0x0  }
0x738: {  	s3 =	rddreg [dreg:$0x1e];
	s29 =	simm.s32 $0x17A00;
	s30 =	simm.s32 $0x2  }
0x739: {  	[tilespmem:s29], [sflag:$0x4] =	stream.linear.gather [hbm4b:s3+s0], $0x1F80, $0x38;
	[tilespmem:$0x1DB80] =	vst v63  }
0x73a: {  	_ =	swait.ge [sflag:s30], $0x5E80  }
0x73b: {  	[sflag:s30] =	ssyncset.done $0x0  }
0x73c: {  	s29 =	simm.s32 $0x5;
	[sflag:s30] =	ssyncadd.s32 $0xFFFFA180  }
0x73d: {  	_ =	swait.ge [sflag:s29], $0x1F80  }
0x73e: {  	s30 =	sand.u32 $0x70, s0;
	s0 =	sand.u32 $0x7E00, s0;
	[sflag:s29] =	ssyncset.done $0x0  }
0x73f: {  	s0 =	sor.u32 s30, s0;
	[sflag:s29] =	ssyncadd.s32 $0xFFFFE080  }
0x740: {  	v3 =	vld [tilespmem:s0+$0x7E00]  }
0x741: {  	s30 =	simm.s32 $0x0;
	v4 =	vld [tilespmem:s0+$0x7E80]  }
0x742: {  	v5 =	vld [tilespmem:s30+$0x19980]  }
0x743: {  	v6 =	vld [tilespmem:s0+$0x7F00]  }
0x744: {  	s3 =	simm.s32 $0x10;
	s30 =	simm.s32 $0x40  }
0x745: {  	s0 =	sand.u32 $0x70, s3;
	s3 =	sand.u32 $0x7E00, s30  }
0x746: {  	s0 =	sor.u32 s0, s3;
	v3 =	vmul.f32 v3, v3;
	v4 =	vmul.f32 v4, v4  }
0x747: {  	v7 =	vld [tilespmem:s0+$0x7E00]  }
0x748: {  	s30 =	simm.s32 $0x10;
	v5 =	vcvt.s32.f32 v5;
	v3 =	vadd.f32 v4, v3;
	v4 =	vmul.f32 v6, v6;
	v6 =	vld [tilespmem:s0+$0x7E80]  }
0x749: {  	v8 =	vld [tilespmem:s30+$0x19980]  }
0x74a: {  	s29 =	simm.s32 $0x20;
	s3 =	simm.s32 $0x80;
	v5 =	vmul.f32 $1.600000000e+01, v5;
	v3 =	vadd.f32 v4, v3;
	v4 =	vld [tilespmem:s0+$0x7F00]  }
0x74b: {  	s30 =	sand.u32 $0x70, s29;
	s3 =	sand.u32 $0x7E00, s3  }
0x74c: {  	s0 =	sor.u32 s30, s3;
	v3 =	vadd.f32 v5, v3  }
0x74d: {  	v9 =	vld [tilespmem:s0+$0x7E80];
	v5 =	vmul.f32 v7, v7;
	v6 =	vmul.f32 v6, v6  }
0x74e: {  	s30 =	simm.s32 $0x20;
	v7 =	vld [tilespmem:s0+$0x7E00];
	v10 =	vmul.f32 v3, v3  }
0x74f: {  	v8 =	vcvt.s32.f32 v8;
	v11 =	vld [tilespmem:s30+$0x19980];
	v5 =	vadd.f32 v6, v5;
	v4 =	vmul.f32 v4, v4  }
0x750: {  	s29 =	simm.s32 $0x30;
	s3 =	simm.s32 $0xC0;
	v6 =	vld [tilespmem:s0+$0x7F00];
	v3 =	vmul.f32 v10, v3  }
0x751: {  	v8 =	vmul.f32 $1.600000000e+01, v8;
	s30 =	sand.u32 $0x70, s29;
	s3 =	sand.u32 $0x7E00, s3;
	v4 =	vadd.f32 v4, v5  }
0x752: {  	s0 =	sor.u32 s30, s3;
	(erf) = vrcp.f32 v3  }
0x753: {  	v5 =	vld [tilespmem:s0+$0x7E00];
	v3 =	vmul.f32 v7, v7;
	v7 =	vmul.f32 v9, v9;
	v4 =	vadd.f32 v8, v4  }
0x754: {  	s30 =	simm.s32 $0x30;
	v10 =	vcvt.s32.f32 v11;
	v9 =	vld [tilespmem:s0+$0x7E80]  }
0x755: {  	v8 =	vld [tilespmem:s30+$0x19980];
	v3 =	vadd.f32 v7, v3;
	v6 =	vmul.f32 v6, v6;
	v7 =	vmul.f32 v4, v4  }
0x756: {  	s3 =	simm.s32 $0x40;
	v11 =	vld [tilespmem:s0+$0x7F00];
	s30 =	simm.s32 $0x100  }
0x757: {  	s3 =	sand.u32 $0x70, s3;
	v10 =	vmul.f32 $1.600000000e+01, v10;
	s0 =	sand.u32 $0x7E00, s30;
	v3 =	vadd.f32 v6, v3;
	v4 =	vmul.f32 v7, v4  }
0x758: {  	s0 =	sor.u32 s3, s0;
	v12 =	vmul.f32 v5, v5  }
0x759: {  	v5 =	vld [tilespmem:s0+$0x7E00];
	v9 =	vmul.f32 v9, v9;
	v3 =	vadd.f32 v10, v3;
	(erf) = vrcp.f32 v4  }
0x75a: {  	s30 =	simm.s32 $0x40;
	v6 =	vld [tilespmem:s0+$0x7E80];
	v13 =	vcvt.s32.f32 v8  }
0x75b: {  	v11 =	vmul.f32 v11, v11;
	v7 =	vld [tilespmem:s30+$0x19980];
	v12 =	vadd.f32 v9, v12;
	v10 =	vmul.f32 v3, v3  }
0x75c: {  	s29 =	simm.s32 $0x50;
	v8 =	vld [tilespmem:s0+$0x7F00];
	s0 =	simm.s32 $0x140;
	v9 =	vmul.f32 $1.600000000e+01, v13;
	v4 =	vpop (erf)  }
.LBB2_96:
0x75d: {  	s3 =	sand.u32 $0x70, s29;
	s30 =	sand.u32 $0x7E00, s0;
	v11 =	vadd.f32 v11, v12;
	v10 =	vmul.f32 v10, v3;
	v3 =	vmax.f32 v4, $1.371742110e-03;
	p1 =	sne.s32 s29, $0x1F70  }
.Ltmp47:
0x75e: {  	s29 =	sadd.s32 $0x10, s29;
	s3 =	sor.u32 s3, s30;
	v4 =	vmul.f32 v5, v5;
	v12 =	vadd.f32 $-1.371742110e-03, v3;
	v13 =	vadd.f32 $-9.986282580e-01, v3;
	(pc) =	sbr.rel @p1 .LBB2_96-.Ltmp47, $4  }
0x75f: {  	v5 =	vld [tilespmem:s3+$0x7E00];
	v14 =	vmul.f32 v6, v6;
	v3 =	vadd.f32 v9, v11;
	(erf) = vrcp.f32 v10  }
0x760: {  	s30 =	sshra.s32 s0, $0x2;
	v6 =	vld [tilespmem:s3+$0x7E80];
	v9 =	vcvt.s32.f32 v7;
	v13 =	vmul.f32 v13, v12  }
0x761: {  	v7 =	vld [tilespmem:s30+$0x19980];
	v12 =	vadd.f32 v14, v4;
	v11 =	vmul.f32 v8, v8;
	v10 =	vmul.f32 v3, v3  }
0x762: {  	s0 =	sadd.s32 $0x40, s0;
	v8 =	vld [tilespmem:s3+$0x7F00];
	v9 =	vmul.f32 $1.600000000e+01, v9;
	v4 =	vpop (erf);
	v2 =	vadd.f32 v13, v2  }
0x763: {  	_ =	sdelay $0x1  }
0x764: {  	v5 =	vmul.f32 v5, v5;
	v6 =	vmul.f32 v6, v6;
	_ =	sdelay $0x1  }
0x765: {  	v7 =	vcvt.s32.f32 v7;
	v5 =	vadd.f32 v6, v5;
	v6 =	vmul.f32 v8, v8  }
0x766: {  	v8 =	vadd.f32 v11, v12  }
0x767: {  	v7 =	vmul.f32 $1.600000000e+01, v7;
	v5 =	vadd.f32 v6, v5  }
0x768: {  	v6 =	vadd.f32 v9, v8  }
0x769: {  	v5 =	vadd.f32 v7, v5  }
0x76a: {  	v7 =	vmul.f32 v6, v6  }
0x76b: {  	v3 =	vmul.f32 v10, v3;
	v8 =	vmul.f32 v5, v5  }
0x76c: {  	v6 =	vmul.f32 v7, v6  }
0x76d: {  	(erf) = vrcp.f32 v3;
	v3 =	vmul.f32 v8, v5  }
0x76e: {  	(erf) = vrcp.f32 v6  }
0x76f: {  	(erf) = vrcp.f32 v3;
	_ =	sdelay $0x5  }
0x770: {  	v3 =	vpop (erf)  }
0x771: {  	v5 =	vpop (erf)  }
0x772: {  	v6 =	vpop (erf)  }
0x773: {  	s0 =	simm.s32 $0x3;
	v7 =	vpop (erf)  }
0x774: {  	_ =	swait.ge [sflag:s0], $0x5E80  }
0x775: {  	[sflag:s0] =	ssyncset.done $0x0  }
0x776: {  	s29 =	simm.s32 $0x6;
	[sflag:s0] =	ssyncadd.s32 $0xFFFFA180  }
0x777: {  	s30 =	simm.s32 $0x0;
	_ =	swait.ge [sflag:s29], $0x1F80  }
0x778: {  	s3 =	sand.u32 $0x70, s30;
	s0 =	sand.u32 $0x7E00, s30;
	[sflag:s29] =	ssyncset.done $0x0  }
0x779: {  	s0 =	sor.u32 s3, s0;
	[sflag:s29] =	ssyncadd.s32 $0xFFFFE080  }
0x77a: {  	v8 =	vld [tilespmem:s0+$0xFC00]  }
0x77b: {  	v9 =	vld [tilespmem:s0+$0xFC80];
	_ =	sdelay $0x1  }
0x77c: {  	s30 =	simm.s32 $0x0;
	v11 =	vld [tilespmem:s0+$0xFD00]  }
0x77d: {  	v4 =	vmax.f32 v4, $1.371742110e-03;
	s3 =	simm.s32 $0x10;
	v10 =	vld [tilespmem:s30+$0x1B900];
	s30 =	simm.s32 $0x40  }
0x77e: {  	v12 =	vadd.f32 $-1.371742110e-03, v4;
	v4 =	vadd.f32 $-9.986282580e-01, v4;
	s0 =	sand.u32 $0x70, s3;
	s3 =	sand.u32 $0x7E00, s30  }
0x77f: {  	v3 =	vmax.f32 v3, $1.371742110e-03;
	s0 =	sor.u32 s0, s3;
	v8 =	vmul.f32 v8, v8;
	v9 =	vmul.f32 v9, v9  }
0x780: {  	v4 =	vmul.f32 v4, v12;
	v12 =	vadd.f32 $-1.371742110e-03, v3;
	v13 =	vld [tilespmem:s0+$0xFC00]  }
0x781: {  	v3 =	vadd.f32 $-9.986282580e-01, v3;
	s30 =	simm.s32 $0x10;
	v8 =	vadd.f32 v9, v8;
	v9 =	vmul.f32 v11, v11;
	v11 =	vld [tilespmem:s0+$0xFC80]  }
0x782: {  	v14 =	vld [tilespmem:s30+$0x1B900];
	v10 =	vcvt.s32.f32 v10  }
0x783: {  	v2 =	vadd.f32 v4, v2;
	v3 =	vmul.f32 v3, v12;
	s29 =	simm.s32 $0x20;
	s3 =	simm.s32 $0x80;
	v8 =	vadd.f32 v9, v8;
	v9 =	vld [tilespmem:s0+$0xFD00]  }
0x784: {  	s30 =	sand.u32 $0x70, s29;
	s3 =	sand.u32 $0x7E00, s3;
	v10 =	vmul.f32 $1.600000000e+01, v10  }
0x785: {  	v4 =	vmax.f32 v5, $1.371742110e-03;
	v2 =	vadd.f32 v3, v2;
	s0 =	sor.u32 s30, s3  }
0x786: {  	v12 =	vld [tilespmem:s0+$0xFC00];
	v5 =	vadd.f32 v10, v8;
	v10 =	vmul.f32 v13, v13;
	v11 =	vmul.f32 v11, v11  }
0x787: {  	v3 =	vmax.f32 v6, $1.371742110e-03;
	v7 =	vmax.f32 v7, $1.371742110e-03;
	v6 =	vcvt.s32.f32 v14;
	s30 =	simm.s32 $0x20;
	v13 =	vld [tilespmem:s0+$0xFC80]  }
0x788: {  	s3 =	simm.s32 $0xC0;
	v14 =	vld [tilespmem:s30+$0x1B900];
	v15 =	vmul.f32 v5, v5;
	v10 =	vadd.f32 v11, v10;
	v9 =	vmul.f32 v9, v9  }
0x789: {  	s29 =	simm.s32 $0x30;
	v8 =	vadd.f32 $-1.371742110e-03, v4;
	v4 =	vadd.f32 $-9.986282580e-01, v4;
	v11 =	vld [tilespmem:s0+$0xFD00]  }
0x78a: {  	v6 =	vmul.f32 $1.600000000e+01, v6;
	s30 =	sand.u32 $0x70, s29;
	s3 =	sand.u32 $0x7E00, s3;
	v5 =	vmul.f32 v15, v5;
	v9 =	vadd.f32 v9, v10  }
0x78b: {  	v4 =	vmul.f32 v4, v8;
	s0 =	sor.u32 s30, s3;
	v15 =	vadd.f32 $-1.371742110e-03, v3;
	v12 =	vmul.f32 v12, v12  }
0x78c: {  	v10 =	vld [tilespmem:s0+$0xFC00];
	v13 =	vmul.f32 v13, v13;
	(erf) = vrcp.f32 v5;
	v6 =	vadd.f32 v6, v9  }
0x78d: {  	s30 =	simm.s32 $0x30;
	v3 =	vadd.f32 $-9.986282580e-01, v3;
	v16 =	vld [tilespmem:s0+$0xFC80];
	v2 =	vadd.f32 v4, v2;
	v9 =	vcvt.s32.f32 v14  }
0x78e: {  	v8 =	vld [tilespmem:s30+$0x1B900];
	v12 =	vadd.f32 v13, v12;
	v11 =	vmul.f32 v11, v11;
	v4 =	vmul.f32 v6, v6  }
0x78f: {  	s3 =	simm.s32 $0x40;
	s30 =	simm.s32 $0x100;
	v5 =	vadd.f32 $-1.371742110e-03, v7;
	v7 =	vadd.f32 $-9.986282580e-01, v7;
	v3 =	vmul.f32 v3, v15;
	v13 =	vld [tilespmem:s0+$0xFD00]  }
0x790: {  	s3 =	sand.u32 $0x70, s3;
	s0 =	sand.u32 $0x7E00, s30;
	v9 =	vmul.f32 $1.600000000e+01, v9;
	v11 =	vadd.f32 v11, v12;
	v4 =	vmul.f32 v4, v6  }
0x791: {  	v7 =	vmul.f32 v7, v5;
	s0 =	sor.u32 s3, s0;
	v2 =	vadd.f32 v3, v2;
	v10 =	vmul.f32 v10, v10  }
0x792: {  	v5 =	vld [tilespmem:s0+$0xFC00];
	v12 =	vmul.f32 v16, v16;
	v3 =	vadd.f32 v9, v11;
	(erf) = vrcp.f32 v4  }
0x793: {  	s30 =	simm.s32 $0x40;
	v2 =	vadd.f32 v7, v2;
	v6 =	vld [tilespmem:s0+$0xFC80];
	v9 =	vcvt.s32.f32 v8  }
0x794: {  	v7 =	vld [tilespmem:s30+$0x1B900];
	v11 =	vmul.f32 v13, v13;
	v12 =	vadd.f32 v12, v10;
	v10 =	vmul.f32 v3, v3  }
0x795: {  	s29 =	simm.s32 $0x50;
	v8 =	vld [tilespmem:s0+$0xFD00];
	s0 =	simm.s32 $0x140;
	v9 =	vmul.f32 $1.600000000e+01, v9;
	v4 =	vpop (erf)  }
.LBB2_98:
0x796: {  	s3 =	sand.u32 $0x70, s29;
	s30 =	sand.u32 $0x7E00, s0;
	v11 =	vadd.f32 v11, v12;
	v10 =	vmul.f32 v10, v3;
	v3 =	vmax.f32 v4, $1.371742110e-03;
	p1 =	sne.s32 s29, $0x1F70  }
.Ltmp48:
0x797: {  	s29 =	sadd.s32 $0x10, s29;
	s3 =	sor.u32 s3, s30;
	v4 =	vmul.f32 v5, v5;
	v12 =	vadd.f32 $-1.371742110e-03, v3;
	v13 =	vadd.f32 $-9.986282580e-01, v3;
	(pc) =	sbr.rel @p1 .LBB2_98-.Ltmp48, $4  }
0x798: {  	v5 =	vld [tilespmem:s3+$0xFC00];
	v14 =	vmul.f32 v6, v6;
	v3 =	vadd.f32 v9, v11;
	(erf) = vrcp.f32 v10  }
0x799: {  	s30 =	sshra.s32 s0, $0x2;
	v6 =	vld [tilespmem:s3+$0xFC80];
	v9 =	vcvt.s32.f32 v7;
	v13 =	vmul.f32 v13, v12  }
0x79a: {  	v7 =	vld [tilespmem:s30+$0x1B900];
	v12 =	vadd.f32 v14, v4;
	v11 =	vmul.f32 v8, v8;
	v10 =	vmul.f32 v3, v3  }
0x79b: {  	s0 =	sadd.s32 $0x40, s0;
	v8 =	vld [tilespmem:s3+$0xFD00];
	v9 =	vmul.f32 $1.600000000e+01, v9;
	v4 =	vpop (erf);
	v2 =	vadd.f32 v13, v2  }
0x79c: {  	_ =	sdelay $0x1  }
0x79d: {  	v5 =	vmul.f32 v5, v5;
	v6 =	vmul.f32 v6, v6;
	_ =	sdelay $0x1  }
0x79e: {  	v7 =	vcvt.s32.f32 v7;
	v5 =	vadd.f32 v6, v5;
	v6 =	vmul.f32 v8, v8  }
0x79f: {  	v8 =	vadd.f32 v11, v12  }
0x7a0: {  	v7 =	vmul.f32 $1.600000000e+01, v7;
	v5 =	vadd.f32 v6, v5  }
0x7a1: {  	v6 =	vadd.f32 v9, v8  }
0x7a2: {  	v5 =	vadd.f32 v7, v5  }
0x7a3: {  	v7 =	vmul.f32 v6, v6  }
0x7a4: {  	v3 =	vmul.f32 v10, v3;
	v8 =	vmul.f32 v5, v5  }
0x7a5: {  	v6 =	vmul.f32 v7, v6  }
0x7a6: {  	(erf) = vrcp.f32 v3;
	v3 =	vmul.f32 v8, v5  }
0x7a7: {  	(erf) = vrcp.f32 v6  }
0x7a8: {  	(erf) = vrcp.f32 v3;
	_ =	sdelay $0x5  }
0x7a9: {  	v3 =	vpop (erf)  }
0x7aa: {  	v5 =	vpop (erf)  }
0x7ab: {  	v6 =	vpop (erf)  }
0x7ac: {  	s0 =	simm.s32 $0x1;
	v7 =	vpop (erf)  }
0x7ad: {  	_ =	swait.ge [sflag:s0], $0x5E80  }
0x7ae: {  	[sflag:s0] =	ssyncset.done $0x0  }
0x7af: {  	[sflag:s0] =	ssyncadd.s32 $0xFFFFA180  }
0x7b0: {  	s30 =	simm.s32 $0x0;
	_ =	swait.ge [sflag:s31], $0x1F80  }
0x7b1: {  	s3 =	sand.u32 $0x70, s30;
	s0 =	sand.u32 $0x7E00, s30;
	[sflag:s31] =	ssyncset.done $0x0  }
0x7b2: {  	s0 =	sor.u32 s3, s0;
	[sflag:s31] =	ssyncadd.s32 $0xFFFFE080  }
0x7b3: {  	v8 =	vld [tilespmem:s0+$0x0]  }
0x7b4: {  	v9 =	vld [tilespmem:s0+$0x80];
	_ =	sdelay $0x1  }
0x7b5: {  	s30 =	simm.s32 $0x0;
	v11 =	vld [tilespmem:s0+$0x100]  }
0x7b6: {  	v4 =	vmax.f32 v4, $1.371742110e-03;
	s3 =	simm.s32 $0x10;
	v10 =	vld [tilespmem:s30+$0x17A00];
	s30 =	simm.s32 $0x40  }
0x7b7: {  	v12 =	vadd.f32 $-1.371742110e-03, v4;
	v4 =	vadd.f32 $-9.986282580e-01, v4;
	s0 =	sand.u32 $0x70, s3;
	s3 =	sand.u32 $0x7E00, s30  }
0x7b8: {  	v3 =	vmax.f32 v3, $1.371742110e-03;
	s0 =	sor.u32 s0, s3;
	v8 =	vmul.f32 v8, v8;
	v9 =	vmul.f32 v9, v9  }
0x7b9: {  	v4 =	vmul.f32 v4, v12;
	v12 =	vadd.f32 $-1.371742110e-03, v3;
	v13 =	vld [tilespmem:s0+$0x0]  }
0x7ba: {  	v3 =	vadd.f32 $-9.986282580e-01, v3;
	s30 =	simm.s32 $0x10;
	v8 =	vadd.f32 v9, v8;
	v9 =	vmul.f32 v11, v11;
	v11 =	vld [tilespmem:s0+$0x80]  }
0x7bb: {  	v14 =	vld [tilespmem:s30+$0x17A00];
	v10 =	vcvt.s32.f32 v10  }
0x7bc: {  	s29 =	simm.s32 $0x20;
	v2 =	vadd.f32 v4, v2;
	v3 =	vmul.f32 v3, v12;
	s3 =	simm.s32 $0x80;
	v8 =	vadd.f32 v9, v8;
	v9 =	vld [tilespmem:s0+$0x100]  }
0x7bd: {  	s30 =	sand.u32 $0x70, s29;
	s3 =	sand.u32 $0x7E00, s3;
	v10 =	vmul.f32 $1.600000000e+01, v10  }
0x7be: {  	v4 =	vmax.f32 v5, $1.371742110e-03;
	v2 =	vadd.f32 v3, v2;
	v3 =	vmax.f32 v6, $1.371742110e-03;
	s0 =	sor.u32 s30, s3  }
0x7bf: {  	v12 =	vld [tilespmem:s0+$0x0];
	v5 =	vadd.f32 v10, v8;
	v10 =	vmul.f32 v13, v13;
	v11 =	vmul.f32 v11, v11  }
0x7c0: {  	v6 =	vcvt.s32.f32 v14;
	s30 =	simm.s32 $0x20;
	v8 =	vadd.f32 $-1.371742110e-03, v4;
	v4 =	vadd.f32 $-9.986282580e-01, v4;
	v13 =	vld [tilespmem:s0+$0x80]  }
0x7c1: {  	v14 =	vld [tilespmem:s30+$0x17A00];
	v15 =	vmul.f32 v5, v5;
	v10 =	vadd.f32 v11, v10;
	v9 =	vmul.f32 v9, v9  }
0x7c2: {  	v7 =	vmax.f32 v7, $1.371742110e-03;
	s29 =	simm.s32 $0x30;
	s3 =	simm.s32 $0xC0;
	v6 =	vmul.f32 $1.600000000e+01, v6;
	v4 =	vmul.f32 v4, v8;
	v11 =	vld [tilespmem:s0+$0x100]  }
0x7c3: {  	s30 =	sand.u32 $0x70, s29;
	s3 =	sand.u32 $0x7E00, s3;
	v5 =	vmul.f32 v15, v5;
	v15 =	vadd.f32 $-1.371742110e-03, v3;
	v9 =	vadd.f32 v9, v10  }
0x7c4: {  	s0 =	sor.u32 s30, s3;
	v3 =	vadd.f32 $-9.986282580e-01, v3;
	v12 =	vmul.f32 v12, v12;
	v2 =	vadd.f32 v4, v2  }
0x7c5: {  	v10 =	vld [tilespmem:s0+$0x0];
	v13 =	vmul.f32 v13, v13;
	(erf) = vrcp.f32 v5;
	v6 =	vadd.f32 v6, v9  }
0x7c6: {  	s30 =	simm.s32 $0x30;
	v16 =	vld [tilespmem:s0+$0x80];
	v5 =	vadd.f32 $-1.371742110e-03, v7;
	v3 =	vmul.f32 v3, v15;
	v9 =	vcvt.s32.f32 v14  }
0x7c7: {  	v8 =	vld [tilespmem:s30+$0x17A00];
	v12 =	vadd.f32 v13, v12;
	v11 =	vmul.f32 v11, v11;
	v4 =	vmul.f32 v6, v6  }
0x7c8: {  	s3 =	simm.s32 $0x40;
	s30 =	simm.s32 $0x100;
	v7 =	vadd.f32 $-9.986282580e-01, v7;
	v13 =	vld [tilespmem:s0+$0x100];
	v2 =	vadd.f32 v3, v2  }
0x7c9: {  	s3 =	sand.u32 $0x70, s3;
	s0 =	sand.u32 $0x7E00, s30;
	v9 =	vmul.f32 $1.600000000e+01, v9;
	v11 =	vadd.f32 v11, v12;
	v3 =	vmul.f32 v4, v6  }
0x7ca: {  	v7 =	vmul.f32 v7, v5;
	s0 =	sor.u32 s3, s0;
	v10 =	vmul.f32 v10, v10  }
0x7cb: {  	v5 =	vld [tilespmem:s0+$0x0];
	v12 =	vmul.f32 v16, v16;
	v4 =	vadd.f32 v9, v11;
	(erf) = vrcp.f32 v3  }
0x7cc: {  	s30 =	simm.s32 $0x40;
	v2 =	vadd.f32 v7, v2;
	v6 =	vld [tilespmem:s0+$0x80];
	v9 =	vcvt.s32.f32 v8  }
0x7cd: {  	v7 =	vld [tilespmem:s30+$0x17A00];
	v11 =	vmul.f32 v13, v13;
	v12 =	vadd.f32 v12, v10;
	v10 =	vmul.f32 v4, v4  }
0x7ce: {  	s29 =	simm.s32 $0x50;
	v8 =	vld [tilespmem:s0+$0x100];
	s0 =	simm.s32 $0x140;
	v9 =	vmul.f32 $1.600000000e+01, v9;
	v3 =	vpop (erf)  }
.LBB2_100:
0x7cf: {  	s3 =	sand.u32 $0x70, s29;
	s30 =	sand.u32 $0x7E00, s0;
	v11 =	vadd.f32 v11, v12;
	v10 =	vmul.f32 v10, v4;
	v3 =	vmax.f32 v3, $1.371742110e-03;
	p1 =	sne.s32 s29, $0x1F70  }
.Ltmp49:
0x7d0: {  	s29 =	sadd.s32 $0x10, s29;
	s3 =	sor.u32 s3, s30;
	v12 =	vmul.f32 v5, v5;
	v13 =	vadd.f32 $-1.371742110e-03, v3;
	v3 =	vadd.f32 $-9.986282580e-01, v3;
	(pc) =	sbr.rel @p1 .LBB2_100-.Ltmp49, $4  }
0x7d1: {  	v5 =	vld [tilespmem:s3+$0x0];
	v14 =	vmul.f32 v6, v6;
	v4 =	vadd.f32 v9, v11;
	(erf) = vrcp.f32 v10  }
0x7d2: {  	s30 =	sshra.s32 s0, $0x2;
	v6 =	vld [tilespmem:s3+$0x80];
	v9 =	vcvt.s32.f32 v7;
	v13 =	vmul.f32 v3, v13  }
0x7d3: {  	v7 =	vld [tilespmem:s30+$0x17A00];
	v12 =	vadd.f32 v14, v12;
	v11 =	vmul.f32 v8, v8;
	v10 =	vmul.f32 v4, v4  }
0x7d4: {  	s0 =	sadd.s32 $0x40, s0;
	v8 =	vld [tilespmem:s3+$0x100];
	v9 =	vmul.f32 $1.600000000e+01, v9;
	v3 =	vpop (erf);
	v2 =	vadd.f32 v13, v2  }
0x7d5: {  	_ =	sdelay $0x1  }
0x7d6: {  	v5 =	vmul.f32 v5, v5;
	v6 =	vmul.f32 v6, v6;
	_ =	sdelay $0x1  }
0x7d7: {  	v7 =	vcvt.s32.f32 v7;
	v5 =	vadd.f32 v6, v5;
	v15 =	vmul.f32 v8, v8  }
0x7d8: {  	v16 =	vadd.f32 v11, v12  }
0x7d9: {  	v7 =	vmul.f32 $1.600000000e+01, v7;
	v5 =	vadd.f32 v15, v5  }
0x7da: {  	v17 =	vadd.f32 v9, v16  }
0x7db: {  	v5 =	vadd.f32 v7, v5  }
0x7dc: {  	v18 =	vmul.f32 v17, v17  }
0x7dd: {  	v4 =	vmul.f32 v10, v4;
	v19 =	vmul.f32 v5, v5  }
0x7de: {  	v6 =	vmul.f32 v18, v17  }
0x7df: {  	(erf) = vrcp.f32 v4;
	v20 =	vmul.f32 v19, v5  }
0x7e0: {  	(erf) = vrcp.f32 v6  }
0x7e1: {  	(erf) = vrcp.f32 v20;
	_ =	sdelay $0x5  }
0x7e2: {  	v21 =	vpop (erf)  }
0x7e3: {  	v22 =	vpop (erf)  }
0x7e4: {  	v6 =	vpop (erf)  }
0x7e5: {  	s0 =	simm.s32 @!p0 $0x7;
	v23 =	vpop (erf)  }
0x7e6: {  	_ =	swait.ge @!p0 [sflag:s0], $0x180  }
0x7e7: {  	[sflag:s0] =	ssyncset.done @!p0 $0x0  }
0x7e8: {  	[sflag:s0] =	ssyncadd.s32 @!p0 $0xFFFFFE80  }
0x7e9: {  	_ =	swait.ge @!p0 [sflag:s0], $0x80  }
0x7ea: {  	[sflag:s0] =	ssyncset.done @!p0 $0x0  }
0x7eb: {  	[sflag:s0] =	ssyncadd.s32 @!p0 $0xFFFFFF80  }
0x7ec: {  	v24 =	vld [tilespmem:$0x1D880]  }
0x7ed: {  	v25 =	vld [tilespmem:$0x1D900]  }
0x7ee: {  	v26 =	vld [tilespmem:$0x1D980]  }
0x7ef: {  	v27 =	vld [tilespmem:$0x1DA80]  }
0x7f0: {  	v31 =	vld [tilespmem:$0x1D890]  }
0x7f1: {  	v3 =	vmax.f32 v3, $1.371742110e-03;
	v32 =	vld [tilespmem:$0x1D910]  }
0x7f2: {  	v33 =	vadd.f32 $-1.371742110e-03, v3;
	v34 =	vld [tilespmem:$0x1D990]  }
0x7f3: {  	v3 =	vadd.f32 $-9.986282580e-01, v3;
	v4 =	vmax.f32 v21, $1.371742110e-03;
	v5 =	vmax.f32 v22, $1.371742110e-03;
	v15 =	vld [tilespmem:$0x1DA90]  }
0x7f4: {  	v13 =	vadd.f32 $-1.371742110e-03, v4;
	v35 =	vadd.f32 $-1.371742110e-03, v5;
	v16 =	vld [tilespmem:$0x1D8A0]  }
0x7f5: {  	v4 =	vadd.f32 $-9.986282580e-01, v4;
	v5 =	vadd.f32 $-9.986282580e-01, v5;
	v6 =	vmax.f32 v6, $1.371742110e-03;
	v36 =	vld [tilespmem:$0x1D920]  }
0x7f6: {  	v3 =	vmul.f32 v3, v33;
	v17 =	vadd.f32 $-1.371742110e-03, v6;
	v6 =	vadd.f32 $-9.986282580e-01, v6;
	v37 =	vld [tilespmem:$0x1D9A0]  }
0x7f7: {  	v4 =	vmul.f32 v4, v13;
	v5 =	vmul.f32 v5, v35;
	v7 =	vmax.f32 v23, $1.371742110e-03;
	v18 =	vld [tilespmem:$0x1D8B0]  }
0x7f8: {  	v6 =	vmul.f32 v6, v17;
	v46 =	vadd.f32 $-1.371742110e-03, v7;
	v7 =	vadd.f32 $-9.986282580e-01, v7;
	v39 =	vld [tilespmem:$0x1D930]  }
0x7f9: {  	v42 =	vld [tilespmem:$0x1D9B0];
	v8 =	vmul.f32 v24, v24;
	v9 =	vmul.f32 v25, v25  }
0x7fa: {  	v7 =	vmul.f32 v7, v46;
	v43 =	vld [tilespmem:$0x1DAB0];
	v28 =	vmul.f32 v26, v26  }
0x7fb: {  	v48 =	vld [tilespmem:$0x1D8C0];
	v29 =	vcvt.s32.f32 v27;
	v10 =	vmul.f32 v31, v31;
	v8 =	vadd.f32 v9, v8  }
0x7fc: {  	v2 =	vadd.f32 v3, v2;
	v50 =	vld [tilespmem:$0x1D940];
	v40 =	vmul.f32 v34, v34;
	v41 =	vcvt.s32.f32 v15  }
0x7fd: {  	v53 =	vld [tilespmem:$0x1D9C0];
	v16 =	vmul.f32 v16, v16;
	v30 =	vmul.f32 $1.600000000e+01, v29;
	v8 =	vadd.f32 v28, v8  }
0x7fe: {  	v2 =	vadd.f32 v4, v2;
	v20 =	vld [tilespmem:$0x1DAC0];
	v13 =	vmul.f32 v37, v37;
	v47 =	vmul.f32 v18, v18  }
0x7ff: {  	v56 =	vld [tilespmem:$0x1D8D0];
	v11 =	vmul.f32 v39, v39;
	v15 =	vmul.f32 v42, v42;
	v8 =	vadd.f32 v30, v8  }
0x800: {  	v38 =	vld [tilespmem:$0x1DAA0];
	v52 =	vcvt.s32.f32 v43;
	v18 =	vmul.f32 v48, v48  }
0x801: {  	v2 =	vadd.f32 v5, v2;
	v12 =	vmul.f32 v50, v50;
	v14 =	vmul.f32 v8, v8  }
0x802: {  	v63 =	vld [tilespmem:$0x1D8E0];
	v24 =	vmul.f32 v53, v53;
	v9 =	vmul.f32 v32, v32  }
0x803: {  	v2 =	vadd.f32 v6, v2;
	v21 =	vld [tilespmem:$0x1D960];
	v8 =	vmul.f32 v14, v8;
	v14 =	vmul.f32 v36, v36  }
0x804: {  	v35 =	vld [tilespmem:$0x1DAF0];
	v25 =	vcvt.s32.f32 v20;
	v27 =	vmul.f32 v56, v56;
	v9 =	vadd.f32 v9, v10  }
0x805: {  	v58 =	vld [tilespmem:$0x1D950];
	(erf) = vrcp.f32 v8;
	v45 =	vadd.f32 v14, v16;
	v8 =	vcvt.s32.f32 v38  }
0x806: {  	v60 =	vld [tilespmem:$0x1D9D0];
	v44 =	vmul.f32 $1.600000000e+01, v41;
	v11 =	vadd.f32 v11, v47;
	v9 =	vadd.f32 v40, v9  }
0x807: {  	v33 =	vmul.f32 v63, v63;
	v49 =	vadd.f32 v13, v45;
	v8 =	vmul.f32 $1.600000000e+01, v8  }
0x808: {  	v55 =	vmul.f32 $1.600000000e+01, v52;
	v54 =	vadd.f32 v15, v11;
	v9 =	vadd.f32 v44, v9  }
0x809: {  	v61 =	vld [tilespmem:$0x1DAD0];
	v34 =	vmul.f32 v21, v21;
	v41 =	vcvt.s32.f32 v35;
	v8 =	vadd.f32 v8, v49  }
0x80a: {  	v26 =	vld [tilespmem:$0x1DAE0];
	v28 =	vmul.f32 v58, v58;
	v10 =	vadd.f32 v55, v54;
	v19 =	vmul.f32 v9, v9  }
0x80b: {  	v29 =	vld [tilespmem:$0x1D8F0];
	v11 =	vmul.f32 v60, v60;
	v59 =	vmul.f32 v8, v8  }
0x80c: {  	v2 =	vadd.f32 v7, v2;
	v32 =	vld [tilespmem:$0x1D9F0];
	v62 =	vmul.f32 v10, v10;
	v9 =	vmul.f32 v19, v9  }
0x80d: {  	v31 =	vld [tilespmem:$0x1D970];
	v23 =	vadd.f32 v12, v18;
	v30 =	vmul.f32 $1.600000000e+01, v25;
	v8 =	vmul.f32 v59, v8  }
0x80e: {  	v22 =	vld [tilespmem:$0x1D9E0];
	v5 =	vadd.f32 v34, v33;
	v3 =	vmul.f32 v62, v10;
	(erf) = vrcp.f32 v9  }
0x80f: {  	v4 =	vadd.f32 v28, v27;
	v9 =	vcvt.s32.f32 v61;
	(erf) = vrcp.f32 v8  }
0x810: {  	v37 =	vmul.f32 v29, v29;
	v51 =	vpop (erf);
	(erf) = vrcp.f32 v3;
	v3 =	vadd.f32 v24, v23  }
0x811: {  	v40 =	vmul.f32 v32, v32;
	v4 =	vadd.f32 v11, v4;
	v9 =	vmul.f32 $1.600000000e+01, v9  }
0x812: {  	v36 =	vcvt.s32.f32 v26;
	v38 =	vmul.f32 v31, v31;
	v3 =	vadd.f32 v30, v3  }
0x813: {  	v44 =	vmul.f32 $1.600000000e+01, v41;
	v4 =	vadd.f32 v9, v4;
	v8 =	vmul.f32 v22, v22  }
0x814: {  	v10 =	vmul.f32 $1.600000000e+01, v36;
	v9 =	vadd.f32 v38, v37;
	v39 =	vmul.f32 v3, v3  }
0x815: {  	v42 =	vmul.f32 v4, v4;
	v13 =	vmax.f32 v51, $1.371742110e-03;
	v5 =	vadd.f32 v8, v5  }
0x816: {  	v43 =	vadd.f32 v40, v9;
	v57 =	vadd.f32 $-1.371742110e-03, v13;
	v3 =	vmul.f32 v39, v3  }
0x817: {  	v13 =	vadd.f32 $-9.986282580e-01, v13;
	v5 =	vadd.f32 v10, v5  }
0x818: {  	v48 =	vadd.f32 v44, v43;
	v45 =	vpop (erf);
	(erf) = vrcp.f32 v3;
	v3 =	vmul.f32 v42, v4  }
0x819: {  	v46 =	vmax.f32 v45, $1.371742110e-03;
	v13 =	vmul.f32 v13, v57;
	v47 =	vmul.f32 v5, v5  }
0x81a: {  	v49 =	vadd.f32 $-1.371742110e-03, v46;
	v4 =	vadd.f32 $-9.986282580e-01, v46;
	(erf) = vrcp.f32 v3  }
0x81b: {  	v50 =	vmul.f32 v48, v48;
	v3 =	vmul.f32 v47, v5  }
0x81c: {  	v2 =	vadd.f32 v13, v2;
	v51 =	vpop (erf);
	v4 =	vmul.f32 v4, v49  }
0x81d: {  	v6 =	vmax.f32 v51, $1.371742110e-03;
	v53 =	vpop (erf);
	(erf) = vrcp.f32 v3;
	v3 =	vmul.f32 v50, v48  }
0x81e: {  	v52 =	vadd.f32 $-1.371742110e-03, v6;
	v6 =	vadd.f32 $-9.986282580e-01, v6;
	v54 =	vmax.f32 v53, $1.371742110e-03  }
0x81f: {  	v55 =	vadd.f32 $-1.371742110e-03, v54;
	(erf) = vrcp.f32 v3  }
0x820: {  	v2 =	vadd.f32 v4, v2;
	v4 =	vadd.f32 $-9.986282580e-01, v54;
	v3 =	vmul.f32 v6, v52  }
0x821: {  	v56 =	vpop (erf)  }
0x822: {  	v2 =	vadd.f32 v3, v2;
	v3 =	vmul.f32 v4, v55;
	v57 =	vmax.f32 v56, $1.371742110e-03  }
0x823: {  	v58 =	vpop (erf);
	v6 =	vadd.f32 $-1.371742110e-03, v57;
	v4 =	vadd.f32 $-9.986282580e-01, v57  }
0x824: {  	v2 =	vadd.f32 v3, v2;
	v3 =	vmax.f32 v58, $1.371742110e-03  }
0x825: {  	v4 =	vmul.f32 v4, v6;
	v5 =	vadd.f32 $-1.371742110e-03, v3;
	v3 =	vadd.f32 $-9.986282580e-01, v3  }
0x826: {  	v59 =	vpop (erf)  }
0x827: {  	v60 =	vmax.f32 v59, $1.371742110e-03;
	v2 =	vadd.f32 v4, v2;
	v3 =	vmul.f32 v3, v5  }
0x828: {  	v61 =	vadd.f32 $-1.371742110e-03, v60;
	v4 =	vadd.f32 $-9.986282580e-01, v60;
	v62 =	vpop (erf)  }
0x829: {  	v2 =	vadd.f32 v3, v2;
	v3 =	vmax.f32 v62, $1.371742110e-03  }
0x82a: {  	v4 =	vmul.f32 v4, v61;
	v63 =	vadd.f32 $-1.371742110e-03, v3;
	v3 =	vadd.f32 $-9.986282580e-01, v3;
	_ =	sdelay $0x1  }
0x82b: {  	v2 =	vadd.f32 v4, v2;
	v3 =	vmul.f32 v3, v63;
	_ =	sdelay $0x1  }
0x82c: {  	v2 =	vadd.f32 v3, v2;
	_ =	sdelay $0x1  }
0x82d: {  	s3 =	simm.s32 $0x1DB00;
	s30 =	rddreg [dreg:$0x1f];
	[tilespmem:$0x1DB00] =	vst v2  }
0x82e: {  	[hbm4b:s30+s28] =	stream.linear.scatter [tilespmem:s3], [sflag:$0x8], $0x80, $0x38;
	[tilespmem:$0x1DB80] =	vst v63  }
0x82f: {  	s3 =	simm.s32 $0x8  }
0x830: {  	_ =	swait.ge [sflag:s3], $0x80  }
0x831: {  	s29 =	sld [smem:$0x7E3]  }
0x832: {  	s30 =	sld [smem:$0x7FD];
	_ =	sdelay $0x1  }
0x833: {  	s29 =	sadd.s32 $0x1, s29  }
0x834: {  	p1 =	sne.s32 s29, s30  }
.Ltmp50:
0x835: {  	_ = 	snop;
	(pc) =	sbr.rel @p1 .LBB2_1-.Ltmp50, $3  }
0x836: {  	_ =	sdelay $0x1  }
0x837: {  	[sflag:s3] =	ssyncset.done $0x0  }
0x838: {  	[sflag:s3] =	ssyncadd.s32 $0xFFFFFF80  }
0x839: {  	_ =	sfence.sel $0x180000  }
0x83a: {  	[bflag:$0x0] =	sbarrier.arrive $0xFFFF  }
0x83b: {  	_ =	strace $0x90000047  }
0x83c: {  	s0 =	stileid.u32;
	[bflag:$0x2] =	sbarrier.arrive $0xFFFF  }
0x83d: {  	p0 =	sne.s32 s0, $0x0;
	s0 =	rddreg [dreg:$0x3]  }
0x83e: {  	s0 =	sadd.s32 @!p0 $0x100000, s0  }
0x83f: {  	[sflag:s0] =	ssyncadd.tile.s32 @!p0 $0x1;
	_ =	shalt  }
.Lfunc_end2:
_tile_overlayer_lowered:
.L_overlay_start_2:
0x840: {  	(tag) =	ssettag $0x2  }
0x841: {  	s0 =	rddreg [dreg:$0x0];
	s2 =	stileid.u32  }
0x842: {  	s1 =	rddreg [dreg:$0x1];
	p0 =	sne.s32 s2, $0x0  }
0x843: {  	s3 =	rddreg [dreg:$0x2];
	[bflag:$0x3] =	sbarrier.arrive $0xFFFF;
	s2 =	simm.s32 @!p0 $0x1C08  }
0x844: {  	[timem:s3], [sflag:s2] =	dma.local @!p0 [hbm:s0], s1  }
0x845: {  	s0 =	simm.s32 @!p0 $0x8  }
0x846: {  	_ =	swait.ge @!p0 [sflag:s0], s1  }
0x847: {  	s1 =	ssub.s32 @!p0 $0x0, s1;
	[sflag:s0] =	ssyncset.done @!p0 $0x0  }
0x848: {  	[sflag:s0] =	ssyncadd.s32 @!p0 s1  }
0x849: {  	[bflag:$0x3] =	sbarrier.arrive $0xFFFF  }
0x84a: {  	_ =	shalt  }

</sc_bundles>
